<compile_context>
chip_gen: v7x
topology: tpu7x:2x2x1
jax: 0.10.2.dev20260603
libtpu: 0.0.44.dev20260713+nightly
codegen_flags: <defaults>
</compile_context>

<pallas_src>
import functools

import numpy as np
import jax
import jax.numpy as jnp
from jax import lax
from jax.experimental import pallas as pl
from jax.experimental.pallas import tpu as pltpu
from jax.experimental.pallas import tpu_sc as plsc

B, S = 4, 4096
HID = 1024
NGRAM_MAX = 3
NHEAD = 8
NUM_HEADS = (NGRAM_MAX - 1) * NHEAD
D = 64
VOCAB_PER_HEAD = 80800
EH = NUM_HEADS * D
PAD_ID = 2
BS = B * S
TOTAL_ROWS = BS * NUM_HEADS

_rng = np.random.default_rng(10007)
_mults = (_rng.integers(1, 2 ** 20, size=(NGRAM_MAX,)).astype(np.int32) * 2 + 1)
M0, M1, M2 = int(_mults[0]), int(_mults[1]), int(_mults[2])


NW = 32
BS_PER_TILE = BS // NW
ROWS_PER_TILE = BS_PER_TILE * NUM_HEADS
CHUNK_BS = 32
CHUNK_ROWS = CHUNK_BS * NUM_HEADS
NCHUNK = BS_PER_TILE // CHUNK_BS

_sc_mesh = plsc.VectorSubcoreMesh(core_axis_name="c", subcore_axis_name="s")


@functools.partial(
    pl.kernel,
    mesh=_sc_mesh,
    compiler_params=pltpu.CompilerParams(needs_layout_passes=False,
                                         use_tc_tiling_on_sc=False),
    out_type=jax.ShapeDtypeStruct((TOTAL_ROWS, D), jnp.float32),
    scratch_types=[
        pltpu.VMEM((16 + BS_PER_TILE,), jnp.int32),
        pltpu.VMEM((ROWS_PER_TILE,), jnp.int32),
        pltpu.VMEM((2, CHUNK_ROWS, D), jnp.float32),
        pltpu.SemaphoreType.DMA,
    ],
)
def _sc_hash_gather(tok_hbm, table_hbm, out_hbm, tok_v, idx_v, rows_v, gsem):
    wid = lax.axis_index("s") * 2 + lax.axis_index("c")
    base = wid * BS_PER_TILE
    s0 = (wid % (S // BS_PER_TILE)) * BS_PER_TILE
    pltpu.sync_copy(tok_hbm.at[pl.ds(base, BS_PER_TILE)],
                    tok_v.at[pl.ds(16, BS_PER_TILE)])

    @pl.when(wid > 0)
    def _load_ctx():
        pltpu.sync_copy(tok_hbm.at[pl.ds(base - 16, 16)], tok_v.at[pl.ds(0, 16)])

    iota = lax.iota(jnp.int32, 16)
    seq_start = 1 - jnp.minimum(s0, 1)

    def hash_block(i, carry):
        t0 = tok_v[pl.ds(16 + i * 16, 16)]
        t1 = tok_v[pl.ds(15 + i * 16, 16)]
        t2 = tok_v[pl.ds(14 + i * 16, 16)]
        first = seq_start * (1 - jnp.minimum(i, 1))
        m1 = 1 - first * (1 - jnp.minimum(iota, 1))
        m2 = 1 - first * (1 - jnp.minimum(iota, 2) // 2)
        t1 = t1 * m1 + PAD_ID * (1 - m1)
        t2 = t2 * m2 + PAD_ID * (1 - m2)
        h2 = t0 * M0 + t1 * M1
        h3 = h2 + t2 * M2
        q0 = i * (16 * NUM_HEADS) + iota * NUM_HEADS
        for h in range(NUM_HEADS):
            hb = h2 if h < NHEAD else h3
            head = h % NHEAD
            hv = hb * (2 * head + 1) + head * 10007
            r = lax.rem(hv, VOCAB_PER_HEAD)
            r = r + (lax.shift_right_arithmetic(r, 31) & VOCAB_PER_HEAD)
            plsc.store_scatter(idx_v, [q0 + h], r + h * VOCAB_PER_HEAD)
        return carry

    lax.fori_loop(0, BS_PER_TILE // 16, hash_block, 0)

    rbase = wid * ROWS_PER_TILE
    cps = [None, None]
    for j in range(NCHUNK):
        p = j & 1
        cps[p] = pltpu.async_copy(
            table_hbm.at[idx_v.at[pl.ds(j * CHUNK_ROWS, CHUNK_ROWS)]],
            rows_v.at[p], gsem)
        if j > 0:
            cps[1 - p].wait()
            pltpu.sync_copy(
                rows_v.at[1 - p],
                out_hbm.at[pl.ds(rbase + (j - 1) * CHUNK_ROWS, CHUNK_ROWS)])
    cps[(NCHUNK - 1) & 1].wait()
    pltpu.sync_copy(
        rows_v.at[(NCHUNK - 1) & 1],
        out_hbm.at[pl.ds(rbase + (NCHUNK - 1) * CHUNK_ROWS, CHUNK_ROWS)])



BM = 512
NPROJ = 5


def _tc_proj_body(x_ref, wv_ref, bv_ref, wk_ref, bk_ref, nw_ref, o_ref):
    x = x_ref[...].reshape(BM, EH).astype(jnp.bfloat16)
    y = lax.dot_general(x, wv_ref[...], (((1,), (1,)), ((), ())),
                        preferred_element_type=jnp.float32)
    o_ref[0] = y + bv_ref[...][None, :]
    for c in range(NPROJ - 1):
        y = lax.dot_general(x, wk_ref[c], (((1,), (1,)), ((), ())),
                            preferred_element_type=jnp.float32)
        y = y + bk_ref[c][None, :]
        var = jnp.mean(y * y, axis=-1, keepdims=True)
        o_ref[c + 1] = y * lax.rsqrt(var + 1e-6) * nw_ref[c][None, :]


def _tc_proj(emb, Wv, bv, Wk, bk, norm_w):
    return pl.pallas_call(
        _tc_proj_body,
        grid=(BS // BM,),
        in_specs=[
            pl.BlockSpec((BM * 8, 128), lambda i: (i, 0)),
            pl.BlockSpec((HID, EH), lambda i: (0, 0)),
            pl.BlockSpec((HID,), lambda i: (0,)),
            pl.BlockSpec((NPROJ - 1, HID, EH), lambda i: (0, 0, 0)),
            pl.BlockSpec((NPROJ - 1, HID), lambda i: (0, 0)),
            pl.BlockSpec((NPROJ - 1, HID), lambda i: (0, 0)),
        ],
        out_specs=pl.BlockSpec((NPROJ, BM, HID), lambda i: (0, i, 0)),
        out_shape=jax.ShapeDtypeStruct((NPROJ, BS, HID), jnp.float32),
    )(emb, Wv, bv, Wk, bk, norm_w)


def kernel(input_ids, table, Wv, bv, Wk, bk, norm_w):
    emb = _sc_hash_gather(input_ids.reshape(-1), table)
    emb = emb.reshape(BS * EH // 128, 128)
    out = _tc_proj(emb, Wv.astype(jnp.bfloat16), bv,
                   Wk.astype(jnp.bfloat16), bk, norm_w)
    return out.reshape(NPROJ, B, S, HID)

# --- scband reference (transcript-rebuilt; emitter-appended) ---
"""Pipeline reference for scband-engram-host-21337397526801 (READ-ONLY COPY).

The authoritative reference and input builder live on the scoring server;
editing this copy changes nothing except your own understanding.
"""

import jax, jax.numpy as jnp
import numpy as np

B, S = 4, 4096
HID = 1024            # backbone hidden_size
HC = 4                # hc_mult
NGRAM_MAX = 3         # max_ngram_size
NHEAD = 8             # n_head_per_ngram
NEMB = 512            # n_embed_per_ngram
D = NEMB // NHEAD     # 64 embedding dim per head
NUM_HEADS = (NGRAM_MAX - 1) * NHEAD   # 16 (ngram sizes 2 and 3)
VOCAB_PER_HEAD = 80800                # ~ 129280*5 / 8 heads
TOTAL_N = NUM_HEADS * VOCAB_PER_HEAD  # 1,292,800 rows
EH = (NGRAM_MAX - 1) * NEMB           # engram_hidden_size = 1024
PAD_ID = 2
TOK_VOCAB = 129280


def _hash_ids(input_ids):
    # hashed multi-head n-gram ids, mimicking Engram's multiplicative hashing
    rng = np.random.default_rng(10007)
    mults = (rng.integers(1, 2 ** 20, size=(NGRAM_MAX,)).astype(np.int32) * 2 + 1)
    pad = jnp.pad(input_ids, ((0, 0), (NGRAM_MAX - 1, 0)), constant_values=PAD_ID)
    ids = []
    for g in range(2, NGRAM_MAX + 1):
        h = jnp.zeros((B, S), dtype=jnp.int32)
        for k in range(g):
            tok = jax.lax.dynamic_slice_in_dim(pad, NGRAM_MAX - 1 - k, S, axis=1)
            h = h + tok.astype(jnp.int32) * jnp.int32(int(mults[k]))
        for head in range(NHEAD):
            hh = jnp.mod(h * jnp.int32(2 * head + 1) + jnp.int32(head * 10007), VOCAB_PER_HEAD)
            ids.append(hh)
    return jnp.stack(ids, axis=-1)  # [B, S, NUM_HEADS]


def _rmsnorm(x, w, eps=1e-6):
    var = jnp.mean(x * x, axis=-1, keepdims=True)
    return x * jax.lax.rsqrt(var + eps) * w


def setup_inputs(seed: int = 0) -> dict:
    key = jax.random.key(seed)
    k1, k2, k3, k4, k5 = jax.random.split(key, 5)
    input_ids = jax.random.randint(k1, (B, S), 0, TOK_VOCAB, dtype=jnp.int32)
    table = jax.random.normal(k2, (TOTAL_N, D), dtype=jnp.float32) * 0.02
    Wv = jax.random.normal(k3, (HID, EH), dtype=jnp.float32) * 0.02
    bv = jnp.zeros((HID,), dtype=jnp.float32)
    Wk = jax.random.normal(k4, (HC, HID, EH), dtype=jnp.float32) * 0.02
    bk = jnp.zeros((HC, HID), dtype=jnp.float32)
    norm_w = jnp.ones((HC, HID), dtype=jnp.float32)
    return {"input_ids": input_ids, "table": table, "Wv": Wv, "bv": bv,
            "Wk": Wk, "bk": bk, "norm_w": norm_w}


def reference(input_ids, table, Wv, bv, Wk, bk, norm_w):
    ids = _hash_ids(input_ids)                                   # [B,S,NUM_HEADS]
    offsets = jnp.arange(NUM_HEADS, dtype=jnp.int32) * VOCAB_PER_HEAD
    flat_ids = (ids + offsets).reshape(-1)                        # [B*S*NUM_HEADS]
    emb = jnp.take(table, flat_ids, axis=0).reshape(B, S, NUM_HEADS * D)  # [B,S,EH]
    value = emb @ Wv.T + bv                                       # [B,S,HID]
    keys = jnp.einsum('bsd,chd->cbsh', emb, Wk) + bk[:, None, None, :]
    keys = _rmsnorm(keys, norm_w[:, None, None, :])               # [HC,B,S,HID]
    out = jnp.concatenate([value[None], keys], axis=0)            # [HC+1,B,S,HID]
    return out

if __name__ == "__main__":
    import jax
    _d = setup_inputs()
    print(jax.jit(kernel)(*tuple(_d.values())))

</pallas_src>

<mosaic_0001>
#map = affine_map<(d0, d1) -> (0)>
#map1 = affine_map<(d0, d1) -> (0, 0)>
module attributes {stable_mosaic.version = 14 : i64} {
  func.func @_sc_hash_gather(%arg0: i32, %arg1: i32, %arg2: memref<16384xi32, #tpu.memory_space<hbm>>, %arg3: memref<1292800x64xf32, #tpu.memory_space<hbm>>, %arg4: memref<262144x64xf32, #tpu.memory_space<hbm>>, %arg5: memref<528xi32, #tpu.memory_space<vmem>>, %arg6: memref<8192xi32, #tpu.memory_space<vmem>>, %arg7: memref<2x512x64xf32, #tpu.memory_space<vmem>>, %arg8: memref<!tpu.dma_semaphore, #tpu.memory_space<semaphore_mem>>) attributes {dimension_semantics = [#tpu.dimension_semantics<core_parallel>, #tpu.dimension_semantics<subcore_parallel>], iteration_bounds = array<i64: 2, 16>, scalar_prefetch = 0 : i64, scratch_operands = 4 : i64, tpu.core_type = #tpu.core_type<sc_vector_subcore>, window_params = [{transform_indices = #map}, {transform_indices = #map1}, {transform_indices = #map1}]} {
    %mul3A = arith.constant 2 : i32
    %mul3A_0 = arith.muli %arg1, %mul3A : i32
    %add3A = arith.addi %mul3A_0, %arg0 : i32
    %mul3A_1 = arith.constant 512 : i32
    %mul3A_2 = arith.muli %add3A, %mul3A_1 : i32
    %jit3A = arith.constant 8 : i32
    %eq3A = arith.constant 0 : i32
    %eq3A_3 = arith.cmpi eq, %jit3A, %eq3A : i32
    %jit3A_4 = arith.constant 1 : i32
    %select_n3A = arith.select %eq3A_3, %jit3A_4, %jit3A : i32
    %rem3A = arith.remsi %add3A, %select_n3A : i32
    %ne3A = arith.constant 0 : i32
    %ne3A_5 = arith.cmpi ne, %rem3A, %ne3A : i32
    %lt3A = arith.constant 0 : i32
    %lt3A_6 = arith.cmpi slt, %rem3A, %lt3A : i32
    %lt3A_7 = arith.constant 0 : i32
    %lt3A_8 = arith.cmpi slt, %select_n3A, %lt3A_7 : i32
    %ne3A_9 = arith.xori %lt3A_6, %lt3A_8 : i1
    %and3A = arith.andi %ne3A_9, %ne3A_5 : i1
    %add3A_10 = arith.addi %rem3A, %select_n3A : i32
    %select_n3A_11 = arith.select %and3A, %add3A_10, %rem3A : i32
    %mul3A_12 = arith.constant 512 : i32
    %mul3A_13 = arith.muli %select_n3A_11, %mul3A_12 : i32
    "tpu.region"() ({
      %run_scoped3A_390 = tpu.sem_alloc : memref<!tpu.dma_semaphore, #tpu.memory_space<semaphore_mem>>
      %dma_start3A_391 = arith.constant 16 : i32
      %dma_start3A_392 = tpu.memref_slice %arg5[%dma_start3A_391] : memref<528xi32, #tpu.memory_space<vmem>> -> memref<512xi32, #tpu.memory_space<vmem>>
      %dma_start3A_393 = tpu.memref_slice %arg2[%mul3A_2] : memref<16384xi32, #tpu.memory_space<hbm>> -> memref<512xi32, #tpu.memory_space<hbm>>
      %dma_start3A_394 = arith.constant 16 : i32
      %dma_start3A_395 = tpu.memref_slice %arg5[%dma_start3A_394] : memref<528xi32, #tpu.memory_space<vmem>> -> memref<512xi32, #tpu.memory_space<vmem>>
      %dma_start3A_396 = tpu.memref_slice %arg2[%mul3A_2] : memref<16384xi32, #tpu.memory_space<hbm>> -> memref<512xi32, #tpu.memory_space<hbm>>
      tpu.enqueue_dma source(%dma_start3A_396 : memref<512xi32, #tpu.memory_space<hbm>>) target(%dma_start3A_395 : memref<512xi32, #tpu.memory_space<vmem>>) target_semaphore(%run_scoped3A_390 : memref<!tpu.dma_semaphore, #tpu.memory_space<semaphore_mem>>)
      %dma_wait3A_397 = arith.constant 16 : i32
      %dma_wait3A_398 = tpu.memref_slice %arg5[%dma_wait3A_397] : memref<528xi32, #tpu.memory_space<vmem>> -> memref<512xi32, #tpu.memory_space<vmem>>
      %dma_wait3A_399 = tpu.memref_slice %arg2[%mul3A_2] : memref<16384xi32, #tpu.memory_space<hbm>> -> memref<512xi32, #tpu.memory_space<hbm>>
      %dma_wait3A_400 = arith.constant 16 : i32
      %dma_wait3A_401 = tpu.memref_slice %arg5[%dma_wait3A_400] : memref<528xi32, #tpu.memory_space<vmem>> -> memref<512xi32, #tpu.memory_space<vmem>>
      %dma_wait3A_402 = tpu.memref_slice %arg2[%mul3A_2] : memref<16384xi32, #tpu.memory_space<hbm>> -> memref<512xi32, #tpu.memory_space<hbm>>
      tpu.wait_dma2 semaphore(%run_scoped3A_390 : memref<!tpu.dma_semaphore, #tpu.memory_space<semaphore_mem>>) src(%dma_wait3A_402 : memref<512xi32, #tpu.memory_space<hbm>>) dst(%dma_wait3A_401 : memref<512xi32, #tpu.memory_space<vmem>>)
      tpu.yield
    }) : () -> ()
    %gt3A = arith.constant 0 : i32
    %gt3A_14 = arith.cmpi sgt, %add3A, %gt3A : i32
    %convert_element_type3A = arith.extui %gt3A_14 : i1 to i32
    %cond3A = arith.constant 0 : i32
    %cond3A_15 = arith.cmpi ne, %convert_element_type3A, %cond3A : i32
    scf.if %cond3A_15 {
      %sub3A_390 = arith.constant 16 : i32
      %sub3A_391 = arith.subi %mul3A_2, %sub3A_390 : i32
      "tpu.region"() ({
        %run_scoped3A_392 = tpu.sem_alloc : memref<!tpu.dma_semaphore, #tpu.memory_space<semaphore_mem>>
        %dma_start3A_393 = arith.constant 0 : i32
        %dma_start3A_394 = tpu.memref_slice %arg5[%dma_start3A_393] : memref<528xi32, #tpu.memory_space<vmem>> -> memref<16xi32, #tpu.memory_space<vmem>>
        %dma_start3A_395 = tpu.memref_slice %arg2[%sub3A_391] : memref<16384xi32, #tpu.memory_space<hbm>> -> memref<16xi32, #tpu.memory_space<hbm>>
        %dma_start3A_396 = arith.constant 0 : i32
        %dma_start3A_397 = tpu.memref_slice %arg5[%dma_start3A_396] : memref<528xi32, #tpu.memory_space<vmem>> -> memref<16xi32, #tpu.memory_space<vmem>>
        %dma_start3A_398 = tpu.memref_slice %arg2[%sub3A_391] : memref<16384xi32, #tpu.memory_space<hbm>> -> memref<16xi32, #tpu.memory_space<hbm>>
        tpu.enqueue_dma source(%dma_start3A_398 : memref<16xi32, #tpu.memory_space<hbm>>) target(%dma_start3A_397 : memref<16xi32, #tpu.memory_space<vmem>>) target_semaphore(%run_scoped3A_392 : memref<!tpu.dma_semaphore, #tpu.memory_space<semaphore_mem>>)
        %dma_wait3A_399 = arith.constant 0 : i32
        %dma_wait3A_400 = tpu.memref_slice %arg5[%dma_wait3A_399] : memref<528xi32, #tpu.memory_space<vmem>> -> memref<16xi32, #tpu.memory_space<vmem>>
        %dma_wait3A_401 = tpu.memref_slice %arg2[%sub3A_391] : memref<16384xi32, #tpu.memory_space<hbm>> -> memref<16xi32, #tpu.memory_space<hbm>>
        %dma_wait3A_402 = arith.constant 0 : i32
        %dma_wait3A_403 = tpu.memref_slice %arg5[%dma_wait3A_402] : memref<528xi32, #tpu.memory_space<vmem>> -> memref<16xi32, #tpu.memory_space<vmem>>
        %dma_wait3A_404 = tpu.memref_slice %arg2[%sub3A_391] : memref<16384xi32, #tpu.memory_space<hbm>> -> memref<16xi32, #tpu.memory_space<hbm>>
        tpu.wait_dma2 semaphore(%run_scoped3A_392 : memref<!tpu.dma_semaphore, #tpu.memory_space<semaphore_mem>>) src(%dma_wait3A_404 : memref<16xi32, #tpu.memory_space<hbm>>) dst(%dma_wait3A_403 : memref<16xi32, #tpu.memory_space<vmem>>)
        tpu.yield
      }) : () -> ()
    } else {
    }
    %iota3A = tpu.iota {dimensions = array<i32: 0>} : vector<16xi32>
    %min3A = arith.constant 1 : i32
    %min3A_16 = arith.minsi %mul3A_13, %min3A : i32
    %sub3A = arith.constant 1 : i32
    %sub3A_17 = arith.subi %sub3A, %min3A_16 : i32
    %scan3A = arith.constant 0 : i32
    %scan3A_18 = arith.constant 0 : i32
    %scan3A_19 = arith.constant 32 : i32
    %scan3A_20 = arith.addi %scan3A_18, %scan3A_19 : i32
    %scan3A_21 = arith.constant 1 : i32
    scf.for %scan3A_390 = %scan3A_18 to %scan3A_20 step %scan3A_21  : i32 {
      %mul3A_391 = arith.constant 16 : i32
      %mul3A_392 = arith.muli %scan3A_390, %mul3A_391 : i32
      %add3A_393 = arith.constant 16 : i32
      %add3A_394 = arith.addi %add3A_393, %mul3A_392 : i32
      %get3A = arith.index_cast %add3A_394 : i32 to index
      %get3A_395 = tpu.vector_load %arg5[%get3A] {strides = array<i32>} : memref<528xi32, #tpu.memory_space<vmem>>, vector<16xi32>,
      %mul3A_396 = arith.constant 16 : i32
      %mul3A_397 = arith.muli %scan3A_390, %mul3A_396 : i32
      %add3A_398 = arith.constant 15 : i32
      %add3A_399 = arith.addi %add3A_398, %mul3A_397 : i32
      %get3A_400 = arith.index_cast %add3A_399 : i32 to index
      %get3A_401 = tpu.vector_load %arg5[%get3A_400] {strides = array<i32>} : memref<528xi32, #tpu.memory_space<vmem>>, vector<16xi32>,
      %mul3A_402 = arith.constant 16 : i32
      %mul3A_403 = arith.muli %scan3A_390, %mul3A_402 : i32
      %add3A_404 = arith.constant 14 : i32
      %add3A_405 = arith.addi %add3A_404, %mul3A_403 : i32
      %get3A_406 = arith.index_cast %add3A_405 : i32 to index
      %get3A_407 = tpu.vector_load %arg5[%get3A_406] {strides = array<i32>} : memref<528xi32, #tpu.memory_space<vmem>>, vector<16xi32>,
      %min3A_408 = arith.constant 1 : i32
      %min3A_409 = arith.minsi %scan3A_390, %min3A_408 : i32
      %sub3A_410 = arith.constant 1 : i32
      %sub3A_411 = arith.subi %sub3A_410, %min3A_409 : i32
      %mul3A_412 = arith.muli %sub3A_17, %sub3A_411 : i32
      %min3A_413 = arith.constant 1 : i32
      %min3A_414 = vector.broadcast %min3A_413 : i32 to vector<16xi32>
      %min3A_415 = arith.minsi %iota3A, %min3A_414 : vector<16xi32>
      %sub3A_416 = arith.constant 1 : i32
      %sub3A_417 = vector.broadcast %sub3A_416 : i32 to vector<16xi32>
      %sub3A_418 = arith.subi %sub3A_417, %min3A_415 : vector<16xi32>
      %mul3A_419 = vector.broadcast %mul3A_412 : i32 to vector<16xi32>
      %mul3A_420 = arith.muli %mul3A_419, %sub3A_418 : vector<16xi32>
      %sub3A_421 = arith.constant 1 : i32
      %sub3A_422 = vector.broadcast %sub3A_421 : i32 to vector<16xi32>
      %sub3A_423 = arith.subi %sub3A_422, %mul3A_420 : vector<16xi32>
      %min3A_424 = arith.constant 2 : i32
      %min3A_425 = vector.broadcast %min3A_424 : i32 to vector<16xi32>
      %min3A_426 = arith.minsi %iota3A, %min3A_425 : vector<16xi32>
      %jit3A_427 = arith.constant 2 : i32
      %div3A = vector.broadcast %jit3A_427 : i32 to vector<16xi32>
      %div3A_428 = arith.divsi %min3A_426, %div3A : vector<16xi32>
      %sign3A = arith.constant 0 : i32
      %sign3A_429 = vector.broadcast %sign3A : i32 to vector<16xi32>
      %sign3A_430 = arith.cmpi sgt, %min3A_426, %sign3A_429 : vector<16xi32>
      %sign3A_431 = arith.extui %sign3A_430 : vector<16xi1> to vector<16xi32>
      %sign3A_432 = arith.constant 0 : i32
      %sign3A_433 = vector.broadcast %sign3A_432 : i32 to vector<16xi32>
      %sign3A_434 = arith.cmpi slt, %min3A_426, %sign3A_433 : vector<16xi32>
      %sign3A_435 = arith.extui %sign3A_434 : vector<16xi1> to vector<16xi32>
      %sign3A_436 = arith.subi %sign3A_431, %sign3A_435 : vector<16xi32>
      %sign3A_437 = arith.constant 0 : i32
      %sign3A_438 = arith.cmpi sgt, %jit3A_427, %sign3A_437 : i32
      %sign3A_439 = arith.extui %sign3A_438 : i1 to i32
      %sign3A_440 = arith.constant 0 : i32
      %sign3A_441 = arith.cmpi slt, %jit3A_427, %sign3A_440 : i32
      %sign3A_442 = arith.extui %sign3A_441 : i1 to i32
      %sign3A_443 = arith.subi %sign3A_439, %sign3A_442 : i32
      %ne3A_444 = vector.broadcast %sign3A_443 : i32 to vector<16xi32>
      %ne3A_445 = arith.cmpi ne, %sign3A_436, %ne3A_444 : vector<16xi32>
      %rem3A_446 = vector.broadcast %jit3A_427 : i32 to vector<16xi32>
      %rem3A_447 = arith.remsi %min3A_426, %rem3A_446 : vector<16xi32>
      %ne3A_448 = arith.constant 0 : i32
      %ne3A_449 = vector.broadcast %ne3A_448 : i32 to vector<16xi32>
      %ne3A_450 = arith.cmpi ne, %rem3A_447, %ne3A_449 : vector<16xi32>
      %and3A_451 = arith.andi %ne3A_445, %ne3A_450 : vector<16xi1>
      %sub3A_452 = arith.constant 1 : i32
      %sub3A_453 = vector.broadcast %sub3A_452 : i32 to vector<16xi32>
      %sub3A_454 = arith.subi %div3A_428, %sub3A_453 : vector<16xi32>
      %select_n3A_455 = arith.select %and3A_451, %sub3A_454, %div3A_428 : vector<16xi1>, vector<16xi32>
      %sub3A_456 = arith.constant 1 : i32
      %sub3A_457 = vector.broadcast %sub3A_456 : i32 to vector<16xi32>
      %sub3A_458 = arith.subi %sub3A_457, %select_n3A_455 : vector<16xi32>
      %mul3A_459 = vector.broadcast %mul3A_412 : i32 to vector<16xi32>
      %mul3A_460 = arith.muli %mul3A_459, %sub3A_458 : vector<16xi32>
      %sub3A_461 = arith.constant 1 : i32
      %sub3A_462 = vector.broadcast %sub3A_461 : i32 to vector<16xi32>
      %sub3A_463 = arith.subi %sub3A_462, %mul3A_460 : vector<16xi32>
      %mul3A_464 = arith.muli %get3A_401, %sub3A_423 : vector<16xi32>
      %sub3A_465 = arith.constant 1 : i32
      %sub3A_466 = vector.broadcast %sub3A_465 : i32 to vector<16xi32>
      %sub3A_467 = arith.subi %sub3A_466, %sub3A_423 : vector<16xi32>
      %mul3A_468 = arith.constant 2 : i32
      %mul3A_469 = vector.broadcast %mul3A_468 : i32 to vector<16xi32>
      %mul3A_470 = arith.muli %mul3A_469, %sub3A_467 : vector<16xi32>
      %add3A_471 = arith.addi %mul3A_464, %mul3A_470 : vector<16xi32>
      %mul3A_472 = arith.muli %get3A_407, %sub3A_463 : vector<16xi32>
      %sub3A_473 = arith.constant 1 : i32
      %sub3A_474 = vector.broadcast %sub3A_473 : i32 to vector<16xi32>
      %sub3A_475 = arith.subi %sub3A_474, %sub3A_463 : vector<16xi32>
      %mul3A_476 = arith.constant 2 : i32
      %mul3A_477 = vector.broadcast %mul3A_476 : i32 to vector<16xi32>
      %mul3A_478 = arith.muli %mul3A_477, %sub3A_475 : vector<16xi32>
      %add3A_479 = arith.addi %mul3A_472, %mul3A_478 : vector<16xi32>
      %mul3A_480 = arith.constant 314565 : i32
      %mul3A_481 = vector.broadcast %mul3A_480 : i32 to vector<16xi32>
      %mul3A_482 = arith.muli %get3A_395, %mul3A_481 : vector<16xi32>
      %mul3A_483 = arith.constant 1726591 : i32
      %mul3A_484 = vector.broadcast %mul3A_483 : i32 to vector<16xi32>
      %mul3A_485 = arith.muli %add3A_471, %mul3A_484 : vector<16xi32>
      %add3A_486 = arith.addi %mul3A_482, %mul3A_485 : vector<16xi32>
      %mul3A_487 = arith.constant 1300143 : i32
      %mul3A_488 = vector.broadcast %mul3A_487 : i32 to vector<16xi32>
      %mul3A_489 = arith.muli %add3A_479, %mul3A_488 : vector<16xi32>
      %add3A_490 = arith.addi %add3A_486, %mul3A_489 : vector<16xi32>
      %mul3A_491 = arith.constant 256 : i32
      %mul3A_492 = arith.muli %scan3A_390, %mul3A_491 : i32
      %mul3A_493 = arith.constant 16 : i32
      %mul3A_494 = vector.broadcast %mul3A_493 : i32 to vector<16xi32>
      %mul3A_495 = arith.muli %iota3A, %mul3A_494 : vector<16xi32>
      %add3A_496 = vector.broadcast %mul3A_492 : i32 to vector<16xi32>
      %add3A_497 = arith.addi %add3A_496, %mul3A_495 : vector<16xi32>
      %mul3A_498 = arith.constant 1 : i32
      %mul3A_499 = vector.broadcast %mul3A_498 : i32 to vector<16xi32>
      %mul3A_500 = arith.muli %add3A_486, %mul3A_499 : vector<16xi32>
      %add3A_501 = arith.constant 0 : i32
      %add3A_502 = vector.broadcast %add3A_501 : i32 to vector<16xi32>
      %add3A_503 = arith.addi %mul3A_500, %add3A_502 : vector<16xi32>
      %rem3A_504 = arith.constant 80800 : i32
      %rem3A_505 = vector.broadcast %rem3A_504 : i32 to vector<16xi32>
      %rem3A_506 = arith.remsi %add3A_503, %rem3A_505 : vector<16xi32>
      %shift_right_arithmetic3A = arith.constant 31 : i32
      %shift_right_arithmetic3A_507 = vector.broadcast %shift_right_arithmetic3A : i32 to vector<16xi32>
      %shift_right_arithmetic3A_508 = arith.shrsi %rem3A_506, %shift_right_arithmetic3A_507 : vector<16xi32>
      %and3A_509 = arith.constant 80800 : i32
      %and3A_510 = vector.broadcast %and3A_509 : i32 to vector<16xi32>
      %and3A_511 = arith.andi %shift_right_arithmetic3A_508, %and3A_510 : vector<16xi32>
      %add3A_512 = arith.addi %rem3A_506, %and3A_511 : vector<16xi32>
      %add3A_513 = arith.constant 0 : i32
      %add3A_514 = vector.broadcast %add3A_513 : i32 to vector<16xi32>
      %add3A_515 = arith.addi %add3A_497, %add3A_514 : vector<16xi32>
      %add3A_516 = arith.constant 0 : i32
      %add3A_517 = vector.broadcast %add3A_516 : i32 to vector<16xi32>
      %add3A_518 = arith.addi %add3A_512, %add3A_517 : vector<16xi32>
      tpu.vector_store_idx %arg6[%add3A_515], %add3A_518 : memref<8192xi32, #tpu.memory_space<vmem>>[vector<16xi32>], vector<16xi32>,
      %mul3A_519 = arith.constant 3 : i32
      %mul3A_520 = vector.broadcast %mul3A_519 : i32 to vector<16xi32>
      %mul3A_521 = arith.muli %add3A_486, %mul3A_520 : vector<16xi32>
      %add3A_522 = arith.constant 10007 : i32
      %add3A_523 = vector.broadcast %add3A_522 : i32 to vector<16xi32>
      %add3A_524 = arith.addi %mul3A_521, %add3A_523 : vector<16xi32>
      %rem3A_525 = arith.constant 80800 : i32
      %rem3A_526 = vector.broadcast %rem3A_525 : i32 to vector<16xi32>
      %rem3A_527 = arith.remsi %add3A_524, %rem3A_526 : vector<16xi32>
      %shift_right_arithmetic3A_528 = arith.constant 31 : i32
      %shift_right_arithmetic3A_529 = vector.broadcast %shift_right_arithmetic3A_528 : i32 to vector<16xi32>
      %shift_right_arithmetic3A_530 = arith.shrsi %rem3A_527, %shift_right_arithmetic3A_529 : vector<16xi32>
      %and3A_531 = arith.constant 80800 : i32
      %and3A_532 = vector.broadcast %and3A_531 : i32 to vector<16xi32>
      %and3A_533 = arith.andi %shift_right_arithmetic3A_530, %and3A_532 : vector<16xi32>
      %add3A_534 = arith.addi %rem3A_527, %and3A_533 : vector<16xi32>
      %add3A_535 = arith.constant 1 : i32
      %add3A_536 = vector.broadcast %add3A_535 : i32 to vector<16xi32>
      %add3A_537 = arith.addi %add3A_497, %add3A_536 : vector<16xi32>
      %add3A_538 = arith.constant 80800 : i32
      %add3A_539 = vector.broadcast %add3A_538 : i32 to vector<16xi32>
      %add3A_540 = arith.addi %add3A_534, %add3A_539 : vector<16xi32>
      tpu.vector_store_idx %arg6[%add3A_537], %add3A_540 : memref<8192xi32, #tpu.memory_space<vmem>>[vector<16xi32>], vector<16xi32>,
      %mul3A_541 = arith.constant 5 : i32
      %mul3A_542 = vector.broadcast %mul3A_541 : i32 to vector<16xi32>
      %mul3A_543 = arith.muli %add3A_486, %mul3A_542 : vector<16xi32>
      %add3A_544 = arith.constant 20014 : i32
      %add3A_545 = vector.broadcast %add3A_544 : i32 to vector<16xi32>
      %add3A_546 = arith.addi %mul3A_543, %add3A_545 : vector<16xi32>
      %rem3A_547 = arith.constant 80800 : i32
      %rem3A_548 = vector.broadcast %rem3A_547 : i32 to vector<16xi32>
      %rem3A_549 = arith.remsi %add3A_546, %rem3A_548 : vector<16xi32>
      %shift_right_arithmetic3A_550 = arith.constant 31 : i32
      %shift_right_arithmetic3A_551 = vector.broadcast %shift_right_arithmetic3A_550 : i32 to vector<16xi32>
      %shift_right_arithmetic3A_552 = arith.shrsi %rem3A_549, %shift_right_arithmetic3A_551 : vector<16xi32>
      %and3A_553 = arith.constant 80800 : i32
      %and3A_554 = vector.broadcast %and3A_553 : i32 to vector<16xi32>
      %and3A_555 = arith.andi %shift_right_arithmetic3A_552, %and3A_554 : vector<16xi32>
      %add3A_556 = arith.addi %rem3A_549, %and3A_555 : vector<16xi32>
      %add3A_557 = arith.constant 2 : i32
      %add3A_558 = vector.broadcast %add3A_557 : i32 to vector<16xi32>
      %add3A_559 = arith.addi %add3A_497, %add3A_558 : vector<16xi32>
      %add3A_560 = arith.constant 161600 : i32
      %add3A_561 = vector.broadcast %add3A_560 : i32 to vector<16xi32>
      %add3A_562 = arith.addi %add3A_556, %add3A_561 : vector<16xi32>
      tpu.vector_store_idx %arg6[%add3A_559], %add3A_562 : memref<8192xi32, #tpu.memory_space<vmem>>[vector<16xi32>], vector<16xi32>,
      %mul3A_563 = arith.constant 7 : i32
      %mul3A_564 = vector.broadcast %mul3A_563 : i32 to vector<16xi32>
      %mul3A_565 = arith.muli %add3A_486, %mul3A_564 : vector<16xi32>
      %add3A_566 = arith.constant 30021 : i32
      %add3A_567 = vector.broadcast %add3A_566 : i32 to vector<16xi32>
      %add3A_568 = arith.addi %mul3A_565, %add3A_567 : vector<16xi32>
      %rem3A_569 = arith.constant 80800 : i32
      %rem3A_570 = vector.broadcast %rem3A_569 : i32 to vector<16xi32>
      %rem3A_571 = arith.remsi %add3A_568, %rem3A_570 : vector<16xi32>
      %shift_right_arithmetic3A_572 = arith.constant 31 : i32
      %shift_right_arithmetic3A_573 = vector.broadcast %shift_right_arithmetic3A_572 : i32 to vector<16xi32>
      %shift_right_arithmetic3A_574 = arith.shrsi %rem3A_571, %shift_right_arithmetic3A_573 : vector<16xi32>
      %and3A_575 = arith.constant 80800 : i32
      %and3A_576 = vector.broadcast %and3A_575 : i32 to vector<16xi32>
      %and3A_577 = arith.andi %shift_right_arithmetic3A_574, %and3A_576 : vector<16xi32>
      %add3A_578 = arith.addi %rem3A_571, %and3A_577 : vector<16xi32>
      %add3A_579 = arith.constant 3 : i32
      %add3A_580 = vector.broadcast %add3A_579 : i32 to vector<16xi32>
      %add3A_581 = arith.addi %add3A_497, %add3A_580 : vector<16xi32>
      %add3A_582 = arith.constant 242400 : i32
      %add3A_583 = vector.broadcast %add3A_582 : i32 to vector<16xi32>
      %add3A_584 = arith.addi %add3A_578, %add3A_583 : vector<16xi32>
      tpu.vector_store_idx %arg6[%add3A_581], %add3A_584 : memref<8192xi32, #tpu.memory_space<vmem>>[vector<16xi32>], vector<16xi32>,
      %mul3A_585 = arith.constant 9 : i32
      %mul3A_586 = vector.broadcast %mul3A_585 : i32 to vector<16xi32>
      %mul3A_587 = arith.muli %add3A_486, %mul3A_586 : vector<16xi32>
      %add3A_588 = arith.constant 40028 : i32
      %add3A_589 = vector.broadcast %add3A_588 : i32 to vector<16xi32>
      %add3A_590 = arith.addi %mul3A_587, %add3A_589 : vector<16xi32>
      %rem3A_591 = arith.constant 80800 : i32
      %rem3A_592 = vector.broadcast %rem3A_591 : i32 to vector<16xi32>
      %rem3A_593 = arith.remsi %add3A_590, %rem3A_592 : vector<16xi32>
      %shift_right_arithmetic3A_594 = arith.constant 31 : i32
      %shift_right_arithmetic3A_595 = vector.broadcast %shift_right_arithmetic3A_594 : i32 to vector<16xi32>
      %shift_right_arithmetic3A_596 = arith.shrsi %rem3A_593, %shift_right_arithmetic3A_595 : vector<16xi32>
      %and3A_597 = arith.constant 80800 : i32
      %and3A_598 = vector.broadcast %and3A_597 : i32 to vector<16xi32>
      %and3A_599 = arith.andi %shift_right_arithmetic3A_596, %and3A_598 : vector<16xi32>
      %add3A_600 = arith.addi %rem3A_593, %and3A_599 : vector<16xi32>
      %add3A_601 = arith.constant 4 : i32
      %add3A_602 = vector.broadcast %add3A_601 : i32 to vector<16xi32>
      %add3A_603 = arith.addi %add3A_497, %add3A_602 : vector<16xi32>
      %add3A_604 = arith.constant 323200 : i32
      %add3A_605 = vector.broadcast %add3A_604 : i32 to vector<16xi32>
      %add3A_606 = arith.addi %add3A_600, %add3A_605 : vector<16xi32>
      tpu.vector_store_idx %arg6[%add3A_603], %add3A_606 : memref<8192xi32, #tpu.memory_space<vmem>>[vector<16xi32>], vector<16xi32>,
      %mul3A_607 = arith.constant 11 : i32
      %mul3A_608 = vector.broadcast %mul3A_607 : i32 to vector<16xi32>
      %mul3A_609 = arith.muli %add3A_486, %mul3A_608 : vector<16xi32>
      %add3A_610 = arith.constant 50035 : i32
      %add3A_611 = vector.broadcast %add3A_610 : i32 to vector<16xi32>
      %add3A_612 = arith.addi %mul3A_609, %add3A_611 : vector<16xi32>
      %rem3A_613 = arith.constant 80800 : i32
      %rem3A_614 = vector.broadcast %rem3A_613 : i32 to vector<16xi32>
      %rem3A_615 = arith.remsi %add3A_612, %rem3A_614 : vector<16xi32>
      %shift_right_arithmetic3A_616 = arith.constant 31 : i32
      %shift_right_arithmetic3A_617 = vector.broadcast %shift_right_arithmetic3A_616 : i32 to vector<16xi32>
      %shift_right_arithmetic3A_618 = arith.shrsi %rem3A_615, %shift_right_arithmetic3A_617 : vector<16xi32>
      %and3A_619 = arith.constant 80800 : i32
      %and3A_620 = vector.broadcast %and3A_619 : i32 to vector<16xi32>
      %and3A_621 = arith.andi %shift_right_arithmetic3A_618, %and3A_620 : vector<16xi32>
      %add3A_622 = arith.addi %rem3A_615, %and3A_621 : vector<16xi32>
      %add3A_623 = arith.constant 5 : i32
      %add3A_624 = vector.broadcast %add3A_623 : i32 to vector<16xi32>
      %add3A_625 = arith.addi %add3A_497, %add3A_624 : vector<16xi32>
      %add3A_626 = arith.constant 404000 : i32
      %add3A_627 = vector.broadcast %add3A_626 : i32 to vector<16xi32>
      %add3A_628 = arith.addi %add3A_622, %add3A_627 : vector<16xi32>
      tpu.vector_store_idx %arg6[%add3A_625], %add3A_628 : memref<8192xi32, #tpu.memory_space<vmem>>[vector<16xi32>], vector<16xi32>,
      %mul3A_629 = arith.constant 13 : i32
      %mul3A_630 = vector.broadcast %mul3A_629 : i32 to vector<16xi32>
      %mul3A_631 = arith.muli %add3A_486, %mul3A_630 : vector<16xi32>
      %add3A_632 = arith.constant 60042 : i32
      %add3A_633 = vector.broadcast %add3A_632 : i32 to vector<16xi32>
      %add3A_634 = arith.addi %mul3A_631, %add3A_633 : vector<16xi32>
      %rem3A_635 = arith.constant 80800 : i32
      %rem3A_636 = vector.broadcast %rem3A_635 : i32 to vector<16xi32>
      %rem3A_637 = arith.remsi %add3A_634, %rem3A_636 : vector<16xi32>
      %shift_right_arithmetic3A_638 = arith.constant 31 : i32
      %shift_right_arithmetic3A_639 = vector.broadcast %shift_right_arithmetic3A_638 : i32 to vector<16xi32>
      %shift_right_arithmetic3A_640 = arith.shrsi %rem3A_637, %shift_right_arithmetic3A_639 : vector<16xi32>
      %and3A_641 = arith.constant 80800 : i32
      %and3A_642 = vector.broadcast %and3A_641 : i32 to vector<16xi32>
      %and3A_643 = arith.andi %shift_right_arithmetic3A_640, %and3A_642 : vector<16xi32>
      %add3A_644 = arith.addi %rem3A_637, %and3A_643 : vector<16xi32>
      %add3A_645 = arith.constant 6 : i32
      %add3A_646 = vector.broadcast %add3A_645 : i32 to vector<16xi32>
      %add3A_647 = arith.addi %add3A_497, %add3A_646 : vector<16xi32>
      %add3A_648 = arith.constant 484800 : i32
      %add3A_649 = vector.broadcast %add3A_648 : i32 to vector<16xi32>
      %add3A_650 = arith.addi %add3A_644, %add3A_649 : vector<16xi32>
      tpu.vector_store_idx %arg6[%add3A_647], %add3A_650 : memref<8192xi32, #tpu.memory_space<vmem>>[vector<16xi32>], vector<16xi32>,
      %mul3A_651 = arith.constant 15 : i32
      %mul3A_652 = vector.broadcast %mul3A_651 : i32 to vector<16xi32>
      %mul3A_653 = arith.muli %add3A_486, %mul3A_652 : vector<16xi32>
      %add3A_654 = arith.constant 70049 : i32
      %add3A_655 = vector.broadcast %add3A_654 : i32 to vector<16xi32>
      %add3A_656 = arith.addi %mul3A_653, %add3A_655 : vector<16xi32>
      %rem3A_657 = arith.constant 80800 : i32
      %rem3A_658 = vector.broadcast %rem3A_657 : i32 to vector<16xi32>
      %rem3A_659 = arith.remsi %add3A_656, %rem3A_658 : vector<16xi32>
      %shift_right_arithmetic3A_660 = arith.constant 31 : i32
      %shift_right_arithmetic3A_661 = vector.broadcast %shift_right_arithmetic3A_660 : i32 to vector<16xi32>
      %shift_right_arithmetic3A_662 = arith.shrsi %rem3A_659, %shift_right_arithmetic3A_661 : vector<16xi32>
      %and3A_663 = arith.constant 80800 : i32
      %and3A_664 = vector.broadcast %and3A_663 : i32 to vector<16xi32>
      %and3A_665 = arith.andi %shift_right_arithmetic3A_662, %and3A_664 : vector<16xi32>
      %add3A_666 = arith.addi %rem3A_659, %and3A_665 : vector<16xi32>
      %add3A_667 = arith.constant 7 : i32
      %add3A_668 = vector.broadcast %add3A_667 : i32 to vector<16xi32>
      %add3A_669 = arith.addi %add3A_497, %add3A_668 : vector<16xi32>
      %add3A_670 = arith.constant 565600 : i32
      %add3A_671 = vector.broadcast %add3A_670 : i32 to vector<16xi32>
      %add3A_672 = arith.addi %add3A_666, %add3A_671 : vector<16xi32>
      tpu.vector_store_idx %arg6[%add3A_669], %add3A_672 : memref<8192xi32, #tpu.memory_space<vmem>>[vector<16xi32>], vector<16xi32>,
      %mul3A_673 = arith.constant 1 : i32
      %mul3A_674 = vector.broadcast %mul3A_673 : i32 to vector<16xi32>
      %mul3A_675 = arith.muli %add3A_490, %mul3A_674 : vector<16xi32>
      %add3A_676 = arith.constant 0 : i32
      %add3A_677 = vector.broadcast %add3A_676 : i32 to vector<16xi32>
      %add3A_678 = arith.addi %mul3A_675, %add3A_677 : vector<16xi32>
      %rem3A_679 = arith.constant 80800 : i32
      %rem3A_680 = vector.broadcast %rem3A_679 : i32 to vector<16xi32>
      %rem3A_681 = arith.remsi %add3A_678, %rem3A_680 : vector<16xi32>
      %shift_right_arithmetic3A_682 = arith.constant 31 : i32
      %shift_right_arithmetic3A_683 = vector.broadcast %shift_right_arithmetic3A_682 : i32 to vector<16xi32>
      %shift_right_arithmetic3A_684 = arith.shrsi %rem3A_681, %shift_right_arithmetic3A_683 : vector<16xi32>
      %and3A_685 = arith.constant 80800 : i32
      %and3A_686 = vector.broadcast %and3A_685 : i32 to vector<16xi32>
      %and3A_687 = arith.andi %shift_right_arithmetic3A_684, %and3A_686 : vector<16xi32>
      %add3A_688 = arith.addi %rem3A_681, %and3A_687 : vector<16xi32>
      %add3A_689 = arith.constant 8 : i32
      %add3A_690 = vector.broadcast %add3A_689 : i32 to vector<16xi32>
      %add3A_691 = arith.addi %add3A_497, %add3A_690 : vector<16xi32>
      %add3A_692 = arith.constant 646400 : i32
      %add3A_693 = vector.broadcast %add3A_692 : i32 to vector<16xi32>
      %add3A_694 = arith.addi %add3A_688, %add3A_693 : vector<16xi32>
      tpu.vector_store_idx %arg6[%add3A_691], %add3A_694 : memref<8192xi32, #tpu.memory_space<vmem>>[vector<16xi32>], vector<16xi32>,
      %mul3A_695 = arith.constant 3 : i32
      %mul3A_696 = vector.broadcast %mul3A_695 : i32 to vector<16xi32>
      %mul3A_697 = arith.muli %add3A_490, %mul3A_696 : vector<16xi32>
      %add3A_698 = arith.constant 10007 : i32
      %add3A_699 = vector.broadcast %add3A_698 : i32 to vector<16xi32>
      %add3A_700 = arith.addi %mul3A_697, %add3A_699 : vector<16xi32>
      %rem3A_701 = arith.constant 80800 : i32
      %rem3A_702 = vector.broadcast %rem3A_701 : i32 to vector<16xi32>
      %rem3A_703 = arith.remsi %add3A_700, %rem3A_702 : vector<16xi32>
      %shift_right_arithmetic3A_704 = arith.constant 31 : i32
      %shift_right_arithmetic3A_705 = vector.broadcast %shift_right_arithmetic3A_704 : i32 to vector<16xi32>
      %shift_right_arithmetic3A_706 = arith.shrsi %rem3A_703, %shift_right_arithmetic3A_705 : vector<16xi32>
      %and3A_707 = arith.constant 80800 : i32
      %and3A_708 = vector.broadcast %and3A_707 : i32 to vector<16xi32>
      %and3A_709 = arith.andi %shift_right_arithmetic3A_706, %and3A_708 : vector<16xi32>
      %add3A_710 = arith.addi %rem3A_703, %and3A_709 : vector<16xi32>
      %add3A_711 = arith.constant 9 : i32
      %add3A_712 = vector.broadcast %add3A_711 : i32 to vector<16xi32>
      %add3A_713 = arith.addi %add3A_497, %add3A_712 : vector<16xi32>
      %add3A_714 = arith.constant 727200 : i32
      %add3A_715 = vector.broadcast %add3A_714 : i32 to vector<16xi32>
      %add3A_716 = arith.addi %add3A_710, %add3A_715 : vector<16xi32>
      tpu.vector_store_idx %arg6[%add3A_713], %add3A_716 : memref<8192xi32, #tpu.memory_space<vmem>>[vector<16xi32>], vector<16xi32>,
      %mul3A_717 = arith.constant 5 : i32
      %mul3A_718 = vector.broadcast %mul3A_717 : i32 to vector<16xi32>
      %mul3A_719 = arith.muli %add3A_490, %mul3A_718 : vector<16xi32>
      %add3A_720 = arith.constant 20014 : i32
      %add3A_721 = vector.broadcast %add3A_720 : i32 to vector<16xi32>
      %add3A_722 = arith.addi %mul3A_719, %add3A_721 : vector<16xi32>
      %rem3A_723 = arith.constant 80800 : i32
      %rem3A_724 = vector.broadcast %rem3A_723 : i32 to vector<16xi32>
      %rem3A_725 = arith.remsi %add3A_722, %rem3A_724 : vector<16xi32>
      %shift_right_arithmetic3A_726 = arith.constant 31 : i32
      %shift_right_arithmetic3A_727 = vector.broadcast %shift_right_arithmetic3A_726 : i32 to vector<16xi32>
      %shift_right_arithmetic3A_728 = arith.shrsi %rem3A_725, %shift_right_arithmetic3A_727 : vector<16xi32>
      %and3A_729 = arith.constant 80800 : i32
      %and3A_730 = vector.broadcast %and3A_729 : i32 to vector<16xi32>
      %and3A_731 = arith.andi %shift_right_arithmetic3A_728, %and3A_730 : vector<16xi32>
      %add3A_732 = arith.addi %rem3A_725, %and3A_731 : vector<16xi32>
      %add3A_733 = arith.constant 10 : i32
      %add3A_734 = vector.broadcast %add3A_733 : i32 to vector<16xi32>
      %add3A_735 = arith.addi %add3A_497, %add3A_734 : vector<16xi32>
      %add3A_736 = arith.constant 808000 : i32
      %add3A_737 = vector.broadcast %add3A_736 : i32 to vector<16xi32>
      %add3A_738 = arith.addi %add3A_732, %add3A_737 : vector<16xi32>
      tpu.vector_store_idx %arg6[%add3A_735], %add3A_738 : memref<8192xi32, #tpu.memory_space<vmem>>[vector<16xi32>], vector<16xi32>,
      %mul3A_739 = arith.constant 7 : i32
      %mul3A_740 = vector.broadcast %mul3A_739 : i32 to vector<16xi32>
      %mul3A_741 = arith.muli %add3A_490, %mul3A_740 : vector<16xi32>
      %add3A_742 = arith.constant 30021 : i32
      %add3A_743 = vector.broadcast %add3A_742 : i32 to vector<16xi32>
      %add3A_744 = arith.addi %mul3A_741, %add3A_743 : vector<16xi32>
      %rem3A_745 = arith.constant 80800 : i32
      %rem3A_746 = vector.broadcast %rem3A_745 : i32 to vector<16xi32>
      %rem3A_747 = arith.remsi %add3A_744, %rem3A_746 : vector<16xi32>
      %shift_right_arithmetic3A_748 = arith.constant 31 : i32
      %shift_right_arithmetic3A_749 = vector.broadcast %shift_right_arithmetic3A_748 : i32 to vector<16xi32>
      %shift_right_arithmetic3A_750 = arith.shrsi %rem3A_747, %shift_right_arithmetic3A_749 : vector<16xi32>
      %and3A_751 = arith.constant 80800 : i32
      %and3A_752 = vector.broadcast %and3A_751 : i32 to vector<16xi32>
      %and3A_753 = arith.andi %shift_right_arithmetic3A_750, %and3A_752 : vector<16xi32>
      %add3A_754 = arith.addi %rem3A_747, %and3A_753 : vector<16xi32>
      %add3A_755 = arith.constant 11 : i32
      %add3A_756 = vector.broadcast %add3A_755 : i32 to vector<16xi32>
      %add3A_757 = arith.addi %add3A_497, %add3A_756 : vector<16xi32>
      %add3A_758 = arith.constant 888800 : i32
      %add3A_759 = vector.broadcast %add3A_758 : i32 to vector<16xi32>
      %add3A_760 = arith.addi %add3A_754, %add3A_759 : vector<16xi32>
      tpu.vector_store_idx %arg6[%add3A_757], %add3A_760 : memref<8192xi32, #tpu.memory_space<vmem>>[vector<16xi32>], vector<16xi32>,
      %mul3A_761 = arith.constant 9 : i32
      %mul3A_762 = vector.broadcast %mul3A_761 : i32 to vector<16xi32>
      %mul3A_763 = arith.muli %add3A_490, %mul3A_762 : vector<16xi32>
      %add3A_764 = arith.constant 40028 : i32
      %add3A_765 = vector.broadcast %add3A_764 : i32 to vector<16xi32>
      %add3A_766 = arith.addi %mul3A_763, %add3A_765 : vector<16xi32>
      %rem3A_767 = arith.constant 80800 : i32
      %rem3A_768 = vector.broadcast %rem3A_767 : i32 to vector<16xi32>
      %rem3A_769 = arith.remsi %add3A_766, %rem3A_768 : vector<16xi32>
      %shift_right_arithmetic3A_770 = arith.constant 31 : i32
      %shift_right_arithmetic3A_771 = vector.broadcast %shift_right_arithmetic3A_770 : i32 to vector<16xi32>
      %shift_right_arithmetic3A_772 = arith.shrsi %rem3A_769, %shift_right_arithmetic3A_771 : vector<16xi32>
      %and3A_773 = arith.constant 80800 : i32
      %and3A_774 = vector.broadcast %and3A_773 : i32 to vector<16xi32>
      %and3A_775 = arith.andi %shift_right_arithmetic3A_772, %and3A_774 : vector<16xi32>
      %add3A_776 = arith.addi %rem3A_769, %and3A_775 : vector<16xi32>
      %add3A_777 = arith.constant 12 : i32
      %add3A_778 = vector.broadcast %add3A_777 : i32 to vector<16xi32>
      %add3A_779 = arith.addi %add3A_497, %add3A_778 : vector<16xi32>
      %add3A_780 = arith.constant 969600 : i32
      %add3A_781 = vector.broadcast %add3A_780 : i32 to vector<16xi32>
      %add3A_782 = arith.addi %add3A_776, %add3A_781 : vector<16xi32>
      tpu.vector_store_idx %arg6[%add3A_779], %add3A_782 : memref<8192xi32, #tpu.memory_space<vmem>>[vector<16xi32>], vector<16xi32>,
      %mul3A_783 = arith.constant 11 : i32
      %mul3A_784 = vector.broadcast %mul3A_783 : i32 to vector<16xi32>
      %mul3A_785 = arith.muli %add3A_490, %mul3A_784 : vector<16xi32>
      %add3A_786 = arith.constant 50035 : i32
      %add3A_787 = vector.broadcast %add3A_786 : i32 to vector<16xi32>
      %add3A_788 = arith.addi %mul3A_785, %add3A_787 : vector<16xi32>
      %rem3A_789 = arith.constant 80800 : i32
      %rem3A_790 = vector.broadcast %rem3A_789 : i32 to vector<16xi32>
      %rem3A_791 = arith.remsi %add3A_788, %rem3A_790 : vector<16xi32>
      %shift_right_arithmetic3A_792 = arith.constant 31 : i32
      %shift_right_arithmetic3A_793 = vector.broadcast %shift_right_arithmetic3A_792 : i32 to vector<16xi32>
      %shift_right_arithmetic3A_794 = arith.shrsi %rem3A_791, %shift_right_arithmetic3A_793 : vector<16xi32>
      %and3A_795 = arith.constant 80800 : i32
      %and3A_796 = vector.broadcast %and3A_795 : i32 to vector<16xi32>
      %and3A_797 = arith.andi %shift_right_arithmetic3A_794, %and3A_796 : vector<16xi32>
      %add3A_798 = arith.addi %rem3A_791, %and3A_797 : vector<16xi32>
      %add3A_799 = arith.constant 13 : i32
      %add3A_800 = vector.broadcast %add3A_799 : i32 to vector<16xi32>
      %add3A_801 = arith.addi %add3A_497, %add3A_800 : vector<16xi32>
      %add3A_802 = arith.constant 1050400 : i32
      %add3A_803 = vector.broadcast %add3A_802 : i32 to vector<16xi32>
      %add3A_804 = arith.addi %add3A_798, %add3A_803 : vector<16xi32>
      tpu.vector_store_idx %arg6[%add3A_801], %add3A_804 : memref<8192xi32, #tpu.memory_space<vmem>>[vector<16xi32>], vector<16xi32>,
      %mul3A_805 = arith.constant 13 : i32
      %mul3A_806 = vector.broadcast %mul3A_805 : i32 to vector<16xi32>
      %mul3A_807 = arith.muli %add3A_490, %mul3A_806 : vector<16xi32>
      %add3A_808 = arith.constant 60042 : i32
      %add3A_809 = vector.broadcast %add3A_808 : i32 to vector<16xi32>
      %add3A_810 = arith.addi %mul3A_807, %add3A_809 : vector<16xi32>
      %rem3A_811 = arith.constant 80800 : i32
      %rem3A_812 = vector.broadcast %rem3A_811 : i32 to vector<16xi32>
      %rem3A_813 = arith.remsi %add3A_810, %rem3A_812 : vector<16xi32>
      %shift_right_arithmetic3A_814 = arith.constant 31 : i32
      %shift_right_arithmetic3A_815 = vector.broadcast %shift_right_arithmetic3A_814 : i32 to vector<16xi32>
      %shift_right_arithmetic3A_816 = arith.shrsi %rem3A_813, %shift_right_arithmetic3A_815 : vector<16xi32>
      %and3A_817 = arith.constant 80800 : i32
      %and3A_818 = vector.broadcast %and3A_817 : i32 to vector<16xi32>
      %and3A_819 = arith.andi %shift_right_arithmetic3A_816, %and3A_818 : vector<16xi32>
      %add3A_820 = arith.addi %rem3A_813, %and3A_819 : vector<16xi32>
      %add3A_821 = arith.constant 14 : i32
      %add3A_822 = vector.broadcast %add3A_821 : i32 to vector<16xi32>
      %add3A_823 = arith.addi %add3A_497, %add3A_822 : vector<16xi32>
      %add3A_824 = arith.constant 1131200 : i32
      %add3A_825 = vector.broadcast %add3A_824 : i32 to vector<16xi32>
      %add3A_826 = arith.addi %add3A_820, %add3A_825 : vector<16xi32>
      tpu.vector_store_idx %arg6[%add3A_823], %add3A_826 : memref<8192xi32, #tpu.memory_space<vmem>>[vector<16xi32>], vector<16xi32>,
      %mul3A_827 = arith.constant 15 : i32
      %mul3A_828 = vector.broadcast %mul3A_827 : i32 to vector<16xi32>
      %mul3A_829 = arith.muli %add3A_490, %mul3A_828 : vector<16xi32>
      %add3A_830 = arith.constant 70049 : i32
      %add3A_831 = vector.broadcast %add3A_830 : i32 to vector<16xi32>
      %add3A_832 = arith.addi %mul3A_829, %add3A_831 : vector<16xi32>
      %rem3A_833 = arith.constant 80800 : i32
      %rem3A_834 = vector.broadcast %rem3A_833 : i32 to vector<16xi32>
      %rem3A_835 = arith.remsi %add3A_832, %rem3A_834 : vector<16xi32>
      %shift_right_arithmetic3A_836 = arith.constant 31 : i32
      %shift_right_arithmetic3A_837 = vector.broadcast %shift_right_arithmetic3A_836 : i32 to vector<16xi32>
      %shift_right_arithmetic3A_838 = arith.shrsi %rem3A_835, %shift_right_arithmetic3A_837 : vector<16xi32>
      %and3A_839 = arith.constant 80800 : i32
      %and3A_840 = vector.broadcast %and3A_839 : i32 to vector<16xi32>
      %and3A_841 = arith.andi %shift_right_arithmetic3A_838, %and3A_840 : vector<16xi32>
      %add3A_842 = arith.addi %rem3A_835, %and3A_841 : vector<16xi32>
      %add3A_843 = arith.constant 15 : i32
      %add3A_844 = vector.broadcast %add3A_843 : i32 to vector<16xi32>
      %add3A_845 = arith.addi %add3A_497, %add3A_844 : vector<16xi32>
      %add3A_846 = arith.constant 1212000 : i32
      %add3A_847 = vector.broadcast %add3A_846 : i32 to vector<16xi32>
      %add3A_848 = arith.addi %add3A_842, %add3A_847 : vector<16xi32>
      tpu.vector_store_idx %arg6[%add3A_845], %add3A_848 : memref<8192xi32, #tpu.memory_space<vmem>>[vector<16xi32>], vector<16xi32>,
    }
    %scan3A_22 = arith.constant 32 : i32
    %mul3A_23 = arith.constant 8192 : i32
    %mul3A_24 = arith.muli %add3A, %mul3A_23 : i32
    %dma_start3A = arith.constant 0 : i32
    %dma_start3A_25 = arith.constant 0 : i32
    %dma_start3A_26 = arith.constant 0 : i32
    %dma_start3A_27 = tpu.memref_slice %arg7[%dma_start3A, %dma_start3A_25, %dma_start3A_26] : memref<2x512x64xf32, #tpu.memory_space<vmem>> -> memref<1x512x64xf32, #tpu.memory_space<vmem>>
    %dma_start3A_28 = tpu.memref_squeeze %dma_start3A_27 : memref<1x512x64xf32, #tpu.memory_space<vmem>> -> memref<512x64xf32, #tpu.memory_space<vmem>>
    %dma_start3A_29 = arith.constant 0 : i32
    %dma_start3A_30 = tpu.memref_slice %arg6[%dma_start3A_29] : memref<8192xi32, #tpu.memory_space<vmem>> -> memref<512xi32, #tpu.memory_space<vmem>>
    %dma_start3A_31 = arith.constant 0 : i32
    %dma_start3A_32 = arith.constant 0 : i32
    %dma_start3A_33 = tpu.memref_slice %arg3[%dma_start3A_31, %dma_start3A_32] : memref<1292800x64xf32, #tpu.memory_space<hbm>> -> memref<1292800x64xf32, #tpu.memory_space<hbm>>
    tpu.enqueue_indirect_dma source(%dma_start3A_33 : memref<1292800x64xf32, #tpu.memory_space<hbm>>) target(%dma_start3A_28 : memref<512x64xf32, #tpu.memory_space<vmem>>) offsets(%dma_start3A_30 : memref<512xi32, #tpu.memory_space<vmem>>) semaphore(%arg8 : memref<!tpu.dma_semaphore, #tpu.memory_space<semaphore_mem>>)
    %dma_start3A_34 = arith.constant 1 : i32
    %dma_start3A_35 = arith.constant 0 : i32
    %dma_start3A_36 = arith.constant 0 : i32
    %dma_start3A_37 = tpu.memref_slice %arg7[%dma_start3A_34, %dma_start3A_35, %dma_start3A_36] : memref<2x512x64xf32, #tpu.memory_space<vmem>> -> memref<1x512x64xf32, #tpu.memory_space<vmem>>
    %dma_start3A_38 = tpu.memref_squeeze %dma_start3A_37 : memref<1x512x64xf32, #tpu.memory_space<vmem>> -> memref<512x64xf32, #tpu.memory_space<vmem>>
    %dma_start3A_39 = arith.constant 512 : i32
    %dma_start3A_40 = tpu.memref_slice %arg6[%dma_start3A_39] : memref<8192xi32, #tpu.memory_space<vmem>> -> memref<512xi32, #tpu.memory_space<vmem>>
    %dma_start3A_41 = arith.constant 0 : i32
    %dma_start3A_42 = arith.constant 0 : i32
    %dma_start3A_43 = tpu.memref_slice %arg3[%dma_start3A_41, %dma_start3A_42] : memref<1292800x64xf32, #tpu.memory_space<hbm>> -> memref<1292800x64xf32, #tpu.memory_space<hbm>>
    tpu.enqueue_indirect_dma source(%dma_start3A_43 : memref<1292800x64xf32, #tpu.memory_space<hbm>>) target(%dma_start3A_38 : memref<512x64xf32, #tpu.memory_space<vmem>>) offsets(%dma_start3A_40 : memref<512xi32, #tpu.memory_space<vmem>>) semaphore(%arg8 : memref<!tpu.dma_semaphore, #tpu.memory_space<semaphore_mem>>)
    %dma_wait3A = arith.constant 0 : i32
    %dma_wait3A_44 = arith.constant 0 : i32
    %dma_wait3A_45 = arith.constant 0 : i32
    %dma_wait3A_46 = tpu.memref_slice %arg7[%dma_wait3A, %dma_wait3A_44, %dma_wait3A_45] : memref<2x512x64xf32, #tpu.memory_space<vmem>> -> memref<1x512x64xf32, #tpu.memory_space<vmem>>
    %dma_wait3A_47 = tpu.memref_squeeze %dma_wait3A_46 : memref<1x512x64xf32, #tpu.memory_space<vmem>> -> memref<512x64xf32, #tpu.memory_space<vmem>>
    %dma_wait3A_48 = arith.constant 0 : i32
    %dma_wait3A_49 = tpu.memref_slice %arg6[%dma_wait3A_48] : memref<8192xi32, #tpu.memory_space<vmem>> -> memref<512xi32, #tpu.memory_space<vmem>>
    %dma_wait3A_50 = arith.constant 0 : i32
    %dma_wait3A_51 = arith.constant 0 : i32
    %dma_wait3A_52 = tpu.memref_slice %arg3[%dma_wait3A_50, %dma_wait3A_51] : memref<1292800x64xf32, #tpu.memory_space<hbm>> -> memref<1292800x64xf32, #tpu.memory_space<hbm>>
    tpu.wait_indirect_dma semaphore(%arg8 : memref<!tpu.dma_semaphore, #tpu.memory_space<semaphore_mem>>) src(%dma_wait3A_52 : memref<1292800x64xf32, #tpu.memory_space<hbm>>) dst(%dma_wait3A_47 : memref<512x64xf32, #tpu.memory_space<vmem>>)
    %add3A_53 = arith.constant 0 : i32
    %add3A_54 = arith.addi %mul3A_24, %add3A_53 : i32
    %run_scoped3A = arith.constant 0 : i32
    "tpu.region"() ({
      %run_scoped3A_390 = tpu.sem_alloc : memref<!tpu.dma_semaphore, #tpu.memory_space<semaphore_mem>>
      %dma_start3A_391 = arith.constant 0 : i32
      %dma_start3A_392 = arith.constant 0 : i32
      %dma_start3A_393 = tpu.memref_slice %arg7[%run_scoped3A, %dma_start3A_391, %dma_start3A_392] : memref<2x512x64xf32, #tpu.memory_space<vmem>> -> memref<1x512x64xf32, #tpu.memory_space<vmem>>
      %dma_start3A_394 = tpu.memref_squeeze %dma_start3A_393 : memref<1x512x64xf32, #tpu.memory_space<vmem>> -> memref<512x64xf32, #tpu.memory_space<vmem>>
      %dma_start3A_395 = arith.constant 0 : i32
      %dma_start3A_396 = tpu.memref_slice %arg4[%add3A_54, %dma_start3A_395] : memref<262144x64xf32, #tpu.memory_space<hbm>> -> memref<512x64xf32, #tpu.memory_space<hbm>>
      %dma_start3A_397 = arith.constant 0 : i32
      %dma_start3A_398 = tpu.memref_slice %arg4[%add3A_54, %dma_start3A_397] : memref<262144x64xf32, #tpu.memory_space<hbm>> -> memref<512x64xf32, #tpu.memory_space<hbm>>
      %dma_start3A_399 = arith.constant 0 : i32
      %dma_start3A_400 = arith.constant 0 : i32
      %dma_start3A_401 = tpu.memref_slice %arg7[%run_scoped3A, %dma_start3A_399, %dma_start3A_400] : memref<2x512x64xf32, #tpu.memory_space<vmem>> -> memref<1x512x64xf32, #tpu.memory_space<vmem>>
      %dma_start3A_402 = tpu.memref_squeeze %dma_start3A_401 : memref<1x512x64xf32, #tpu.memory_space<vmem>> -> memref<512x64xf32, #tpu.memory_space<vmem>>
      tpu.enqueue_dma source(%dma_start3A_402 : memref<512x64xf32, #tpu.memory_space<vmem>>) target(%dma_start3A_398 : memref<512x64xf32, #tpu.memory_space<hbm>>) target_semaphore(%run_scoped3A_390 : memref<!tpu.dma_semaphore, #tpu.memory_space<semaphore_mem>>)
      %dma_wait3A_403 = arith.constant 0 : i32
      %dma_wait3A_404 = arith.constant 0 : i32
      %dma_wait3A_405 = tpu.memref_slice %arg7[%run_scoped3A, %dma_wait3A_403, %dma_wait3A_404] : memref<2x512x64xf32, #tpu.memory_space<vmem>> -> memref<1x512x64xf32, #tpu.memory_space<vmem>>
      %dma_wait3A_406 = tpu.memref_squeeze %dma_wait3A_405 : memref<1x512x64xf32, #tpu.memory_space<vmem>> -> memref<512x64xf32, #tpu.memory_space<vmem>>
      %dma_wait3A_407 = arith.constant 0 : i32
      %dma_wait3A_408 = tpu.memref_slice %arg4[%add3A_54, %dma_wait3A_407] : memref<262144x64xf32, #tpu.memory_space<hbm>> -> memref<512x64xf32, #tpu.memory_space<hbm>>
      %dma_wait3A_409 = arith.constant 0 : i32
      %dma_wait3A_410 = tpu.memref_slice %arg4[%add3A_54, %dma_wait3A_409] : memref<262144x64xf32, #tpu.memory_space<hbm>> -> memref<512x64xf32, #tpu.memory_space<hbm>>
      %dma_wait3A_411 = arith.constant 0 : i32
      %dma_wait3A_412 = arith.constant 0 : i32
      %dma_wait3A_413 = tpu.memref_slice %arg7[%run_scoped3A, %dma_wait3A_411, %dma_wait3A_412] : memref<2x512x64xf32, #tpu.memory_space<vmem>> -> memref<1x512x64xf32, #tpu.memory_space<vmem>>
      %dma_wait3A_414 = tpu.memref_squeeze %dma_wait3A_413 : memref<1x512x64xf32, #tpu.memory_space<vmem>> -> memref<512x64xf32, #tpu.memory_space<vmem>>
      tpu.wait_dma2 semaphore(%run_scoped3A_390 : memref<!tpu.dma_semaphore, #tpu.memory_space<semaphore_mem>>) src(%dma_wait3A_414 : memref<512x64xf32, #tpu.memory_space<vmem>>) dst(%dma_wait3A_410 : memref<512x64xf32, #tpu.memory_space<hbm>>)
      tpu.yield
    }) : () -> ()
    %dma_start3A_55 = arith.constant 0 : i32
    %dma_start3A_56 = arith.constant 0 : i32
    %dma_start3A_57 = arith.constant 0 : i32
    %dma_start3A_58 = tpu.memref_slice %arg7[%dma_start3A_55, %dma_start3A_56, %dma_start3A_57] : memref<2x512x64xf32, #tpu.memory_space<vmem>> -> memref<1x512x64xf32, #tpu.memory_space<vmem>>
    %dma_start3A_59 = tpu.memref_squeeze %dma_start3A_58 : memref<1x512x64xf32, #tpu.memory_space<vmem>> -> memref<512x64xf32, #tpu.memory_space<vmem>>
    %dma_start3A_60 = arith.constant 1024 : i32
    %dma_start3A_61 = tpu.memref_slice %arg6[%dma_start3A_60] : memref<8192xi32, #tpu.memory_space<vmem>> -> memref<512xi32, #tpu.memory_space<vmem>>
    %dma_start3A_62 = arith.constant 0 : i32
    %dma_start3A_63 = arith.constant 0 : i32
    %dma_start3A_64 = tpu.memref_slice %arg3[%dma_start3A_62, %dma_start3A_63] : memref<1292800x64xf32, #tpu.memory_space<hbm>> -> memref<1292800x64xf32, #tpu.memory_space<hbm>>
    tpu.enqueue_indirect_dma source(%dma_start3A_64 : memref<1292800x64xf32, #tpu.memory_space<hbm>>) target(%dma_start3A_59 : memref<512x64xf32, #tpu.memory_space<vmem>>) offsets(%dma_start3A_61 : memref<512xi32, #tpu.memory_space<vmem>>) semaphore(%arg8 : memref<!tpu.dma_semaphore, #tpu.memory_space<semaphore_mem>>)
    %dma_wait3A_65 = arith.constant 1 : i32
    %dma_wait3A_66 = arith.constant 0 : i32
    %dma_wait3A_67 = arith.constant 0 : i32
    %dma_wait3A_68 = tpu.memref_slice %arg7[%dma_wait3A_65, %dma_wait3A_66, %dma_wait3A_67] : memref<2x512x64xf32, #tpu.memory_space<vmem>> -> memref<1x512x64xf32, #tpu.memory_space<vmem>>
    %dma_wait3A_69 = tpu.memref_squeeze %dma_wait3A_68 : memref<1x512x64xf32, #tpu.memory_space<vmem>> -> memref<512x64xf32, #tpu.memory_space<vmem>>
    %dma_wait3A_70 = arith.constant 512 : i32
    %dma_wait3A_71 = tpu.memref_slice %arg6[%dma_wait3A_70] : memref<8192xi32, #tpu.memory_space<vmem>> -> memref<512xi32, #tpu.memory_space<vmem>>
    %dma_wait3A_72 = arith.constant 0 : i32
    %dma_wait3A_73 = arith.constant 0 : i32
    %dma_wait3A_74 = tpu.memref_slice %arg3[%dma_wait3A_72, %dma_wait3A_73] : memref<1292800x64xf32, #tpu.memory_space<hbm>> -> memref<1292800x64xf32, #tpu.memory_space<hbm>>
    tpu.wait_indirect_dma semaphore(%arg8 : memref<!tpu.dma_semaphore, #tpu.memory_space<semaphore_mem>>) src(%dma_wait3A_74 : memref<1292800x64xf32, #tpu.memory_space<hbm>>) dst(%dma_wait3A_69 : memref<512x64xf32, #tpu.memory_space<vmem>>)
    %add3A_75 = arith.constant 512 : i32
    %add3A_76 = arith.addi %mul3A_24, %add3A_75 : i32
    %run_scoped3A_77 = arith.constant 1 : i32
    "tpu.region"() ({
      %run_scoped3A_390 = tpu.sem_alloc : memref<!tpu.dma_semaphore, #tpu.memory_space<semaphore_mem>>
      %dma_start3A_391 = arith.constant 0 : i32
      %dma_start3A_392 = arith.constant 0 : i32
      %dma_start3A_393 = tpu.memref_slice %arg7[%run_scoped3A_77, %dma_start3A_391, %dma_start3A_392] : memref<2x512x64xf32, #tpu.memory_space<vmem>> -> memref<1x512x64xf32, #tpu.memory_space<vmem>>
      %dma_start3A_394 = tpu.memref_squeeze %dma_start3A_393 : memref<1x512x64xf32, #tpu.memory_space<vmem>> -> memref<512x64xf32, #tpu.memory_space<vmem>>
      %dma_start3A_395 = arith.constant 0 : i32
      %dma_start3A_396 = tpu.memref_slice %arg4[%add3A_76, %dma_start3A_395] : memref<262144x64xf32, #tpu.memory_space<hbm>> -> memref<512x64xf32, #tpu.memory_space<hbm>>
      %dma_start3A_397 = arith.constant 0 : i32
      %dma_start3A_398 = tpu.memref_slice %arg4[%add3A_76, %dma_start3A_397] : memref<262144x64xf32, #tpu.memory_space<hbm>> -> memref<512x64xf32, #tpu.memory_space<hbm>>
      %dma_start3A_399 = arith.constant 0 : i32
      %dma_start3A_400 = arith.constant 0 : i32
      %dma_start3A_401 = tpu.memref_slice %arg7[%run_scoped3A_77, %dma_start3A_399, %dma_start3A_400] : memref<2x512x64xf32, #tpu.memory_space<vmem>> -> memref<1x512x64xf32, #tpu.memory_space<vmem>>
      %dma_start3A_402 = tpu.memref_squeeze %dma_start3A_401 : memref<1x512x64xf32, #tpu.memory_space<vmem>> -> memref<512x64xf32, #tpu.memory_space<vmem>>
      tpu.enqueue_dma source(%dma_start3A_402 : memref<512x64xf32, #tpu.memory_space<vmem>>) target(%dma_start3A_398 : memref<512x64xf32, #tpu.memory_space<hbm>>) target_semaphore(%run_scoped3A_390 : memref<!tpu.dma_semaphore, #tpu.memory_space<semaphore_mem>>)
      %dma_wait3A_403 = arith.constant 0 : i32
      %dma_wait3A_404 = arith.constant 0 : i32
      %dma_wait3A_405 = tpu.memref_slice %arg7[%run_scoped3A_77, %dma_wait3A_403, %dma_wait3A_404] : memref<2x512x64xf32, #tpu.memory_space<vmem>> -> memref<1x512x64xf32, #tpu.memory_space<vmem>>
      %dma_wait3A_406 = tpu.memref_squeeze %dma_wait3A_405 : memref<1x512x64xf32, #tpu.memory_space<vmem>> -> memref<512x64xf32, #tpu.memory_space<vmem>>
      %dma_wait3A_407 = arith.constant 0 : i32
      %dma_wait3A_408 = tpu.memref_slice %arg4[%add3A_76, %dma_wait3A_407] : memref<262144x64xf32, #tpu.memory_space<hbm>> -> memref<512x64xf32, #tpu.memory_space<hbm>>
      %dma_wait3A_409 = arith.constant 0 : i32
      %dma_wait3A_410 = tpu.memref_slice %arg4[%add3A_76, %dma_wait3A_409] : memref<262144x64xf32, #tpu.memory_space<hbm>> -> memref<512x64xf32, #tpu.memory_space<hbm>>
      %dma_wait3A_411 = arith.constant 0 : i32
      %dma_wait3A_412 = arith.constant 0 : i32
      %dma_wait3A_413 = tpu.memref_slice %arg7[%run_scoped3A_77, %dma_wait3A_411, %dma_wait3A_412] : memref<2x512x64xf32, #tpu.memory_space<vmem>> -> memref<1x512x64xf32, #tpu.memory_space<vmem>>
      %dma_wait3A_414 = tpu.memref_squeeze %dma_wait3A_413 : memref<1x512x64xf32, #tpu.memory_space<vmem>> -> memref<512x64xf32, #tpu.memory_space<vmem>>
      tpu.wait_dma2 semaphore(%run_scoped3A_390 : memref<!tpu.dma_semaphore, #tpu.memory_space<semaphore_mem>>) src(%dma_wait3A_414 : memref<512x64xf32, #tpu.memory_space<vmem>>) dst(%dma_wait3A_410 : memref<512x64xf32, #tpu.memory_space<hbm>>)
      tpu.yield
    }) : () -> ()
    %dma_start3A_78 = arith.constant 1 : i32
    %dma_start3A_79 = arith.constant 0 : i32
    %dma_start3A_80 = arith.constant 0 : i32
    %dma_start3A_81 = tpu.memref_slice %arg7[%dma_start3A_78, %dma_start3A_79, %dma_start3A_80] : memref<2x512x64xf32, #tpu.memory_space<vmem>> -> memref<1x512x64xf32, #tpu.memory_space<vmem>>
    %dma_start3A_82 = tpu.memref_squeeze %dma_start3A_81 : memref<1x512x64xf32, #tpu.memory_space<vmem>> -> memref<512x64xf32, #tpu.memory_space<vmem>>
    %dma_start3A_83 = arith.constant 1536 : i32
    %dma_start3A_84 = tpu.memref_slice %arg6[%dma_start3A_83] : memref<8192xi32, #tpu.memory_space<vmem>> -> memref<512xi32, #tpu.memory_space<vmem>>
    %dma_start3A_85 = arith.constant 0 : i32
    %dma_start3A_86 = arith.constant 0 : i32
    %dma_start3A_87 = tpu.memref_slice %arg3[%dma_start3A_85, %dma_start3A_86] : memref<1292800x64xf32, #tpu.memory_space<hbm>> -> memref<1292800x64xf32, #tpu.memory_space<hbm>>
    tpu.enqueue_indirect_dma source(%dma_start3A_87 : memref<1292800x64xf32, #tpu.memory_space<hbm>>) target(%dma_start3A_82 : memref<512x64xf32, #tpu.memory_space<vmem>>) offsets(%dma_start3A_84 : memref<512xi32, #tpu.memory_space<vmem>>) semaphore(%arg8 : memref<!tpu.dma_semaphore, #tpu.memory_space<semaphore_mem>>)
    %dma_wait3A_88 = arith.constant 0 : i32
    %dma_wait3A_89 = arith.constant 0 : i32
    %dma_wait3A_90 = arith.constant 0 : i32
    %dma_wait3A_91 = tpu.memref_slice %arg7[%dma_wait3A_88, %dma_wait3A_89, %dma_wait3A_90] : memref<2x512x64xf32, #tpu.memory_space<vmem>> -> memref<1x512x64xf32, #tpu.memory_space<vmem>>
    %dma_wait3A_92 = tpu.memref_squeeze %dma_wait3A_91 : memref<1x512x64xf32, #tpu.memory_space<vmem>> -> memref<512x64xf32, #tpu.memory_space<vmem>>
    %dma_wait3A_93 = arith.constant 1024 : i32
    %dma_wait3A_94 = tpu.memref_slice %arg6[%dma_wait3A_93] : memref<8192xi32, #tpu.memory_space<vmem>> -> memref<512xi32, #tpu.memory_space<vmem>>
    %dma_wait3A_95 = arith.constant 0 : i32
    %dma_wait3A_96 = arith.constant 0 : i32
    %dma_wait3A_97 = tpu.memref_slice %arg3[%dma_wait3A_95, %dma_wait3A_96] : memref<1292800x64xf32, #tpu.memory_space<hbm>> -> memref<1292800x64xf32, #tpu.memory_space<hbm>>
    tpu.wait_indirect_dma semaphore(%arg8 : memref<!tpu.dma_semaphore, #tpu.memory_space<semaphore_mem>>) src(%dma_wait3A_97 : memref<1292800x64xf32, #tpu.memory_space<hbm>>) dst(%dma_wait3A_92 : memref<512x64xf32, #tpu.memory_space<vmem>>)
    %add3A_98 = arith.constant 1024 : i32
    %add3A_99 = arith.addi %mul3A_24, %add3A_98 : i32
    %run_scoped3A_100 = arith.constant 0 : i32
    "tpu.region"() ({
      %run_scoped3A_390 = tpu.sem_alloc : memref<!tpu.dma_semaphore, #tpu.memory_space<semaphore_mem>>
      %dma_start3A_391 = arith.constant 0 : i32
      %dma_start3A_392 = arith.constant 0 : i32
      %dma_start3A_393 = tpu.memref_slice %arg7[%run_scoped3A_100, %dma_start3A_391, %dma_start3A_392] : memref<2x512x64xf32, #tpu.memory_space<vmem>> -> memref<1x512x64xf32, #tpu.memory_space<vmem>>
      %dma_start3A_394 = tpu.memref_squeeze %dma_start3A_393 : memref<1x512x64xf32, #tpu.memory_space<vmem>> -> memref<512x64xf32, #tpu.memory_space<vmem>>
      %dma_start3A_395 = arith.constant 0 : i32
      %dma_start3A_396 = tpu.memref_slice %arg4[%add3A_99, %dma_start3A_395] : memref<262144x64xf32, #tpu.memory_space<hbm>> -> memref<512x64xf32, #tpu.memory_space<hbm>>
      %dma_start3A_397 = arith.constant 0 : i32
      %dma_start3A_398 = tpu.memref_slice %arg4[%add3A_99, %dma_start3A_397] : memref<262144x64xf32, #tpu.memory_space<hbm>> -> memref<512x64xf32, #tpu.memory_space<hbm>>
      %dma_start3A_399 = arith.constant 0 : i32
      %dma_start3A_400 = arith.constant 0 : i32
      %dma_start3A_401 = tpu.memref_slice %arg7[%run_scoped3A_100, %dma_start3A_399, %dma_start3A_400] : memref<2x512x64xf32, #tpu.memory_space<vmem>> -> memref<1x512x64xf32, #tpu.memory_space<vmem>>
      %dma_start3A_402 = tpu.memref_squeeze %dma_start3A_401 : memref<1x512x64xf32, #tpu.memory_space<vmem>> -> memref<512x64xf32, #tpu.memory_space<vmem>>
      tpu.enqueue_dma source(%dma_start3A_402 : memref<512x64xf32, #tpu.memory_space<vmem>>) target(%dma_start3A_398 : memref<512x64xf32, #tpu.memory_space<hbm>>) target_semaphore(%run_scoped3A_390 : memref<!tpu.dma_semaphore, #tpu.memory_space<semaphore_mem>>)
      %dma_wait3A_403 = arith.constant 0 : i32
      %dma_wait3A_404 = arith.constant 0 : i32
      %dma_wait3A_405 = tpu.memref_slice %arg7[%run_scoped3A_100, %dma_wait3A_403, %dma_wait3A_404] : memref<2x512x64xf32, #tpu.memory_space<vmem>> -> memref<1x512x64xf32, #tpu.memory_space<vmem>>
      %dma_wait3A_406 = tpu.memref_squeeze %dma_wait3A_405 : memref<1x512x64xf32, #tpu.memory_space<vmem>> -> memref<512x64xf32, #tpu.memory_space<vmem>>
      %dma_wait3A_407 = arith.constant 0 : i32
      %dma_wait3A_408 = tpu.memref_slice %arg4[%add3A_99, %dma_wait3A_407] : memref<262144x64xf32, #tpu.memory_space<hbm>> -> memref<512x64xf32, #tpu.memory_space<hbm>>
      %dma_wait3A_409 = arith.constant 0 : i32
      %dma_wait3A_410 = tpu.memref_slice %arg4[%add3A_99, %dma_wait3A_409] : memref<262144x64xf32, #tpu.memory_space<hbm>> -> memref<512x64xf32, #tpu.memory_space<hbm>>
      %dma_wait3A_411 = arith.constant 0 : i32
      %dma_wait3A_412 = arith.constant 0 : i32
      %dma_wait3A_413 = tpu.memref_slice %arg7[%run_scoped3A_100, %dma_wait3A_411, %dma_wait3A_412] : memref<2x512x64xf32, #tpu.memory_space<vmem>> -> memref<1x512x64xf32, #tpu.memory_space<vmem>>
      %dma_wait3A_414 = tpu.memref_squeeze %dma_wait3A_413 : memref<1x512x64xf32, #tpu.memory_space<vmem>> -> memref<512x64xf32, #tpu.memory_space<vmem>>
      tpu.wait_dma2 semaphore(%run_scoped3A_390 : memref<!tpu.dma_semaphore, #tpu.memory_space<semaphore_mem>>) src(%dma_wait3A_414 : memref<512x64xf32, #tpu.memory_space<vmem>>) dst(%dma_wait3A_410 : memref<512x64xf32, #tpu.memory_space<hbm>>)
      tpu.yield
    }) : () -> ()
    %dma_start3A_101 = arith.constant 0 : i32
    %dma_start3A_102 = arith.constant 0 : i32
    %dma_start3A_103 = arith.constant 0 : i32
    %dma_start3A_104 = tpu.memref_slice %arg7[%dma_start3A_101, %dma_start3A_102, %dma_start3A_103] : memref<2x512x64xf32, #tpu.memory_space<vmem>> -> memref<1x512x64xf32, #tpu.memory_space<vmem>>
    %dma_start3A_105 = tpu.memref_squeeze %dma_start3A_104 : memref<1x512x64xf32, #tpu.memory_space<vmem>> -> memref<512x64xf32, #tpu.memory_space<vmem>>
    %dma_start3A_106 = arith.constant 2048 : i32
    %dma_start3A_107 = tpu.memref_slice %arg6[%dma_start3A_106] : memref<8192xi32, #tpu.memory_space<vmem>> -> memref<512xi32, #tpu.memory_space<vmem>>
    %dma_start3A_108 = arith.constant 0 : i32
    %dma_start3A_109 = arith.constant 0 : i32
    %dma_start3A_110 = tpu.memref_slice %arg3[%dma_start3A_108, %dma_start3A_109] : memref<1292800x64xf32, #tpu.memory_space<hbm>> -> memref<1292800x64xf32, #tpu.memory_space<hbm>>
    tpu.enqueue_indirect_dma source(%dma_start3A_110 : memref<1292800x64xf32, #tpu.memory_space<hbm>>) target(%dma_start3A_105 : memref<512x64xf32, #tpu.memory_space<vmem>>) offsets(%dma_start3A_107 : memref<512xi32, #tpu.memory_space<vmem>>) semaphore(%arg8 : memref<!tpu.dma_semaphore, #tpu.memory_space<semaphore_mem>>)
    %dma_wait3A_111 = arith.constant 1 : i32
    %dma_wait3A_112 = arith.constant 0 : i32
    %dma_wait3A_113 = arith.constant 0 : i32
    %dma_wait3A_114 = tpu.memref_slice %arg7[%dma_wait3A_111, %dma_wait3A_112, %dma_wait3A_113] : memref<2x512x64xf32, #tpu.memory_space<vmem>> -> memref<1x512x64xf32, #tpu.memory_space<vmem>>
    %dma_wait3A_115 = tpu.memref_squeeze %dma_wait3A_114 : memref<1x512x64xf32, #tpu.memory_space<vmem>> -> memref<512x64xf32, #tpu.memory_space<vmem>>
    %dma_wait3A_116 = arith.constant 1536 : i32
    %dma_wait3A_117 = tpu.memref_slice %arg6[%dma_wait3A_116] : memref<8192xi32, #tpu.memory_space<vmem>> -> memref<512xi32, #tpu.memory_space<vmem>>
    %dma_wait3A_118 = arith.constant 0 : i32
    %dma_wait3A_119 = arith.constant 0 : i32
    %dma_wait3A_120 = tpu.memref_slice %arg3[%dma_wait3A_118, %dma_wait3A_119] : memref<1292800x64xf32, #tpu.memory_space<hbm>> -> memref<1292800x64xf32, #tpu.memory_space<hbm>>
    tpu.wait_indirect_dma semaphore(%arg8 : memref<!tpu.dma_semaphore, #tpu.memory_space<semaphore_mem>>) src(%dma_wait3A_120 : memref<1292800x64xf32, #tpu.memory_space<hbm>>) dst(%dma_wait3A_115 : memref<512x64xf32, #tpu.memory_space<vmem>>)
    %add3A_121 = arith.constant 1536 : i32
    %add3A_122 = arith.addi %mul3A_24, %add3A_121 : i32
    %run_scoped3A_123 = arith.constant 1 : i32
    "tpu.region"() ({
      %run_scoped3A_390 = tpu.sem_alloc : memref<!tpu.dma_semaphore, #tpu.memory_space<semaphore_mem>>
      %dma_start3A_391 = arith.constant 0 : i32
      %dma_start3A_392 = arith.constant 0 : i32
      %dma_start3A_393 = tpu.memref_slice %arg7[%run_scoped3A_123, %dma_start3A_391, %dma_start3A_392] : memref<2x512x64xf32, #tpu.memory_space<vmem>> -> memref<1x512x64xf32, #tpu.memory_space<vmem>>
      %dma_start3A_394 = tpu.memref_squeeze %dma_start3A_393 : memref<1x512x64xf32, #tpu.memory_space<vmem>> -> memref<512x64xf32, #tpu.memory_space<vmem>>
      %dma_start3A_395 = arith.constant 0 : i32
      %dma_start3A_396 = tpu.memref_slice %arg4[%add3A_122, %dma_start3A_395] : memref<262144x64xf32, #tpu.memory_space<hbm>> -> memref<512x64xf32, #tpu.memory_space<hbm>>
      %dma_start3A_397 = arith.constant 0 : i32
      %dma_start3A_398 = tpu.memref_slice %arg4[%add3A_122, %dma_start3A_397] : memref<262144x64xf32, #tpu.memory_space<hbm>> -> memref<512x64xf32, #tpu.memory_space<hbm>>
      %dma_start3A_399 = arith.constant 0 : i32
      %dma_start3A_400 = arith.constant 0 : i32
      %dma_start3A_401 = tpu.memref_slice %arg7[%run_scoped3A_123, %dma_start3A_399, %dma_start3A_400] : memref<2x512x64xf32, #tpu.memory_space<vmem>> -> memref<1x512x64xf32, #tpu.memory_space<vmem>>
      %dma_start3A_402 = tpu.memref_squeeze %dma_start3A_401 : memref<1x512x64xf32, #tpu.memory_space<vmem>> -> memref<512x64xf32, #tpu.memory_space<vmem>>
      tpu.enqueue_dma source(%dma_start3A_402 : memref<512x64xf32, #tpu.memory_space<vmem>>) target(%dma_start3A_398 : memref<512x64xf32, #tpu.memory_space<hbm>>) target_semaphore(%run_scoped3A_390 : memref<!tpu.dma_semaphore, #tpu.memory_space<semaphore_mem>>)
      %dma_wait3A_403 = arith.constant 0 : i32
      %dma_wait3A_404 = arith.constant 0 : i32
      %dma_wait3A_405 = tpu.memref_slice %arg7[%run_scoped3A_123, %dma_wait3A_403, %dma_wait3A_404] : memref<2x512x64xf32, #tpu.memory_space<vmem>> -> memref<1x512x64xf32, #tpu.memory_space<vmem>>
      %dma_wait3A_406 = tpu.memref_squeeze %dma_wait3A_405 : memref<1x512x64xf32, #tpu.memory_space<vmem>> -> memref<512x64xf32, #tpu.memory_space<vmem>>
      %dma_wait3A_407 = arith.constant 0 : i32
      %dma_wait3A_408 = tpu.memref_slice %arg4[%add3A_122, %dma_wait3A_407] : memref<262144x64xf32, #tpu.memory_space<hbm>> -> memref<512x64xf32, #tpu.memory_space<hbm>>
      %dma_wait3A_409 = arith.constant 0 : i32
      %dma_wait3A_410 = tpu.memref_slice %arg4[%add3A_122, %dma_wait3A_409] : memref<262144x64xf32, #tpu.memory_space<hbm>> -> memref<512x64xf32, #tpu.memory_space<hbm>>
      %dma_wait3A_411 = arith.constant 0 : i32
      %dma_wait3A_412 = arith.constant 0 : i32
      %dma_wait3A_413 = tpu.memref_slice %arg7[%run_scoped3A_123, %dma_wait3A_411, %dma_wait3A_412] : memref<2x512x64xf32, #tpu.memory_space<vmem>> -> memref<1x512x64xf32, #tpu.memory_space<vmem>>
      %dma_wait3A_414 = tpu.memref_squeeze %dma_wait3A_413 : memref<1x512x64xf32, #tpu.memory_space<vmem>> -> memref<512x64xf32, #tpu.memory_space<vmem>>
      tpu.wait_dma2 semaphore(%run_scoped3A_390 : memref<!tpu.dma_semaphore, #tpu.memory_space<semaphore_mem>>) src(%dma_wait3A_414 : memref<512x64xf32, #tpu.memory_space<vmem>>) dst(%dma_wait3A_410 : memref<512x64xf32, #tpu.memory_space<hbm>>)
      tpu.yield
    }) : () -> ()
    %dma_start3A_124 = arith.constant 1 : i32
    %dma_start3A_125 = arith.constant 0 : i32
    %dma_start3A_126 = arith.constant 0 : i32
    %dma_start3A_127 = tpu.memref_slice %arg7[%dma_start3A_124, %dma_start3A_125, %dma_start3A_126] : memref<2x512x64xf32, #tpu.memory_space<vmem>> -> memref<1x512x64xf32, #tpu.memory_space<vmem>>
    %dma_start3A_128 = tpu.memref_squeeze %dma_start3A_127 : memref<1x512x64xf32, #tpu.memory_space<vmem>> -> memref<512x64xf32, #tpu.memory_space<vmem>>
    %dma_start3A_129 = arith.constant 2560 : i32
    %dma_start3A_130 = tpu.memref_slice %arg6[%dma_start3A_129] : memref<8192xi32, #tpu.memory_space<vmem>> -> memref<512xi32, #tpu.memory_space<vmem>>
    %dma_start3A_131 = arith.constant 0 : i32
    %dma_start3A_132 = arith.constant 0 : i32
    %dma_start3A_133 = tpu.memref_slice %arg3[%dma_start3A_131, %dma_start3A_132] : memref<1292800x64xf32, #tpu.memory_space<hbm>> -> memref<1292800x64xf32, #tpu.memory_space<hbm>>
    tpu.enqueue_indirect_dma source(%dma_start3A_133 : memref<1292800x64xf32, #tpu.memory_space<hbm>>) target(%dma_start3A_128 : memref<512x64xf32, #tpu.memory_space<vmem>>) offsets(%dma_start3A_130 : memref<512xi32, #tpu.memory_space<vmem>>) semaphore(%arg8 : memref<!tpu.dma_semaphore, #tpu.memory_space<semaphore_mem>>)
    %dma_wait3A_134 = arith.constant 0 : i32
    %dma_wait3A_135 = arith.constant 0 : i32
    %dma_wait3A_136 = arith.constant 0 : i32
    %dma_wait3A_137 = tpu.memref_slice %arg7[%dma_wait3A_134, %dma_wait3A_135, %dma_wait3A_136] : memref<2x512x64xf32, #tpu.memory_space<vmem>> -> memref<1x512x64xf32, #tpu.memory_space<vmem>>
    %dma_wait3A_138 = tpu.memref_squeeze %dma_wait3A_137 : memref<1x512x64xf32, #tpu.memory_space<vmem>> -> memref<512x64xf32, #tpu.memory_space<vmem>>
    %dma_wait3A_139 = arith.constant 2048 : i32
    %dma_wait3A_140 = tpu.memref_slice %arg6[%dma_wait3A_139] : memref<8192xi32, #tpu.memory_space<vmem>> -> memref<512xi32, #tpu.memory_space<vmem>>
    %dma_wait3A_141 = arith.constant 0 : i32
    %dma_wait3A_142 = arith.constant 0 : i32
    %dma_wait3A_143 = tpu.memref_slice %arg3[%dma_wait3A_141, %dma_wait3A_142] : memref<1292800x64xf32, #tpu.memory_space<hbm>> -> memref<1292800x64xf32, #tpu.memory_space<hbm>>
    tpu.wait_indirect_dma semaphore(%arg8 : memref<!tpu.dma_semaphore, #tpu.memory_space<semaphore_mem>>) src(%dma_wait3A_143 : memref<1292800x64xf32, #tpu.memory_space<hbm>>) dst(%dma_wait3A_138 : memref<512x64xf32, #tpu.memory_space<vmem>>)
    %add3A_144 = arith.constant 2048 : i32
    %add3A_145 = arith.addi %mul3A_24, %add3A_144 : i32
    %run_scoped3A_146 = arith.constant 0 : i32
    "tpu.region"() ({
      %run_scoped3A_390 = tpu.sem_alloc : memref<!tpu.dma_semaphore, #tpu.memory_space<semaphore_mem>>
      %dma_start3A_391 = arith.constant 0 : i32
      %dma_start3A_392 = arith.constant 0 : i32
      %dma_start3A_393 = tpu.memref_slice %arg7[%run_scoped3A_146, %dma_start3A_391, %dma_start3A_392] : memref<2x512x64xf32, #tpu.memory_space<vmem>> -> memref<1x512x64xf32, #tpu.memory_space<vmem>>
      %dma_start3A_394 = tpu.memref_squeeze %dma_start3A_393 : memref<1x512x64xf32, #tpu.memory_space<vmem>> -> memref<512x64xf32, #tpu.memory_space<vmem>>
      %dma_start3A_395 = arith.constant 0 : i32
      %dma_start3A_396 = tpu.memref_slice %arg4[%add3A_145, %dma_start3A_395] : memref<262144x64xf32, #tpu.memory_space<hbm>> -> memref<512x64xf32, #tpu.memory_space<hbm>>
      %dma_start3A_397 = arith.constant 0 : i32
      %dma_start3A_398 = tpu.memref_slice %arg4[%add3A_145, %dma_start3A_397] : memref<262144x64xf32, #tpu.memory_space<hbm>> -> memref<512x64xf32, #tpu.memory_space<hbm>>
      %dma_start3A_399 = arith.constant 0 : i32
      %dma_start3A_400 = arith.constant 0 : i32
      %dma_start3A_401 = tpu.memref_slice %arg7[%run_scoped3A_146, %dma_start3A_399, %dma_start3A_400] : memref<2x512x64xf32, #tpu.memory_space<vmem>> -> memref<1x512x64xf32, #tpu.memory_space<vmem>>
      %dma_start3A_402 = tpu.memref_squeeze %dma_start3A_401 : memref<1x512x64xf32, #tpu.memory_space<vmem>> -> memref<512x64xf32, #tpu.memory_space<vmem>>
      tpu.enqueue_dma source(%dma_start3A_402 : memref<512x64xf32, #tpu.memory_space<vmem>>) target(%dma_start3A_398 : memref<512x64xf32, #tpu.memory_space<hbm>>) target_semaphore(%run_scoped3A_390 : memref<!tpu.dma_semaphore, #tpu.memory_space<semaphore_mem>>)
      %dma_wait3A_403 = arith.constant 0 : i32
      %dma_wait3A_404 = arith.constant 0 : i32
      %dma_wait3A_405 = tpu.memref_slice %arg7[%run_scoped3A_146, %dma_wait3A_403, %dma_wait3A_404] : memref<2x512x64xf32, #tpu.memory_space<vmem>> -> memref<1x512x64xf32, #tpu.memory_space<vmem>>
      %dma_wait3A_406 = tpu.memref_squeeze %dma_wait3A_405 : memref<1x512x64xf32, #tpu.memory_space<vmem>> -> memref<512x64xf32, #tpu.memory_space<vmem>>
      %dma_wait3A_407 = arith.constant 0 : i32
      %dma_wait3A_408 = tpu.memref_slice %arg4[%add3A_145, %dma_wait3A_407] : memref<262144x64xf32, #tpu.memory_space<hbm>> -> memref<512x64xf32, #tpu.memory_space<hbm>>
      %dma_wait3A_409 = arith.constant 0 : i32
      %dma_wait3A_410 = tpu.memref_slice %arg4[%add3A_145, %dma_wait3A_409] : memref<262144x64xf32, #tpu.memory_space<hbm>> -> memref<512x64xf32, #tpu.memory_space<hbm>>
      %dma_wait3A_411 = arith.constant 0 : i32
      %dma_wait3A_412 = arith.constant 0 : i32
      %dma_wait3A_413 = tpu.memref_slice %arg7[%run_scoped3A_146, %dma_wait3A_411, %dma_wait3A_412] : memref<2x512x64xf32, #tpu.memory_space<vmem>> -> memref<1x512x64xf32, #tpu.memory_space<vmem>>
      %dma_wait3A_414 = tpu.memref_squeeze %dma_wait3A_413 : memref<1x512x64xf32, #tpu.memory_space<vmem>> -> memref<512x64xf32, #tpu.memory_space<vmem>>
      tpu.wait_dma2 semaphore(%run_scoped3A_390 : memref<!tpu.dma_semaphore, #tpu.memory_space<semaphore_mem>>) src(%dma_wait3A_414 : memref<512x64xf32, #tpu.memory_space<vmem>>) dst(%dma_wait3A_410 : memref<512x64xf32, #tpu.memory_space<hbm>>)
      tpu.yield
    }) : () -> ()
    %dma_start3A_147 = arith.constant 0 : i32
    %dma_start3A_148 = arith.constant 0 : i32
    %dma_start3A_149 = arith.constant 0 : i32
    %dma_start3A_150 = tpu.memref_slice %arg7[%dma_start3A_147, %dma_start3A_148, %dma_start3A_149] : memref<2x512x64xf32, #tpu.memory_space<vmem>> -> memref<1x512x64xf32, #tpu.memory_space<vmem>>
    %dma_start3A_151 = tpu.memref_squeeze %dma_start3A_150 : memref<1x512x64xf32, #tpu.memory_space<vmem>> -> memref<512x64xf32, #tpu.memory_space<vmem>>
    %dma_start3A_152 = arith.constant 3072 : i32
    %dma_start3A_153 = tpu.memref_slice %arg6[%dma_start3A_152] : memref<8192xi32, #tpu.memory_space<vmem>> -> memref<512xi32, #tpu.memory_space<vmem>>
    %dma_start3A_154 = arith.constant 0 : i32
    %dma_start3A_155 = arith.constant 0 : i32
    %dma_start3A_156 = tpu.memref_slice %arg3[%dma_start3A_154, %dma_start3A_155] : memref<1292800x64xf32, #tpu.memory_space<hbm>> -> memref<1292800x64xf32, #tpu.memory_space<hbm>>
    tpu.enqueue_indirect_dma source(%dma_start3A_156 : memref<1292800x64xf32, #tpu.memory_space<hbm>>) target(%dma_start3A_151 : memref<512x64xf32, #tpu.memory_space<vmem>>) offsets(%dma_start3A_153 : memref<512xi32, #tpu.memory_space<vmem>>) semaphore(%arg8 : memref<!tpu.dma_semaphore, #tpu.memory_space<semaphore_mem>>)
    %dma_wait3A_157 = arith.constant 1 : i32
    %dma_wait3A_158 = arith.constant 0 : i32
    %dma_wait3A_159 = arith.constant 0 : i32
    %dma_wait3A_160 = tpu.memref_slice %arg7[%dma_wait3A_157, %dma_wait3A_158, %dma_wait3A_159] : memref<2x512x64xf32, #tpu.memory_space<vmem>> -> memref<1x512x64xf32, #tpu.memory_space<vmem>>
    %dma_wait3A_161 = tpu.memref_squeeze %dma_wait3A_160 : memref<1x512x64xf32, #tpu.memory_space<vmem>> -> memref<512x64xf32, #tpu.memory_space<vmem>>
    %dma_wait3A_162 = arith.constant 2560 : i32
    %dma_wait3A_163 = tpu.memref_slice %arg6[%dma_wait3A_162] : memref<8192xi32, #tpu.memory_space<vmem>> -> memref<512xi32, #tpu.memory_space<vmem>>
    %dma_wait3A_164 = arith.constant 0 : i32
    %dma_wait3A_165 = arith.constant 0 : i32
    %dma_wait3A_166 = tpu.memref_slice %arg3[%dma_wait3A_164, %dma_wait3A_165] : memref<1292800x64xf32, #tpu.memory_space<hbm>> -> memref<1292800x64xf32, #tpu.memory_space<hbm>>
    tpu.wait_indirect_dma semaphore(%arg8 : memref<!tpu.dma_semaphore, #tpu.memory_space<semaphore_mem>>) src(%dma_wait3A_166 : memref<1292800x64xf32, #tpu.memory_space<hbm>>) dst(%dma_wait3A_161 : memref<512x64xf32, #tpu.memory_space<vmem>>)
    %add3A_167 = arith.constant 2560 : i32
    %add3A_168 = arith.addi %mul3A_24, %add3A_167 : i32
    %run_scoped3A_169 = arith.constant 1 : i32
    "tpu.region"() ({
      %run_scoped3A_390 = tpu.sem_alloc : memref<!tpu.dma_semaphore, #tpu.memory_space<semaphore_mem>>
      %dma_start3A_391 = arith.constant 0 : i32
      %dma_start3A_392 = arith.constant 0 : i32
      %dma_start3A_393 = tpu.memref_slice %arg7[%run_scoped3A_169, %dma_start3A_391, %dma_start3A_392] : memref<2x512x64xf32, #tpu.memory_space<vmem>> -> memref<1x512x64xf32, #tpu.memory_space<vmem>>
      %dma_start3A_394 = tpu.memref_squeeze %dma_start3A_393 : memref<1x512x64xf32, #tpu.memory_space<vmem>> -> memref<512x64xf32, #tpu.memory_space<vmem>>
      %dma_start3A_395 = arith.constant 0 : i32
      %dma_start3A_396 = tpu.memref_slice %arg4[%add3A_168, %dma_start3A_395] : memref<262144x64xf32, #tpu.memory_space<hbm>> -> memref<512x64xf32, #tpu.memory_space<hbm>>
      %dma_start3A_397 = arith.constant 0 : i32
      %dma_start3A_398 = tpu.memref_slice %arg4[%add3A_168, %dma_start3A_397] : memref<262144x64xf32, #tpu.memory_space<hbm>> -> memref<512x64xf32, #tpu.memory_space<hbm>>
      %dma_start3A_399 = arith.constant 0 : i32
      %dma_start3A_400 = arith.constant 0 : i32
      %dma_start3A_401 = tpu.memref_slice %arg7[%run_scoped3A_169, %dma_start3A_399, %dma_start3A_400] : memref<2x512x64xf32, #tpu.memory_space<vmem>> -> memref<1x512x64xf32, #tpu.memory_space<vmem>>
      %dma_start3A_402 = tpu.memref_squeeze %dma_start3A_401 : memref<1x512x64xf32, #tpu.memory_space<vmem>> -> memref<512x64xf32, #tpu.memory_space<vmem>>
      tpu.enqueue_dma source(%dma_start3A_402 : memref<512x64xf32, #tpu.memory_space<vmem>>) target(%dma_start3A_398 : memref<512x64xf32, #tpu.memory_space<hbm>>) target_semaphore(%run_scoped3A_390 : memref<!tpu.dma_semaphore, #tpu.memory_space<semaphore_mem>>)
      %dma_wait3A_403 = arith.constant 0 : i32
      %dma_wait3A_404 = arith.constant 0 : i32
      %dma_wait3A_405 = tpu.memref_slice %arg7[%run_scoped3A_169, %dma_wait3A_403, %dma_wait3A_404] : memref<2x512x64xf32, #tpu.memory_space<vmem>> -> memref<1x512x64xf32, #tpu.memory_space<vmem>>
      %dma_wait3A_406 = tpu.memref_squeeze %dma_wait3A_405 : memref<1x512x64xf32, #tpu.memory_space<vmem>> -> memref<512x64xf32, #tpu.memory_space<vmem>>
      %dma_wait3A_407 = arith.constant 0 : i32
      %dma_wait3A_408 = tpu.memref_slice %arg4[%add3A_168, %dma_wait3A_407] : memref<262144x64xf32, #tpu.memory_space<hbm>> -> memref<512x64xf32, #tpu.memory_space<hbm>>
      %dma_wait3A_409 = arith.constant 0 : i32
      %dma_wait3A_410 = tpu.memref_slice %arg4[%add3A_168, %dma_wait3A_409] : memref<262144x64xf32, #tpu.memory_space<hbm>> -> memref<512x64xf32, #tpu.memory_space<hbm>>
      %dma_wait3A_411 = arith.constant 0 : i32
      %dma_wait3A_412 = arith.constant 0 : i32
      %dma_wait3A_413 = tpu.memref_slice %arg7[%run_scoped3A_169, %dma_wait3A_411, %dma_wait3A_412] : memref<2x512x64xf32, #tpu.memory_space<vmem>> -> memref<1x512x64xf32, #tpu.memory_space<vmem>>
      %dma_wait3A_414 = tpu.memref_squeeze %dma_wait3A_413 : memref<1x512x64xf32, #tpu.memory_space<vmem>> -> memref<512x64xf32, #tpu.memory_space<vmem>>
      tpu.wait_dma2 semaphore(%run_scoped3A_390 : memref<!tpu.dma_semaphore, #tpu.memory_space<semaphore_mem>>) src(%dma_wait3A_414 : memref<512x64xf32, #tpu.memory_space<vmem>>) dst(%dma_wait3A_410 : memref<512x64xf32, #tpu.memory_space<hbm>>)
      tpu.yield
    }) : () -> ()
    %dma_start3A_170 = arith.constant 1 : i32
    %dma_start3A_171 = arith.constant 0 : i32
    %dma_start3A_172 = arith.constant 0 : i32
    %dma_start3A_173 = tpu.memref_slice %arg7[%dma_start3A_170, %dma_start3A_171, %dma_start3A_172] : memref<2x512x64xf32, #tpu.memory_space<vmem>> -> memref<1x512x64xf32, #tpu.memory_space<vmem>>
    %dma_start3A_174 = tpu.memref_squeeze %dma_start3A_173 : memref<1x512x64xf32, #tpu.memory_space<vmem>> -> memref<512x64xf32, #tpu.memory_space<vmem>>
    %dma_start3A_175 = arith.constant 3584 : i32
    %dma_start3A_176 = tpu.memref_slice %arg6[%dma_start3A_175] : memref<8192xi32, #tpu.memory_space<vmem>> -> memref<512xi32, #tpu.memory_space<vmem>>
    %dma_start3A_177 = arith.constant 0 : i32
    %dma_start3A_178 = arith.constant 0 : i32
    %dma_start3A_179 = tpu.memref_slice %arg3[%dma_start3A_177, %dma_start3A_178] : memref<1292800x64xf32, #tpu.memory_space<hbm>> -> memref<1292800x64xf32, #tpu.memory_space<hbm>>
    tpu.enqueue_indirect_dma source(%dma_start3A_179 : memref<1292800x64xf32, #tpu.memory_space<hbm>>) target(%dma_start3A_174 : memref<512x64xf32, #tpu.memory_space<vmem>>) offsets(%dma_start3A_176 : memref<512xi32, #tpu.memory_space<vmem>>) semaphore(%arg8 : memref<!tpu.dma_semaphore, #tpu.memory_space<semaphore_mem>>)
    %dma_wait3A_180 = arith.constant 0 : i32
    %dma_wait3A_181 = arith.constant 0 : i32
    %dma_wait3A_182 = arith.constant 0 : i32
    %dma_wait3A_183 = tpu.memref_slice %arg7[%dma_wait3A_180, %dma_wait3A_181, %dma_wait3A_182] : memref<2x512x64xf32, #tpu.memory_space<vmem>> -> memref<1x512x64xf32, #tpu.memory_space<vmem>>
    %dma_wait3A_184 = tpu.memref_squeeze %dma_wait3A_183 : memref<1x512x64xf32, #tpu.memory_space<vmem>> -> memref<512x64xf32, #tpu.memory_space<vmem>>
    %dma_wait3A_185 = arith.constant 3072 : i32
    %dma_wait3A_186 = tpu.memref_slice %arg6[%dma_wait3A_185] : memref<8192xi32, #tpu.memory_space<vmem>> -> memref<512xi32, #tpu.memory_space<vmem>>
    %dma_wait3A_187 = arith.constant 0 : i32
    %dma_wait3A_188 = arith.constant 0 : i32
    %dma_wait3A_189 = tpu.memref_slice %arg3[%dma_wait3A_187, %dma_wait3A_188] : memref<1292800x64xf32, #tpu.memory_space<hbm>> -> memref<1292800x64xf32, #tpu.memory_space<hbm>>
    tpu.wait_indirect_dma semaphore(%arg8 : memref<!tpu.dma_semaphore, #tpu.memory_space<semaphore_mem>>) src(%dma_wait3A_189 : memref<1292800x64xf32, #tpu.memory_space<hbm>>) dst(%dma_wait3A_184 : memref<512x64xf32, #tpu.memory_space<vmem>>)
    %add3A_190 = arith.constant 3072 : i32
    %add3A_191 = arith.addi %mul3A_24, %add3A_190 : i32
    %run_scoped3A_192 = arith.constant 0 : i32
    "tpu.region"() ({
      %run_scoped3A_390 = tpu.sem_alloc : memref<!tpu.dma_semaphore, #tpu.memory_space<semaphore_mem>>
      %dma_start3A_391 = arith.constant 0 : i32
      %dma_start3A_392 = arith.constant 0 : i32
      %dma_start3A_393 = tpu.memref_slice %arg7[%run_scoped3A_192, %dma_start3A_391, %dma_start3A_392] : memref<2x512x64xf32, #tpu.memory_space<vmem>> -> memref<1x512x64xf32, #tpu.memory_space<vmem>>
      %dma_start3A_394 = tpu.memref_squeeze %dma_start3A_393 : memref<1x512x64xf32, #tpu.memory_space<vmem>> -> memref<512x64xf32, #tpu.memory_space<vmem>>
      %dma_start3A_395 = arith.constant 0 : i32
      %dma_start3A_396 = tpu.memref_slice %arg4[%add3A_191, %dma_start3A_395] : memref<262144x64xf32, #tpu.memory_space<hbm>> -> memref<512x64xf32, #tpu.memory_space<hbm>>
      %dma_start3A_397 = arith.constant 0 : i32
      %dma_start3A_398 = tpu.memref_slice %arg4[%add3A_191, %dma_start3A_397] : memref<262144x64xf32, #tpu.memory_space<hbm>> -> memref<512x64xf32, #tpu.memory_space<hbm>>
      %dma_start3A_399 = arith.constant 0 : i32
      %dma_start3A_400 = arith.constant 0 : i32
      %dma_start3A_401 = tpu.memref_slice %arg7[%run_scoped3A_192, %dma_start3A_399, %dma_start3A_400] : memref<2x512x64xf32, #tpu.memory_space<vmem>> -> memref<1x512x64xf32, #tpu.memory_space<vmem>>
      %dma_start3A_402 = tpu.memref_squeeze %dma_start3A_401 : memref<1x512x64xf32, #tpu.memory_space<vmem>> -> memref<512x64xf32, #tpu.memory_space<vmem>>
      tpu.enqueue_dma source(%dma_start3A_402 : memref<512x64xf32, #tpu.memory_space<vmem>>) target(%dma_start3A_398 : memref<512x64xf32, #tpu.memory_space<hbm>>) target_semaphore(%run_scoped3A_390 : memref<!tpu.dma_semaphore, #tpu.memory_space<semaphore_mem>>)
      %dma_wait3A_403 = arith.constant 0 : i32
      %dma_wait3A_404 = arith.constant 0 : i32
      %dma_wait3A_405 = tpu.memref_slice %arg7[%run_scoped3A_192, %dma_wait3A_403, %dma_wait3A_404] : memref<2x512x64xf32, #tpu.memory_space<vmem>> -> memref<1x512x64xf32, #tpu.memory_space<vmem>>
      %dma_wait3A_406 = tpu.memref_squeeze %dma_wait3A_405 : memref<1x512x64xf32, #tpu.memory_space<vmem>> -> memref<512x64xf32, #tpu.memory_space<vmem>>
      %dma_wait3A_407 = arith.constant 0 : i32
      %dma_wait3A_408 = tpu.memref_slice %arg4[%add3A_191, %dma_wait3A_407] : memref<262144x64xf32, #tpu.memory_space<hbm>> -> memref<512x64xf32, #tpu.memory_space<hbm>>
      %dma_wait3A_409 = arith.constant 0 : i32
      %dma_wait3A_410 = tpu.memref_slice %arg4[%add3A_191, %dma_wait3A_409] : memref<262144x64xf32, #tpu.memory_space<hbm>> -> memref<512x64xf32, #tpu.memory_space<hbm>>
      %dma_wait3A_411 = arith.constant 0 : i32
      %dma_wait3A_412 = arith.constant 0 : i32
      %dma_wait3A_413 = tpu.memref_slice %arg7[%run_scoped3A_192, %dma_wait3A_411, %dma_wait3A_412] : memref<2x512x64xf32, #tpu.memory_space<vmem>> -> memref<1x512x64xf32, #tpu.memory_space<vmem>>
      %dma_wait3A_414 = tpu.memref_squeeze %dma_wait3A_413 : memref<1x512x64xf32, #tpu.memory_space<vmem>> -> memref<512x64xf32, #tpu.memory_space<vmem>>
      tpu.wait_dma2 semaphore(%run_scoped3A_390 : memref<!tpu.dma_semaphore, #tpu.memory_space<semaphore_mem>>) src(%dma_wait3A_414 : memref<512x64xf32, #tpu.memory_space<vmem>>) dst(%dma_wait3A_410 : memref<512x64xf32, #tpu.memory_space<hbm>>)
      tpu.yield
    }) : () -> ()
    %dma_start3A_193 = arith.constant 0 : i32
    %dma_start3A_194 = arith.constant 0 : i32
    %dma_start3A_195 = arith.constant 0 : i32
    %dma_start3A_196 = tpu.memref_slice %arg7[%dma_start3A_193, %dma_start3A_194, %dma_start3A_195] : memref<2x512x64xf32, #tpu.memory_space<vmem>> -> memref<1x512x64xf32, #tpu.memory_space<vmem>>
    %dma_start3A_197 = tpu.memref_squeeze %dma_start3A_196 : memref<1x512x64xf32, #tpu.memory_space<vmem>> -> memref<512x64xf32, #tpu.memory_space<vmem>>
    %dma_start3A_198 = arith.constant 4096 : i32
    %dma_start3A_199 = tpu.memref_slice %arg6[%dma_start3A_198] : memref<8192xi32, #tpu.memory_space<vmem>> -> memref<512xi32, #tpu.memory_space<vmem>>
    %dma_start3A_200 = arith.constant 0 : i32
    %dma_start3A_201 = arith.constant 0 : i32
    %dma_start3A_202 = tpu.memref_slice %arg3[%dma_start3A_200, %dma_start3A_201] : memref<1292800x64xf32, #tpu.memory_space<hbm>> -> memref<1292800x64xf32, #tpu.memory_space<hbm>>
    tpu.enqueue_indirect_dma source(%dma_start3A_202 : memref<1292800x64xf32, #tpu.memory_space<hbm>>) target(%dma_start3A_197 : memref<512x64xf32, #tpu.memory_space<vmem>>) offsets(%dma_start3A_199 : memref<512xi32, #tpu.memory_space<vmem>>) semaphore(%arg8 : memref<!tpu.dma_semaphore, #tpu.memory_space<semaphore_mem>>)
    %dma_wait3A_203 = arith.constant 1 : i32
    %dma_wait3A_204 = arith.constant 0 : i32
    %dma_wait3A_205 = arith.constant 0 : i32
    %dma_wait3A_206 = tpu.memref_slice %arg7[%dma_wait3A_203, %dma_wait3A_204, %dma_wait3A_205] : memref<2x512x64xf32, #tpu.memory_space<vmem>> -> memref<1x512x64xf32, #tpu.memory_space<vmem>>
    %dma_wait3A_207 = tpu.memref_squeeze %dma_wait3A_206 : memref<1x512x64xf32, #tpu.memory_space<vmem>> -> memref<512x64xf32, #tpu.memory_space<vmem>>
    %dma_wait3A_208 = arith.constant 3584 : i32
    %dma_wait3A_209 = tpu.memref_slice %arg6[%dma_wait3A_208] : memref<8192xi32, #tpu.memory_space<vmem>> -> memref<512xi32, #tpu.memory_space<vmem>>
    %dma_wait3A_210 = arith.constant 0 : i32
    %dma_wait3A_211 = arith.constant 0 : i32
    %dma_wait3A_212 = tpu.memref_slice %arg3[%dma_wait3A_210, %dma_wait3A_211] : memref<1292800x64xf32, #tpu.memory_space<hbm>> -> memref<1292800x64xf32, #tpu.memory_space<hbm>>
    tpu.wait_indirect_dma semaphore(%arg8 : memref<!tpu.dma_semaphore, #tpu.memory_space<semaphore_mem>>) src(%dma_wait3A_212 : memref<1292800x64xf32, #tpu.memory_space<hbm>>) dst(%dma_wait3A_207 : memref<512x64xf32, #tpu.memory_space<vmem>>)
    %add3A_213 = arith.constant 3584 : i32
    %add3A_214 = arith.addi %mul3A_24, %add3A_213 : i32
    %run_scoped3A_215 = arith.constant 1 : i32
    "tpu.region"() ({
      %run_scoped3A_390 = tpu.sem_alloc : memref<!tpu.dma_semaphore, #tpu.memory_space<semaphore_mem>>
      %dma_start3A_391 = arith.constant 0 : i32
      %dma_start3A_392 = arith.constant 0 : i32
      %dma_start3A_393 = tpu.memref_slice %arg7[%run_scoped3A_215, %dma_start3A_391, %dma_start3A_392] : memref<2x512x64xf32, #tpu.memory_space<vmem>> -> memref<1x512x64xf32, #tpu.memory_space<vmem>>
      %dma_start3A_394 = tpu.memref_squeeze %dma_start3A_393 : memref<1x512x64xf32, #tpu.memory_space<vmem>> -> memref<512x64xf32, #tpu.memory_space<vmem>>
      %dma_start3A_395 = arith.constant 0 : i32
      %dma_start3A_396 = tpu.memref_slice %arg4[%add3A_214, %dma_start3A_395] : memref<262144x64xf32, #tpu.memory_space<hbm>> -> memref<512x64xf32, #tpu.memory_space<hbm>>
      %dma_start3A_397 = arith.constant 0 : i32
      %dma_start3A_398 = tpu.memref_slice %arg4[%add3A_214, %dma_start3A_397] : memref<262144x64xf32, #tpu.memory_space<hbm>> -> memref<512x64xf32, #tpu.memory_space<hbm>>
      %dma_start3A_399 = arith.constant 0 : i32
      %dma_start3A_400 = arith.constant 0 : i32
      %dma_start3A_401 = tpu.memref_slice %arg7[%run_scoped3A_215, %dma_start3A_399, %dma_start3A_400] : memref<2x512x64xf32, #tpu.memory_space<vmem>> -> memref<1x512x64xf32, #tpu.memory_space<vmem>>
      %dma_start3A_402 = tpu.memref_squeeze %dma_start3A_401 : memref<1x512x64xf32, #tpu.memory_space<vmem>> -> memref<512x64xf32, #tpu.memory_space<vmem>>
      tpu.enqueue_dma source(%dma_start3A_402 : memref<512x64xf32, #tpu.memory_space<vmem>>) target(%dma_start3A_398 : memref<512x64xf32, #tpu.memory_space<hbm>>) target_semaphore(%run_scoped3A_390 : memref<!tpu.dma_semaphore, #tpu.memory_space<semaphore_mem>>)
      %dma_wait3A_403 = arith.constant 0 : i32
      %dma_wait3A_404 = arith.constant 0 : i32
      %dma_wait3A_405 = tpu.memref_slice %arg7[%run_scoped3A_215, %dma_wait3A_403, %dma_wait3A_404] : memref<2x512x64xf32, #tpu.memory_space<vmem>> -> memref<1x512x64xf32, #tpu.memory_space<vmem>>
      %dma_wait3A_406 = tpu.memref_squeeze %dma_wait3A_405 : memref<1x512x64xf32, #tpu.memory_space<vmem>> -> memref<512x64xf32, #tpu.memory_space<vmem>>
      %dma_wait3A_407 = arith.constant 0 : i32
      %dma_wait3A_408 = tpu.memref_slice %arg4[%add3A_214, %dma_wait3A_407] : memref<262144x64xf32, #tpu.memory_space<hbm>> -> memref<512x64xf32, #tpu.memory_space<hbm>>
      %dma_wait3A_409 = arith.constant 0 : i32
      %dma_wait3A_410 = tpu.memref_slice %arg4[%add3A_214, %dma_wait3A_409] : memref<262144x64xf32, #tpu.memory_space<hbm>> -> memref<512x64xf32, #tpu.memory_space<hbm>>
      %dma_wait3A_411 = arith.constant 0 : i32
      %dma_wait3A_412 = arith.constant 0 : i32
      %dma_wait3A_413 = tpu.memref_slice %arg7[%run_scoped3A_215, %dma_wait3A_411, %dma_wait3A_412] : memref<2x512x64xf32, #tpu.memory_space<vmem>> -> memref<1x512x64xf32, #tpu.memory_space<vmem>>
      %dma_wait3A_414 = tpu.memref_squeeze %dma_wait3A_413 : memref<1x512x64xf32, #tpu.memory_space<vmem>> -> memref<512x64xf32, #tpu.memory_space<vmem>>
      tpu.wait_dma2 semaphore(%run_scoped3A_390 : memref<!tpu.dma_semaphore, #tpu.memory_space<semaphore_mem>>) src(%dma_wait3A_414 : memref<512x64xf32, #tpu.memory_space<vmem>>) dst(%dma_wait3A_410 : memref<512x64xf32, #tpu.memory_space<hbm>>)
      tpu.yield
    }) : () -> ()
    %dma_start3A_216 = arith.constant 1 : i32
    %dma_start3A_217 = arith.constant 0 : i32
    %dma_start3A_218 = arith.constant 0 : i32
    %dma_start3A_219 = tpu.memref_slice %arg7[%dma_start3A_216, %dma_start3A_217, %dma_start3A_218] : memref<2x512x64xf32, #tpu.memory_space<vmem>> -> memref<1x512x64xf32, #tpu.memory_space<vmem>>
    %dma_start3A_220 = tpu.memref_squeeze %dma_start3A_219 : memref<1x512x64xf32, #tpu.memory_space<vmem>> -> memref<512x64xf32, #tpu.memory_space<vmem>>
    %dma_start3A_221 = arith.constant 4608 : i32
    %dma_start3A_222 = tpu.memref_slice %arg6[%dma_start3A_221] : memref<8192xi32, #tpu.memory_space<vmem>> -> memref<512xi32, #tpu.memory_space<vmem>>
    %dma_start3A_223 = arith.constant 0 : i32
    %dma_start3A_224 = arith.constant 0 : i32
    %dma_start3A_225 = tpu.memref_slice %arg3[%dma_start3A_223, %dma_start3A_224] : memref<1292800x64xf32, #tpu.memory_space<hbm>> -> memref<1292800x64xf32, #tpu.memory_space<hbm>>
    tpu.enqueue_indirect_dma source(%dma_start3A_225 : memref<1292800x64xf32, #tpu.memory_space<hbm>>) target(%dma_start3A_220 : memref<512x64xf32, #tpu.memory_space<vmem>>) offsets(%dma_start3A_222 : memref<512xi32, #tpu.memory_space<vmem>>) semaphore(%arg8 : memref<!tpu.dma_semaphore, #tpu.memory_space<semaphore_mem>>)
    %dma_wait3A_226 = arith.constant 0 : i32
    %dma_wait3A_227 = arith.constant 0 : i32
    %dma_wait3A_228 = arith.constant 0 : i32
    %dma_wait3A_229 = tpu.memref_slice %arg7[%dma_wait3A_226, %dma_wait3A_227, %dma_wait3A_228] : memref<2x512x64xf32, #tpu.memory_space<vmem>> -> memref<1x512x64xf32, #tpu.memory_space<vmem>>
    %dma_wait3A_230 = tpu.memref_squeeze %dma_wait3A_229 : memref<1x512x64xf32, #tpu.memory_space<vmem>> -> memref<512x64xf32, #tpu.memory_space<vmem>>
    %dma_wait3A_231 = arith.constant 4096 : i32
    %dma_wait3A_232 = tpu.memref_slice %arg6[%dma_wait3A_231] : memref<8192xi32, #tpu.memory_space<vmem>> -> memref<512xi32, #tpu.memory_space<vmem>>
    %dma_wait3A_233 = arith.constant 0 : i32
    %dma_wait3A_234 = arith.constant 0 : i32
    %dma_wait3A_235 = tpu.memref_slice %arg3[%dma_wait3A_233, %dma_wait3A_234] : memref<1292800x64xf32, #tpu.memory_space<hbm>> -> memref<1292800x64xf32, #tpu.memory_space<hbm>>
    tpu.wait_indirect_dma semaphore(%arg8 : memref<!tpu.dma_semaphore, #tpu.memory_space<semaphore_mem>>) src(%dma_wait3A_235 : memref<1292800x64xf32, #tpu.memory_space<hbm>>) dst(%dma_wait3A_230 : memref<512x64xf32, #tpu.memory_space<vmem>>)
    %add3A_236 = arith.constant 4096 : i32
    %add3A_237 = arith.addi %mul3A_24, %add3A_236 : i32
    %run_scoped3A_238 = arith.constant 0 : i32
    "tpu.region"() ({
      %run_scoped3A_390 = tpu.sem_alloc : memref<!tpu.dma_semaphore, #tpu.memory_space<semaphore_mem>>
      %dma_start3A_391 = arith.constant 0 : i32
      %dma_start3A_392 = arith.constant 0 : i32
      %dma_start3A_393 = tpu.memref_slice %arg7[%run_scoped3A_238, %dma_start3A_391, %dma_start3A_392] : memref<2x512x64xf32, #tpu.memory_space<vmem>> -> memref<1x512x64xf32, #tpu.memory_space<vmem>>
      %dma_start3A_394 = tpu.memref_squeeze %dma_start3A_393 : memref<1x512x64xf32, #tpu.memory_space<vmem>> -> memref<512x64xf32, #tpu.memory_space<vmem>>
      %dma_start3A_395 = arith.constant 0 : i32
      %dma_start3A_396 = tpu.memref_slice %arg4[%add3A_237, %dma_start3A_395] : memref<262144x64xf32, #tpu.memory_space<hbm>> -> memref<512x64xf32, #tpu.memory_space<hbm>>
      %dma_start3A_397 = arith.constant 0 : i32
      %dma_start3A_398 = tpu.memref_slice %arg4[%add3A_237, %dma_start3A_397] : memref<262144x64xf32, #tpu.memory_space<hbm>> -> memref<512x64xf32, #tpu.memory_space<hbm>>
      %dma_start3A_399 = arith.constant 0 : i32
      %dma_start3A_400 = arith.constant 0 : i32
      %dma_start3A_401 = tpu.memref_slice %arg7[%run_scoped3A_238, %dma_start3A_399, %dma_start3A_400] : memref<2x512x64xf32, #tpu.memory_space<vmem>> -> memref<1x512x64xf32, #tpu.memory_space<vmem>>
      %dma_start3A_402 = tpu.memref_squeeze %dma_start3A_401 : memref<1x512x64xf32, #tpu.memory_space<vmem>> -> memref<512x64xf32, #tpu.memory_space<vmem>>
      tpu.enqueue_dma source(%dma_start3A_402 : memref<512x64xf32, #tpu.memory_space<vmem>>) target(%dma_start3A_398 : memref<512x64xf32, #tpu.memory_space<hbm>>) target_semaphore(%run_scoped3A_390 : memref<!tpu.dma_semaphore, #tpu.memory_space<semaphore_mem>>)
      %dma_wait3A_403 = arith.constant 0 : i32
      %dma_wait3A_404 = arith.constant 0 : i32
      %dma_wait3A_405 = tpu.memref_slice %arg7[%run_scoped3A_238, %dma_wait3A_403, %dma_wait3A_404] : memref<2x512x64xf32, #tpu.memory_space<vmem>> -> memref<1x512x64xf32, #tpu.memory_space<vmem>>
      %dma_wait3A_406 = tpu.memref_squeeze %dma_wait3A_405 : memref<1x512x64xf32, #tpu.memory_space<vmem>> -> memref<512x64xf32, #tpu.memory_space<vmem>>
      %dma_wait3A_407 = arith.constant 0 : i32
      %dma_wait3A_408 = tpu.memref_slice %arg4[%add3A_237, %dma_wait3A_407] : memref<262144x64xf32, #tpu.memory_space<hbm>> -> memref<512x64xf32, #tpu.memory_space<hbm>>
      %dma_wait3A_409 = arith.constant 0 : i32
      %dma_wait3A_410 = tpu.memref_slice %arg4[%add3A_237, %dma_wait3A_409] : memref<262144x64xf32, #tpu.memory_space<hbm>> -> memref<512x64xf32, #tpu.memory_space<hbm>>
      %dma_wait3A_411 = arith.constant 0 : i32
      %dma_wait3A_412 = arith.constant 0 : i32
      %dma_wait3A_413 = tpu.memref_slice %arg7[%run_scoped3A_238, %dma_wait3A_411, %dma_wait3A_412] : memref<2x512x64xf32, #tpu.memory_space<vmem>> -> memref<1x512x64xf32, #tpu.memory_space<vmem>>
      %dma_wait3A_414 = tpu.memref_squeeze %dma_wait3A_413 : memref<1x512x64xf32, #tpu.memory_space<vmem>> -> memref<512x64xf32, #tpu.memory_space<vmem>>
      tpu.wait_dma2 semaphore(%run_scoped3A_390 : memref<!tpu.dma_semaphore, #tpu.memory_space<semaphore_mem>>) src(%dma_wait3A_414 : memref<512x64xf32, #tpu.memory_space<vmem>>) dst(%dma_wait3A_410 : memref<512x64xf32, #tpu.memory_space<hbm>>)
      tpu.yield
    }) : () -> ()
    %dma_start3A_239 = arith.constant 0 : i32
    %dma_start3A_240 = arith.constant 0 : i32
    %dma_start3A_241 = arith.constant 0 : i32
    %dma_start3A_242 = tpu.memref_slice %arg7[%dma_start3A_239, %dma_start3A_240, %dma_start3A_241] : memref<2x512x64xf32, #tpu.memory_space<vmem>> -> memref<1x512x64xf32, #tpu.memory_space<vmem>>
    %dma_start3A_243 = tpu.memref_squeeze %dma_start3A_242 : memref<1x512x64xf32, #tpu.memory_space<vmem>> -> memref<512x64xf32, #tpu.memory_space<vmem>>
    %dma_start3A_244 = arith.constant 5120 : i32
    %dma_start3A_245 = tpu.memref_slice %arg6[%dma_start3A_244] : memref<8192xi32, #tpu.memory_space<vmem>> -> memref<512xi32, #tpu.memory_space<vmem>>
    %dma_start3A_246 = arith.constant 0 : i32
    %dma_start3A_247 = arith.constant 0 : i32
    %dma_start3A_248 = tpu.memref_slice %arg3[%dma_start3A_246, %dma_start3A_247] : memref<1292800x64xf32, #tpu.memory_space<hbm>> -> memref<1292800x64xf32, #tpu.memory_space<hbm>>
    tpu.enqueue_indirect_dma source(%dma_start3A_248 : memref<1292800x64xf32, #tpu.memory_space<hbm>>) target(%dma_start3A_243 : memref<512x64xf32, #tpu.memory_space<vmem>>) offsets(%dma_start3A_245 : memref<512xi32, #tpu.memory_space<vmem>>) semaphore(%arg8 : memref<!tpu.dma_semaphore, #tpu.memory_space<semaphore_mem>>)
    %dma_wait3A_249 = arith.constant 1 : i32
    %dma_wait3A_250 = arith.constant 0 : i32
    %dma_wait3A_251 = arith.constant 0 : i32
    %dma_wait3A_252 = tpu.memref_slice %arg7[%dma_wait3A_249, %dma_wait3A_250, %dma_wait3A_251] : memref<2x512x64xf32, #tpu.memory_space<vmem>> -> memref<1x512x64xf32, #tpu.memory_space<vmem>>
    %dma_wait3A_253 = tpu.memref_squeeze %dma_wait3A_252 : memref<1x512x64xf32, #tpu.memory_space<vmem>> -> memref<512x64xf32, #tpu.memory_space<vmem>>
    %dma_wait3A_254 = arith.constant 4608 : i32
    %dma_wait3A_255 = tpu.memref_slice %arg6[%dma_wait3A_254] : memref<8192xi32, #tpu.memory_space<vmem>> -> memref<512xi32, #tpu.memory_space<vmem>>
    %dma_wait3A_256 = arith.constant 0 : i32
    %dma_wait3A_257 = arith.constant 0 : i32
    %dma_wait3A_258 = tpu.memref_slice %arg3[%dma_wait3A_256, %dma_wait3A_257] : memref<1292800x64xf32, #tpu.memory_space<hbm>> -> memref<1292800x64xf32, #tpu.memory_space<hbm>>
    tpu.wait_indirect_dma semaphore(%arg8 : memref<!tpu.dma_semaphore, #tpu.memory_space<semaphore_mem>>) src(%dma_wait3A_258 : memref<1292800x64xf32, #tpu.memory_space<hbm>>) dst(%dma_wait3A_253 : memref<512x64xf32, #tpu.memory_space<vmem>>)
    %add3A_259 = arith.constant 4608 : i32
    %add3A_260 = arith.addi %mul3A_24, %add3A_259 : i32
    %run_scoped3A_261 = arith.constant 1 : i32
    "tpu.region"() ({
      %run_scoped3A_390 = tpu.sem_alloc : memref<!tpu.dma_semaphore, #tpu.memory_space<semaphore_mem>>
      %dma_start3A_391 = arith.constant 0 : i32
      %dma_start3A_392 = arith.constant 0 : i32
      %dma_start3A_393 = tpu.memref_slice %arg7[%run_scoped3A_261, %dma_start3A_391, %dma_start3A_392] : memref<2x512x64xf32, #tpu.memory_space<vmem>> -> memref<1x512x64xf32, #tpu.memory_space<vmem>>
      %dma_start3A_394 = tpu.memref_squeeze %dma_start3A_393 : memref<1x512x64xf32, #tpu.memory_space<vmem>> -> memref<512x64xf32, #tpu.memory_space<vmem>>
      %dma_start3A_395 = arith.constant 0 : i32
      %dma_start3A_396 = tpu.memref_slice %arg4[%add3A_260, %dma_start3A_395] : memref<262144x64xf32, #tpu.memory_space<hbm>> -> memref<512x64xf32, #tpu.memory_space<hbm>>
      %dma_start3A_397 = arith.constant 0 : i32
      %dma_start3A_398 = tpu.memref_slice %arg4[%add3A_260, %dma_start3A_397] : memref<262144x64xf32, #tpu.memory_space<hbm>> -> memref<512x64xf32, #tpu.memory_space<hbm>>
      %dma_start3A_399 = arith.constant 0 : i32
      %dma_start3A_400 = arith.constant 0 : i32
      %dma_start3A_401 = tpu.memref_slice %arg7[%run_scoped3A_261, %dma_start3A_399, %dma_start3A_400] : memref<2x512x64xf32, #tpu.memory_space<vmem>> -> memref<1x512x64xf32, #tpu.memory_space<vmem>>
      %dma_start3A_402 = tpu.memref_squeeze %dma_start3A_401 : memref<1x512x64xf32, #tpu.memory_space<vmem>> -> memref<512x64xf32, #tpu.memory_space<vmem>>
      tpu.enqueue_dma source(%dma_start3A_402 : memref<512x64xf32, #tpu.memory_space<vmem>>) target(%dma_start3A_398 : memref<512x64xf32, #tpu.memory_space<hbm>>) target_semaphore(%run_scoped3A_390 : memref<!tpu.dma_semaphore, #tpu.memory_space<semaphore_mem>>)
      %dma_wait3A_403 = arith.constant 0 : i32
      %dma_wait3A_404 = arith.constant 0 : i32
      %dma_wait3A_405 = tpu.memref_slice %arg7[%run_scoped3A_261, %dma_wait3A_403, %dma_wait3A_404] : memref<2x512x64xf32, #tpu.memory_space<vmem>> -> memref<1x512x64xf32, #tpu.memory_space<vmem>>
      %dma_wait3A_406 = tpu.memref_squeeze %dma_wait3A_405 : memref<1x512x64xf32, #tpu.memory_space<vmem>> -> memref<512x64xf32, #tpu.memory_space<vmem>>
      %dma_wait3A_407 = arith.constant 0 : i32
      %dma_wait3A_408 = tpu.memref_slice %arg4[%add3A_260, %dma_wait3A_407] : memref<262144x64xf32, #tpu.memory_space<hbm>> -> memref<512x64xf32, #tpu.memory_space<hbm>>
      %dma_wait3A_409 = arith.constant 0 : i32
      %dma_wait3A_410 = tpu.memref_slice %arg4[%add3A_260, %dma_wait3A_409] : memref<262144x64xf32, #tpu.memory_space<hbm>> -> memref<512x64xf32, #tpu.memory_space<hbm>>
      %dma_wait3A_411 = arith.constant 0 : i32
      %dma_wait3A_412 = arith.constant 0 : i32
      %dma_wait3A_413 = tpu.memref_slice %arg7[%run_scoped3A_261, %dma_wait3A_411, %dma_wait3A_412] : memref<2x512x64xf32, #tpu.memory_space<vmem>> -> memref<1x512x64xf32, #tpu.memory_space<vmem>>
      %dma_wait3A_414 = tpu.memref_squeeze %dma_wait3A_413 : memref<1x512x64xf32, #tpu.memory_space<vmem>> -> memref<512x64xf32, #tpu.memory_space<vmem>>
      tpu.wait_dma2 semaphore(%run_scoped3A_390 : memref<!tpu.dma_semaphore, #tpu.memory_space<semaphore_mem>>) src(%dma_wait3A_414 : memref<512x64xf32, #tpu.memory_space<vmem>>) dst(%dma_wait3A_410 : memref<512x64xf32, #tpu.memory_space<hbm>>)
      tpu.yield
    }) : () -> ()
    %dma_start3A_262 = arith.constant 1 : i32
    %dma_start3A_263 = arith.constant 0 : i32
    %dma_start3A_264 = arith.constant 0 : i32
    %dma_start3A_265 = tpu.memref_slice %arg7[%dma_start3A_262, %dma_start3A_263, %dma_start3A_264] : memref<2x512x64xf32, #tpu.memory_space<vmem>> -> memref<1x512x64xf32, #tpu.memory_space<vmem>>
    %dma_start3A_266 = tpu.memref_squeeze %dma_start3A_265 : memref<1x512x64xf32, #tpu.memory_space<vmem>> -> memref<512x64xf32, #tpu.memory_space<vmem>>
    %dma_start3A_267 = arith.constant 5632 : i32
    %dma_start3A_268 = tpu.memref_slice %arg6[%dma_start3A_267] : memref<8192xi32, #tpu.memory_space<vmem>> -> memref<512xi32, #tpu.memory_space<vmem>>
    %dma_start3A_269 = arith.constant 0 : i32
    %dma_start3A_270 = arith.constant 0 : i32
    %dma_start3A_271 = tpu.memref_slice %arg3[%dma_start3A_269, %dma_start3A_270] : memref<1292800x64xf32, #tpu.memory_space<hbm>> -> memref<1292800x64xf32, #tpu.memory_space<hbm>>
    tpu.enqueue_indirect_dma source(%dma_start3A_271 : memref<1292800x64xf32, #tpu.memory_space<hbm>>) target(%dma_start3A_266 : memref<512x64xf32, #tpu.memory_space<vmem>>) offsets(%dma_start3A_268 : memref<512xi32, #tpu.memory_space<vmem>>) semaphore(%arg8 : memref<!tpu.dma_semaphore, #tpu.memory_space<semaphore_mem>>)
    %dma_wait3A_272 = arith.constant 0 : i32
    %dma_wait3A_273 = arith.constant 0 : i32
    %dma_wait3A_274 = arith.constant 0 : i32
    %dma_wait3A_275 = tpu.memref_slice %arg7[%dma_wait3A_272, %dma_wait3A_273, %dma_wait3A_274] : memref<2x512x64xf32, #tpu.memory_space<vmem>> -> memref<1x512x64xf32, #tpu.memory_space<vmem>>
    %dma_wait3A_276 = tpu.memref_squeeze %dma_wait3A_275 : memref<1x512x64xf32, #tpu.memory_space<vmem>> -> memref<512x64xf32, #tpu.memory_space<vmem>>
    %dma_wait3A_277 = arith.constant 5120 : i32
    %dma_wait3A_278 = tpu.memref_slice %arg6[%dma_wait3A_277] : memref<8192xi32, #tpu.memory_space<vmem>> -> memref<512xi32, #tpu.memory_space<vmem>>
    %dma_wait3A_279 = arith.constant 0 : i32
    %dma_wait3A_280 = arith.constant 0 : i32
    %dma_wait3A_281 = tpu.memref_slice %arg3[%dma_wait3A_279, %dma_wait3A_280] : memref<1292800x64xf32, #tpu.memory_space<hbm>> -> memref<1292800x64xf32, #tpu.memory_space<hbm>>
    tpu.wait_indirect_dma semaphore(%arg8 : memref<!tpu.dma_semaphore, #tpu.memory_space<semaphore_mem>>) src(%dma_wait3A_281 : memref<1292800x64xf32, #tpu.memory_space<hbm>>) dst(%dma_wait3A_276 : memref<512x64xf32, #tpu.memory_space<vmem>>)
    %add3A_282 = arith.constant 5120 : i32
    %add3A_283 = arith.addi %mul3A_24, %add3A_282 : i32
    %run_scoped3A_284 = arith.constant 0 : i32
    "tpu.region"() ({
      %run_scoped3A_390 = tpu.sem_alloc : memref<!tpu.dma_semaphore, #tpu.memory_space<semaphore_mem>>
      %dma_start3A_391 = arith.constant 0 : i32
      %dma_start3A_392 = arith.constant 0 : i32
      %dma_start3A_393 = tpu.memref_slice %arg7[%run_scoped3A_284, %dma_start3A_391, %dma_start3A_392] : memref<2x512x64xf32, #tpu.memory_space<vmem>> -> memref<1x512x64xf32, #tpu.memory_space<vmem>>
      %dma_start3A_394 = tpu.memref_squeeze %dma_start3A_393 : memref<1x512x64xf32, #tpu.memory_space<vmem>> -> memref<512x64xf32, #tpu.memory_space<vmem>>
      %dma_start3A_395 = arith.constant 0 : i32
      %dma_start3A_396 = tpu.memref_slice %arg4[%add3A_283, %dma_start3A_395] : memref<262144x64xf32, #tpu.memory_space<hbm>> -> memref<512x64xf32, #tpu.memory_space<hbm>>
      %dma_start3A_397 = arith.constant 0 : i32
      %dma_start3A_398 = tpu.memref_slice %arg4[%add3A_283, %dma_start3A_397] : memref<262144x64xf32, #tpu.memory_space<hbm>> -> memref<512x64xf32, #tpu.memory_space<hbm>>
      %dma_start3A_399 = arith.constant 0 : i32
      %dma_start3A_400 = arith.constant 0 : i32
      %dma_start3A_401 = tpu.memref_slice %arg7[%run_scoped3A_284, %dma_start3A_399, %dma_start3A_400] : memref<2x512x64xf32, #tpu.memory_space<vmem>> -> memref<1x512x64xf32, #tpu.memory_space<vmem>>
      %dma_start3A_402 = tpu.memref_squeeze %dma_start3A_401 : memref<1x512x64xf32, #tpu.memory_space<vmem>> -> memref<512x64xf32, #tpu.memory_space<vmem>>
      tpu.enqueue_dma source(%dma_start3A_402 : memref<512x64xf32, #tpu.memory_space<vmem>>) target(%dma_start3A_398 : memref<512x64xf32, #tpu.memory_space<hbm>>) target_semaphore(%run_scoped3A_390 : memref<!tpu.dma_semaphore, #tpu.memory_space<semaphore_mem>>)
      %dma_wait3A_403 = arith.constant 0 : i32
      %dma_wait3A_404 = arith.constant 0 : i32
      %dma_wait3A_405 = tpu.memref_slice %arg7[%run_scoped3A_284, %dma_wait3A_403, %dma_wait3A_404] : memref<2x512x64xf32, #tpu.memory_space<vmem>> -> memref<1x512x64xf32, #tpu.memory_space<vmem>>
      %dma_wait3A_406 = tpu.memref_squeeze %dma_wait3A_405 : memref<1x512x64xf32, #tpu.memory_space<vmem>> -> memref<512x64xf32, #tpu.memory_space<vmem>>
      %dma_wait3A_407 = arith.constant 0 : i32
      %dma_wait3A_408 = tpu.memref_slice %arg4[%add3A_283, %dma_wait3A_407] : memref<262144x64xf32, #tpu.memory_space<hbm>> -> memref<512x64xf32, #tpu.memory_space<hbm>>
      %dma_wait3A_409 = arith.constant 0 : i32
      %dma_wait3A_410 = tpu.memref_slice %arg4[%add3A_283, %dma_wait3A_409] : memref<262144x64xf32, #tpu.memory_space<hbm>> -> memref<512x64xf32, #tpu.memory_space<hbm>>
      %dma_wait3A_411 = arith.constant 0 : i32
      %dma_wait3A_412 = arith.constant 0 : i32
      %dma_wait3A_413 = tpu.memref_slice %arg7[%run_scoped3A_284, %dma_wait3A_411, %dma_wait3A_412] : memref<2x512x64xf32, #tpu.memory_space<vmem>> -> memref<1x512x64xf32, #tpu.memory_space<vmem>>
      %dma_wait3A_414 = tpu.memref_squeeze %dma_wait3A_413 : memref<1x512x64xf32, #tpu.memory_space<vmem>> -> memref<512x64xf32, #tpu.memory_space<vmem>>
      tpu.wait_dma2 semaphore(%run_scoped3A_390 : memref<!tpu.dma_semaphore, #tpu.memory_space<semaphore_mem>>) src(%dma_wait3A_414 : memref<512x64xf32, #tpu.memory_space<vmem>>) dst(%dma_wait3A_410 : memref<512x64xf32, #tpu.memory_space<hbm>>)
      tpu.yield
    }) : () -> ()
    %dma_start3A_285 = arith.constant 0 : i32
    %dma_start3A_286 = arith.constant 0 : i32
    %dma_start3A_287 = arith.constant 0 : i32
    %dma_start3A_288 = tpu.memref_slice %arg7[%dma_start3A_285, %dma_start3A_286, %dma_start3A_287] : memref<2x512x64xf32, #tpu.memory_space<vmem>> -> memref<1x512x64xf32, #tpu.memory_space<vmem>>
    %dma_start3A_289 = tpu.memref_squeeze %dma_start3A_288 : memref<1x512x64xf32, #tpu.memory_space<vmem>> -> memref<512x64xf32, #tpu.memory_space<vmem>>
    %dma_start3A_290 = arith.constant 6144 : i32
    %dma_start3A_291 = tpu.memref_slice %arg6[%dma_start3A_290] : memref<8192xi32, #tpu.memory_space<vmem>> -> memref<512xi32, #tpu.memory_space<vmem>>
    %dma_start3A_292 = arith.constant 0 : i32
    %dma_start3A_293 = arith.constant 0 : i32
    %dma_start3A_294 = tpu.memref_slice %arg3[%dma_start3A_292, %dma_start3A_293] : memref<1292800x64xf32, #tpu.memory_space<hbm>> -> memref<1292800x64xf32, #tpu.memory_space<hbm>>
    tpu.enqueue_indirect_dma source(%dma_start3A_294 : memref<1292800x64xf32, #tpu.memory_space<hbm>>) target(%dma_start3A_289 : memref<512x64xf32, #tpu.memory_space<vmem>>) offsets(%dma_start3A_291 : memref<512xi32, #tpu.memory_space<vmem>>) semaphore(%arg8 : memref<!tpu.dma_semaphore, #tpu.memory_space<semaphore_mem>>)
    %dma_wait3A_295 = arith.constant 1 : i32
    %dma_wait3A_296 = arith.constant 0 : i32
    %dma_wait3A_297 = arith.constant 0 : i32
    %dma_wait3A_298 = tpu.memref_slice %arg7[%dma_wait3A_295, %dma_wait3A_296, %dma_wait3A_297] : memref<2x512x64xf32, #tpu.memory_space<vmem>> -> memref<1x512x64xf32, #tpu.memory_space<vmem>>
    %dma_wait3A_299 = tpu.memref_squeeze %dma_wait3A_298 : memref<1x512x64xf32, #tpu.memory_space<vmem>> -> memref<512x64xf32, #tpu.memory_space<vmem>>
    %dma_wait3A_300 = arith.constant 5632 : i32
    %dma_wait3A_301 = tpu.memref_slice %arg6[%dma_wait3A_300] : memref<8192xi32, #tpu.memory_space<vmem>> -> memref<512xi32, #tpu.memory_space<vmem>>
    %dma_wait3A_302 = arith.constant 0 : i32
    %dma_wait3A_303 = arith.constant 0 : i32
    %dma_wait3A_304 = tpu.memref_slice %arg3[%dma_wait3A_302, %dma_wait3A_303] : memref<1292800x64xf32, #tpu.memory_space<hbm>> -> memref<1292800x64xf32, #tpu.memory_space<hbm>>
    tpu.wait_indirect_dma semaphore(%arg8 : memref<!tpu.dma_semaphore, #tpu.memory_space<semaphore_mem>>) src(%dma_wait3A_304 : memref<1292800x64xf32, #tpu.memory_space<hbm>>) dst(%dma_wait3A_299 : memref<512x64xf32, #tpu.memory_space<vmem>>)
    %add3A_305 = arith.constant 5632 : i32
    %add3A_306 = arith.addi %mul3A_24, %add3A_305 : i32
    %run_scoped3A_307 = arith.constant 1 : i32
    "tpu.region"() ({
      %run_scoped3A_390 = tpu.sem_alloc : memref<!tpu.dma_semaphore, #tpu.memory_space<semaphore_mem>>
      %dma_start3A_391 = arith.constant 0 : i32
      %dma_start3A_392 = arith.constant 0 : i32
      %dma_start3A_393 = tpu.memref_slice %arg7[%run_scoped3A_307, %dma_start3A_391, %dma_start3A_392] : memref<2x512x64xf32, #tpu.memory_space<vmem>> -> memref<1x512x64xf32, #tpu.memory_space<vmem>>
      %dma_start3A_394 = tpu.memref_squeeze %dma_start3A_393 : memref<1x512x64xf32, #tpu.memory_space<vmem>> -> memref<512x64xf32, #tpu.memory_space<vmem>>
      %dma_start3A_395 = arith.constant 0 : i32
      %dma_start3A_396 = tpu.memref_slice %arg4[%add3A_306, %dma_start3A_395] : memref<262144x64xf32, #tpu.memory_space<hbm>> -> memref<512x64xf32, #tpu.memory_space<hbm>>
      %dma_start3A_397 = arith.constant 0 : i32
      %dma_start3A_398 = tpu.memref_slice %arg4[%add3A_306, %dma_start3A_397] : memref<262144x64xf32, #tpu.memory_space<hbm>> -> memref<512x64xf32, #tpu.memory_space<hbm>>
      %dma_start3A_399 = arith.constant 0 : i32
      %dma_start3A_400 = arith.constant 0 : i32
      %dma_start3A_401 = tpu.memref_slice %arg7[%run_scoped3A_307, %dma_start3A_399, %dma_start3A_400] : memref<2x512x64xf32, #tpu.memory_space<vmem>> -> memref<1x512x64xf32, #tpu.memory_space<vmem>>
      %dma_start3A_402 = tpu.memref_squeeze %dma_start3A_401 : memref<1x512x64xf32, #tpu.memory_space<vmem>> -> memref<512x64xf32, #tpu.memory_space<vmem>>
      tpu.enqueue_dma source(%dma_start3A_402 : memref<512x64xf32, #tpu.memory_space<vmem>>) target(%dma_start3A_398 : memref<512x64xf32, #tpu.memory_space<hbm>>) target_semaphore(%run_scoped3A_390 : memref<!tpu.dma_semaphore, #tpu.memory_space<semaphore_mem>>)
      %dma_wait3A_403 = arith.constant 0 : i32
      %dma_wait3A_404 = arith.constant 0 : i32
      %dma_wait3A_405 = tpu.memref_slice %arg7[%run_scoped3A_307, %dma_wait3A_403, %dma_wait3A_404] : memref<2x512x64xf32, #tpu.memory_space<vmem>> -> memref<1x512x64xf32, #tpu.memory_space<vmem>>
      %dma_wait3A_406 = tpu.memref_squeeze %dma_wait3A_405 : memref<1x512x64xf32, #tpu.memory_space<vmem>> -> memref<512x64xf32, #tpu.memory_space<vmem>>
      %dma_wait3A_407 = arith.constant 0 : i32
      %dma_wait3A_408 = tpu.memref_slice %arg4[%add3A_306, %dma_wait3A_407] : memref<262144x64xf32, #tpu.memory_space<hbm>> -> memref<512x64xf32, #tpu.memory_space<hbm>>
      %dma_wait3A_409 = arith.constant 0 : i32
      %dma_wait3A_410 = tpu.memref_slice %arg4[%add3A_306, %dma_wait3A_409] : memref<262144x64xf32, #tpu.memory_space<hbm>> -> memref<512x64xf32, #tpu.memory_space<hbm>>
      %dma_wait3A_411 = arith.constant 0 : i32
      %dma_wait3A_412 = arith.constant 0 : i32
      %dma_wait3A_413 = tpu.memref_slice %arg7[%run_scoped3A_307, %dma_wait3A_411, %dma_wait3A_412] : memref<2x512x64xf32, #tpu.memory_space<vmem>> -> memref<1x512x64xf32, #tpu.memory_space<vmem>>
      %dma_wait3A_414 = tpu.memref_squeeze %dma_wait3A_413 : memref<1x512x64xf32, #tpu.memory_space<vmem>> -> memref<512x64xf32, #tpu.memory_space<vmem>>
      tpu.wait_dma2 semaphore(%run_scoped3A_390 : memref<!tpu.dma_semaphore, #tpu.memory_space<semaphore_mem>>) src(%dma_wait3A_414 : memref<512x64xf32, #tpu.memory_space<vmem>>) dst(%dma_wait3A_410 : memref<512x64xf32, #tpu.memory_space<hbm>>)
      tpu.yield
    }) : () -> ()
    %dma_start3A_308 = arith.constant 1 : i32
    %dma_start3A_309 = arith.constant 0 : i32
    %dma_start3A_310 = arith.constant 0 : i32
    %dma_start3A_311 = tpu.memref_slice %arg7[%dma_start3A_308, %dma_start3A_309, %dma_start3A_310] : memref<2x512x64xf32, #tpu.memory_space<vmem>> -> memref<1x512x64xf32, #tpu.memory_space<vmem>>
    %dma_start3A_312 = tpu.memref_squeeze %dma_start3A_311 : memref<1x512x64xf32, #tpu.memory_space<vmem>> -> memref<512x64xf32, #tpu.memory_space<vmem>>
    %dma_start3A_313 = arith.constant 6656 : i32
    %dma_start3A_314 = tpu.memref_slice %arg6[%dma_start3A_313] : memref<8192xi32, #tpu.memory_space<vmem>> -> memref<512xi32, #tpu.memory_space<vmem>>
    %dma_start3A_315 = arith.constant 0 : i32
    %dma_start3A_316 = arith.constant 0 : i32
    %dma_start3A_317 = tpu.memref_slice %arg3[%dma_start3A_315, %dma_start3A_316] : memref<1292800x64xf32, #tpu.memory_space<hbm>> -> memref<1292800x64xf32, #tpu.memory_space<hbm>>
    tpu.enqueue_indirect_dma source(%dma_start3A_317 : memref<1292800x64xf32, #tpu.memory_space<hbm>>) target(%dma_start3A_312 : memref<512x64xf32, #tpu.memory_space<vmem>>) offsets(%dma_start3A_314 : memref<512xi32, #tpu.memory_space<vmem>>) semaphore(%arg8 : memref<!tpu.dma_semaphore, #tpu.memory_space<semaphore_mem>>)
    %dma_wait3A_318 = arith.constant 0 : i32
    %dma_wait3A_319 = arith.constant 0 : i32
    %dma_wait3A_320 = arith.constant 0 : i32
    %dma_wait3A_321 = tpu.memref_slice %arg7[%dma_wait3A_318, %dma_wait3A_319, %dma_wait3A_320] : memref<2x512x64xf32, #tpu.memory_space<vmem>> -> memref<1x512x64xf32, #tpu.memory_space<vmem>>
    %dma_wait3A_322 = tpu.memref_squeeze %dma_wait3A_321 : memref<1x512x64xf32, #tpu.memory_space<vmem>> -> memref<512x64xf32, #tpu.memory_space<vmem>>
    %dma_wait3A_323 = arith.constant 6144 : i32
    %dma_wait3A_324 = tpu.memref_slice %arg6[%dma_wait3A_323] : memref<8192xi32, #tpu.memory_space<vmem>> -> memref<512xi32, #tpu.memory_space<vmem>>
    %dma_wait3A_325 = arith.constant 0 : i32
    %dma_wait3A_326 = arith.constant 0 : i32
    %dma_wait3A_327 = tpu.memref_slice %arg3[%dma_wait3A_325, %dma_wait3A_326] : memref<1292800x64xf32, #tpu.memory_space<hbm>> -> memref<1292800x64xf32, #tpu.memory_space<hbm>>
    tpu.wait_indirect_dma semaphore(%arg8 : memref<!tpu.dma_semaphore, #tpu.memory_space<semaphore_mem>>) src(%dma_wait3A_327 : memref<1292800x64xf32, #tpu.memory_space<hbm>>) dst(%dma_wait3A_322 : memref<512x64xf32, #tpu.memory_space<vmem>>)
    %add3A_328 = arith.constant 6144 : i32
    %add3A_329 = arith.addi %mul3A_24, %add3A_328 : i32
    %run_scoped3A_330 = arith.constant 0 : i32
    "tpu.region"() ({
      %run_scoped3A_390 = tpu.sem_alloc : memref<!tpu.dma_semaphore, #tpu.memory_space<semaphore_mem>>
      %dma_start3A_391 = arith.constant 0 : i32
      %dma_start3A_392 = arith.constant 0 : i32
      %dma_start3A_393 = tpu.memref_slice %arg7[%run_scoped3A_330, %dma_start3A_391, %dma_start3A_392] : memref<2x512x64xf32, #tpu.memory_space<vmem>> -> memref<1x512x64xf32, #tpu.memory_space<vmem>>
      %dma_start3A_394 = tpu.memref_squeeze %dma_start3A_393 : memref<1x512x64xf32, #tpu.memory_space<vmem>> -> memref<512x64xf32, #tpu.memory_space<vmem>>
      %dma_start3A_395 = arith.constant 0 : i32
      %dma_start3A_396 = tpu.memref_slice %arg4[%add3A_329, %dma_start3A_395] : memref<262144x64xf32, #tpu.memory_space<hbm>> -> memref<512x64xf32, #tpu.memory_space<hbm>>
      %dma_start3A_397 = arith.constant 0 : i32
      %dma_start3A_398 = tpu.memref_slice %arg4[%add3A_329, %dma_start3A_397] : memref<262144x64xf32, #tpu.memory_space<hbm>> -> memref<512x64xf32, #tpu.memory_space<hbm>>
      %dma_start3A_399 = arith.constant 0 : i32
      %dma_start3A_400 = arith.constant 0 : i32
      %dma_start3A_401 = tpu.memref_slice %arg7[%run_scoped3A_330, %dma_start3A_399, %dma_start3A_400] : memref<2x512x64xf32, #tpu.memory_space<vmem>> -> memref<1x512x64xf32, #tpu.memory_space<vmem>>
      %dma_start3A_402 = tpu.memref_squeeze %dma_start3A_401 : memref<1x512x64xf32, #tpu.memory_space<vmem>> -> memref<512x64xf32, #tpu.memory_space<vmem>>
      tpu.enqueue_dma source(%dma_start3A_402 : memref<512x64xf32, #tpu.memory_space<vmem>>) target(%dma_start3A_398 : memref<512x64xf32, #tpu.memory_space<hbm>>) target_semaphore(%run_scoped3A_390 : memref<!tpu.dma_semaphore, #tpu.memory_space<semaphore_mem>>)
      %dma_wait3A_403 = arith.constant 0 : i32
      %dma_wait3A_404 = arith.constant 0 : i32
      %dma_wait3A_405 = tpu.memref_slice %arg7[%run_scoped3A_330, %dma_wait3A_403, %dma_wait3A_404] : memref<2x512x64xf32, #tpu.memory_space<vmem>> -> memref<1x512x64xf32, #tpu.memory_space<vmem>>
      %dma_wait3A_406 = tpu.memref_squeeze %dma_wait3A_405 : memref<1x512x64xf32, #tpu.memory_space<vmem>> -> memref<512x64xf32, #tpu.memory_space<vmem>>
      %dma_wait3A_407 = arith.constant 0 : i32
      %dma_wait3A_408 = tpu.memref_slice %arg4[%add3A_329, %dma_wait3A_407] : memref<262144x64xf32, #tpu.memory_space<hbm>> -> memref<512x64xf32, #tpu.memory_space<hbm>>
      %dma_wait3A_409 = arith.constant 0 : i32
      %dma_wait3A_410 = tpu.memref_slice %arg4[%add3A_329, %dma_wait3A_409] : memref<262144x64xf32, #tpu.memory_space<hbm>> -> memref<512x64xf32, #tpu.memory_space<hbm>>
      %dma_wait3A_411 = arith.constant 0 : i32
      %dma_wait3A_412 = arith.constant 0 : i32
      %dma_wait3A_413 = tpu.memref_slice %arg7[%run_scoped3A_330, %dma_wait3A_411, %dma_wait3A_412] : memref<2x512x64xf32, #tpu.memory_space<vmem>> -> memref<1x512x64xf32, #tpu.memory_space<vmem>>
      %dma_wait3A_414 = tpu.memref_squeeze %dma_wait3A_413 : memref<1x512x64xf32, #tpu.memory_space<vmem>> -> memref<512x64xf32, #tpu.memory_space<vmem>>
      tpu.wait_dma2 semaphore(%run_scoped3A_390 : memref<!tpu.dma_semaphore, #tpu.memory_space<semaphore_mem>>) src(%dma_wait3A_414 : memref<512x64xf32, #tpu.memory_space<vmem>>) dst(%dma_wait3A_410 : memref<512x64xf32, #tpu.memory_space<hbm>>)
      tpu.yield
    }) : () -> ()
    %dma_start3A_331 = arith.constant 0 : i32
    %dma_start3A_332 = arith.constant 0 : i32
    %dma_start3A_333 = arith.constant 0 : i32
    %dma_start3A_334 = tpu.memref_slice %arg7[%dma_start3A_331, %dma_start3A_332, %dma_start3A_333] : memref<2x512x64xf32, #tpu.memory_space<vmem>> -> memref<1x512x64xf32, #tpu.memory_space<vmem>>
    %dma_start3A_335 = tpu.memref_squeeze %dma_start3A_334 : memref<1x512x64xf32, #tpu.memory_space<vmem>> -> memref<512x64xf32, #tpu.memory_space<vmem>>
    %dma_start3A_336 = arith.constant 7168 : i32
    %dma_start3A_337 = tpu.memref_slice %arg6[%dma_start3A_336] : memref<8192xi32, #tpu.memory_space<vmem>> -> memref<512xi32, #tpu.memory_space<vmem>>
    %dma_start3A_338 = arith.constant 0 : i32
    %dma_start3A_339 = arith.constant 0 : i32
    %dma_start3A_340 = tpu.memref_slice %arg3[%dma_start3A_338, %dma_start3A_339] : memref<1292800x64xf32, #tpu.memory_space<hbm>> -> memref<1292800x64xf32, #tpu.memory_space<hbm>>
    tpu.enqueue_indirect_dma source(%dma_start3A_340 : memref<1292800x64xf32, #tpu.memory_space<hbm>>) target(%dma_start3A_335 : memref<512x64xf32, #tpu.memory_space<vmem>>) offsets(%dma_start3A_337 : memref<512xi32, #tpu.memory_space<vmem>>) semaphore(%arg8 : memref<!tpu.dma_semaphore, #tpu.memory_space<semaphore_mem>>)
    %dma_wait3A_341 = arith.constant 1 : i32
    %dma_wait3A_342 = arith.constant 0 : i32
    %dma_wait3A_343 = arith.constant 0 : i32
    %dma_wait3A_344 = tpu.memref_slice %arg7[%dma_wait3A_341, %dma_wait3A_342, %dma_wait3A_343] : memref<2x512x64xf32, #tpu.memory_space<vmem>> -> memref<1x512x64xf32, #tpu.memory_space<vmem>>
    %dma_wait3A_345 = tpu.memref_squeeze %dma_wait3A_344 : memref<1x512x64xf32, #tpu.memory_space<vmem>> -> memref<512x64xf32, #tpu.memory_space<vmem>>
    %dma_wait3A_346 = arith.constant 6656 : i32
    %dma_wait3A_347 = tpu.memref_slice %arg6[%dma_wait3A_346] : memref<8192xi32, #tpu.memory_space<vmem>> -> memref<512xi32, #tpu.memory_space<vmem>>
    %dma_wait3A_348 = arith.constant 0 : i32
    %dma_wait3A_349 = arith.constant 0 : i32
    %dma_wait3A_350 = tpu.memref_slice %arg3[%dma_wait3A_348, %dma_wait3A_349] : memref<1292800x64xf32, #tpu.memory_space<hbm>> -> memref<1292800x64xf32, #tpu.memory_space<hbm>>
    tpu.wait_indirect_dma semaphore(%arg8 : memref<!tpu.dma_semaphore, #tpu.memory_space<semaphore_mem>>) src(%dma_wait3A_350 : memref<1292800x64xf32, #tpu.memory_space<hbm>>) dst(%dma_wait3A_345 : memref<512x64xf32, #tpu.memory_space<vmem>>)
    %add3A_351 = arith.constant 6656 : i32
    %add3A_352 = arith.addi %mul3A_24, %add3A_351 : i32
    %run_scoped3A_353 = arith.constant 1 : i32
    "tpu.region"() ({
      %run_scoped3A_390 = tpu.sem_alloc : memref<!tpu.dma_semaphore, #tpu.memory_space<semaphore_mem>>
      %dma_start3A_391 = arith.constant 0 : i32
      %dma_start3A_392 = arith.constant 0 : i32
      %dma_start3A_393 = tpu.memref_slice %arg7[%run_scoped3A_353, %dma_start3A_391, %dma_start3A_392] : memref<2x512x64xf32, #tpu.memory_space<vmem>> -> memref<1x512x64xf32, #tpu.memory_space<vmem>>
      %dma_start3A_394 = tpu.memref_squeeze %dma_start3A_393 : memref<1x512x64xf32, #tpu.memory_space<vmem>> -> memref<512x64xf32, #tpu.memory_space<vmem>>
      %dma_start3A_395 = arith.constant 0 : i32
      %dma_start3A_396 = tpu.memref_slice %arg4[%add3A_352, %dma_start3A_395] : memref<262144x64xf32, #tpu.memory_space<hbm>> -> memref<512x64xf32, #tpu.memory_space<hbm>>
      %dma_start3A_397 = arith.constant 0 : i32
      %dma_start3A_398 = tpu.memref_slice %arg4[%add3A_352, %dma_start3A_397] : memref<262144x64xf32, #tpu.memory_space<hbm>> -> memref<512x64xf32, #tpu.memory_space<hbm>>
      %dma_start3A_399 = arith.constant 0 : i32
      %dma_start3A_400 = arith.constant 0 : i32
      %dma_start3A_401 = tpu.memref_slice %arg7[%run_scoped3A_353, %dma_start3A_399, %dma_start3A_400] : memref<2x512x64xf32, #tpu.memory_space<vmem>> -> memref<1x512x64xf32, #tpu.memory_space<vmem>>
      %dma_start3A_402 = tpu.memref_squeeze %dma_start3A_401 : memref<1x512x64xf32, #tpu.memory_space<vmem>> -> memref<512x64xf32, #tpu.memory_space<vmem>>
      tpu.enqueue_dma source(%dma_start3A_402 : memref<512x64xf32, #tpu.memory_space<vmem>>) target(%dma_start3A_398 : memref<512x64xf32, #tpu.memory_space<hbm>>) target_semaphore(%run_scoped3A_390 : memref<!tpu.dma_semaphore, #tpu.memory_space<semaphore_mem>>)
      %dma_wait3A_403 = arith.constant 0 : i32
      %dma_wait3A_404 = arith.constant 0 : i32
      %dma_wait3A_405 = tpu.memref_slice %arg7[%run_scoped3A_353, %dma_wait3A_403, %dma_wait3A_404] : memref<2x512x64xf32, #tpu.memory_space<vmem>> -> memref<1x512x64xf32, #tpu.memory_space<vmem>>
      %dma_wait3A_406 = tpu.memref_squeeze %dma_wait3A_405 : memref<1x512x64xf32, #tpu.memory_space<vmem>> -> memref<512x64xf32, #tpu.memory_space<vmem>>
      %dma_wait3A_407 = arith.constant 0 : i32
      %dma_wait3A_408 = tpu.memref_slice %arg4[%add3A_352, %dma_wait3A_407] : memref<262144x64xf32, #tpu.memory_space<hbm>> -> memref<512x64xf32, #tpu.memory_space<hbm>>
      %dma_wait3A_409 = arith.constant 0 : i32
      %dma_wait3A_410 = tpu.memref_slice %arg4[%add3A_352, %dma_wait3A_409] : memref<262144x64xf32, #tpu.memory_space<hbm>> -> memref<512x64xf32, #tpu.memory_space<hbm>>
      %dma_wait3A_411 = arith.constant 0 : i32
      %dma_wait3A_412 = arith.constant 0 : i32
      %dma_wait3A_413 = tpu.memref_slice %arg7[%run_scoped3A_353, %dma_wait3A_411, %dma_wait3A_412] : memref<2x512x64xf32, #tpu.memory_space<vmem>> -> memref<1x512x64xf32, #tpu.memory_space<vmem>>
      %dma_wait3A_414 = tpu.memref_squeeze %dma_wait3A_413 : memref<1x512x64xf32, #tpu.memory_space<vmem>> -> memref<512x64xf32, #tpu.memory_space<vmem>>
      tpu.wait_dma2 semaphore(%run_scoped3A_390 : memref<!tpu.dma_semaphore, #tpu.memory_space<semaphore_mem>>) src(%dma_wait3A_414 : memref<512x64xf32, #tpu.memory_space<vmem>>) dst(%dma_wait3A_410 : memref<512x64xf32, #tpu.memory_space<hbm>>)
      tpu.yield
    }) : () -> ()
    %dma_start3A_354 = arith.constant 1 : i32
    %dma_start3A_355 = arith.constant 0 : i32
    %dma_start3A_356 = arith.constant 0 : i32
    %dma_start3A_357 = tpu.memref_slice %arg7[%dma_start3A_354, %dma_start3A_355, %dma_start3A_356] : memref<2x512x64xf32, #tpu.memory_space<vmem>> -> memref<1x512x64xf32, #tpu.memory_space<vmem>>
    %dma_start3A_358 = tpu.memref_squeeze %dma_start3A_357 : memref<1x512x64xf32, #tpu.memory_space<vmem>> -> memref<512x64xf32, #tpu.memory_space<vmem>>
    %dma_start3A_359 = arith.constant 7680 : i32
    %dma_start3A_360 = tpu.memref_slice %arg6[%dma_start3A_359] : memref<8192xi32, #tpu.memory_space<vmem>> -> memref<512xi32, #tpu.memory_space<vmem>>
    %dma_start3A_361 = arith.constant 0 : i32
    %dma_start3A_362 = arith.constant 0 : i32
    %dma_start3A_363 = tpu.memref_slice %arg3[%dma_start3A_361, %dma_start3A_362] : memref<1292800x64xf32, #tpu.memory_space<hbm>> -> memref<1292800x64xf32, #tpu.memory_space<hbm>>
    tpu.enqueue_indirect_dma source(%dma_start3A_363 : memref<1292800x64xf32, #tpu.memory_space<hbm>>) target(%dma_start3A_358 : memref<512x64xf32, #tpu.memory_space<vmem>>) offsets(%dma_start3A_360 : memref<512xi32, #tpu.memory_space<vmem>>) semaphore(%arg8 : memref<!tpu.dma_semaphore, #tpu.memory_space<semaphore_mem>>)
    %dma_wait3A_364 = arith.constant 0 : i32
    %dma_wait3A_365 = arith.constant 0 : i32
    %dma_wait3A_366 = arith.constant 0 : i32
    %dma_wait3A_367 = tpu.memref_slice %arg7[%dma_wait3A_364, %dma_wait3A_365, %dma_wait3A_366] : memref<2x512x64xf32, #tpu.memory_space<vmem>> -> memref<1x512x64xf32, #tpu.memory_space<vmem>>
    %dma_wait3A_368 = tpu.memref_squeeze %dma_wait3A_367 : memref<1x512x64xf32, #tpu.memory_space<vmem>> -> memref<512x64xf32, #tpu.memory_space<vmem>>
    %dma_wait3A_369 = arith.constant 7168 : i32
    %dma_wait3A_370 = tpu.memref_slice %arg6[%dma_wait3A_369] : memref<8192xi32, #tpu.memory_space<vmem>> -> memref<512xi32, #tpu.memory_space<vmem>>
    %dma_wait3A_371 = arith.constant 0 : i32
    %dma_wait3A_372 = arith.constant 0 : i32
    %dma_wait3A_373 = tpu.memref_slice %arg3[%dma_wait3A_371, %dma_wait3A_372] : memref<1292800x64xf32, #tpu.memory_space<hbm>> -> memref<1292800x64xf32, #tpu.memory_space<hbm>>
    tpu.wait_indirect_dma semaphore(%arg8 : memref<!tpu.dma_semaphore, #tpu.memory_space<semaphore_mem>>) src(%dma_wait3A_373 : memref<1292800x64xf32, #tpu.memory_space<hbm>>) dst(%dma_wait3A_368 : memref<512x64xf32, #tpu.memory_space<vmem>>)
    %add3A_374 = arith.constant 7168 : i32
    %add3A_375 = arith.addi %mul3A_24, %add3A_374 : i32
    %run_scoped3A_376 = arith.constant 0 : i32
    "tpu.region"() ({
      %run_scoped3A_390 = tpu.sem_alloc : memref<!tpu.dma_semaphore, #tpu.memory_space<semaphore_mem>>
      %dma_start3A_391 = arith.constant 0 : i32
      %dma_start3A_392 = arith.constant 0 : i32
      %dma_start3A_393 = tpu.memref_slice %arg7[%run_scoped3A_376, %dma_start3A_391, %dma_start3A_392] : memref<2x512x64xf32, #tpu.memory_space<vmem>> -> memref<1x512x64xf32, #tpu.memory_space<vmem>>
      %dma_start3A_394 = tpu.memref_squeeze %dma_start3A_393 : memref<1x512x64xf32, #tpu.memory_space<vmem>> -> memref<512x64xf32, #tpu.memory_space<vmem>>
      %dma_start3A_395 = arith.constant 0 : i32
      %dma_start3A_396 = tpu.memref_slice %arg4[%add3A_375, %dma_start3A_395] : memref<262144x64xf32, #tpu.memory_space<hbm>> -> memref<512x64xf32, #tpu.memory_space<hbm>>
      %dma_start3A_397 = arith.constant 0 : i32
      %dma_start3A_398 = tpu.memref_slice %arg4[%add3A_375, %dma_start3A_397] : memref<262144x64xf32, #tpu.memory_space<hbm>> -> memref<512x64xf32, #tpu.memory_space<hbm>>
      %dma_start3A_399 = arith.constant 0 : i32
      %dma_start3A_400 = arith.constant 0 : i32
      %dma_start3A_401 = tpu.memref_slice %arg7[%run_scoped3A_376, %dma_start3A_399, %dma_start3A_400] : memref<2x512x64xf32, #tpu.memory_space<vmem>> -> memref<1x512x64xf32, #tpu.memory_space<vmem>>
      %dma_start3A_402 = tpu.memref_squeeze %dma_start3A_401 : memref<1x512x64xf32, #tpu.memory_space<vmem>> -> memref<512x64xf32, #tpu.memory_space<vmem>>
      tpu.enqueue_dma source(%dma_start3A_402 : memref<512x64xf32, #tpu.memory_space<vmem>>) target(%dma_start3A_398 : memref<512x64xf32, #tpu.memory_space<hbm>>) target_semaphore(%run_scoped3A_390 : memref<!tpu.dma_semaphore, #tpu.memory_space<semaphore_mem>>)
      %dma_wait3A_403 = arith.constant 0 : i32
      %dma_wait3A_404 = arith.constant 0 : i32
      %dma_wait3A_405 = tpu.memref_slice %arg7[%run_scoped3A_376, %dma_wait3A_403, %dma_wait3A_404] : memref<2x512x64xf32, #tpu.memory_space<vmem>> -> memref<1x512x64xf32, #tpu.memory_space<vmem>>
      %dma_wait3A_406 = tpu.memref_squeeze %dma_wait3A_405 : memref<1x512x64xf32, #tpu.memory_space<vmem>> -> memref<512x64xf32, #tpu.memory_space<vmem>>
      %dma_wait3A_407 = arith.constant 0 : i32
      %dma_wait3A_408 = tpu.memref_slice %arg4[%add3A_375, %dma_wait3A_407] : memref<262144x64xf32, #tpu.memory_space<hbm>> -> memref<512x64xf32, #tpu.memory_space<hbm>>
      %dma_wait3A_409 = arith.constant 0 : i32
      %dma_wait3A_410 = tpu.memref_slice %arg4[%add3A_375, %dma_wait3A_409] : memref<262144x64xf32, #tpu.memory_space<hbm>> -> memref<512x64xf32, #tpu.memory_space<hbm>>
      %dma_wait3A_411 = arith.constant 0 : i32
      %dma_wait3A_412 = arith.constant 0 : i32
      %dma_wait3A_413 = tpu.memref_slice %arg7[%run_scoped3A_376, %dma_wait3A_411, %dma_wait3A_412] : memref<2x512x64xf32, #tpu.memory_space<vmem>> -> memref<1x512x64xf32, #tpu.memory_space<vmem>>
      %dma_wait3A_414 = tpu.memref_squeeze %dma_wait3A_413 : memref<1x512x64xf32, #tpu.memory_space<vmem>> -> memref<512x64xf32, #tpu.memory_space<vmem>>
      tpu.wait_dma2 semaphore(%run_scoped3A_390 : memref<!tpu.dma_semaphore, #tpu.memory_space<semaphore_mem>>) src(%dma_wait3A_414 : memref<512x64xf32, #tpu.memory_space<vmem>>) dst(%dma_wait3A_410 : memref<512x64xf32, #tpu.memory_space<hbm>>)
      tpu.yield
    }) : () -> ()
    %dma_wait3A_377 = arith.constant 1 : i32
    %dma_wait3A_378 = arith.constant 0 : i32
    %dma_wait3A_379 = arith.constant 0 : i32
    %dma_wait3A_380 = tpu.memref_slice %arg7[%dma_wait3A_377, %dma_wait3A_378, %dma_wait3A_379] : memref<2x512x64xf32, #tpu.memory_space<vmem>> -> memref<1x512x64xf32, #tpu.memory_space<vmem>>
    %dma_wait3A_381 = tpu.memref_squeeze %dma_wait3A_380 : memref<1x512x64xf32, #tpu.memory_space<vmem>> -> memref<512x64xf32, #tpu.memory_space<vmem>>
    %dma_wait3A_382 = arith.constant 7680 : i32
    %dma_wait3A_383 = tpu.memref_slice %arg6[%dma_wait3A_382] : memref<8192xi32, #tpu.memory_space<vmem>> -> memref<512xi32, #tpu.memory_space<vmem>>
    %dma_wait3A_384 = arith.constant 0 : i32
    %dma_wait3A_385 = arith.constant 0 : i32
    %dma_wait3A_386 = tpu.memref_slice %arg3[%dma_wait3A_384, %dma_wait3A_385] : memref<1292800x64xf32, #tpu.memory_space<hbm>> -> memref<1292800x64xf32, #tpu.memory_space<hbm>>
    tpu.wait_indirect_dma semaphore(%arg8 : memref<!tpu.dma_semaphore, #tpu.memory_space<semaphore_mem>>) src(%dma_wait3A_386 : memref<1292800x64xf32, #tpu.memory_space<hbm>>) dst(%dma_wait3A_381 : memref<512x64xf32, #tpu.memory_space<vmem>>)
    %add3A_387 = arith.constant 7680 : i32
    %add3A_388 = arith.addi %mul3A_24, %add3A_387 : i32
    %run_scoped3A_389 = arith.constant 1 : i32
    "tpu.region"() ({
      %run_scoped3A_390 = tpu.sem_alloc : memref<!tpu.dma_semaphore, #tpu.memory_space<semaphore_mem>>
      %dma_start3A_391 = arith.constant 0 : i32
      %dma_start3A_392 = arith.constant 0 : i32
      %dma_start3A_393 = tpu.memref_slice %arg7[%run_scoped3A_389, %dma_start3A_391, %dma_start3A_392] : memref<2x512x64xf32, #tpu.memory_space<vmem>> -> memref<1x512x64xf32, #tpu.memory_space<vmem>>
      %dma_start3A_394 = tpu.memref_squeeze %dma_start3A_393 : memref<1x512x64xf32, #tpu.memory_space<vmem>> -> memref<512x64xf32, #tpu.memory_space<vmem>>
      %dma_start3A_395 = arith.constant 0 : i32
      %dma_start3A_396 = tpu.memref_slice %arg4[%add3A_388, %dma_start3A_395] : memref<262144x64xf32, #tpu.memory_space<hbm>> -> memref<512x64xf32, #tpu.memory_space<hbm>>
      %dma_start3A_397 = arith.constant 0 : i32
      %dma_start3A_398 = tpu.memref_slice %arg4[%add3A_388, %dma_start3A_397] : memref<262144x64xf32, #tpu.memory_space<hbm>> -> memref<512x64xf32, #tpu.memory_space<hbm>>
      %dma_start3A_399 = arith.constant 0 : i32
      %dma_start3A_400 = arith.constant 0 : i32
      %dma_start3A_401 = tpu.memref_slice %arg7[%run_scoped3A_389, %dma_start3A_399, %dma_start3A_400] : memref<2x512x64xf32, #tpu.memory_space<vmem>> -> memref<1x512x64xf32, #tpu.memory_space<vmem>>
      %dma_start3A_402 = tpu.memref_squeeze %dma_start3A_401 : memref<1x512x64xf32, #tpu.memory_space<vmem>> -> memref<512x64xf32, #tpu.memory_space<vmem>>
      tpu.enqueue_dma source(%dma_start3A_402 : memref<512x64xf32, #tpu.memory_space<vmem>>) target(%dma_start3A_398 : memref<512x64xf32, #tpu.memory_space<hbm>>) target_semaphore(%run_scoped3A_390 : memref<!tpu.dma_semaphore, #tpu.memory_space<semaphore_mem>>)
      %dma_wait3A_403 = arith.constant 0 : i32
      %dma_wait3A_404 = arith.constant 0 : i32
      %dma_wait3A_405 = tpu.memref_slice %arg7[%run_scoped3A_389, %dma_wait3A_403, %dma_wait3A_404] : memref<2x512x64xf32, #tpu.memory_space<vmem>> -> memref<1x512x64xf32, #tpu.memory_space<vmem>>
      %dma_wait3A_406 = tpu.memref_squeeze %dma_wait3A_405 : memref<1x512x64xf32, #tpu.memory_space<vmem>> -> memref<512x64xf32, #tpu.memory_space<vmem>>
      %dma_wait3A_407 = arith.constant 0 : i32
      %dma_wait3A_408 = tpu.memref_slice %arg4[%add3A_388, %dma_wait3A_407] : memref<262144x64xf32, #tpu.memory_space<hbm>> -> memref<512x64xf32, #tpu.memory_space<hbm>>
      %dma_wait3A_409 = arith.constant 0 : i32
      %dma_wait3A_410 = tpu.memref_slice %arg4[%add3A_388, %dma_wait3A_409] : memref<262144x64xf32, #tpu.memory_space<hbm>> -> memref<512x64xf32, #tpu.memory_space<hbm>>
      %dma_wait3A_411 = arith.constant 0 : i32
      %dma_wait3A_412 = arith.constant 0 : i32
      %dma_wait3A_413 = tpu.memref_slice %arg7[%run_scoped3A_389, %dma_wait3A_411, %dma_wait3A_412] : memref<2x512x64xf32, #tpu.memory_space<vmem>> -> memref<1x512x64xf32, #tpu.memory_space<vmem>>
      %dma_wait3A_414 = tpu.memref_squeeze %dma_wait3A_413 : memref<1x512x64xf32, #tpu.memory_space<vmem>> -> memref<512x64xf32, #tpu.memory_space<vmem>>
      tpu.wait_dma2 semaphore(%run_scoped3A_390 : memref<!tpu.dma_semaphore, #tpu.memory_space<semaphore_mem>>) src(%dma_wait3A_414 : memref<512x64xf32, #tpu.memory_space<vmem>>) dst(%dma_wait3A_410 : memref<512x64xf32, #tpu.memory_space<hbm>>)
      tpu.yield
    }) : () -> ()
    return
  }
}

module attributes {stable_mosaic.version = 14 : i64} {
  func.func @_tc_proj_body(%arg0: i32, %arg1: memref<4096x128xf32, #tpu.memory_space<vmem>>, %arg2: memref<1024x1024xbf16, #tpu.memory_space<vmem>>, %arg3: memref<1024xf32, #tpu.memory_space<vmem>>, %arg4: memref<4x1024x1024xbf16, #tpu.memory_space<vmem>>, %arg5: memref<4x1024xf32, #tpu.memory_space<vmem>>, %arg6: memref<4x1024xf32, #tpu.memory_space<vmem>>, %arg7: memref<5x512x1024xf32, #tpu.memory_space<vmem>>) attributes {dimension_semantics = [#tpu.dimension_semantics<arbitrary>], iteration_bounds = array<i64: 32>, scalar_prefetch = 0 : i64, scratch_operands = 0 : i64, tpu.core_type = #tpu.core_type<tc>, window_params = [{transform_indices = @transform_0, window_bounds = array<i64: 4096, 128>}, {pipeline_mode = #tpu.pipeline_mode<synchronous>, transform_indices = @transform_1, window_bounds = array<i64: 1024, 1024>}, {pipeline_mode = #tpu.pipeline_mode<synchronous>, transform_indices = @transform_2, window_bounds = array<i64: 1024>}, {pipeline_mode = #tpu.pipeline_mode<synchronous>, transform_indices = @transform_3, window_bounds = array<i64: 4, 1024, 1024>}, {pipeline_mode = #tpu.pipeline_mode<synchronous>, transform_indices = @transform_4, window_bounds = array<i64: 4, 1024>}, {pipeline_mode = #tpu.pipeline_mode<synchronous>, transform_indices = @transform_5, window_bounds = array<i64: 4, 1024>}, {transform_indices = @transform_6, window_bounds = array<i64: 5, 512, 1024>}]} {
    %get3A = arith.constant 0 : index
    %get3A_0 = arith.constant 0 : index
    %get3A_1 = vector.load %arg1[%get3A, %get3A_0] : memref<4096x128xf32, #tpu.memory_space<vmem>>, vector<4096x128xf32>
    %reshape3A = vector.shape_cast %get3A_1 : vector<4096x128xf32> to vector<512x1024xf32>
    %convert_element_type3A = arith.truncf %reshape3A : vector<512x1024xf32> to vector<512x1024xbf16>
    %get3A_2 = arith.constant 0 : index
    %get3A_3 = arith.constant 0 : index
    %get3A_4 = vector.load %arg2[%get3A_2, %get3A_3] : memref<1024x1024xbf16, #tpu.memory_space<vmem>>, vector<1024x1024xbf16>
    %dot_general3A = arith.constant dense<0.000000e+00> : vector<512x1024xf32>
    %dot_general3A_5 = tpu.matmul %convert_element_type3A, %get3A_4, %dot_general3A {dimension_numbers = #tpu.dot_dimension_numbers<[1], [1], [0], [0], [0, 0, 1, 0], [], []>, transpose_lhs_hint = false} : vector<512x1024xbf16>, vector<1024x1024xbf16>, vector<512x1024xf32> -> vector<512x1024xf32>
    %get3A_6 = arith.constant 0 : index
    %get3A_7 = vector.load %arg3[%get3A_6] : memref<1024xf32, #tpu.memory_space<vmem>>, vector<1024xf32>
    %broadcast_in_dim3A = vector.shape_cast %get3A_7 : vector<1024xf32> to vector<1x1024xf32>
    %add3A = vector.broadcast %broadcast_in_dim3A : vector<1x1024xf32> to vector<512x1024xf32>
    %add3A_8 = arith.addf %dot_general3A_5, %add3A : vector<512x1024xf32>
    %swap3A = arith.constant 0 : index
    %swap3A_9 = arith.constant 0 : index
    %swap3A_10 = arith.constant 0 : index
    %swap3A_11 = vector.load %arg7[%swap3A, %swap3A_9, %swap3A_10] : memref<5x512x1024xf32, #tpu.memory_space<vmem>>, vector<1x512x1024xf32>
    %swap3A_12 = vector.shape_cast %swap3A_11 : vector<1x512x1024xf32> to vector<512x1024xf32>
    %swap3A_13 = vector.shape_cast %add3A_8 : vector<512x1024xf32> to vector<1x512x1024xf32>
    tpu.vector_store %arg7[%swap3A, %swap3A_9, %swap3A_10], %swap3A_13 {strides = array<i32>} : memref<5x512x1024xf32, #tpu.memory_space<vmem>>, vector<1x512x1024xf32>,
    %get3A_14 = arith.constant 0 : index
    %get3A_15 = arith.constant 0 : index
    %get3A_16 = arith.constant 0 : index
    %get3A_17 = vector.load %arg4[%get3A_14, %get3A_15, %get3A_16] : memref<4x1024x1024xbf16, #tpu.memory_space<vmem>>, vector<1x1024x1024xbf16>
    %get3A_18 = vector.shape_cast %get3A_17 : vector<1x1024x1024xbf16> to vector<1024x1024xbf16>
    %dot_general3A_19 = arith.constant dense<0.000000e+00> : vector<512x1024xf32>
    %dot_general3A_20 = tpu.matmul %convert_element_type3A, %get3A_18, %dot_general3A_19 {dimension_numbers = #tpu.dot_dimension_numbers<[1], [1], [0], [0], [0, 0, 1, 0], [], []>, transpose_lhs_hint = false} : vector<512x1024xbf16>, vector<1024x1024xbf16>, vector<512x1024xf32> -> vector<512x1024xf32>
    %get3A_21 = arith.constant 0 : index
    %get3A_22 = arith.constant 0 : index
    %get3A_23 = vector.load %arg5[%get3A_21, %get3A_22] : memref<4x1024xf32, #tpu.memory_space<vmem>>, vector<1x1024xf32>
    %get3A_24 = vector.shape_cast %get3A_23 : vector<1x1024xf32> to vector<1024xf32>
    %broadcast_in_dim3A_25 = vector.shape_cast %get3A_24 : vector<1024xf32> to vector<1x1024xf32>
    %add3A_26 = vector.broadcast %broadcast_in_dim3A_25 : vector<1x1024xf32> to vector<512x1024xf32>
    %add3A_27 = arith.addf %dot_general3A_20, %add3A_26 : vector<512x1024xf32>
    %mul3A = arith.mulf %add3A_27, %add3A_27 : vector<512x1024xf32>
    %reduce_sum3A = arith.constant dense<0.000000e+00> : vector<512xf32>
    %reduce_sum3A_28 = vector.multi_reduction <add>, %mul3A, %reduce_sum3A [1] : vector<512x1024xf32> to vector<512xf32>
    %broadcast_in_dim3A_29 = vector.shape_cast %reduce_sum3A_28 : vector<512xf32> to vector<512x1xf32>
    %div3A = arith.constant 1.024000e+03 : f32
    %div3A_30 = vector.broadcast %div3A : f32 to vector<512x1xf32>
    %div3A_31 = arith.divf %broadcast_in_dim3A_29, %div3A_30 : vector<512x1xf32>
    %add3A_32 = arith.constant 9.99999997E-7 : f32
    %add3A_33 = vector.broadcast %add3A_32 : f32 to vector<512x1xf32>
    %add3A_34 = arith.addf %div3A_31, %add3A_33 : vector<512x1xf32>
    %rsqrt3A = math.rsqrt %add3A_34 : vector<512x1xf32>
    %mul3A_35 = vector.broadcast %rsqrt3A : vector<512x1xf32> to vector<512x1024xf32>
    %mul3A_36 = arith.mulf %add3A_27, %mul3A_35 : vector<512x1024xf32>
    %get3A_37 = arith.constant 0 : index
    %get3A_38 = arith.constant 0 : index
    %get3A_39 = vector.load %arg6[%get3A_37, %get3A_38] : memref<4x1024xf32, #tpu.memory_space<vmem>>, vector<1x1024xf32>
    %get3A_40 = vector.shape_cast %get3A_39 : vector<1x1024xf32> to vector<1024xf32>
    %broadcast_in_dim3A_41 = vector.shape_cast %get3A_40 : vector<1024xf32> to vector<1x1024xf32>
    %mul3A_42 = vector.broadcast %broadcast_in_dim3A_41 : vector<1x1024xf32> to vector<512x1024xf32>
    %mul3A_43 = arith.mulf %mul3A_36, %mul3A_42 : vector<512x1024xf32>
    %swap3A_44 = arith.constant 1 : index
    %swap3A_45 = arith.constant 0 : index
    %swap3A_46 = arith.constant 0 : index
    %swap3A_47 = vector.load %arg7[%swap3A_44, %swap3A_45, %swap3A_46] : memref<5x512x1024xf32, #tpu.memory_space<vmem>>, vector<1x512x1024xf32>
    %swap3A_48 = vector.shape_cast %swap3A_47 : vector<1x512x1024xf32> to vector<512x1024xf32>
    %swap3A_49 = vector.shape_cast %mul3A_43 : vector<512x1024xf32> to vector<1x512x1024xf32>
    tpu.vector_store %arg7[%swap3A_44, %swap3A_45, %swap3A_46], %swap3A_49 {strides = array<i32>} : memref<5x512x1024xf32, #tpu.memory_space<vmem>>, vector<1x512x1024xf32>,
    %get3A_50 = arith.constant 1 : index
    %get3A_51 = arith.constant 0 : index
    %get3A_52 = arith.constant 0 : index
    %get3A_53 = vector.load %arg4[%get3A_50, %get3A_51, %get3A_52] : memref<4x1024x1024xbf16, #tpu.memory_space<vmem>>, vector<1x1024x1024xbf16>
    %get3A_54 = vector.shape_cast %get3A_53 : vector<1x1024x1024xbf16> to vector<1024x1024xbf16>
    %dot_general3A_55 = arith.constant dense<0.000000e+00> : vector<512x1024xf32>
    %dot_general3A_56 = tpu.matmul %convert_element_type3A, %get3A_54, %dot_general3A_55 {dimension_numbers = #tpu.dot_dimension_numbers<[1], [1], [0], [0], [0, 0, 1, 0], [], []>, transpose_lhs_hint = false} : vector<512x1024xbf16>, vector<1024x1024xbf16>, vector<512x1024xf32> -> vector<512x1024xf32>
    %get3A_57 = arith.constant 1 : index
    %get3A_58 = arith.constant 0 : index
    %get3A_59 = vector.load %arg5[%get3A_57, %get3A_58] : memref<4x1024xf32, #tpu.memory_space<vmem>>, vector<1x1024xf32>
    %get3A_60 = vector.shape_cast %get3A_59 : vector<1x1024xf32> to vector<1024xf32>
    %broadcast_in_dim3A_61 = vector.shape_cast %get3A_60 : vector<1024xf32> to vector<1x1024xf32>
    %add3A_62 = vector.broadcast %broadcast_in_dim3A_61 : vector<1x1024xf32> to vector<512x1024xf32>
    %add3A_63 = arith.addf %dot_general3A_56, %add3A_62 : vector<512x1024xf32>
    %mul3A_64 = arith.mulf %add3A_63, %add3A_63 : vector<512x1024xf32>
    %reduce_sum3A_65 = arith.constant dense<0.000000e+00> : vector<512xf32>
    %reduce_sum3A_66 = vector.multi_reduction <add>, %mul3A_64, %reduce_sum3A_65 [1] : vector<512x1024xf32> to vector<512xf32>
    %broadcast_in_dim3A_67 = vector.shape_cast %reduce_sum3A_66 : vector<512xf32> to vector<512x1xf32>
    %div3A_68 = arith.constant 1.024000e+03 : f32
    %div3A_69 = vector.broadcast %div3A_68 : f32 to vector<512x1xf32>
    %div3A_70 = arith.divf %broadcast_in_dim3A_67, %div3A_69 : vector<512x1xf32>
    %add3A_71 = arith.constant 9.99999997E-7 : f32
    %add3A_72 = vector.broadcast %add3A_71 : f32 to vector<512x1xf32>
    %add3A_73 = arith.addf %div3A_70, %add3A_72 : vector<512x1xf32>
    %rsqrt3A_74 = math.rsqrt %add3A_73 : vector<512x1xf32>
    %mul3A_75 = vector.broadcast %rsqrt3A_74 : vector<512x1xf32> to vector<512x1024xf32>
    %mul3A_76 = arith.mulf %add3A_63, %mul3A_75 : vector<512x1024xf32>
    %get3A_77 = arith.constant 1 : index
    %get3A_78 = arith.constant 0 : index
    %get3A_79 = vector.load %arg6[%get3A_77, %get3A_78] : memref<4x1024xf32, #tpu.memory_space<vmem>>, vector<1x1024xf32>
    %get3A_80 = vector.shape_cast %get3A_79 : vector<1x1024xf32> to vector<1024xf32>
    %broadcast_in_dim3A_81 = vector.shape_cast %get3A_80 : vector<1024xf32> to vector<1x1024xf32>
    %mul3A_82 = vector.broadcast %broadcast_in_dim3A_81 : vector<1x1024xf32> to vector<512x1024xf32>
    %mul3A_83 = arith.mulf %mul3A_76, %mul3A_82 : vector<512x1024xf32>
    %swap3A_84 = arith.constant 2 : index
    %swap3A_85 = arith.constant 0 : index
    %swap3A_86 = arith.constant 0 : index
    %swap3A_87 = vector.load %arg7[%swap3A_84, %swap3A_85, %swap3A_86] : memref<5x512x1024xf32, #tpu.memory_space<vmem>>, vector<1x512x1024xf32>
    %swap3A_88 = vector.shape_cast %swap3A_87 : vector<1x512x1024xf32> to vector<512x1024xf32>
    %swap3A_89 = vector.shape_cast %mul3A_83 : vector<512x1024xf32> to vector<1x512x1024xf32>
    tpu.vector_store %arg7[%swap3A_84, %swap3A_85, %swap3A_86], %swap3A_89 {strides = array<i32>} : memref<5x512x1024xf32, #tpu.memory_space<vmem>>, vector<1x512x1024xf32>,
    %get3A_90 = arith.constant 2 : index
    %get3A_91 = arith.constant 0 : index
    %get3A_92 = arith.constant 0 : index
    %get3A_93 = vector.load %arg4[%get3A_90, %get3A_91, %get3A_92] : memref<4x1024x1024xbf16, #tpu.memory_space<vmem>>, vector<1x1024x1024xbf16>
    %get3A_94 = vector.shape_cast %get3A_93 : vector<1x1024x1024xbf16> to vector<1024x1024xbf16>
    %dot_general3A_95 = arith.constant dense<0.000000e+00> : vector<512x1024xf32>
    %dot_general3A_96 = tpu.matmul %convert_element_type3A, %get3A_94, %dot_general3A_95 {dimension_numbers = #tpu.dot_dimension_numbers<[1], [1], [0], [0], [0, 0, 1, 0], [], []>, transpose_lhs_hint = false} : vector<512x1024xbf16>, vector<1024x1024xbf16>, vector<512x1024xf32> -> vector<512x1024xf32>
    %get3A_97 = arith.constant 2 : index
    %get3A_98 = arith.constant 0 : index
    %get3A_99 = vector.load %arg5[%get3A_97, %get3A_98] : memref<4x1024xf32, #tpu.memory_space<vmem>>, vector<1x1024xf32>
    %get3A_100 = vector.shape_cast %get3A_99 : vector<1x1024xf32> to vector<1024xf32>
    %broadcast_in_dim3A_101 = vector.shape_cast %get3A_100 : vector<1024xf32> to vector<1x1024xf32>
    %add3A_102 = vector.broadcast %broadcast_in_dim3A_101 : vector<1x1024xf32> to vector<512x1024xf32>
    %add3A_103 = arith.addf %dot_general3A_96, %add3A_102 : vector<512x1024xf32>
    %mul3A_104 = arith.mulf %add3A_103, %add3A_103 : vector<512x1024xf32>
    %reduce_sum3A_105 = arith.constant dense<0.000000e+00> : vector<512xf32>
    %reduce_sum3A_106 = vector.multi_reduction <add>, %mul3A_104, %reduce_sum3A_105 [1] : vector<512x1024xf32> to vector<512xf32>
    %broadcast_in_dim3A_107 = vector.shape_cast %reduce_sum3A_106 : vector<512xf32> to vector<512x1xf32>
    %div3A_108 = arith.constant 1.024000e+03 : f32
    %div3A_109 = vector.broadcast %div3A_108 : f32 to vector<512x1xf32>
    %div3A_110 = arith.divf %broadcast_in_dim3A_107, %div3A_109 : vector<512x1xf32>
    %add3A_111 = arith.constant 9.99999997E-7 : f32
    %add3A_112 = vector.broadcast %add3A_111 : f32 to vector<512x1xf32>
    %add3A_113 = arith.addf %div3A_110, %add3A_112 : vector<512x1xf32>
    %rsqrt3A_114 = math.rsqrt %add3A_113 : vector<512x1xf32>
    %mul3A_115 = vector.broadcast %rsqrt3A_114 : vector<512x1xf32> to vector<512x1024xf32>
    %mul3A_116 = arith.mulf %add3A_103, %mul3A_115 : vector<512x1024xf32>
    %get3A_117 = arith.constant 2 : index
    %get3A_118 = arith.constant 0 : index
    %get3A_119 = vector.load %arg6[%get3A_117, %get3A_118] : memref<4x1024xf32, #tpu.memory_space<vmem>>, vector<1x1024xf32>
    %get3A_120 = vector.shape_cast %get3A_119 : vector<1x1024xf32> to vector<1024xf32>
    %broadcast_in_dim3A_121 = vector.shape_cast %get3A_120 : vector<1024xf32> to vector<1x1024xf32>
    %mul3A_122 = vector.broadcast %broadcast_in_dim3A_121 : vector<1x1024xf32> to vector<512x1024xf32>
    %mul3A_123 = arith.mulf %mul3A_116, %mul3A_122 : vector<512x1024xf32>
    %swap3A_124 = arith.constant 3 : index
    %swap3A_125 = arith.constant 0 : index
    %swap3A_126 = arith.constant 0 : index
    %swap3A_127 = vector.load %arg7[%swap3A_124, %swap3A_125, %swap3A_126] : memref<5x512x1024xf32, #tpu.memory_space<vmem>>, vector<1x512x1024xf32>
    %swap3A_128 = vector.shape_cast %swap3A_127 : vector<1x512x1024xf32> to vector<512x1024xf32>
    %swap3A_129 = vector.shape_cast %mul3A_123 : vector<512x1024xf32> to vector<1x512x1024xf32>
    tpu.vector_store %arg7[%swap3A_124, %swap3A_125, %swap3A_126], %swap3A_129 {strides = array<i32>} : memref<5x512x1024xf32, #tpu.memory_space<vmem>>, vector<1x512x1024xf32>,
    %get3A_130 = arith.constant 3 : index
    %get3A_131 = arith.constant 0 : index
    %get3A_132 = arith.constant 0 : index
    %get3A_133 = vector.load %arg4[%get3A_130, %get3A_131, %get3A_132] : memref<4x1024x1024xbf16, #tpu.memory_space<vmem>>, vector<1x1024x1024xbf16>
    %get3A_134 = vector.shape_cast %get3A_133 : vector<1x1024x1024xbf16> to vector<1024x1024xbf16>
    %dot_general3A_135 = arith.constant dense<0.000000e+00> : vector<512x1024xf32>
    %dot_general3A_136 = tpu.matmul %convert_element_type3A, %get3A_134, %dot_general3A_135 {dimension_numbers = #tpu.dot_dimension_numbers<[1], [1], [0], [0], [0, 0, 1, 0], [], []>, transpose_lhs_hint = false} : vector<512x1024xbf16>, vector<1024x1024xbf16>, vector<512x1024xf32> -> vector<512x1024xf32>
    %get3A_137 = arith.constant 3 : index
    %get3A_138 = arith.constant 0 : index
    %get3A_139 = vector.load %arg5[%get3A_137, %get3A_138] : memref<4x1024xf32, #tpu.memory_space<vmem>>, vector<1x1024xf32>
    %get3A_140 = vector.shape_cast %get3A_139 : vector<1x1024xf32> to vector<1024xf32>
    %broadcast_in_dim3A_141 = vector.shape_cast %get3A_140 : vector<1024xf32> to vector<1x1024xf32>
    %add3A_142 = vector.broadcast %broadcast_in_dim3A_141 : vector<1x1024xf32> to vector<512x1024xf32>
    %add3A_143 = arith.addf %dot_general3A_136, %add3A_142 : vector<512x1024xf32>
    %mul3A_144 = arith.mulf %add3A_143, %add3A_143 : vector<512x1024xf32>
    %reduce_sum3A_145 = arith.constant dense<0.000000e+00> : vector<512xf32>
    %reduce_sum3A_146 = vector.multi_reduction <add>, %mul3A_144, %reduce_sum3A_145 [1] : vector<512x1024xf32> to vector<512xf32>
    %broadcast_in_dim3A_147 = vector.shape_cast %reduce_sum3A_146 : vector<512xf32> to vector<512x1xf32>
    %div3A_148 = arith.constant 1.024000e+03 : f32
    %div3A_149 = vector.broadcast %div3A_148 : f32 to vector<512x1xf32>
    %div3A_150 = arith.divf %broadcast_in_dim3A_147, %div3A_149 : vector<512x1xf32>
    %add3A_151 = arith.constant 9.99999997E-7 : f32
    %add3A_152 = vector.broadcast %add3A_151 : f32 to vector<512x1xf32>
    %add3A_153 = arith.addf %div3A_150, %add3A_152 : vector<512x1xf32>
    %rsqrt3A_154 = math.rsqrt %add3A_153 : vector<512x1xf32>
    %mul3A_155 = vector.broadcast %rsqrt3A_154 : vector<512x1xf32> to vector<512x1024xf32>
    %mul3A_156 = arith.mulf %add3A_143, %mul3A_155 : vector<512x1024xf32>
    %get3A_157 = arith.constant 3 : index
    %get3A_158 = arith.constant 0 : index
    %get3A_159 = vector.load %arg6[%get3A_157, %get3A_158] : memref<4x1024xf32, #tpu.memory_space<vmem>>, vector<1x1024xf32>
    %get3A_160 = vector.shape_cast %get3A_159 : vector<1x1024xf32> to vector<1024xf32>
    %broadcast_in_dim3A_161 = vector.shape_cast %get3A_160 : vector<1024xf32> to vector<1x1024xf32>
    %mul3A_162 = vector.broadcast %broadcast_in_dim3A_161 : vector<1x1024xf32> to vector<512x1024xf32>
    %mul3A_163 = arith.mulf %mul3A_156, %mul3A_162 : vector<512x1024xf32>
    %swap3A_164 = arith.constant 4 : index
    %swap3A_165 = arith.constant 0 : index
    %swap3A_166 = arith.constant 0 : index
    %swap3A_167 = vector.load %arg7[%swap3A_164, %swap3A_165, %swap3A_166] : memref<5x512x1024xf32, #tpu.memory_space<vmem>>, vector<1x512x1024xf32>
    %swap3A_168 = vector.shape_cast %swap3A_167 : vector<1x512x1024xf32> to vector<512x1024xf32>
    %swap3A_169 = vector.shape_cast %mul3A_163 : vector<512x1024xf32> to vector<1x512x1024xf32>
    tpu.vector_store %arg7[%swap3A_164, %swap3A_165, %swap3A_166], %swap3A_169 {strides = array<i32>} : memref<5x512x1024xf32, #tpu.memory_space<vmem>>, vector<1x512x1024xf32>,
    return
  }
  func.func @transform_0(%arg0: i32) -> (i32, i32) {
    %c0_i32 = arith.constant 0 : i32
    %c0_i32_0 = arith.constant 0 : i32
    return %arg0, %c0_i32 : i32, i32
  }
  func.func @transform_1(%arg0: i32) -> (i32, i32) {
    %c0_i32 = arith.constant 0 : i32
    %c0_i32_0 = arith.constant 0 : i32
    %c0_i32_1 = arith.constant 0 : i32
    return %c0_i32, %c0_i32_0 : i32, i32
  }
  func.func @transform_2(%arg0: i32) -> i32 {
    %c0_i32 = arith.constant 0 : i32
    %c0_i32_0 = arith.constant 0 : i32
    return %c0_i32 : i32
  }
  func.func @transform_3(%arg0: i32) -> (i32, i32, i32) {
    %c0_i32 = arith.constant 0 : i32
    %c0_i32_0 = arith.constant 0 : i32
    %c0_i32_1 = arith.constant 0 : i32
    %c0_i32_2 = arith.constant 0 : i32
    return %c0_i32, %c0_i32_0, %c0_i32_1 : i32, i32, i32
  }
  func.func @transform_4(%arg0: i32) -> (i32, i32) {
    %c0_i32 = arith.constant 0 : i32
    %c0_i32_0 = arith.constant 0 : i32
    %c0_i32_1 = arith.constant 0 : i32
    return %c0_i32, %c0_i32_0 : i32, i32
  }
  func.func @transform_5(%arg0: i32) -> (i32, i32) {
    %c0_i32 = arith.constant 0 : i32
    %c0_i32_0 = arith.constant 0 : i32
    %c0_i32_1 = arith.constant 0 : i32
    return %c0_i32, %c0_i32_0 : i32, i32
  }
  func.func @transform_6(%arg0: i32) -> (i32, i32, i32) {
    %c0_i32 = arith.constant 0 : i32
    %c0_i32_0 = arith.constant 0 : i32
    %c0_i32_1 = arith.constant 0 : i32
    return %c0_i32, %arg0, %c0_i32_0 : i32, i32, i32
  }
}

</mosaic_0001>

<sc_bundles>
// kernel: kernel.4.cloned.1.call-start
scs
__scs_entry_jumppad:
0x0: {  	(pc) =	sbr.rel $0x88, $3  }
0x1: {  	(tag) =	ssettag $0x0;
	lr =	simm.s32 $0x1  }
0x2: {  	[smem:$0x3F9A] =	sst lr;
	_ =	strace $0xD0000000  }
0x3: {  	_ = 	snop  }
0x4: {  	_ = 	snop  }
0x5: {  	_ = 	snop  }
0x6: {  	_ = 	snop  }
0x7: {  	_ = 	snop  }
__scs_overlays_trampoline_lowered:
0x8: {  	[smem:$0x3FA9] =	sst s0  }
0x9: {  	[smem:$0x3FAA] =	sst s1  }
0xa: {  	[smem:$0x3FAB] =	sst s2  }
0xb: {  	[smem:$0x3FAC] =	sst s3  }
0xc: {  	[smem:$0x3FAD] =	sst s4  }
0xd: {  	[smem:$0x3FAE] =	sst s5  }
0xe: {  	[smem:$0x3FAF] =	sst s6  }
0xf: {  	[smem:$0x3FB0] =	sst s7  }
0x10: {  	[smem:$0x3FB1] =	sst s8  }
0x11: {  	[smem:$0x3FB2] =	sst s9;
	s0 =	simm.s32 @!p0 $0x0  }
0x12: {  	s1 =	sld [smem:$0x3F98];
	s0 =	simm.s32 @p0 $0x1  }
0x13: {  	[smem:$0x3FB3] =	sst s0;
	s0 =	simm.s32 @!p1 $0x0  }
0x14: {  	s2 =	sld [smem:$0x3F97];
	s0 =	simm.s32 @p1 $0x1  }
0x15: {  	[smem:$0x3FB4] =	sst s0;
	s0 =	simm.s32 @!p2 $0x0  }
0x16: {  	s3 =	sld [smem:$0x3FDB];
	s0 =	simm.s32 @p2 $0x1  }
0x17: {  	s4 =	simm.s32 $0x1BF5;
	[smem:$0x3FB6] =	sst s0  }
0x18: {  	s0 =	sld [smem:$0x3F99];
	_ =	swait.ge [sflag:s4], $0x0  }
0x19: {  	s7 =	sld [smem:$0x3F9A]  }
0x1a: {  	s8 =	sadd.s32 $0xFFFFE003, lr  }
0x1b: {  	s9 =	sadd.s32 $0xFFFFFEF7, lr;
	s5 =	simm.s32 $0xFFFFFFFF;
	p2 =	slt.u32 s8, $0xFFFFF086  }
0x1c: {  	p1 =	slt.u32 s9, $0xF7A;
	s5 =	simm.s32 @!p2 $0x0  }
0x1d: {  	s5 =	simm.s32 @p1 $0x1;
	p0 =	seq.s32 s7, s2  }
0x1e: {  	s7 =	smul.u32 @!p0 $0xF7A, s2;
	p2 =	seq.s32 @!p0 s5, $0x0  }
0x1f: {  	s9 =	smul.u32 $0xF7A, s1;
	s8 =	simm.s32 @!p0 $0x1BF5;
	p2 =	por !p2, p0  }
0x20: {  	[sflag:s8] =	ssyncset.s32 @!p0 $0xFFFFF086;
	s6 =	sadd.s32 @!p0 s3, s7;
	s7 =	simm.s32 @!p0 $0x108  }
0x21: {  	s3 =	sadd.s32 s3, s9;
	s6 =	sadd.s32 @!p0 $0x88, s6;
	s7 =	simm.s32 @p2 $0x1082  }
0x22: {  	[simem:s7], [sflag:s8] =	dma.local @!p0 [hbm:s6], $0xF7A  }
0x23: {  	s9 =	sor.u32 $0xD0000000, s2;
	s6 =	simm.s32 $0x108;
	_ =	swait.ge @!p0 [sflag:s8], $0x0  }
0x24: {  	s3 =	sadd.s32 $0x88, s3;
	s6 =	simm.s32 @!p1 $0x1082;
	[sflag:s4] =	ssyncset.s32 $0xFFFFF086  }
0x25: {  	[simem:s6], [sflag:s4] =	dma.local [hbm:s3], $0xF7A  }
0x26: {  	[smem:$0x3F9A] =	sst s1;
	(tag) =	ssettag s2;
	_ =	strace s9  }
0x27: {  	s1 =	sld [smem:$0x3FAA]  }
0x28: {  	s2 =	sld [smem:$0x3FAB]  }
0x29: {  	s4 =	sld [smem:$0x3FAD]  }
0x2a: {  	p0 =	seq.s32 s5, $0x0;
	s5 =	sld [smem:$0x3FAE]  }
0x2b: {  	s6 =	sld [smem:$0x3FAF]  }
0x2c: {  	s7 =	sld [smem:$0x3FB0]  }
0x2d: {  	s3 =	simm.s32 $0x108;
	s8 =	sld [smem:$0x3FB1]  }
0x2e: {  	s3 =	simm.s32 @!p0 $0x1082;
	s9 =	sld [smem:$0x3FB2]  }
0x2f: {  	lr =	sadd.s32 s0, s3;
	s0 =	sld [smem:$0x3FA9]  }
0x30: {  	s3 =	sld [smem:$0x3FAC]  }
0x31: {  	[smem:$0x3FB5] =	sst s10  }
0x32: {  	s10 =	sld [smem:$0x3FB3];
	_ =	sdelay $0x3  }
0x33: {  	p0 =	seq.s32 s10, $0x1;
	s10 =	sld [smem:$0x3FB5];
	_ =	sdelay $0x3  }
0x34: {  	[smem:$0x3FB5] =	sst s10  }
0x35: {  	s10 =	sld [smem:$0x3FB4];
	_ =	sdelay $0x3  }
0x36: {  	p1 =	seq.s32 s10, $0x1;
	s10 =	sld [smem:$0x3FB5];
	_ =	sdelay $0x3  }
0x37: {  	[smem:$0x3FB5] =	sst s10  }
0x38: {  	s10 =	sld [smem:$0x3FB6]  }
0x39: {  	_ = 	snop;
	(pc) =	sbr.ind lr, $3  }
0x3a: {  	_ = 	snop  }
0x3b: {  	_ = 	snop  }
0x3c: {  	p2 =	seq.s32 s10, $0x1;
	s10 =	sld [smem:$0x3FB5]  }
0x3d: {  	_ =	shalt  }
0x3e: {  	_ =	shalt  }
0x3f: {  	_ =	shalt  }
0x40: {  	_ =	shalt  }
0x41: {  	_ =	shalt  }
0x42: {  	_ =	shalt  }
0x43: {  	_ =	shalt  }
0x44: {  	_ =	shalt  }
0x45: {  	_ =	shalt  }
0x46: {  	_ =	shalt  }
0x47: {  	_ =	shalt  }
0x48: {  	_ =	shalt  }
0x49: {  	_ =	shalt  }
0x4a: {  	_ =	shalt  }
0x4b: {  	_ =	shalt  }
0x4c: {  	_ =	shalt  }
0x4d: {  	_ =	shalt  }
0x4e: {  	_ =	shalt  }
0x4f: {  	_ =	shalt  }
0x50: {  	_ =	shalt  }
0x51: {  	_ =	shalt  }
0x52: {  	_ =	shalt  }
0x53: {  	_ =	shalt  }
0x54: {  	_ =	shalt  }
0x55: {  	_ =	shalt  }
0x56: {  	_ =	shalt  }
0x57: {  	_ =	shalt  }
0x58: {  	_ =	shalt  }
0x59: {  	_ =	shalt  }
0x5a: {  	_ =	shalt  }
0x5b: {  	_ =	shalt  }
0x5c: {  	_ =	shalt  }
0x5d: {  	_ =	shalt  }
0x5e: {  	_ =	shalt  }
0x5f: {  	_ =	shalt  }
0x60: {  	_ =	shalt  }
0x61: {  	_ =	shalt  }
0x62: {  	_ =	shalt  }
0x63: {  	_ =	shalt  }
0x64: {  	_ =	shalt  }
0x65: {  	_ =	shalt  }
0x66: {  	_ =	shalt  }
0x67: {  	_ =	shalt  }
0x68: {  	_ =	shalt  }
0x69: {  	_ =	shalt  }
0x6a: {  	_ =	shalt  }
0x6b: {  	_ =	shalt  }
0x6c: {  	_ =	shalt  }
0x6d: {  	_ =	shalt  }
0x6e: {  	_ =	shalt  }
0x6f: {  	_ =	shalt  }
0x70: {  	_ =	shalt  }
0x71: {  	_ =	shalt  }
0x72: {  	_ =	shalt  }
0x73: {  	_ =	shalt  }
0x74: {  	_ =	shalt  }
0x75: {  	_ =	shalt  }
0x76: {  	_ =	shalt  }
0x77: {  	_ =	shalt  }
0x78: {  	_ =	shalt  }
0x79: {  	_ =	shalt  }
0x7a: {  	_ =	shalt  }
0x7b: {  	_ =	shalt  }
0x7c: {  	_ =	shalt  }
0x7d: {  	_ =	shalt  }
0x7e: {  	_ =	shalt  }
0x7f: {  	_ =	shalt  }
0x80: {  	_ =	shalt  }
0x81: {  	_ =	shalt  }
0x82: {  	_ =	shalt  }
0x83: {  	_ =	shalt  }
0x84: {  	_ =	shalt  }
0x85: {  	_ =	shalt  }
0x86: {  	_ =	shalt  }
0x87: {  	_ =	shalt  }
.Lfunc_end0:
.L_simem_size_0:
called_computation_lowered:
.L_overlay_start_0:
0x88: {  	s2 =	sld [smem:$0x3FD9]  }
0x89: {  	s3 =	sld [smem:$0x3FFE];
	_ =	sdelay $0x1  }
0x8a: {  	s1 =	srdreg.scid  }
0x8b: {  	s0 =	sand.u32 $0x1, s1  }
0x8c: {  	s17 =	sshll.u32 s0, $0xA;
	s2 =	sadd.s32 s3, s2  }
0x8d: {  	s2 =	sadd.s32 s2, s17  }
0x8e: {  	[smem:$0x3FC1] =	sst s2  }
0x8f: {  	_ = 	snop  }
0x90: {  	s2 =	sld [smem:$0x3FD0];
	(tm) =	ssettm $0x1  }
0x91: {  	s18 =	sld [smem:$0x3FFB];
	_ =	sdelay $0x3  }
0x92: {  	_ =	strace s18  }
0x93: {  	s3 =	sld [smem:$0x3FFC];
	_ =	sdelay $0x3  }
0x94: {  	_ =	strace s3  }
0x95: {  	s3 =	sld [smem:$0x3FFD];
	_ =	sdelay $0x3  }
0x96: {  	_ =	strace s3  }
0x97: {  	_ =	strace $0x8FFFFFFF  }
0x98: {  	s19 =	sld [smem:$0x3FDB];
	_ =	sdelay $0x1  }
0x99: {  	s4 =	simm.s32 $_scs_section_size  }
0x9a: {  	s5 =	simm.s32 $_size__tile_overlayer_lowered;
	s6 =	simm.s32 $_tile_overlayer_lowered  }
0x9b: {  	s22 =	simm.s32 $0x1BFF;
	s21 =	sshll.u32 s6, $0x1;
	s3 =	sadd.s32 s4, s19  }
0x9c: {  	s7 =	simm.s32 $0x0;
	s20 =	sshll.u32 s5, $0x1;
	s5 =	sadd.s32 s21, s3  }
0x9d: {  	[timem:s7], [sflag:s22] =	dma.local [hbm:s5], s20  }
0x9e: {  	_ =	swait.ge [sflag:s22], s20  }
0x9f: {  	s4 =	ssub.s32 $0x0, s20;
	[sflag:s22] =	ssyncset.done $0x0  }
0xa0: {  	[sflag:s22] =	ssyncadd.s32 s4;
	_ =	sdelay $0x1  }
0xa1: {  	s23 =	simm.s32 $0x1B8B  }
0xa2: {  	_ =	swait.ge [sflag:s23], $0x1  }
0xa3: {  	[sflag:s23] =	ssyncset.done $0x0  }
0xa4: {  	s25 =	simm.s32 $0x1B8E;
	s24 =	sld [smem:$0x3FFE];
	[sflag:s23] =	ssyncadd.s32 $0xFFFFFFFF  }
0xa5: {  	s26 =	simm.s32 $execute0_lowered;
	[smem:$0x3FD2] =	sst s25  }
0xa6: {  	s5 =	sshll.u32 s26, $0x1;
	_ =	strace $0x80000046;
	[dreg:$0x1] =	wrdreg $0xFFFFFFFF  }
0xa7: {  	s28 =	simm.s32 $_size_execute0_lowered;
	s3 =	sadd.s32 s3, s5;
	[dreg:$0x0] =	wrdreg $0x0  }
0xa8: {  	s5 =	sshll.u32 s28, $0x1;
	[dreg:$0x2] =	wrdreg s3  }
0xa9: {  	[dreg:$0x3] =	wrdreg s5  }
0xaa: {  	[dreg:$0x4] =	wrdreg $0xC0  }
0xab: {  	_ =	task [dreg:s7], $0x5FFFF  }
0xac: {  	[dreg:$0x1] =	wrdreg $0xFFFFFFFF  }
0xad: {  	[dreg:$0x0] =	wrdreg $0x60  }
0xae: {  	[dreg:$0x2] =	wrdreg s24  }
0xaf: {  	[dreg:$0x3] =	wrdreg s2  }
0xb0: {  	[dreg:$0x4] =	wrdreg $0x9  }
0xb1: {  	_ =	task.clear_ibuf [dreg:s7], $0x5FFFF;
	_ =	strace $0x90000046  }
0xb2: {  	s29 =	simm.s32 $0x9;
	_ =	strace $0x80000048  }
0xb3: {  	_ =	swait.ge [sflag:s29], $0x1  }
0xb4: {  	[sflag:s29] =	ssyncadd.s32 $0xFFFFFFFF  }
0xb5: {  	_ =	strace $0x90000048  }
0xb6: {  	_ =	sfence  }
0xb7: {  	s30 =	sld [smem:$0x0];
	_ =	sdelay $0x2  }
0xb8: {  	s31 =	sshll.u32 s1, $0xD;
	s1 =	sshrl.u32 s1, $0x2  }
0xb9: {  	s3 =	sand.u32 $0x4000, s31;
	s1 =	sadd.s32 s1, s30  }
0xba: {  	s0 =	sor.u32 s3, s0;
	s1 =	sshll.u32 s1, $0x11  }
0xbb: {  	s0 =	sor.u32 s1, s0  }
0xbc: {  	s0 =	sadd.s32 $0x8F2B, s0  }
0xbd: {  	[sflag:s0] =	ssyncadd.remote.s32 $0x1  }
0xbe: {  	_ =	sfence.sel $0xFFFF  }
0xbf: {  	[dreg:$0x0] =	wrdreg $0xFFFFFFFF;
	(pc) =	sbr.abs _section_cstart, $3  }
0xc0: {  	[dreg:$0x1] =	wrdreg $0xFFFFFFFF  }
0xc1: {  	_ =	task.clear_ibuf [dreg:s7], $0x2FFFF;
	_ =	strace $0x9FFFFFFF  }
0xc2: {  	(tm) =	ssettm $0x7FFFFFFF  }
0xc3: {  	_ =	shalt  }
tec
execute0_lowered:
.L_overlay_start_1:
0x0: {  	(tag) =	ssettag $0x1  }
0x1: {  	s0 =	rddreg [dreg:$0x0]  }
0x2: {  	s6 =	simm.s32 $0x0;
	s1 =	srdreg.scid;
	s2 =	stileid.u32  }
0x3: {  	[smem:$0x7FF] =	sst s6;
	s1 =	sand.u32 $0x1, s1;
	s2 =	sshll.u32 s2, $0x1  }
0x4: {  	s3 =	sadd.s32 $0x1000, s0;
	_ =	strace $0x80000047;
	s2 =	sor.u32 s1, s2  }
0x5: {  	vm0 =	vcmask $0x300;
	v0 =	vimm.s32 $0x0;
	s4 =	sshll.u32 s2, $0x10;
	s13 =	sshll.u32 s2, $0x6;
	s14 =	sand.u32 $0x7, s2  }
0x6: {  	vm1 =	vcmask $0x700;
	v2 =	vsel vm0, $0xFFFFFFFF, v0;
	s0 =	sadd.s32 s4, s0;
	s4 =	sadd.s32 s3, s13;
	[dreg:$0x3] =	wrdreg s14  }
0x7: {  	v3 =	vsel vm1, $0xFFFFFFFF, v0;
	[tilespmem:$0x1FED0] =	vst v2;
	[dreg:$0x4] =	wrdreg s4;
	s15 =	sadd.s32 $0x1800, s0  }
0x8: {  	v4 =	vsel vm0, $0x2, v0;
	v5 =	vsel vm1, $0x2, v0;
	v0 =	vlaneseq.u32;
	[tilespmem:$0x1FEE0] =	vst v3;
	s16 =	sadd.s32 $0x2800, s0;
	[dreg:$0x6] =	wrdreg s15  }
0x9: {  	v30 =	vmul.u32 $0x10, v0;
	[tilespmem:$0x1FEF0] =	vst v4;
	s17 =	sadd.s32 $0x3800, s0;
	[dreg:$0x7] =	wrdreg s16  }
0xa: {  	[tilespmem:$0x1FF00] =	vst v5;
	s18 =	sadd.s32 $0x4800, s0;
	[dreg:$0x8] =	wrdreg s17  }
0xb: {  	v32 =	vor.u32 $0x1, v30;
	[tilespmem:$0x1FF10] =	vst v30;
	s19 =	sadd.s32 $0x5800, s0;
	[dreg:$0x9] =	wrdreg s18  }
0xc: {  	v31 =	vor.u32 $0x2, v30;
	s20 =	sadd.s32 $0x6800, s0;
	[tilespmem:$0x1FF20] =	vst v32;
	[dreg:$0xa] =	wrdreg s19  }
0xd: {  	v33 =	vor.u32 $0x3, v30;
	s21 =	sadd.s32 $0x7800, s0;
	[tilespmem:$0x1FF30] =	vst v31;
	[dreg:$0xb] =	wrdreg s20  }
0xe: {  	v34 =	vor.u32 $0x4, v30;
	s22 =	sadd.s32 $0x8800, s0;
	[tilespmem:$0x1FF40] =	vst v33;
	[dreg:$0xc] =	wrdreg s21  }
0xf: {  	v35 =	vor.u32 $0x5, v30;
	s23 =	sadd.s32 $0x9800, s0;
	[tilespmem:$0x1FF50] =	vst v34;
	[dreg:$0xd] =	wrdreg s22  }
0x10: {  	v1 =	vimm.s32 $0xECA86420;
	v36 =	vor.u32 $0x6, v30;
	s24 =	sadd.s32 $0xA800, s0;
	[tilespmem:$0x1FF60] =	vst v35;
	[dreg:$0xe] =	wrdreg s23  }
0x11: {  	vm2 =	vcmask $0x1310;
	vm3 =	vcmask $0x1B18;
	v38 =	vor.u32 $0x8, v30;
	s25 =	sadd.s32 $0xB800, s0;
	[tilespmem:$0x1FF70] =	vst v36;
	[dreg:$0xf] =	wrdreg s24  }
0x12: {  	vm4 =	vcmask $0x2320;
	vm5 =	vcmask $0x2B28;
	s1 =	ssub.s32 $0x2, s1;
	v16 =	vor.u32 $0x9, v30;
	s26 =	sadd.s32 $0xC800, s0;
	[tilespmem:$0x1FF80] =	vst v38;
	[dreg:$0x10] =	wrdreg s25  }
0x13: {  	vm6 =	vcmask $0x3330;
	vm7 =	vcmask $0x3B38;
	s5 =	sshll.u32 s2, $0x9;
	v19 =	vor.u32 $0xA, v30;
	s28 =	sadd.s32 $0xD800, s0;
	[tilespmem:$0x1FF90] =	vst v16;
	[dreg:$0x11] =	wrdreg s26  }
0x14: {  	vm8 =	vmmov $0xff;
	vm9 =	vcmask $0x704;
	s12 =	sshrl.u32 s1, $0x1;
	v15 =	vor.u32 $0xB, v30;
	s29 =	sadd.s32 $0xE800, s0;
	[tilespmem:$0x1FFA0] =	vst v19;
	[dreg:$0x12] =	wrdreg s28  }
0x15: {  	vm10 =	vcmask $0xF0C;
	vm11 =	vcmask $0x1714;
	s5 =	sadd.s32 $0xFFFFFFF0, s5;
	v17 =	vor.u32 $0xC, v30;
	s30 =	sadd.s32 $0xF800, s0;
	[tilespmem:$0x1FFB0] =	vst v15;
	[dreg:$0x13] =	wrdreg s29  }
0x16: {  	vm12 =	vcmask $0x1F1C;
	vm13 =	vcmask $0x2724;
	s1 =	ssub.s32 s1, s12;
	v18 =	vor.u32 $0xD, v30;
	s0 =	sadd.s32 $0x10800, s0;
	[tilespmem:$0x1FFC0] =	vst v17;
	[dreg:$0x14] =	wrdreg s30  }
0x17: {  	vm14 =	vcmask $0x2F2C;
	v1 =	vunpack.c.l.s4.s8 v1;
	v12 =	vor.u32 $0xE, v30;
	s5 =	sshrl.u32 s5, $0x3;
	s31 =	smax.u32 s1, $0x1;
	[tilespmem:$0x1FFD0] =	vst v18;
	[dreg:$0x15] =	wrdreg s0  }
0x18: {  	vm15 =	vcmask $0x3734;
	vm1 =	vcmask $0xB08;
	p0 =	seq.s32 s2, $0x0;
	v14 =	vor.u32 $0xF, v30;
	[tilespmem:$0x1FFE0] =	vst v12;
	s3 =	sadd.s32 s3, s5;
	[dreg:$0x16] =	wrdreg s31  }
0x19: {  	v6 =	vmul.u32 $0x2, v0;
	v61 =	vunpack.c.0.s8.s32 v1;
	s2 =	simm.s32 $0x2;
	v48 =	vor.u32 $0x7, v30;
	s1 =	simm.s32 $0x0;
	[tilespmem:$0x1FFF0] =	vst v14;
	[dreg:$0x5] =	wrdreg s3  }
.LBB2_1:
0x1a: {  	[dreg:$0x17] =	wrdreg s1  }
0x1b: {  	s0 =	rddreg [dreg:$0x4];
	s31 =	simm.s32 $0x10  }
0x1c: {  	[tilespmem:s31], [sflag:$0x2] =	stream.linear.gather [hbm4b:s0+s6], $0x200, $0x38;
	[tilespmem:$0x12210] =	vst v63  }
0x1d: {  	_ =	swait.ge [sflag:s2], $0x200  }
0x1e: {  	[sflag:s2] =	ssyncset.done $0x0  }
0x1f: {  	s0 =	simm.s32 @!p0 $0x0;
	s1 =	rddreg [dreg:$0x5];
	[sflag:s2] =	ssyncadd.s32 $0xFFFFFE00  }
0x20: {  	[tilespmem:s0], [sflag:$0x2] =	stream.linear.gather @!p0 [hbm4b:s1+s0], $0x10, $0x38;
	[tilespmem:$0x12210] =	vst v63  }
0x21: {  	s0 =	simm.s32 @!p0 $0x2  }
0x22: {  	_ =	swait.ge @!p0 [sflag:s0], $0x10  }
0x23: {  	s21 =	simm.s32 $0x0;
	[sflag:s0] =	ssyncset.done @!p0 $0x0  }
0x24: {  	s2 =	simm.s32 $0x0;
	s1 =	simm.s32 $0x10;
	[sflag:s0] =	ssyncadd.s32 @!p0 $0xFFFFFFF0  }
.LBB2_2:
0x25: {  	s0 =	rddreg [dreg:$0x3]  }
0x26: {  	s0 =	sor.u32 s0, s2  }
0x27: {  	v0 =	vld [tilespmem:s1+$0xFFFFFFFF];
	s11 =	simm.s32 $0x1;
	p1 =	seq.s32 s0, $0x0  }
0x28: {  	s11 =	simm.s32 @!p1 $0x0  }
0x29: {  	v1 =	vmul.u32 s11, v2  }
0x2a: {  	v2 =	vld [tilespmem:s1+$0x0]  }
0x2b: {  	v1 =	vadd.s32 $0x1, v1  }
0x2c: {  	v0 =	vmul.u32 v1, v0;
	v1 =	vmul.u32 s11, v4;
	_ =	sdelay $0x1  }
0x2d: {  	v0 =	vadd.s32 v1, v0  }
0x2e: {  	v1 =	vmul.u32 $0x4CCC5, v2;
	v0 =	vmul.u32 $0x1A587F, v0;
	_ =	sdelay $0x1  }
0x2f: {  	v22 =	vadd.s32 v1, v0  }
0x30: {  	(v2sf) =	vpush v22, $0xD  }
0x31: {  	(v2sf) =	vpush v22, $0xC  }
0x32: {  	(v2sf) =	vpush v22, $0xE;
	_ =	sdelay $0x1  }
0x33: {  	(v2sf) =	vpush v22, $0xF;
	_ =	sdelay $0x1  }
0x34: {  	(v2sf) =	vpush v22, $0x9  }
0x35: {  	(v2sf) =	vpush v22, $0x8  }
0x36: {  	(v2sf) =	vpush v22, $0xA  }
0x37: {  	(v2sf) =	vpush v22, $0xB  }
0x38: {  	(v2sf) =	vpush v22, $0x0  }
0x39: {  	(v2sf) =	vpush v22, $0x1  }
0x3a: {  	(v2sf) =	vpush v22, $0x2  }
0x3b: {  	[dreg:$0x1a] =	wrdreg s2;
	(v2sf) =	vpush v22, $0x3  }
0x3c: {  	[dreg:$0x19] =	wrdreg s21;
	(v2sf) =	vpush v22, $0x4  }
0x3d: {  	[dreg:$0x18] =	wrdreg s1;
	(v2sf) =	vpush v22, $0x5;
	s6 =	spop (v2sf)  }
0x3e: {  	s7 =	spop (v2sf);
	s3 =	smulhi.u32 $0x67D1C497, s6;
	s0 =	sshra.s32 s6, $0x1F  }
0x3f: {  	s8 =	spop (v2sf);
	s16 =	smul.u32 $0x67D1C497, s0  }
0x40: {  	s15 =	smulhi.u32 $0x67D1C497, s7;
	s1 =	sshra.s32 s7, $0x1F;
	[smem:$0x633] =	sst s3  }
0x41: {  	s9 =	spop (v2sf);
	s18 =	smul.u32 $0x67D1C497, s1  }
0x42: {  	s17 =	smulhi.u32 $0x67D1C497, s8;
	s2 =	sshra.s32 s8, $0x1F;
	s8 =	rddreg [dreg:$0x18]  }
0x43: {  	s10 =	spop (v2sf);
	s21 =	smul.u32 $0x67D1C497, s2  }
0x44: {  	s19 =	smulhi.u32 $0x67D1C497, s9;
	s0 =	sshra.s32 s9, $0x1F;
	s12 =	spop (v2sf)  }
0x45: {  	s23 =	smul.u32 $0x67D1C497, s0;
	s4 =	spop (v2sf)  }
0x46: {  	s20 =	smulhi.u32 $0x67D1C497, s10;
	s3 =	sshra.s32 s10, $0x1F;
	s13 =	spop (v2sf)  }
0x47: {  	s24 =	smul.u32 $0x67D1C497, s3;
	s5 =	spop (v2sf)  }
0x48: {  	s22 =	smulhi.u32 $0x67D1C497, s12;
	s1 =	sshra.s32 s12, $0x1F;
	s14 =	spop (v2sf)  }
0x49: {  	s28 =	smul.u32 $0x67D1C497, s1;
	s6 =	spop (v2sf)  }
0x4a: {  	(v2sf) =	vpush v22, $0x6;
	s25 =	smulhi.u32 $0x67D1C497, s4;
	s4 =	sshra.s32 s4, $0x1F;
	s9 =	spop (v2sf)  }
0x4b: {  	v1 =	vmul.u32 $0x3, v22;
	s29 =	smul.u32 $0x67D1C497, s4;
	s7 =	spop (v2sf)  }
0x4c: {  	s26 =	smulhi.u32 $0x67D1C497, s13;
	s2 =	sshra.s32 s13, $0x1F;
	s1 =	spop (v2sf)  }
0x4d: {  	v25 =	vadd.s32 $0x2717, v1;
	v0 =	vld [tilespmem:s8+$0xFFFFFFFE];
	s2 =	smul.u32 $0x67D1C497, s2;
	(v2sf) =	vpush v22, $0x7  }
0x4e: {  	s30 =	smulhi.u32 $0x67D1C497, s5;
	s12 =	sshra.s32 s5, $0x1F;
	(v2sf) =	vpush v25, $0xD  }
0x4f: {  	s10 =	smul.u32 $0x67D1C497, s12;
	(v2sf) =	vpush v25, $0xC  }
0x50: {  	s31 =	smulhi.u32 $0x67D1C497, s14;
	s0 =	sshra.s32 s14, $0x1F  }
0x51: {  	s5 =	smul.u32 $0x67D1C497, s0  }
0x52: {  	s13 =	smulhi.u32 $0x67D1C497, s6;
	s14 =	sshra.s32 s6, $0x1F  }
0x53: {  	s12 =	smul.u32 $0x67D1C497, s14;
	(v2sf) =	vpush v25, $0xE  }
0x54: {  	s6 =	smulhi.u32 $0x67D1C497, s7  }
0x55: {  	s4 =	sshra.s32 s9, $0x1F;
	[smem:$0x634] =	sst s2;
	s2 =	smulhi.u32 $0x67D1C497, s9  }
0x56: {  	s7 =	sshra.s32 s7, $0x1F;
	s9 =	smul.u32 $0x67D1C497, s4;
	(v2sf) =	vpush v25, $0xF  }
0x57: {  	[smem:$0x635] =	sst s13;
	s4 =	smul.u32 $0x67D1C497, s7  }
0x58: {  	s8 =	smulhi.u32 $0x67D1C497, s1;
	s13 =	sshra.s32 s1, $0x1F;
	[smem:$0x637] =	sst s6  }
0x59: {  	s7 =	smul.u32 $0x67D1C497, s13;
	s14 =	spop (v2sf)  }
0x5a: {  	[smem:$0x636] =	sst s2;
	s2 =	smulhi.u32 $0x67D1C497, s14;
	s0 =	sshra.s32 s14, $0x1F  }
0x5b: {  	[smem:$0x638] =	sst s8;
	(v2sf) =	vpush v25, $0x9;
	s13 =	smul.u32 $0x67D1C497, s0  }
0x5c: {  	(v2sf) =	vpush v25, $0x8;
	[smem:$0x639] =	sst s2;
	s3 =	spop (v2sf)  }
0x5d: {  	s6 =	smulhi.u32 $0x67D1C497, s3;
	s8 =	spop (v2sf)  }
0x5e: {  	s0 =	sshra.s32 s3, $0x1F;
	s14 =	smulhi.u32 $0x67D1C497, s8;
	s2 =	spop (v2sf)  }
0x5f: {  	[smem:$0x63A] =	sst s6;
	s6 =	smul.u32 $0x67D1C497, s0  }
0x60: {  	s0 =	sshra.s32 s8, $0x1F;
	s3 =	smulhi.u32 $0x67D1C497, s2  }
0x61: {  	(v2sf) =	vpush v25, $0xA;
	s0 =	smul.u32 $0x67D1C497, s0  }
0x62: {  	(v2sf) =	vpush v25, $0xB;
	s8 =	spop (v2sf);
	[smem:$0x63B] =	sst s14  }
0x63: {  	s14 =	smulhi.u32 $0x67D1C497, s8;
	[smem:$0x63C] =	sst s0;
	s0 =	sshra.s32 s2, $0x1F  }
0x64: {  	(v2sf) =	vpush v25, $0x0;
	s0 =	smul.u32 $0x67D1C497, s0  }
0x65: {  	[smem:$0x63D] =	sst s3;
	s2 =	spop (v2sf)  }
0x66: {  	(v2sf) =	vpush v25, $0x1;
	s3 =	smulhi.u32 $0x67D1C497, s2;
	[smem:$0x63E] =	sst s0;
	s0 =	sshra.s32 s8, $0x1F  }
0x67: {  	[smem:$0x63F] =	sst s14;
	s0 =	smul.u32 $0x67D1C497, s0  }
0x68: {  	(v2sf) =	vpush v25, $0x2;
	[smem:$0x641] =	sst s3  }
0x69: {  	[smem:$0x640] =	sst s0;
	s0 =	sshra.s32 s2, $0x1F  }
0x6a: {  	s8 =	spop (v2sf);
	s0 =	smul.u32 $0x67D1C497, s0  }
0x6b: {  	s14 =	smulhi.u32 $0x67D1C497, s8;
	s2 =	spop (v2sf)  }
0x6c: {  	(v2sf) =	vpush v25, $0x3;
	s3 =	smulhi.u32 $0x67D1C497, s2;
	[smem:$0x642] =	sst s0;
	s0 =	sshra.s32 s8, $0x1F  }
0x6d: {  	[smem:$0x643] =	sst s14;
	s0 =	smul.u32 $0x67D1C497, s0  }
0x6e: {  	(v2sf) =	vpush v25, $0x4;
	[smem:$0x645] =	sst s3  }
0x6f: {  	[smem:$0x644] =	sst s0;
	s0 =	sshra.s32 s2, $0x1F  }
0x70: {  	s8 =	spop (v2sf);
	s0 =	smul.u32 $0x67D1C497, s0  }
0x71: {  	s14 =	smulhi.u32 $0x67D1C497, s8;
	s2 =	spop (v2sf)  }
0x72: {  	(v2sf) =	vpush v25, $0x5;
	s3 =	smulhi.u32 $0x67D1C497, s2;
	[smem:$0x646] =	sst s0;
	s0 =	sshra.s32 s8, $0x1F  }
0x73: {  	s8 =	spop (v2sf);
	s0 =	smul.u32 $0x67D1C497, s0  }
0x74: {  	[smem:$0x647] =	sst s14;
	s14 =	smulhi.u32 $0x67D1C497, s8  }
0x75: {  	[smem:$0x648] =	sst s0;
	s0 =	sshra.s32 s2, $0x1F;
	s2 =	spop (v2sf)  }
0x76: {  	(v2sf) =	vpush v25, $0x6;
	[smem:$0x649] =	sst s3;
	s3 =	smulhi.u32 $0x67D1C497, s2  }
0x77: {  	[smem:$0x64B] =	sst s14;
	s14 =	spop (v2sf)  }
0x78: {  	[smem:$0x64C] =	sst s3;
	s3 =	smulhi.u32 $0x67D1C497, s14  }
0x79: {  	_ = 	snop  }
0x7a: {  	(v2sf) =	vpush v25, $0x7;
	s0 =	smul.u32 $0x67D1C497, s0;
	s1 =	sshra.s32 s14, $0x1F;
	[smem:$0x64D] =	sst s3  }
0x7b: {  	v1 =	vmul.u32 $0x5, v22;
	s3 =	smul.u32 $0x67D1C497, s1;
	s1 =	spop (v2sf)  }
0x7c: {  	[smem:$0x64A] =	sst s0;
	s0 =	sshra.s32 s8, $0x1F;
	s14 =	smulhi.u32 $0x67D1C497, s1  }
0x7d: {  	v24 =	vadd.s32 $0x4E2E, v1;
	s8 =	smul.u32 $0x67D1C497, s0;
	s0 =	sshra.s32 s2, $0x1F;
	s2 =	spop (v2sf)  }
0x7e: {  	(v2sf) =	vpush v24, $0xD;
	[smem:$0x64E] =	sst s14;
	s14 =	smulhi.u32 $0x67D1C497, s2;
	s2 =	sshra.s32 s2, $0x1F  }
0x7f: {  	s2 =	smul.u32 $0x67D1C497, s2;
	_ =	sdelay $0x1  }
0x80: {  	[smem:$0x650] =	sst s2;
	s2 =	spop (v2sf)  }
0x81: {  	(v2sf) =	vpush v24, $0xC;
	[smem:$0x64F] =	sst s14;
	s14 =	smulhi.u32 $0x67D1C497, s2;
	s2 =	sshra.s32 s2, $0x1F  }
0x82: {  	s2 =	smul.u32 $0x67D1C497, s2;
	_ =	sdelay $0x1  }
0x83: {  	[smem:$0x652] =	sst s2;
	s2 =	spop (v2sf)  }
0x84: {  	(v2sf) =	vpush v24, $0xE;
	[smem:$0x651] =	sst s14;
	s14 =	smulhi.u32 $0x67D1C497, s2;
	s2 =	sshra.s32 s2, $0x1F  }
0x85: {  	s2 =	smul.u32 $0x67D1C497, s2;
	_ =	sdelay $0x1  }
0x86: {  	[smem:$0x654] =	sst s2;
	s2 =	spop (v2sf)  }
0x87: {  	(v2sf) =	vpush v24, $0xF;
	[smem:$0x653] =	sst s14;
	s14 =	smulhi.u32 $0x67D1C497, s2;
	s2 =	sshra.s32 s2, $0x1F  }
0x88: {  	s2 =	smul.u32 $0x67D1C497, s2;
	_ =	sdelay $0x1  }
0x89: {  	[smem:$0x656] =	sst s2;
	s2 =	spop (v2sf)  }
0x8a: {  	(v2sf) =	vpush v24, $0x9;
	[smem:$0x655] =	sst s14;
	s14 =	smulhi.u32 $0x67D1C497, s2;
	s2 =	sshra.s32 s2, $0x1F  }
0x8b: {  	s2 =	smul.u32 $0x67D1C497, s2;
	_ =	sdelay $0x1  }
0x8c: {  	[smem:$0x658] =	sst s2;
	s2 =	spop (v2sf)  }
0x8d: {  	(v2sf) =	vpush v24, $0x8;
	[smem:$0x657] =	sst s14;
	s14 =	smulhi.u32 $0x67D1C497, s2;
	s2 =	sshra.s32 s2, $0x1F  }
0x8e: {  	s2 =	smul.u32 $0x67D1C497, s2;
	_ =	sdelay $0x1  }
0x8f: {  	[smem:$0x65A] =	sst s2;
	s2 =	spop (v2sf)  }
0x90: {  	(v2sf) =	vpush v24, $0xA;
	[smem:$0x659] =	sst s14;
	s14 =	smulhi.u32 $0x67D1C497, s2;
	s2 =	sshra.s32 s2, $0x1F  }
0x91: {  	s2 =	smul.u32 $0x67D1C497, s2;
	_ =	sdelay $0x1  }
0x92: {  	[smem:$0x65C] =	sst s2;
	s2 =	spop (v2sf)  }
0x93: {  	(v2sf) =	vpush v24, $0xB;
	[smem:$0x65B] =	sst s14;
	s14 =	smulhi.u32 $0x67D1C497, s2;
	s2 =	sshra.s32 s2, $0x1F  }
0x94: {  	s2 =	smul.u32 $0x67D1C497, s2;
	_ =	sdelay $0x1  }
0x95: {  	[smem:$0x65E] =	sst s2;
	s2 =	spop (v2sf)  }
0x96: {  	(v2sf) =	vpush v24, $0x0;
	[smem:$0x65D] =	sst s14;
	s14 =	smulhi.u32 $0x67D1C497, s2;
	s2 =	sshra.s32 s2, $0x1F  }
0x97: {  	s2 =	smul.u32 $0x67D1C497, s2;
	_ =	sdelay $0x1  }
0x98: {  	[smem:$0x660] =	sst s2;
	s2 =	spop (v2sf)  }
0x99: {  	(v2sf) =	vpush v24, $0x1;
	[smem:$0x65F] =	sst s14;
	s14 =	smulhi.u32 $0x67D1C497, s2;
	s2 =	sshra.s32 s2, $0x1F  }
0x9a: {  	s2 =	smul.u32 $0x67D1C497, s2;
	_ =	sdelay $0x1  }
0x9b: {  	[smem:$0x662] =	sst s2;
	s2 =	spop (v2sf)  }
0x9c: {  	(v2sf) =	vpush v24, $0x2;
	[smem:$0x661] =	sst s14;
	s14 =	smulhi.u32 $0x67D1C497, s2;
	s2 =	sshra.s32 s2, $0x1F  }
0x9d: {  	s2 =	smul.u32 $0x67D1C497, s2;
	_ =	sdelay $0x1  }
0x9e: {  	[smem:$0x664] =	sst s2;
	s2 =	spop (v2sf)  }
0x9f: {  	(v2sf) =	vpush v24, $0x3;
	[smem:$0x663] =	sst s14;
	s14 =	smulhi.u32 $0x67D1C497, s2;
	s2 =	sshra.s32 s2, $0x1F  }
0xa0: {  	s2 =	smul.u32 $0x67D1C497, s2;
	_ =	sdelay $0x1  }
0xa1: {  	[smem:$0x666] =	sst s2;
	s2 =	spop (v2sf)  }
0xa2: {  	(v2sf) =	vpush v24, $0x4;
	[smem:$0x665] =	sst s14;
	s14 =	smulhi.u32 $0x67D1C497, s2;
	s2 =	sshra.s32 s2, $0x1F  }
0xa3: {  	s2 =	smul.u32 $0x67D1C497, s2;
	_ =	sdelay $0x1  }
0xa4: {  	[smem:$0x668] =	sst s2;
	s2 =	spop (v2sf)  }
0xa5: {  	(v2sf) =	vpush v24, $0x5;
	[smem:$0x667] =	sst s14;
	s14 =	smulhi.u32 $0x67D1C497, s2;
	s2 =	sshra.s32 s2, $0x1F  }
0xa6: {  	s2 =	smul.u32 $0x67D1C497, s2;
	_ =	sdelay $0x1  }
0xa7: {  	[smem:$0x66A] =	sst s2;
	s2 =	spop (v2sf)  }
0xa8: {  	(v2sf) =	vpush v24, $0x6;
	[smem:$0x669] =	sst s14;
	s14 =	smulhi.u32 $0x67D1C497, s2;
	s2 =	sshra.s32 s2, $0x1F  }
0xa9: {  	s2 =	smul.u32 $0x67D1C497, s2;
	_ =	sdelay $0x1  }
0xaa: {  	[smem:$0x66C] =	sst s2;
	s2 =	spop (v2sf)  }
0xab: {  	(v2sf) =	vpush v24, $0x7;
	[smem:$0x66B] =	sst s14;
	s14 =	smulhi.u32 $0x67D1C497, s2;
	s2 =	sshra.s32 s2, $0x1F  }
0xac: {  	v1 =	vmul.u32 $0x7, v22;
	s2 =	smul.u32 $0x67D1C497, s2;
	_ =	sdelay $0x1  }
0xad: {  	v23 =	vadd.s32 $0x7545, v1;
	[smem:$0x66E] =	sst s2;
	s2 =	spop (v2sf)  }
0xae: {  	(v2sf) =	vpush v23, $0xD;
	[smem:$0x66D] =	sst s14;
	s14 =	smulhi.u32 $0x67D1C497, s2;
	s2 =	sshra.s32 s2, $0x1F  }
0xaf: {  	s2 =	smul.u32 $0x67D1C497, s2;
	_ =	sdelay $0x1  }
0xb0: {  	[smem:$0x670] =	sst s2;
	s2 =	spop (v2sf)  }
0xb1: {  	(v2sf) =	vpush v23, $0xC;
	[smem:$0x66F] =	sst s14;
	s14 =	smulhi.u32 $0x67D1C497, s2;
	s2 =	sshra.s32 s2, $0x1F  }
0xb2: {  	s2 =	smul.u32 $0x67D1C497, s2;
	_ =	sdelay $0x1  }
0xb3: {  	[smem:$0x672] =	sst s2;
	s2 =	spop (v2sf)  }
0xb4: {  	(v2sf) =	vpush v23, $0xE;
	[smem:$0x671] =	sst s14;
	s14 =	smulhi.u32 $0x67D1C497, s2;
	s2 =	sshra.s32 s2, $0x1F  }
0xb5: {  	s2 =	smul.u32 $0x67D1C497, s2;
	_ =	sdelay $0x1  }
0xb6: {  	[smem:$0x674] =	sst s2;
	s2 =	spop (v2sf)  }
0xb7: {  	(v2sf) =	vpush v23, $0xF;
	[smem:$0x673] =	sst s14;
	s14 =	smulhi.u32 $0x67D1C497, s2;
	s2 =	sshra.s32 s2, $0x1F  }
0xb8: {  	s2 =	smul.u32 $0x67D1C497, s2;
	_ =	sdelay $0x1  }
0xb9: {  	[smem:$0x676] =	sst s2;
	s2 =	spop (v2sf)  }
0xba: {  	(v2sf) =	vpush v23, $0x9;
	[smem:$0x675] =	sst s14;
	s14 =	smulhi.u32 $0x67D1C497, s2;
	s2 =	sshra.s32 s2, $0x1F  }
0xbb: {  	s2 =	smul.u32 $0x67D1C497, s2;
	_ =	sdelay $0x1  }
0xbc: {  	[smem:$0x678] =	sst s2;
	s2 =	spop (v2sf)  }
0xbd: {  	(v2sf) =	vpush v23, $0x8;
	[smem:$0x677] =	sst s14;
	s14 =	smulhi.u32 $0x67D1C497, s2;
	s2 =	sshra.s32 s2, $0x1F  }
0xbe: {  	s2 =	smul.u32 $0x67D1C497, s2;
	_ =	sdelay $0x1  }
0xbf: {  	[smem:$0x67A] =	sst s2;
	s2 =	spop (v2sf)  }
0xc0: {  	(v2sf) =	vpush v23, $0xA;
	[smem:$0x679] =	sst s14;
	s14 =	smulhi.u32 $0x67D1C497, s2;
	s2 =	sshra.s32 s2, $0x1F  }
0xc1: {  	s2 =	smul.u32 $0x67D1C497, s2;
	_ =	sdelay $0x1  }
0xc2: {  	[smem:$0x67C] =	sst s2;
	s2 =	spop (v2sf)  }
0xc3: {  	(v2sf) =	vpush v23, $0xB;
	[smem:$0x67B] =	sst s14;
	s14 =	smulhi.u32 $0x67D1C497, s2;
	s2 =	sshra.s32 s2, $0x1F  }
0xc4: {  	s2 =	smul.u32 $0x67D1C497, s2;
	_ =	sdelay $0x1  }
0xc5: {  	[smem:$0x67E] =	sst s2;
	s2 =	spop (v2sf)  }
0xc6: {  	(v2sf) =	vpush v23, $0x0;
	[smem:$0x67D] =	sst s14;
	s14 =	smulhi.u32 $0x67D1C497, s2;
	s2 =	sshra.s32 s2, $0x1F  }
0xc7: {  	s2 =	smul.u32 $0x67D1C497, s2;
	_ =	sdelay $0x1  }
0xc8: {  	[smem:$0x680] =	sst s2;
	s2 =	spop (v2sf)  }
0xc9: {  	(v2sf) =	vpush v23, $0x1;
	[smem:$0x67F] =	sst s14;
	s14 =	smulhi.u32 $0x67D1C497, s2;
	s2 =	sshra.s32 s2, $0x1F  }
0xca: {  	s2 =	smul.u32 $0x67D1C497, s2;
	_ =	sdelay $0x1  }
0xcb: {  	[smem:$0x682] =	sst s2;
	s2 =	spop (v2sf)  }
0xcc: {  	(v2sf) =	vpush v23, $0x2;
	[smem:$0x681] =	sst s14;
	s14 =	smulhi.u32 $0x67D1C497, s2;
	s2 =	sshra.s32 s2, $0x1F  }
0xcd: {  	s2 =	smul.u32 $0x67D1C497, s2;
	_ =	sdelay $0x1  }
0xce: {  	[smem:$0x684] =	sst s2;
	s2 =	spop (v2sf)  }
0xcf: {  	(v2sf) =	vpush v23, $0x3;
	[smem:$0x683] =	sst s14;
	s14 =	smulhi.u32 $0x67D1C497, s2;
	s2 =	sshra.s32 s2, $0x1F  }
0xd0: {  	s2 =	smul.u32 $0x67D1C497, s2;
	_ =	sdelay $0x1  }
0xd1: {  	[smem:$0x686] =	sst s2;
	s2 =	spop (v2sf)  }
0xd2: {  	(v2sf) =	vpush v23, $0x4;
	[smem:$0x685] =	sst s14;
	s14 =	smulhi.u32 $0x67D1C497, s2;
	s2 =	sshra.s32 s2, $0x1F  }
0xd3: {  	s2 =	smul.u32 $0x67D1C497, s2;
	_ =	sdelay $0x1  }
0xd4: {  	[smem:$0x688] =	sst s2;
	s2 =	spop (v2sf)  }
0xd5: {  	(v2sf) =	vpush v23, $0x5;
	[smem:$0x687] =	sst s14;
	s14 =	smulhi.u32 $0x67D1C497, s2;
	s2 =	sshra.s32 s2, $0x1F  }
0xd6: {  	s2 =	smul.u32 $0x67D1C497, s2;
	_ =	sdelay $0x1  }
0xd7: {  	[smem:$0x68A] =	sst s2;
	s2 =	spop (v2sf)  }
0xd8: {  	(v2sf) =	vpush v23, $0x6;
	[smem:$0x689] =	sst s14;
	s14 =	smulhi.u32 $0x67D1C497, s2;
	s2 =	sshra.s32 s2, $0x1F  }
0xd9: {  	s2 =	smul.u32 $0x67D1C497, s2;
	_ =	sdelay $0x1  }
0xda: {  	[smem:$0x68C] =	sst s2;
	s2 =	spop (v2sf)  }
0xdb: {  	(v2sf) =	vpush v23, $0x7;
	[smem:$0x68B] =	sst s14;
	s14 =	smulhi.u32 $0x67D1C497, s2;
	s2 =	sshra.s32 s2, $0x1F  }
0xdc: {  	v1 =	vmul.u32 $0x9, v22;
	s2 =	smul.u32 $0x67D1C497, s2;
	_ =	sdelay $0x1  }
0xdd: {  	v26 =	vadd.s32 $0x9C5C, v1;
	[smem:$0x68E] =	sst s2;
	s2 =	spop (v2sf)  }
0xde: {  	(v2sf) =	vpush v26, $0xD;
	[smem:$0x68D] =	sst s14;
	s14 =	smulhi.u32 $0x67D1C497, s2;
	s2 =	sshra.s32 s2, $0x1F  }
0xdf: {  	s2 =	smul.u32 $0x67D1C497, s2;
	_ =	sdelay $0x1  }
0xe0: {  	[smem:$0x690] =	sst s2;
	s2 =	spop (v2sf)  }
0xe1: {  	(v2sf) =	vpush v26, $0xC;
	[smem:$0x68F] =	sst s14;
	s14 =	smulhi.u32 $0x67D1C497, s2;
	s2 =	sshra.s32 s2, $0x1F  }
0xe2: {  	s2 =	smul.u32 $0x67D1C497, s2;
	_ =	sdelay $0x1  }
0xe3: {  	[smem:$0x692] =	sst s2;
	s2 =	spop (v2sf)  }
0xe4: {  	(v2sf) =	vpush v26, $0xE;
	[smem:$0x691] =	sst s14;
	s14 =	smulhi.u32 $0x67D1C497, s2;
	s2 =	sshra.s32 s2, $0x1F  }
0xe5: {  	s2 =	smul.u32 $0x67D1C497, s2;
	_ =	sdelay $0x1  }
0xe6: {  	[smem:$0x694] =	sst s2;
	s2 =	spop (v2sf)  }
0xe7: {  	(v2sf) =	vpush v26, $0xF;
	[smem:$0x693] =	sst s14;
	s14 =	smulhi.u32 $0x67D1C497, s2;
	s2 =	sshra.s32 s2, $0x1F  }
0xe8: {  	s2 =	smul.u32 $0x67D1C497, s2;
	_ =	sdelay $0x1  }
0xe9: {  	[smem:$0x696] =	sst s2;
	s2 =	spop (v2sf)  }
0xea: {  	(v2sf) =	vpush v26, $0x9;
	[smem:$0x695] =	sst s14;
	s14 =	smulhi.u32 $0x67D1C497, s2;
	s2 =	sshra.s32 s2, $0x1F  }
0xeb: {  	s2 =	smul.u32 $0x67D1C497, s2;
	_ =	sdelay $0x1  }
0xec: {  	[smem:$0x698] =	sst s2;
	s2 =	spop (v2sf)  }
0xed: {  	(v2sf) =	vpush v26, $0x8;
	[smem:$0x697] =	sst s14;
	s14 =	smulhi.u32 $0x67D1C497, s2;
	s2 =	sshra.s32 s2, $0x1F  }
0xee: {  	s2 =	smul.u32 $0x67D1C497, s2;
	_ =	sdelay $0x1  }
0xef: {  	[smem:$0x69A] =	sst s2;
	s2 =	spop (v2sf)  }
0xf0: {  	(v2sf) =	vpush v26, $0xA;
	[smem:$0x699] =	sst s14;
	s14 =	smulhi.u32 $0x67D1C497, s2;
	s2 =	sshra.s32 s2, $0x1F  }
0xf1: {  	s2 =	smul.u32 $0x67D1C497, s2;
	_ =	sdelay $0x1  }
0xf2: {  	[smem:$0x69C] =	sst s2;
	s2 =	spop (v2sf)  }
0xf3: {  	(v2sf) =	vpush v26, $0xB;
	[smem:$0x69B] =	sst s14;
	s14 =	smulhi.u32 $0x67D1C497, s2;
	s2 =	sshra.s32 s2, $0x1F  }
0xf4: {  	s2 =	smul.u32 $0x67D1C497, s2;
	_ =	sdelay $0x1  }
0xf5: {  	[smem:$0x69E] =	sst s2;
	s2 =	spop (v2sf)  }
0xf6: {  	(v2sf) =	vpush v26, $0x0;
	[smem:$0x69D] =	sst s14;
	s14 =	smulhi.u32 $0x67D1C497, s2;
	s2 =	sshra.s32 s2, $0x1F  }
0xf7: {  	s2 =	smul.u32 $0x67D1C497, s2;
	_ =	sdelay $0x1  }
0xf8: {  	[smem:$0x6A0] =	sst s2;
	s2 =	spop (v2sf)  }
0xf9: {  	(v2sf) =	vpush v26, $0x1;
	[smem:$0x69F] =	sst s14;
	s14 =	smulhi.u32 $0x67D1C497, s2;
	s2 =	sshra.s32 s2, $0x1F  }
0xfa: {  	s2 =	smul.u32 $0x67D1C497, s2;
	_ =	sdelay $0x1  }
0xfb: {  	[smem:$0x6A2] =	sst s2;
	s2 =	spop (v2sf)  }
0xfc: {  	(v2sf) =	vpush v26, $0x2;
	[smem:$0x6A1] =	sst s14;
	s14 =	smulhi.u32 $0x67D1C497, s2;
	s2 =	sshra.s32 s2, $0x1F  }
0xfd: {  	s2 =	smul.u32 $0x67D1C497, s2;
	_ =	sdelay $0x1  }
0xfe: {  	[smem:$0x6A4] =	sst s2;
	s2 =	spop (v2sf)  }
0xff: {  	(v2sf) =	vpush v26, $0x3;
	[smem:$0x6A3] =	sst s14;
	s14 =	smulhi.u32 $0x67D1C497, s2;
	s2 =	sshra.s32 s2, $0x1F  }
0x100: {  	s2 =	smul.u32 $0x67D1C497, s2;
	_ =	sdelay $0x1  }
0x101: {  	[smem:$0x6A6] =	sst s2;
	s2 =	spop (v2sf)  }
0x102: {  	(v2sf) =	vpush v26, $0x4;
	[smem:$0x6A5] =	sst s14;
	s14 =	smulhi.u32 $0x67D1C497, s2;
	s2 =	sshra.s32 s2, $0x1F  }
0x103: {  	s2 =	smul.u32 $0x67D1C497, s2;
	_ =	sdelay $0x1  }
0x104: {  	[smem:$0x6A8] =	sst s2;
	s2 =	spop (v2sf)  }
0x105: {  	(v2sf) =	vpush v26, $0x5;
	[smem:$0x6A7] =	sst s14;
	s14 =	smulhi.u32 $0x67D1C497, s2;
	s2 =	sshra.s32 s2, $0x1F  }
0x106: {  	s2 =	smul.u32 $0x67D1C497, s2;
	_ =	sdelay $0x1  }
0x107: {  	[smem:$0x6AA] =	sst s2;
	s2 =	spop (v2sf)  }
0x108: {  	(v2sf) =	vpush v26, $0x6;
	[smem:$0x6A9] =	sst s14;
	s14 =	smulhi.u32 $0x67D1C497, s2;
	s2 =	sshra.s32 s2, $0x1F  }
0x109: {  	s2 =	smul.u32 $0x67D1C497, s2;
	_ =	sdelay $0x1  }
0x10a: {  	[smem:$0x6AC] =	sst s2;
	s2 =	spop (v2sf)  }
0x10b: {  	(v2sf) =	vpush v26, $0x7;
	[smem:$0x6AB] =	sst s14;
	s14 =	smulhi.u32 $0x67D1C497, s2;
	s2 =	sshra.s32 s2, $0x1F  }
0x10c: {  	v1 =	vmul.u32 $0xB, v22;
	s2 =	smul.u32 $0x67D1C497, s2;
	_ =	sdelay $0x1  }
0x10d: {  	v28 =	vadd.s32 $0xC373, v1;
	[smem:$0x6AE] =	sst s2;
	s2 =	spop (v2sf)  }
0x10e: {  	(v2sf) =	vpush v28, $0xD;
	[smem:$0x6AD] =	sst s14;
	s14 =	smulhi.u32 $0x67D1C497, s2;
	s2 =	sshra.s32 s2, $0x1F  }
0x10f: {  	s2 =	smul.u32 $0x67D1C497, s2;
	_ =	sdelay $0x1  }
0x110: {  	[smem:$0x6B0] =	sst s2;
	s2 =	spop (v2sf)  }
0x111: {  	(v2sf) =	vpush v28, $0xC;
	[smem:$0x6AF] =	sst s14;
	s14 =	smulhi.u32 $0x67D1C497, s2;
	s2 =	sshra.s32 s2, $0x1F  }
0x112: {  	s2 =	smul.u32 $0x67D1C497, s2;
	_ =	sdelay $0x1  }
0x113: {  	[smem:$0x6B2] =	sst s2;
	s2 =	spop (v2sf)  }
0x114: {  	(v2sf) =	vpush v28, $0xE;
	[smem:$0x6B1] =	sst s14;
	s14 =	smulhi.u32 $0x67D1C497, s2;
	s2 =	sshra.s32 s2, $0x1F  }
0x115: {  	s2 =	smul.u32 $0x67D1C497, s2;
	_ =	sdelay $0x1  }
0x116: {  	[smem:$0x6B4] =	sst s2;
	s2 =	spop (v2sf)  }
0x117: {  	(v2sf) =	vpush v28, $0xF;
	[smem:$0x6B3] =	sst s14;
	s14 =	smulhi.u32 $0x67D1C497, s2;
	s2 =	sshra.s32 s2, $0x1F  }
0x118: {  	s2 =	smul.u32 $0x67D1C497, s2;
	_ =	sdelay $0x1  }
0x119: {  	[smem:$0x6B6] =	sst s2;
	s2 =	spop (v2sf)  }
0x11a: {  	(v2sf) =	vpush v28, $0x9;
	[smem:$0x6B5] =	sst s14;
	s14 =	smulhi.u32 $0x67D1C497, s2;
	s2 =	sshra.s32 s2, $0x1F  }
0x11b: {  	s2 =	smul.u32 $0x67D1C497, s2;
	_ =	sdelay $0x1  }
0x11c: {  	[smem:$0x6B8] =	sst s2;
	s2 =	spop (v2sf)  }
0x11d: {  	(v2sf) =	vpush v28, $0x8;
	[smem:$0x6B7] =	sst s14;
	s14 =	smulhi.u32 $0x67D1C497, s2;
	s2 =	sshra.s32 s2, $0x1F  }
0x11e: {  	s2 =	smul.u32 $0x67D1C497, s2;
	_ =	sdelay $0x1  }
0x11f: {  	[smem:$0x6BA] =	sst s2;
	s2 =	spop (v2sf)  }
0x120: {  	(v2sf) =	vpush v28, $0xA;
	[smem:$0x6B9] =	sst s14;
	s14 =	smulhi.u32 $0x67D1C497, s2;
	s2 =	sshra.s32 s2, $0x1F  }
0x121: {  	s2 =	smul.u32 $0x67D1C497, s2;
	_ =	sdelay $0x1  }
0x122: {  	[smem:$0x6BC] =	sst s2;
	s2 =	spop (v2sf)  }
0x123: {  	(v2sf) =	vpush v28, $0xB;
	[smem:$0x6BB] =	sst s14;
	s14 =	smulhi.u32 $0x67D1C497, s2;
	s2 =	sshra.s32 s2, $0x1F  }
0x124: {  	s2 =	smul.u32 $0x67D1C497, s2;
	_ =	sdelay $0x1  }
0x125: {  	[smem:$0x6BE] =	sst s2;
	s2 =	spop (v2sf)  }
0x126: {  	(v2sf) =	vpush v28, $0x0;
	[smem:$0x6BD] =	sst s14;
	s14 =	smulhi.u32 $0x67D1C497, s2;
	s2 =	sshra.s32 s2, $0x1F  }
0x127: {  	s2 =	smul.u32 $0x67D1C497, s2;
	_ =	sdelay $0x1  }
0x128: {  	[smem:$0x6C0] =	sst s2;
	s2 =	spop (v2sf)  }
0x129: {  	(v2sf) =	vpush v28, $0x1;
	[smem:$0x6BF] =	sst s14;
	s14 =	smulhi.u32 $0x67D1C497, s2;
	s2 =	sshra.s32 s2, $0x1F  }
0x12a: {  	s2 =	smul.u32 $0x67D1C497, s2;
	_ =	sdelay $0x1  }
0x12b: {  	[smem:$0x6C2] =	sst s2;
	s2 =	spop (v2sf)  }
0x12c: {  	(v2sf) =	vpush v28, $0x2;
	[smem:$0x6C1] =	sst s14;
	s14 =	smulhi.u32 $0x67D1C497, s2;
	s2 =	sshra.s32 s2, $0x1F  }
0x12d: {  	s2 =	smul.u32 $0x67D1C497, s2;
	_ =	sdelay $0x1  }
0x12e: {  	[smem:$0x6C4] =	sst s2;
	s2 =	spop (v2sf)  }
0x12f: {  	(v2sf) =	vpush v28, $0x3;
	[smem:$0x6C3] =	sst s14;
	s14 =	smulhi.u32 $0x67D1C497, s2;
	s2 =	sshra.s32 s2, $0x1F  }
0x130: {  	s2 =	smul.u32 $0x67D1C497, s2;
	_ =	sdelay $0x1  }
0x131: {  	[smem:$0x6C6] =	sst s2;
	s2 =	spop (v2sf)  }
0x132: {  	(v2sf) =	vpush v28, $0x4;
	[smem:$0x6C5] =	sst s14;
	s14 =	smulhi.u32 $0x67D1C497, s2;
	s2 =	sshra.s32 s2, $0x1F  }
0x133: {  	s2 =	smul.u32 $0x67D1C497, s2;
	_ =	sdelay $0x1  }
0x134: {  	[smem:$0x6C8] =	sst s2;
	s2 =	spop (v2sf)  }
0x135: {  	(v2sf) =	vpush v28, $0x5;
	[smem:$0x6C7] =	sst s14;
	s14 =	smulhi.u32 $0x67D1C497, s2;
	s2 =	sshra.s32 s2, $0x1F  }
0x136: {  	s2 =	smul.u32 $0x67D1C497, s2;
	_ =	sdelay $0x1  }
0x137: {  	[smem:$0x6CA] =	sst s2;
	s2 =	spop (v2sf)  }
0x138: {  	(v2sf) =	vpush v28, $0x6;
	[smem:$0x6C9] =	sst s14;
	s14 =	smulhi.u32 $0x67D1C497, s2;
	s2 =	sshra.s32 s2, $0x1F  }
0x139: {  	s2 =	smul.u32 $0x67D1C497, s2;
	_ =	sdelay $0x1  }
0x13a: {  	[smem:$0x6CC] =	sst s2;
	s2 =	spop (v2sf)  }
0x13b: {  	(v2sf) =	vpush v28, $0x7;
	[smem:$0x6CB] =	sst s14;
	s14 =	smulhi.u32 $0x67D1C497, s2;
	s2 =	sshra.s32 s2, $0x1F  }
0x13c: {  	v1 =	vmul.u32 $0xD, v22;
	s2 =	smul.u32 $0x67D1C497, s2;
	_ =	sdelay $0x1  }
0x13d: {  	v29 =	vadd.s32 $0xEA8A, v1;
	[smem:$0x6CE] =	sst s2;
	s2 =	spop (v2sf)  }
0x13e: {  	(v2sf) =	vpush v29, $0xD;
	[smem:$0x6CD] =	sst s14;
	s14 =	smulhi.u32 $0x67D1C497, s2;
	s2 =	sshra.s32 s2, $0x1F  }
0x13f: {  	s2 =	smul.u32 $0x67D1C497, s2;
	_ =	sdelay $0x1  }
0x140: {  	[smem:$0x6D0] =	sst s2;
	s2 =	spop (v2sf)  }
0x141: {  	(v2sf) =	vpush v29, $0xC;
	[smem:$0x6CF] =	sst s14;
	s14 =	smulhi.u32 $0x67D1C497, s2;
	s2 =	sshra.s32 s2, $0x1F  }
0x142: {  	s2 =	smul.u32 $0x67D1C497, s2;
	_ =	sdelay $0x1  }
0x143: {  	[smem:$0x6D2] =	sst s2;
	s2 =	spop (v2sf)  }
0x144: {  	(v2sf) =	vpush v29, $0xE;
	[smem:$0x6D1] =	sst s14;
	s14 =	smulhi.u32 $0x67D1C497, s2;
	s2 =	sshra.s32 s2, $0x1F  }
0x145: {  	s2 =	smul.u32 $0x67D1C497, s2;
	_ =	sdelay $0x1  }
0x146: {  	[smem:$0x6D4] =	sst s2;
	s2 =	spop (v2sf)  }
0x147: {  	(v2sf) =	vpush v29, $0xF;
	[smem:$0x6D3] =	sst s14;
	s14 =	smulhi.u32 $0x67D1C497, s2;
	s2 =	sshra.s32 s2, $0x1F  }
0x148: {  	s2 =	smul.u32 $0x67D1C497, s2;
	_ =	sdelay $0x1  }
0x149: {  	[smem:$0x6D6] =	sst s2;
	s2 =	spop (v2sf)  }
0x14a: {  	(v2sf) =	vpush v29, $0x9;
	[smem:$0x6D5] =	sst s14;
	s14 =	smulhi.u32 $0x67D1C497, s2;
	s2 =	sshra.s32 s2, $0x1F  }
0x14b: {  	s2 =	smul.u32 $0x67D1C497, s2;
	_ =	sdelay $0x1  }
0x14c: {  	s15 =	sadd.s32 s18, s15;
	[smem:$0x6D8] =	sst s2;
	s2 =	spop (v2sf)  }
0x14d: {  	[smem:$0x6D7] =	sst s14;
	s14 =	smulhi.u32 $0x67D1C497, s2;
	s2 =	sshra.s32 s2, $0x1F  }
0x14e: {  	s17 =	sadd.s32 s21, s17;
	[smem:$0x745] =	sst s15;
	s2 =	smul.u32 $0x67D1C497, s2  }
0x14f: {  	[smem:$0x747] =	sst s17  }
0x150: {  	s19 =	sadd.s32 s23, s19;
	(v2sf) =	vpush v29, $0x8;
	[smem:$0x6DA] =	sst s2;
	s2 =	spop (v2sf)  }
0x151: {  	[smem:$0x6D9] =	sst s14;
	s14 =	smulhi.u32 $0x67D1C497, s2;
	s2 =	sshra.s32 s2, $0x1F  }
0x152: {  	s23 =	sadd.s32 s24, s20;
	[smem:$0x749] =	sst s19;
	(v2sf) =	vpush v29, $0xA;
	s2 =	smul.u32 $0x67D1C497, s2  }
0x153: {  	[smem:$0x74B] =	sst s23  }
0x154: {  	s24 =	sadd.s32 s28, s22;
	(v2sf) =	vpush v29, $0xB;
	[smem:$0x6DC] =	sst s2;
	s2 =	spop (v2sf)  }
0x155: {  	[smem:$0x6DB] =	sst s14;
	s14 =	smulhi.u32 $0x67D1C497, s2;
	s2 =	sshra.s32 s2, $0x1F  }
0x156: {  	s10 =	sadd.s32 s10, s30;
	[smem:$0x74D] =	sst s24;
	s2 =	smul.u32 $0x67D1C497, s2  }
0x157: {  	[smem:$0x748] =	sst s10;
	(v2sf) =	vpush v29, $0x0  }
0x158: {  	(v2sf) =	vpush v29, $0x1;
	[smem:$0x6DE] =	sst s2;
	s2 =	spop (v2sf)  }
0x159: {  	s5 =	sadd.s32 s5, s31;
	[smem:$0x6DD] =	sst s14;
	s14 =	smulhi.u32 $0x67D1C497, s2  }
0x15a: {  	[smem:$0x74A] =	sst s5;
	(v2sf) =	vpush v29, $0x2  }
0x15b: {  	[smem:$0x6DF] =	sst s14  }
0x15c: {  	s2 =	sshra.s32 s2, $0x1F;
	s14 =	sld [smem:$0x633]  }
0x15d: {  	s22 =	sld [smem:$0x634];
	s2 =	smul.u32 $0x67D1C497, s2  }
0x15e: {  	s30 =	sld [smem:$0x638];
	(v2sf) =	vpush v29, $0x3  }
0x15f: {  	[smem:$0x6E0] =	sst s2;
	s2 =	spop (v2sf);
	s14 =	sadd.s32 s16, s14  }
0x160: {  	s16 =	smulhi.u32 $0x67D1C497, s2;
	s2 =	sshra.s32 s2, $0x1F;
	[smem:$0x744] =	sst s14  }
0x161: {  	s18 =	smul.u32 $0x67D1C497, s2;
	s2 =	spop (v2sf);
	s14 =	sadd.s32 s22, s26  }
0x162: {  	s26 =	sld [smem:$0x636];
	s15 =	smulhi.u32 $0x67D1C497, s2;
	s2 =	sshra.s32 s2, $0x1F  }
0x163: {  	s21 =	spop (v2sf);
	s17 =	smul.u32 $0x67D1C497, s2  }
0x164: {  	[smem:$0x752] =	sst s14;
	s19 =	smulhi.u32 $0x67D1C497, s21  }
0x165: {  	s2 =	sshra.s32 s21, $0x1F;
	s21 =	sadd.s32 s29, s25;
	s25 =	sld [smem:$0x635]  }
0x166: {  	s28 =	spop (v2sf);
	s29 =	sld [smem:$0x637]  }
0x167: {  	s20 =	smul.u32 $0x67D1C497, s2;
	s2 =	sshra.s32 s28, $0x1F;
	s23 =	spop (v2sf)  }
0x168: {  	(v2sf) =	vpush v29, $0x4;
	[smem:$0x750] =	sst s21;
	s14 =	smul.u32 $0x67D1C497, s2;
	s2 =	sshra.s32 s23, $0x1F  }
0x169: {  	s24 =	spop (v2sf);
	s22 =	smul.u32 $0x67D1C497, s2;
	s5 =	sadd.s32 s12, s25  }
0x16a: {  	s12 =	smulhi.u32 $0x67D1C497, s24;
	s2 =	sshra.s32 s24, $0x1F;
	s24 =	sld [smem:$0x63A]  }
0x16b: {  	(v2sf) =	vpush v29, $0x5;
	s21 =	smulhi.u32 $0x67D1C497, s28;
	s4 =	sadd.s32 s4, s29;
	s29 =	sld [smem:$0x63D]  }
0x16c: {  	s10 =	smulhi.u32 $0x67D1C497, s23;
	[smem:$0x74C] =	sst s5  }
0x16d: {  	s28 =	spop (v2sf);
	[smem:$0x74F] =	sst s4  }
0x16e: {  	(v2sf) =	vpush v29, $0x6;
	s5 =	sadd.s32 s9, s26;
	s23 =	smul.u32 $0x67D1C497, s2;
	s26 =	sld [smem:$0x63B]  }
0x16f: {  	s9 =	smulhi.u32 $0x67D1C497, s28;
	s2 =	sshra.s32 s28, $0x1F;
	s28 =	sld [smem:$0x63C]  }
0x170: {  	(v2sf) =	vpush v29, $0x7;
	[smem:$0x74E] =	sst s5  }
0x171: {  	s5 =	sld [smem:$0x639]  }
0x172: {  	s4 =	sadd.s32 s7, s30;
	s30 =	sld [smem:$0x63E]  }
0x173: {  	[smem:$0x751] =	sst s4  }
0x174: {  	s4 =	sadd.s32 s13, s5;
	s5 =	sld [smem:$0x643]  }
0x175: {  	[smem:$0x753] =	sst s4;
	s4 =	sadd.s32 s6, s24  }
0x176: {  	s7 =	smul.u32 $0x67D1C497, s2;
	[smem:$0x746] =	sst s4  }
0x177: {  	s31 =	spop (v2sf);
	s4 =	sadd.s32 s28, s26;
	s26 =	sld [smem:$0x63F]  }
0x178: {  	s2 =	sshra.s32 s31, $0x1F;
	s13 =	smulhi.u32 $0x67D1C497, s31;
	s28 =	sld [smem:$0x640]  }
0x179: {  	s24 =	smul.u32 $0x67D1C497, s2;
	[smem:$0x754] =	sst s4  }
0x17a: {  	s25 =	spop (v2sf);
	s4 =	sadd.s32 s30, s29;
	s29 =	sld [smem:$0x641]  }
0x17b: {  	s6 =	smulhi.u32 $0x67D1C497, s25;
	s2 =	sshra.s32 s25, $0x1F;
	s30 =	sld [smem:$0x642]  }
0x17c: {  	[smem:$0x755] =	sst s4;
	s25 =	smul.u32 $0x67D1C497, s2  }
0x17d: {  	v1 =	vmul.u32 $0xF, v22;
	s31 =	spop (v2sf);
	s4 =	sadd.s32 s28, s26;
	s28 =	sld [smem:$0x644]  }
0x17e: {  	[smem:$0x756] =	sst s4;
	s26 =	smulhi.u32 $0x67D1C497, s31;
	s2 =	sshra.s32 s31, $0x1F  }
0x17f: {  	v27 =	vadd.s32 $0x111A1, v1;
	s4 =	sadd.s32 s30, s29;
	s31 =	spop (v2sf);
	s30 =	sld [smem:$0x645]  }
0x180: {  	(v2sf) =	vpush v27, $0xD;
	[smem:$0x758] =	sst s4;
	s29 =	smul.u32 $0x67D1C497, s2;
	s2 =	sshra.s32 s31, $0x1F  }
0x181: {  	s4 =	sadd.s32 s28, s5;
	s28 =	smulhi.u32 $0x67D1C497, s31;
	s31 =	sld [smem:$0x646]  }
0x182: {  	s5 =	sld [smem:$0x647]  }
0x183: {  	[smem:$0x75A] =	sst s4  }
0x184: {  	(v2sf) =	vpush v27, $0xC;
	s4 =	sadd.s32 s31, s30;
	s31 =	sld [smem:$0x648];
	_ =	sdelay $0x1  }
0x185: {  	[smem:$0x75C] =	sst s4  }
0x186: {  	s4 =	sadd.s32 s31, s5;
	s5 =	sld [smem:$0x64A]  }
0x187: {  	[smem:$0x75E] =	sst s4  }
0x188: {  	s4 =	sld [smem:$0x649];
	_ =	sdelay $0x2  }
0x189: {  	(v2sf) =	vpush v27, $0xE;
	s4 =	sadd.s32 s5, s4;
	s5 =	sld [smem:$0x64B]  }
0x18a: {  	s0 =	smul.u32 $0x67D1C497, s0  }
0x18b: {  	s30 =	smul.u32 $0x67D1C497, s2;
	[smem:$0x761] =	sst s4  }
0x18c: {  	s2 =	spop (v2sf);
	s4 =	sadd.s32 s8, s5;
	s8 =	sld [smem:$0x64C]  }
0x18d: {  	s31 =	smulhi.u32 $0x67D1C497, s2;
	s2 =	sshra.s32 s2, $0x1F  }
0x18e: {  	s2 =	smul.u32 $0x67D1C497, s2  }
0x18f: {  	(v2sf) =	vpush v27, $0xF;
	s0 =	sadd.s32 s0, s8;
	s8 =	sld [smem:$0x64D]  }
0x190: {  	s1 =	sshra.s32 s1, $0x1F;
	[smem:$0x6E1] =	sst s2;
	s2 =	spop (v2sf)  }
0x191: {  	s5 =	smulhi.u32 $0x67D1C497, s2;
	s2 =	sshra.s32 s2, $0x1F;
	[smem:$0x759] =	sst s4  }
0x192: {  	s4 =	smul.u32 $0x67D1C497, s2;
	s2 =	sadd.s32 s3, s8;
	s8 =	sld [smem:$0x64E]  }
0x193: {  	s1 =	smul.u32 $0x67D1C497, s1;
	(v2sf) =	vpush v27, $0x9;
	[smem:$0x75D] =	sst s2  }
0x194: {  	s2 =	sld [smem:$0x64F]  }
0x195: {  	s1 =	sadd.s32 s1, s8;
	s8 =	sld [smem:$0x650]  }
0x196: {  	[smem:$0x75B] =	sst s0  }
0x197: {  	[smem:$0x75F] =	sst s1  }
0x198: {  	s0 =	spop (v2sf);
	s1 =	sadd.s32 s8, s2;
	s2 =	sld [smem:$0x652]  }
0x199: {  	s3 =	smulhi.u32 $0x67D1C497, s0;
	s0 =	sshra.s32 s0, $0x1F;
	[smem:$0x760] =	sst s1  }
0x19a: {  	s0 =	smul.u32 $0x67D1C497, s0;
	s1 =	sld [smem:$0x651]  }
0x19b: {  	_ = 	snop  }
0x19c: {  	[smem:$0x6E2] =	sst s0  }
0x19d: {  	s1 =	sadd.s32 s2, s1;
	s2 =	sld [smem:$0x654]  }
0x19e: {  	s0 =	spop (v2sf);
	[smem:$0x762] =	sst s1  }
0x19f: {  	s8 =	smulhi.u32 $0x67D1C497, s0;
	s0 =	sshra.s32 s0, $0x1F;
	s1 =	sld [smem:$0x653]  }
0x1a0: {  	s0 =	smul.u32 $0x67D1C497, s0;
	_ =	sdelay $0x1  }
0x1a1: {  	[smem:$0x6E3] =	sst s0;
	s0 =	spop (v2sf);
	s1 =	sadd.s32 s2, s1  }
0x1a2: {  	(v2sf) =	vpush v27, $0x8;
	s2 =	smulhi.u32 $0x67D1C497, s0;
	[smem:$0x763] =	sst s1  }
0x1a3: {  	s1 =	sld [smem:$0x655]  }
0x1a4: {  	[smem:$0x6E4] =	sst s2  }
0x1a5: {  	s2 =	sld [smem:$0x656]  }
0x1a6: {  	(v2sf) =	vpush v27, $0xA  }
0x1a7: {  	v2 =	vmul.u32 s11, v5;
	v1 =	vmul.u32 s11, v3;
	s11 =	sld [smem:$0x658]  }
0x1a8: {  	s1 =	sadd.s32 s2, s1;
	s2 =	sld [smem:$0x657];
	_ =	sdelay $0x1  }
0x1a9: {  	[smem:$0x757] =	sst s1  }
0x1aa: {  	s1 =	sadd.s32 s11, s2;
	s2 =	sld [smem:$0x65A]  }
0x1ab: {  	s0 =	sshra.s32 s0, $0x1F;
	[smem:$0x764] =	sst s1  }
0x1ac: {  	s0 =	smul.u32 $0x67D1C497, s0;
	s1 =	sld [smem:$0x659]  }
0x1ad: {  	_ = 	snop  }
0x1ae: {  	[smem:$0x6E5] =	sst s0  }
0x1af: {  	s1 =	sadd.s32 s2, s1;
	s2 =	sld [smem:$0x65C]  }
0x1b0: {  	s0 =	spop (v2sf);
	[smem:$0x765] =	sst s1  }
0x1b1: {  	(v2sf) =	vpush v27, $0xB;
	s11 =	smulhi.u32 $0x67D1C497, s0;
	s0 =	sshra.s32 s0, $0x1F;
	s1 =	sld [smem:$0x65B]  }
0x1b2: {  	s0 =	smul.u32 $0x67D1C497, s0;
	_ =	sdelay $0x1  }
0x1b3: {  	[smem:$0x6E6] =	sst s0;
	s0 =	spop (v2sf);
	s1 =	sadd.s32 s2, s1  }
0x1b4: {  	s2 =	smulhi.u32 $0x67D1C497, s0;
	[smem:$0x767] =	sst s1  }
0x1b5: {  	s1 =	sld [smem:$0x65D]  }
0x1b6: {  	[smem:$0x6E7] =	sst s2  }
0x1b7: {  	s2 =	sld [smem:$0x65E];
	_ =	sdelay $0x2  }
0x1b8: {  	s1 =	sadd.s32 s2, s1;
	s2 =	sld [smem:$0x660]  }
0x1b9: {  	[smem:$0x769] =	sst s1  }
0x1ba: {  	(v2sf) =	vpush v27, $0x0;
	s0 =	sshra.s32 s0, $0x1F;
	s1 =	sld [smem:$0x65F]  }
0x1bb: {  	s0 =	smul.u32 $0x67D1C497, s0;
	_ =	sdelay $0x1  }
0x1bc: {  	[smem:$0x6E8] =	sst s0;
	s0 =	spop (v2sf);
	s1 =	sadd.s32 s2, s1  }
0x1bd: {  	s2 =	smulhi.u32 $0x67D1C497, s0;
	[smem:$0x76A] =	sst s1  }
0x1be: {  	s1 =	sld [smem:$0x661]  }
0x1bf: {  	[smem:$0x6E9] =	sst s2  }
0x1c0: {  	s2 =	sld [smem:$0x662];
	_ =	sdelay $0x1  }
0x1c1: {  	(v2sf) =	vpush v27, $0x1  }
0x1c2: {  	s1 =	sadd.s32 s2, s1;
	s2 =	sld [smem:$0x664]  }
0x1c3: {  	[smem:$0x76C] =	sst s1  }
0x1c4: {  	s0 =	sshra.s32 s0, $0x1F;
	s1 =	sld [smem:$0x663]  }
0x1c5: {  	s0 =	smul.u32 $0x67D1C497, s0;
	_ =	sdelay $0x1  }
0x1c6: {  	[smem:$0x6EA] =	sst s0;
	s0 =	spop (v2sf);
	s1 =	sadd.s32 s2, s1  }
0x1c7: {  	s2 =	smulhi.u32 $0x67D1C497, s0;
	[smem:$0x76E] =	sst s1  }
0x1c8: {  	v1 =	vadd.s32 $0x1, v1;
	s1 =	sld [smem:$0x665]  }
0x1c9: {  	v0 =	vmul.u32 v1, v0;
	(v2sf) =	vpush v27, $0x2;
	[smem:$0x6EB] =	sst s2  }
0x1ca: {  	(v2sf) =	vpush v27, $0x3;
	s0 =	sshra.s32 s0, $0x1F;
	s2 =	sld [smem:$0x666]  }
0x1cb: {  	v0 =	vadd.s32 v2, v0;
	(v2sf) =	vpush v27, $0x4;
	s0 =	smul.u32 $0x67D1C497, s0  }
0x1cc: {  	v0 =	vmul.u32 $0x13D6AF, v0;
	(v2sf) =	vpush v27, $0x5  }
0x1cd: {  	(v2sf) =	vpush v27, $0x6;
	[smem:$0x6EC] =	sst s0;
	s1 =	sadd.s32 s2, s1  }
0x1ce: {  	v31 =	vadd.s32 v0, v22;
	(v2sf) =	vpush v27, $0x7;
	[smem:$0x770] =	sst s1  }
0x1cf: {  	(v2sf) =	vpush v31, $0xD;
	s0 =	spop (v2sf);
	s1 =	sld [smem:$0x667]  }
0x1d0: {  	s2 =	sld [smem:$0x668];
	_ =	sdelay $0x2  }
0x1d1: {  	s1 =	sadd.s32 s2, s1  }
0x1d2: {  	s2 =	smulhi.u32 $0x67D1C497, s0;
	[smem:$0x768] =	sst s1  }
0x1d3: {  	s1 =	sld [smem:$0x669]  }
0x1d4: {  	[smem:$0x6ED] =	sst s2  }
0x1d5: {  	s2 =	sld [smem:$0x66A];
	_ =	sdelay $0x2  }
0x1d6: {  	s1 =	sadd.s32 s2, s1;
	s2 =	sld [smem:$0x66C]  }
0x1d7: {  	[smem:$0x76B] =	sst s1  }
0x1d8: {  	s0 =	sshra.s32 s0, $0x1F;
	s1 =	sld [smem:$0x66B]  }
0x1d9: {  	s0 =	smul.u32 $0x67D1C497, s0;
	_ =	sdelay $0x1  }
0x1da: {  	[smem:$0x6EE] =	sst s0;
	s0 =	spop (v2sf);
	s1 =	sadd.s32 s2, s1  }
0x1db: {  	s2 =	smulhi.u32 $0x67D1C497, s0;
	[smem:$0x76D] =	sst s1  }
0x1dc: {  	s1 =	sld [smem:$0x66D]  }
0x1dd: {  	[smem:$0x6EF] =	sst s2  }
0x1de: {  	s2 =	sld [smem:$0x66E];
	_ =	sdelay $0x2  }
0x1df: {  	s1 =	sadd.s32 s2, s1;
	s2 =	sld [smem:$0x670]  }
0x1e0: {  	[smem:$0x76F] =	sst s1  }
0x1e1: {  	s0 =	sshra.s32 s0, $0x1F;
	s1 =	sld [smem:$0x66F]  }
0x1e2: {  	s0 =	smul.u32 $0x67D1C497, s0;
	_ =	sdelay $0x1  }
0x1e3: {  	[smem:$0x6F0] =	sst s0;
	s0 =	spop (v2sf);
	s1 =	sadd.s32 s2, s1  }
0x1e4: {  	s2 =	smulhi.u32 $0x67D1C497, s0;
	[smem:$0x771] =	sst s1  }
0x1e5: {  	s1 =	sld [smem:$0x671]  }
0x1e6: {  	[smem:$0x6F1] =	sst s2  }
0x1e7: {  	s2 =	sld [smem:$0x672];
	_ =	sdelay $0x2  }
0x1e8: {  	s1 =	sadd.s32 s2, s1;
	s2 =	sld [smem:$0x674]  }
0x1e9: {  	[smem:$0x772] =	sst s1  }
0x1ea: {  	s0 =	sshra.s32 s0, $0x1F;
	s1 =	sld [smem:$0x673]  }
0x1eb: {  	s0 =	smul.u32 $0x67D1C497, s0;
	_ =	sdelay $0x1  }
0x1ec: {  	[smem:$0x6F2] =	sst s0;
	s0 =	spop (v2sf);
	s1 =	sadd.s32 s2, s1  }
0x1ed: {  	s2 =	smulhi.u32 $0x67D1C497, s0;
	[smem:$0x773] =	sst s1  }
0x1ee: {  	s1 =	sld [smem:$0x675]  }
0x1ef: {  	[smem:$0x6F3] =	sst s2  }
0x1f0: {  	s2 =	sld [smem:$0x676];
	_ =	sdelay $0x2  }
0x1f1: {  	s1 =	sadd.s32 s2, s1;
	s2 =	sld [smem:$0x678]  }
0x1f2: {  	[smem:$0x766] =	sst s1  }
0x1f3: {  	s0 =	sshra.s32 s0, $0x1F;
	s1 =	sld [smem:$0x677]  }
0x1f4: {  	s0 =	smul.u32 $0x67D1C497, s0;
	_ =	sdelay $0x1  }
0x1f5: {  	[smem:$0x6F4] =	sst s0;
	s0 =	spop (v2sf);
	s1 =	sadd.s32 s2, s1  }
0x1f6: {  	s2 =	smulhi.u32 $0x67D1C497, s0;
	[smem:$0x774] =	sst s1  }
0x1f7: {  	s1 =	sld [smem:$0x679]  }
0x1f8: {  	[smem:$0x6F5] =	sst s2  }
0x1f9: {  	s2 =	sld [smem:$0x67A];
	_ =	sdelay $0x2  }
0x1fa: {  	s1 =	sadd.s32 s2, s1;
	s2 =	sld [smem:$0x67C]  }
0x1fb: {  	[smem:$0x775] =	sst s1  }
0x1fc: {  	s0 =	sshra.s32 s0, $0x1F;
	s1 =	sld [smem:$0x67B]  }
0x1fd: {  	s0 =	smul.u32 $0x67D1C497, s0;
	_ =	sdelay $0x1  }
0x1fe: {  	[smem:$0x6F6] =	sst s0;
	s0 =	spop (v2sf);
	s1 =	sadd.s32 s2, s1  }
0x1ff: {  	s2 =	smulhi.u32 $0x67D1C497, s0;
	[smem:$0x776] =	sst s1  }
0x200: {  	s1 =	sld [smem:$0x67D]  }
0x201: {  	[smem:$0x6F7] =	sst s2  }
0x202: {  	s2 =	sld [smem:$0x67E];
	_ =	sdelay $0x2  }
0x203: {  	s1 =	sadd.s32 s2, s1;
	s2 =	sld [smem:$0x680]  }
0x204: {  	[smem:$0x778] =	sst s1  }
0x205: {  	s0 =	sshra.s32 s0, $0x1F;
	s1 =	sld [smem:$0x67F]  }
0x206: {  	s0 =	smul.u32 $0x67D1C497, s0;
	_ =	sdelay $0x1  }
0x207: {  	[smem:$0x6F8] =	sst s0;
	s0 =	spop (v2sf);
	s1 =	sadd.s32 s2, s1  }
0x208: {  	s2 =	smulhi.u32 $0x67D1C497, s0;
	[smem:$0x77A] =	sst s1  }
0x209: {  	s1 =	sld [smem:$0x681]  }
0x20a: {  	[smem:$0x6F9] =	sst s2  }
0x20b: {  	s2 =	sld [smem:$0x682];
	_ =	sdelay $0x2  }
0x20c: {  	s1 =	sadd.s32 s2, s1;
	s2 =	sld [smem:$0x684]  }
0x20d: {  	[smem:$0x77B] =	sst s1  }
0x20e: {  	(v2sf) =	vpush v31, $0xC;
	s0 =	sshra.s32 s0, $0x1F;
	s1 =	sld [smem:$0x683]  }
0x20f: {  	s0 =	smul.u32 $0x67D1C497, s0;
	_ =	sdelay $0x1  }
0x210: {  	[smem:$0x6FA] =	sst s0;
	s0 =	spop (v2sf);
	s1 =	sadd.s32 s2, s1  }
0x211: {  	s2 =	smulhi.u32 $0x67D1C497, s0;
	[smem:$0x77D] =	sst s1  }
0x212: {  	s1 =	sld [smem:$0x685]  }
0x213: {  	[smem:$0x6FB] =	sst s2  }
0x214: {  	s2 =	sld [smem:$0x686];
	_ =	sdelay $0x2  }
0x215: {  	s1 =	sadd.s32 s2, s1;
	s2 =	sld [smem:$0x688]  }
0x216: {  	[smem:$0x780] =	sst s1  }
0x217: {  	(v2sf) =	vpush v31, $0xE;
	s0 =	sshra.s32 s0, $0x1F;
	s1 =	sld [smem:$0x687]  }
0x218: {  	s0 =	smul.u32 $0x67D1C497, s0;
	_ =	sdelay $0x1  }
0x219: {  	[smem:$0x6FC] =	sst s0;
	s0 =	spop (v2sf);
	s1 =	sadd.s32 s2, s1  }
0x21a: {  	s2 =	smulhi.u32 $0x67D1C497, s0;
	[smem:$0x779] =	sst s1  }
0x21b: {  	s1 =	sld [smem:$0x689]  }
0x21c: {  	[smem:$0x6FD] =	sst s2  }
0x21d: {  	s2 =	sld [smem:$0x68A];
	_ =	sdelay $0x2  }
0x21e: {  	s1 =	sadd.s32 s2, s1;
	s2 =	sld [smem:$0x68C]  }
0x21f: {  	[smem:$0x77C] =	sst s1  }
0x220: {  	(v2sf) =	vpush v31, $0xF;
	s0 =	sshra.s32 s0, $0x1F;
	s1 =	sld [smem:$0x68B]  }
0x221: {  	s0 =	smul.u32 $0x67D1C497, s0;
	_ =	sdelay $0x1  }
0x222: {  	[smem:$0x6FE] =	sst s0;
	s0 =	spop (v2sf);
	s1 =	sadd.s32 s2, s1  }
0x223: {  	s2 =	smulhi.u32 $0x67D1C497, s0;
	[smem:$0x77E] =	sst s1  }
0x224: {  	s1 =	sld [smem:$0x68D]  }
0x225: {  	[smem:$0x6FF] =	sst s2  }
0x226: {  	s2 =	sld [smem:$0x68E];
	_ =	sdelay $0x2  }
0x227: {  	s1 =	sadd.s32 s2, s1;
	s2 =	sld [smem:$0x690]  }
0x228: {  	[smem:$0x77F] =	sst s1  }
0x229: {  	(v2sf) =	vpush v31, $0x9;
	s0 =	sshra.s32 s0, $0x1F;
	s1 =	sld [smem:$0x68F]  }
0x22a: {  	s0 =	smul.u32 $0x67D1C497, s0;
	_ =	sdelay $0x1  }
0x22b: {  	[smem:$0x700] =	sst s0;
	s0 =	spop (v2sf);
	s1 =	sadd.s32 s2, s1  }
0x22c: {  	s2 =	smulhi.u32 $0x67D1C497, s0;
	[smem:$0x781] =	sst s1  }
0x22d: {  	s1 =	sld [smem:$0x691]  }
0x22e: {  	[smem:$0x701] =	sst s2  }
0x22f: {  	s2 =	sld [smem:$0x692];
	_ =	sdelay $0x2  }
0x230: {  	s1 =	sadd.s32 s2, s1;
	s2 =	sld [smem:$0x694]  }
0x231: {  	[smem:$0x782] =	sst s1  }
0x232: {  	(v2sf) =	vpush v31, $0x8;
	s0 =	sshra.s32 s0, $0x1F;
	s1 =	sld [smem:$0x693]  }
0x233: {  	s0 =	smul.u32 $0x67D1C497, s0;
	_ =	sdelay $0x1  }
0x234: {  	[smem:$0x702] =	sst s0;
	s0 =	spop (v2sf);
	s1 =	sadd.s32 s2, s1  }
0x235: {  	s2 =	smulhi.u32 $0x67D1C497, s0;
	[smem:$0x783] =	sst s1  }
0x236: {  	s1 =	sld [smem:$0x695]  }
0x237: {  	[smem:$0x703] =	sst s2  }
0x238: {  	s2 =	sld [smem:$0x696];
	_ =	sdelay $0x2  }
0x239: {  	s1 =	sadd.s32 s2, s1;
	s2 =	sld [smem:$0x698]  }
0x23a: {  	[smem:$0x777] =	sst s1  }
0x23b: {  	(v2sf) =	vpush v31, $0xA;
	s0 =	sshra.s32 s0, $0x1F;
	s1 =	sld [smem:$0x697]  }
0x23c: {  	s0 =	smul.u32 $0x67D1C497, s0;
	_ =	sdelay $0x1  }
0x23d: {  	[smem:$0x704] =	sst s0;
	s0 =	spop (v2sf);
	s1 =	sadd.s32 s2, s1  }
0x23e: {  	s2 =	smulhi.u32 $0x67D1C497, s0;
	[smem:$0x784] =	sst s1  }
0x23f: {  	s1 =	sld [smem:$0x699]  }
0x240: {  	[smem:$0x705] =	sst s2  }
0x241: {  	s2 =	sld [smem:$0x69A];
	_ =	sdelay $0x2  }
0x242: {  	s1 =	sadd.s32 s2, s1;
	s2 =	sld [smem:$0x69C]  }
0x243: {  	[smem:$0x785] =	sst s1  }
0x244: {  	(v2sf) =	vpush v31, $0xB;
	s0 =	sshra.s32 s0, $0x1F;
	s1 =	sld [smem:$0x69B]  }
0x245: {  	s0 =	smul.u32 $0x67D1C497, s0;
	_ =	sdelay $0x1  }
0x246: {  	[smem:$0x706] =	sst s0;
	s0 =	spop (v2sf);
	s1 =	sadd.s32 s2, s1  }
0x247: {  	s2 =	smulhi.u32 $0x67D1C497, s0;
	[smem:$0x786] =	sst s1  }
0x248: {  	s1 =	sld [smem:$0x69D]  }
0x249: {  	[smem:$0x707] =	sst s2  }
0x24a: {  	s2 =	sld [smem:$0x69E];
	_ =	sdelay $0x2  }
0x24b: {  	s1 =	sadd.s32 s2, s1;
	s2 =	sld [smem:$0x6A0]  }
0x24c: {  	[smem:$0x787] =	sst s1  }
0x24d: {  	(v2sf) =	vpush v31, $0x0;
	s0 =	sshra.s32 s0, $0x1F;
	s1 =	sld [smem:$0x69F]  }
0x24e: {  	s0 =	smul.u32 $0x67D1C497, s0;
	_ =	sdelay $0x1  }
0x24f: {  	[smem:$0x708] =	sst s0;
	s0 =	spop (v2sf);
	s1 =	sadd.s32 s2, s1  }
0x250: {  	s2 =	smulhi.u32 $0x67D1C497, s0;
	[smem:$0x789] =	sst s1  }
0x251: {  	s1 =	sld [smem:$0x6A1]  }
0x252: {  	[smem:$0x709] =	sst s2  }
0x253: {  	s2 =	sld [smem:$0x6A2];
	_ =	sdelay $0x2  }
0x254: {  	s1 =	sadd.s32 s2, s1;
	s2 =	sld [smem:$0x6A4]  }
0x255: {  	[smem:$0x78B] =	sst s1  }
0x256: {  	(v2sf) =	vpush v31, $0x1;
	s0 =	sshra.s32 s0, $0x1F;
	s1 =	sld [smem:$0x6A3]  }
0x257: {  	s0 =	smul.u32 $0x67D1C497, s0;
	_ =	sdelay $0x1  }
0x258: {  	[smem:$0x70A] =	sst s0;
	s0 =	spop (v2sf);
	s1 =	sadd.s32 s2, s1  }
0x259: {  	s2 =	smulhi.u32 $0x67D1C497, s0;
	[smem:$0x78C] =	sst s1  }
0x25a: {  	s1 =	sld [smem:$0x6A5]  }
0x25b: {  	[smem:$0x70B] =	sst s2  }
0x25c: {  	s2 =	sld [smem:$0x6A6];
	_ =	sdelay $0x2  }
0x25d: {  	s1 =	sadd.s32 s2, s1;
	s2 =	sld [smem:$0x6A8]  }
0x25e: {  	[smem:$0x78E] =	sst s1  }
0x25f: {  	(v2sf) =	vpush v31, $0x2;
	s0 =	sshra.s32 s0, $0x1F;
	s1 =	sld [smem:$0x6A7]  }
0x260: {  	s0 =	smul.u32 $0x67D1C497, s0;
	_ =	sdelay $0x1  }
0x261: {  	[smem:$0x70C] =	sst s0;
	s0 =	spop (v2sf);
	s1 =	sadd.s32 s2, s1  }
0x262: {  	s2 =	smulhi.u32 $0x67D1C497, s0;
	[smem:$0x78A] =	sst s1  }
0x263: {  	s1 =	sld [smem:$0x6A9]  }
0x264: {  	[smem:$0x70D] =	sst s2  }
0x265: {  	s2 =	sld [smem:$0x6AA];
	_ =	sdelay $0x2  }
0x266: {  	s1 =	sadd.s32 s2, s1;
	s2 =	sld [smem:$0x6AC]  }
0x267: {  	[smem:$0x78D] =	sst s1  }
0x268: {  	(v2sf) =	vpush v31, $0x3;
	s0 =	sshra.s32 s0, $0x1F;
	s1 =	sld [smem:$0x6AB]  }
0x269: {  	s0 =	smul.u32 $0x67D1C497, s0;
	_ =	sdelay $0x1  }
0x26a: {  	[smem:$0x70E] =	sst s0;
	s0 =	spop (v2sf);
	s1 =	sadd.s32 s2, s1  }
0x26b: {  	s2 =	smulhi.u32 $0x67D1C497, s0;
	[smem:$0x78F] =	sst s1  }
0x26c: {  	s1 =	sld [smem:$0x6AD]  }
0x26d: {  	[smem:$0x70F] =	sst s2  }
0x26e: {  	s2 =	sld [smem:$0x6AE];
	_ =	sdelay $0x2  }
0x26f: {  	s1 =	sadd.s32 s2, s1;
	s2 =	sld [smem:$0x6B0]  }
0x270: {  	[smem:$0x790] =	sst s1  }
0x271: {  	(v2sf) =	vpush v31, $0x4;
	s0 =	sshra.s32 s0, $0x1F;
	s1 =	sld [smem:$0x6AF]  }
0x272: {  	s0 =	smul.u32 $0x67D1C497, s0;
	_ =	sdelay $0x1  }
0x273: {  	[smem:$0x710] =	sst s0;
	s0 =	spop (v2sf);
	s1 =	sadd.s32 s2, s1  }
0x274: {  	s2 =	smulhi.u32 $0x67D1C497, s0;
	[smem:$0x791] =	sst s1  }
0x275: {  	s1 =	sld [smem:$0x6B1]  }
0x276: {  	[smem:$0x711] =	sst s2  }
0x277: {  	s2 =	sld [smem:$0x6B2];
	_ =	sdelay $0x2  }
0x278: {  	s1 =	sadd.s32 s2, s1;
	s2 =	sld [smem:$0x6B4]  }
0x279: {  	[smem:$0x792] =	sst s1  }
0x27a: {  	(v2sf) =	vpush v31, $0x5;
	s0 =	sshra.s32 s0, $0x1F;
	s1 =	sld [smem:$0x6B3]  }
0x27b: {  	s0 =	smul.u32 $0x67D1C497, s0;
	_ =	sdelay $0x1  }
0x27c: {  	[smem:$0x712] =	sst s0;
	s0 =	spop (v2sf);
	s1 =	sadd.s32 s2, s1  }
0x27d: {  	s2 =	smulhi.u32 $0x67D1C497, s0;
	[smem:$0x793] =	sst s1  }
0x27e: {  	s1 =	sld [smem:$0x6B5]  }
0x27f: {  	[smem:$0x713] =	sst s2  }
0x280: {  	s2 =	sld [smem:$0x6B6];
	_ =	sdelay $0x2  }
0x281: {  	s1 =	sadd.s32 s2, s1;
	s2 =	sld [smem:$0x6B8]  }
0x282: {  	[smem:$0x788] =	sst s1  }
0x283: {  	(v2sf) =	vpush v31, $0x6;
	s0 =	sshra.s32 s0, $0x1F;
	s1 =	sld [smem:$0x6B7]  }
0x284: {  	s0 =	smul.u32 $0x67D1C497, s0;
	_ =	sdelay $0x1  }
0x285: {  	[smem:$0x714] =	sst s0;
	s0 =	spop (v2sf);
	s1 =	sadd.s32 s2, s1  }
0x286: {  	s2 =	smulhi.u32 $0x67D1C497, s0;
	[smem:$0x794] =	sst s1  }
0x287: {  	s1 =	sld [smem:$0x6B9]  }
0x288: {  	[smem:$0x715] =	sst s2  }
0x289: {  	s2 =	sld [smem:$0x6BA];
	_ =	sdelay $0x2  }
0x28a: {  	s1 =	sadd.s32 s2, s1;
	s2 =	sld [smem:$0x6BC]  }
0x28b: {  	[smem:$0x795] =	sst s1  }
0x28c: {  	(v2sf) =	vpush v31, $0x7;
	s0 =	sshra.s32 s0, $0x1F;
	s1 =	sld [smem:$0x6BB]  }
0x28d: {  	s0 =	smul.u32 $0x67D1C497, s0;
	_ =	sdelay $0x1  }
0x28e: {  	[smem:$0x716] =	sst s0;
	s0 =	spop (v2sf);
	s1 =	sadd.s32 s2, s1  }
0x28f: {  	s2 =	smulhi.u32 $0x67D1C497, s0;
	[smem:$0x796] =	sst s1  }
0x290: {  	s1 =	sld [smem:$0x6BD]  }
0x291: {  	[smem:$0x717] =	sst s2  }
0x292: {  	s2 =	sld [smem:$0x6BE];
	_ =	sdelay $0x1  }
0x293: {  	v0 =	vmul.u32 $0x3, v31  }
0x294: {  	s1 =	sadd.s32 s2, s1;
	s2 =	sld [smem:$0x6C0]  }
0x295: {  	v30 =	vadd.s32 $0x2717, v0;
	[smem:$0x797] =	sst s1  }
0x296: {  	(v2sf) =	vpush v30, $0xD;
	s0 =	sshra.s32 s0, $0x1F;
	s1 =	sld [smem:$0x6BF]  }
0x297: {  	s0 =	smul.u32 $0x67D1C497, s0;
	_ =	sdelay $0x1  }
0x298: {  	[smem:$0x718] =	sst s0;
	s0 =	spop (v2sf);
	s1 =	sadd.s32 s2, s1  }
0x299: {  	s2 =	smulhi.u32 $0x67D1C497, s0;
	[smem:$0x799] =	sst s1  }
0x29a: {  	s1 =	sld [smem:$0x6C1]  }
0x29b: {  	[smem:$0x719] =	sst s2  }
0x29c: {  	s2 =	sld [smem:$0x6C2];
	_ =	sdelay $0x2  }
0x29d: {  	s1 =	sadd.s32 s2, s1;
	s2 =	sld [smem:$0x6C4]  }
0x29e: {  	[smem:$0x79B] =	sst s1  }
0x29f: {  	(v2sf) =	vpush v30, $0xC;
	s0 =	sshra.s32 s0, $0x1F;
	s1 =	sld [smem:$0x6C3]  }
0x2a0: {  	s0 =	smul.u32 $0x67D1C497, s0;
	_ =	sdelay $0x1  }
0x2a1: {  	[smem:$0x71A] =	sst s0;
	s0 =	spop (v2sf);
	s1 =	sadd.s32 s2, s1  }
0x2a2: {  	s2 =	smulhi.u32 $0x67D1C497, s0;
	[smem:$0x79D] =	sst s1  }
0x2a3: {  	s1 =	sld [smem:$0x6C5]  }
0x2a4: {  	[smem:$0x71B] =	sst s2  }
0x2a5: {  	s2 =	sld [smem:$0x6C6];
	_ =	sdelay $0x2  }
0x2a6: {  	s1 =	sadd.s32 s2, s1;
	s2 =	sld [smem:$0x6C8]  }
0x2a7: {  	[smem:$0x79E] =	sst s1  }
0x2a8: {  	(v2sf) =	vpush v30, $0xE;
	s0 =	sshra.s32 s0, $0x1F;
	s1 =	sld [smem:$0x6C7]  }
0x2a9: {  	s0 =	smul.u32 $0x67D1C497, s0;
	_ =	sdelay $0x1  }
0x2aa: {  	[smem:$0x71C] =	sst s0;
	s0 =	spop (v2sf);
	s1 =	sadd.s32 s2, s1  }
0x2ab: {  	s2 =	smulhi.u32 $0x67D1C497, s0;
	[smem:$0x79A] =	sst s1  }
0x2ac: {  	s1 =	sld [smem:$0x6C9]  }
0x2ad: {  	[smem:$0x71D] =	sst s2  }
0x2ae: {  	s2 =	sld [smem:$0x6CA];
	_ =	sdelay $0x2  }
0x2af: {  	s1 =	sadd.s32 s2, s1;
	s2 =	sld [smem:$0x6CC]  }
0x2b0: {  	[smem:$0x79C] =	sst s1  }
0x2b1: {  	(v2sf) =	vpush v30, $0xF;
	s0 =	sshra.s32 s0, $0x1F;
	s1 =	sld [smem:$0x6CB]  }
0x2b2: {  	s0 =	smul.u32 $0x67D1C497, s0;
	_ =	sdelay $0x1  }
0x2b3: {  	[smem:$0x71E] =	sst s0;
	s0 =	spop (v2sf);
	s1 =	sadd.s32 s2, s1  }
0x2b4: {  	s2 =	smulhi.u32 $0x67D1C497, s0;
	[smem:$0x79F] =	sst s1  }
0x2b5: {  	s1 =	sld [smem:$0x6CD]  }
0x2b6: {  	[smem:$0x71F] =	sst s2  }
0x2b7: {  	s2 =	sld [smem:$0x6CE];
	_ =	sdelay $0x2  }
0x2b8: {  	s1 =	sadd.s32 s2, s1;
	s2 =	sld [smem:$0x6D0]  }
0x2b9: {  	[smem:$0x7A0] =	sst s1  }
0x2ba: {  	(v2sf) =	vpush v30, $0x9;
	s0 =	sshra.s32 s0, $0x1F;
	s1 =	sld [smem:$0x6CF]  }
0x2bb: {  	s18 =	sadd.s32 s18, s16;
	s0 =	smul.u32 $0x67D1C497, s0  }
0x2bc: {  	[smem:$0x7AA] =	sst s18  }
0x2bd: {  	[smem:$0x720] =	sst s0;
	s0 =	spop (v2sf);
	s1 =	sadd.s32 s2, s1  }
0x2be: {  	s2 =	smulhi.u32 $0x67D1C497, s0;
	[smem:$0x7A1] =	sst s1  }
0x2bf: {  	s1 =	sld [smem:$0x6D1]  }
0x2c0: {  	[smem:$0x721] =	sst s2  }
0x2c1: {  	s20 =	sadd.s32 s20, s19;
	s2 =	sld [smem:$0x6D2]  }
0x2c2: {  	s14 =	sadd.s32 s14, s21;
	[smem:$0x7AE] =	sst s20  }
0x2c3: {  	[smem:$0x7AB] =	sst s14  }
0x2c4: {  	s1 =	sadd.s32 s2, s1;
	s2 =	sld [smem:$0x6D4]  }
0x2c5: {  	[smem:$0x7A2] =	sst s1  }
0x2c6: {  	s21 =	sadd.s32 s7, s9;
	(v2sf) =	vpush v30, $0x8;
	s0 =	sshra.s32 s0, $0x1F;
	s1 =	sld [smem:$0x6D3]  }
0x2c7: {  	s26 =	sadd.s32 s29, s26;
	[smem:$0x7B0] =	sst s21;
	s0 =	smul.u32 $0x67D1C497, s0  }
0x2c8: {  	[smem:$0x7B3] =	sst s26  }
0x2c9: {  	[smem:$0x722] =	sst s0;
	s0 =	spop (v2sf);
	s1 =	sadd.s32 s2, s1  }
0x2ca: {  	s2 =	smulhi.u32 $0x67D1C497, s0;
	[smem:$0x7A3] =	sst s1  }
0x2cb: {  	s1 =	sld [smem:$0x6D5]  }
0x2cc: {  	[smem:$0x723] =	sst s2  }
0x2cd: {  	s28 =	sadd.s32 s30, s28;
	s2 =	sld [smem:$0x6D6]  }
0x2ce: {  	s4 =	sadd.s32 s4, s5;
	[smem:$0x7A9] =	sst s28  }
0x2cf: {  	[smem:$0x7B5] =	sst s4  }
0x2d0: {  	s1 =	sadd.s32 s2, s1;
	s2 =	sld [smem:$0x6D8]  }
0x2d1: {  	[smem:$0x798] =	sst s1  }
0x2d2: {  	s18 =	sadd.s32 s17, s15;
	(v2sf) =	vpush v30, $0xA;
	s0 =	sshra.s32 s0, $0x1F;
	s1 =	sld [smem:$0x6D7]  }
0x2d3: {  	s20 =	sadd.s32 s23, s12;
	[smem:$0x7AC] =	sst s18;
	s0 =	smul.u32 $0x67D1C497, s0  }
0x2d4: {  	[smem:$0x7AF] =	sst s20  }
0x2d5: {  	[smem:$0x724] =	sst s0;
	s0 =	spop (v2sf);
	s1 =	sadd.s32 s2, s1  }
0x2d6: {  	s2 =	smulhi.u32 $0x67D1C497, s0;
	[smem:$0x7A4] =	sst s1  }
0x2d7: {  	s1 =	sld [smem:$0x6D9]  }
0x2d8: {  	[smem:$0x725] =	sst s2  }
0x2d9: {  	s23 =	sadd.s32 s24, s13;
	s2 =	sld [smem:$0x6DA]  }
0x2da: {  	s24 =	sadd.s32 s25, s6;
	[smem:$0x7B1] =	sst s23  }
0x2db: {  	[smem:$0x7B2] =	sst s24  }
0x2dc: {  	s1 =	sadd.s32 s2, s1;
	s2 =	sld [smem:$0x6DC]  }
0x2dd: {  	[smem:$0x7A5] =	sst s1  }
0x2de: {  	(v2sf) =	vpush v30, $0xB;
	s0 =	sshra.s32 s0, $0x1F;
	s1 =	sld [smem:$0x6DB]  }
0x2df: {  	s30 =	sld [smem:$0x6E1];
	s0 =	smul.u32 $0x67D1C497, s0  }
0x2e0: {  	s21 =	sld [smem:$0x6E4]  }
0x2e1: {  	(v2sf) =	vpush v30, $0x0;
	[smem:$0x726] =	sst s0;
	s0 =	spop (v2sf);
	s1 =	sadd.s32 s2, s1  }
0x2e2: {  	s2 =	smulhi.u32 $0x67D1C497, s0;
	[smem:$0x7A6] =	sst s1  }
0x2e3: {  	(v2sf) =	vpush v30, $0x1;
	s1 =	sld [smem:$0x6DD]  }
0x2e4: {  	[smem:$0x727] =	sst s2  }
0x2e5: {  	(v2sf) =	vpush v30, $0x2;
	s2 =	sld [smem:$0x6DE]  }
0x2e6: {  	s23 =	sld [smem:$0x6E6]  }
0x2e7: {  	s26 =	sld [smem:$0x6E8];
	(v2sf) =	vpush v30, $0x3  }
0x2e8: {  	s1 =	sadd.s32 s2, s1;
	s2 =	sld [smem:$0x6E0]  }
0x2e9: {  	(v2sf) =	vpush v30, $0x4;
	[smem:$0x7A7] =	sst s1  }
0x2ea: {  	s18 =	sadd.s32 s22, s10;
	s0 =	sshra.s32 s0, $0x1F;
	s1 =	sld [smem:$0x6DF]  }
0x2eb: {  	[smem:$0x7AD] =	sst s18;
	(v2sf) =	vpush v30, $0x5;
	s0 =	smul.u32 $0x67D1C497, s0  }
0x2ec: {  	s18 =	sld [smem:$0x6E2]  }
0x2ed: {  	[smem:$0x728] =	sst s0;
	s0 =	spop (v2sf);
	s1 =	sadd.s32 s2, s1  }
0x2ee: {  	s2 =	smulhi.u32 $0x67D1C497, s0;
	s0 =	sshra.s32 s0, $0x1F;
	[smem:$0x7A8] =	sst s1  }
0x2ef: {  	s16 =	smul.u32 $0x67D1C497, s0;
	s1 =	sadd.s32 s30, s31;
	s30 =	sld [smem:$0x6EA]  }
0x2f0: {  	[smem:$0x729] =	sst s2;
	s2 =	spop (v2sf)  }
0x2f1: {  	[smem:$0x7B4] =	sst s1;
	s15 =	smulhi.u32 $0x67D1C497, s2;
	s0 =	sshra.s32 s2, $0x1F  }
0x2f2: {  	(v2sf) =	vpush v30, $0x6;
	s1 =	sadd.s32 s18, s3;
	s2 =	spop (v2sf);
	s17 =	smul.u32 $0x67D1C497, s0  }
0x2f3: {  	s18 =	sld [smem:$0x6EC];
	s14 =	smulhi.u32 $0x67D1C497, s2;
	s0 =	sshra.s32 s2, $0x1F  }
0x2f4: {  	(v2sf) =	vpush v30, $0x7;
	s19 =	spop (v2sf);
	s10 =	smul.u32 $0x67D1C497, s0  }
0x2f5: {  	[smem:$0x7B6] =	sst s1;
	s12 =	smulhi.u32 $0x67D1C497, s19;
	s0 =	sshra.s32 s19, $0x1F  }
0x2f6: {  	s22 =	spop (v2sf);
	s9 =	smul.u32 $0x67D1C497, s0  }
0x2f7: {  	s19 =	sld [smem:$0x6E3];
	s7 =	smulhi.u32 $0x67D1C497, s22;
	s0 =	sshra.s32 s22, $0x1F  }
0x2f8: {  	s25 =	spop (v2sf);
	s6 =	smul.u32 $0x67D1C497, s0  }
0x2f9: {  	v0 =	vmul.u32 $0x5, v31;
	s22 =	sld [smem:$0x6E5];
	s13 =	smulhi.u32 $0x67D1C497, s25;
	s0 =	sshra.s32 s25, $0x1F  }
0x2fa: {  	s29 =	spop (v2sf);
	s25 =	sld [smem:$0x6E7];
	s1 =	sadd.s32 s19, s8  }
0x2fb: {  	v32 =	vadd.s32 $0x4E2E, v0;
	s0 =	smul.u32 $0x67D1C497, s0;
	[smem:$0x7B7] =	sst s1  }
0x2fc: {  	(v2sf) =	vpush v32, $0xD;
	s2 =	smulhi.u32 $0x67D1C497, s29;
	s1 =	sadd.s32 s22, s21;
	s21 =	sld [smem:$0x6EE]  }
0x2fd: {  	[smem:$0x72A] =	sst s0  }
0x2fe: {  	(v2sf) =	vpush v32, $0xC;
	[smem:$0x72B] =	sst s2  }
0x2ff: {  	[smem:$0x7B8] =	sst s1  }
0x300: {  	s0 =	sshra.s32 s29, $0x1F;
	s29 =	sld [smem:$0x6E9]  }
0x301: {  	s5 =	spop (v2sf);
	s2 =	sld [smem:$0x6EB]  }
0x302: {  	s3 =	smulhi.u32 $0x67D1C497, s5;
	s1 =	sadd.s32 s23, s11;
	s23 =	sld [smem:$0x6EF]  }
0x303: {  	s20 =	spop (v2sf);
	[smem:$0x7B9] =	sst s1  }
0x304: {  	(v2sf) =	vpush v32, $0xE;
	s4 =	smul.u32 $0x67D1C497, s0;
	s1 =	sadd.s32 s26, s25;
	s26 =	sld [smem:$0x6F1]  }
0x305: {  	s0 =	sshra.s32 s5, $0x1F;
	s5 =	smulhi.u32 $0x67D1C497, s20;
	[smem:$0x7BB] =	sst s1  }
0x306: {  	(v2sf) =	vpush v32, $0xF;
	s8 =	smul.u32 $0x67D1C497, s0;
	s0 =	sshra.s32 s20, $0x1F;
	s20 =	sld [smem:$0x6ED]  }
0x307: {  	s1 =	sadd.s32 s30, s29;
	s30 =	sld [smem:$0x6F3]  }
0x308: {  	[smem:$0x7BD] =	sst s1  }
0x309: {  	s1 =	sadd.s32 s18, s2;
	s2 =	sld [smem:$0x6FD]  }
0x30a: {  	s11 =	smul.u32 $0x67D1C497, s0;
	[smem:$0x7BC] =	sst s1  }
0x30b: {  	s1 =	sadd.s32 s21, s20;
	s20 =	sld [smem:$0x6F6];
	s24 =	spop (v2sf)  }
0x30c: {  	(v2sf) =	vpush v32, $0x9;
	[smem:$0x7BE] =	sst s1;
	s28 =	smulhi.u32 $0x67D1C497, s24  }
0x30d: {  	s0 =	sshra.s32 s24, $0x1F;
	s31 =	spop (v2sf);
	s24 =	sld [smem:$0x6F0]  }
0x30e: {  	s0 =	smul.u32 $0x67D1C497, s0;
	[smem:$0x72C] =	sst s28  }
0x30f: {  	s19 =	smulhi.u32 $0x67D1C497, s31;
	s28 =	sld [smem:$0x6F2]  }
0x310: {  	[smem:$0x72D] =	sst s0  }
0x311: {  	[smem:$0x72E] =	sst s19  }
0x312: {  	(v2sf) =	vpush v32, $0x8;
	s0 =	sshra.s32 s31, $0x1F;
	s31 =	sld [smem:$0x6F4]  }
0x313: {  	s22 =	spop (v2sf);
	s19 =	sld [smem:$0x6F5]  }
0x314: {  	s25 =	smulhi.u32 $0x67D1C497, s22;
	s1 =	sadd.s32 s24, s23;
	s23 =	sld [smem:$0x6F8]  }
0x315: {  	s29 =	spop (v2sf);
	[smem:$0x7BF] =	sst s1  }
0x316: {  	s18 =	smulhi.u32 $0x67D1C497, s29;
	[smem:$0x730] =	sst s25  }
0x317: {  	s25 =	sld [smem:$0x6F9]  }
0x318: {  	[smem:$0x732] =	sst s18  }
0x319: {  	s0 =	smul.u32 $0x67D1C497, s0;
	s1 =	sadd.s32 s28, s26;
	s26 =	sld [smem:$0x6FA]  }
0x31a: {  	(v2sf) =	vpush v32, $0xA;
	s18 =	sld [smem:$0x6FE]  }
0x31b: {  	s21 =	spop (v2sf);
	[smem:$0x72F] =	sst s0  }
0x31c: {  	s24 =	smulhi.u32 $0x67D1C497, s21;
	[smem:$0x7C0] =	sst s1  }
0x31d: {  	s0 =	sshra.s32 s22, $0x1F;
	s22 =	sld [smem:$0x6F7]  }
0x31e: {  	[smem:$0x734] =	sst s24  }
0x31f: {  	s1 =	sadd.s32 s31, s30;
	s30 =	sld [smem:$0x6FC]  }
0x320: {  	s24 =	sld [smem:$0x702]  }
0x321: {  	s28 =	spop (v2sf);
	[smem:$0x7C1] =	sst s1  }
0x322: {  	(v2sf) =	vpush v32, $0xB;
	s31 =	smulhi.u32 $0x67D1C497, s28;
	s1 =	sadd.s32 s20, s19;
	s20 =	sld [smem:$0x6FF]  }
0x323: {  	[smem:$0x7C2] =	sst s1  }
0x324: {  	s0 =	smul.u32 $0x67D1C497, s0;
	[smem:$0x736] =	sst s31  }
0x325: {  	s31 =	sld [smem:$0x706]  }
0x326: {  	[smem:$0x731] =	sst s0  }
0x327: {  	s0 =	sshra.s32 s29, $0x1F;
	s29 =	sld [smem:$0x6FB]  }
0x328: {  	s1 =	sadd.s32 s23, s22;
	s23 =	sld [smem:$0x701]  }
0x329: {  	s19 =	spop (v2sf);
	[smem:$0x7C3] =	sst s1  }
0x32a: {  	(v2sf) =	vpush v32, $0x0;
	s22 =	smulhi.u32 $0x67D1C497, s19;
	s1 =	sadd.s32 s26, s25;
	s26 =	sld [smem:$0x703]  }
0x32b: {  	[smem:$0x7BA] =	sst s1  }
0x32c: {  	s0 =	smul.u32 $0x67D1C497, s0;
	[smem:$0x738] =	sst s22  }
0x32d: {  	s22 =	sld [smem:$0x709]  }
0x32e: {  	[smem:$0x733] =	sst s0  }
0x32f: {  	s0 =	sshra.s32 s21, $0x1F;
	s21 =	sld [smem:$0x700]  }
0x330: {  	s1 =	sadd.s32 s30, s29;
	s30 =	sld [smem:$0x705]  }
0x331: {  	s25 =	spop (v2sf);
	[smem:$0x7C4] =	sst s1  }
0x332: {  	(v2sf) =	vpush v32, $0x1;
	s29 =	smulhi.u32 $0x67D1C497, s25;
	s1 =	sadd.s32 s18, s2;
	s2 =	sld [smem:$0x717]  }
0x333: {  	[smem:$0x7C5] =	sst s1  }
0x334: {  	s0 =	smul.u32 $0x67D1C497, s0;
	[smem:$0x73A] =	sst s29  }
0x335: {  	s29 =	sld [smem:$0x70D]  }
0x336: {  	[smem:$0x735] =	sst s0  }
0x337: {  	s0 =	sshra.s32 s28, $0x1F;
	s28 =	sld [smem:$0x704]  }
0x338: {  	s1 =	sadd.s32 s21, s20;
	s20 =	sld [smem:$0x708]  }
0x339: {  	s18 =	spop (v2sf);
	[smem:$0x7C6] =	sst s1  }
0x33a: {  	(v2sf) =	vpush v32, $0x2;
	s21 =	smulhi.u32 $0x67D1C497, s18;
	s1 =	sadd.s32 s24, s23;
	s23 =	sld [smem:$0x70A]  }
0x33b: {  	[smem:$0x7C7] =	sst s1  }
0x33c: {  	s0 =	smul.u32 $0x67D1C497, s0;
	[smem:$0x73C] =	sst s21  }
0x33d: {  	s21 =	sld [smem:$0x711]  }
0x33e: {  	[smem:$0x737] =	sst s0  }
0x33f: {  	s0 =	sshra.s32 s19, $0x1F;
	s19 =	sld [smem:$0x707]  }
0x340: {  	s1 =	sadd.s32 s28, s26;
	s26 =	sld [smem:$0x70C]  }
0x341: {  	s24 =	spop (v2sf);
	[smem:$0x7C8] =	sst s1  }
0x342: {  	(v2sf) =	vpush v32, $0x3;
	s28 =	smulhi.u32 $0x67D1C497, s24;
	s1 =	sadd.s32 s31, s30;
	s30 =	sld [smem:$0x70E]  }
0x343: {  	[smem:$0x7CA] =	sst s1  }
0x344: {  	s0 =	smul.u32 $0x67D1C497, s0;
	[smem:$0x73E] =	sst s28  }
0x345: {  	s28 =	sld [smem:$0x715]  }
0x346: {  	[smem:$0x739] =	sst s0  }
0x347: {  	s0 =	sshra.s32 s25, $0x1F;
	s25 =	sld [smem:$0x70B]  }
0x348: {  	s1 =	sadd.s32 s20, s19;
	s19 =	sld [smem:$0x710]  }
0x349: {  	s31 =	spop (v2sf);
	[smem:$0x7CC] =	sst s1  }
0x34a: {  	s20 =	smulhi.u32 $0x67D1C497, s31;
	s1 =	sadd.s32 s23, s22;
	s22 =	sld [smem:$0x712]  }
0x34b: {  	[smem:$0x7CD] =	sst s1  }
0x34c: {  	s0 =	smul.u32 $0x67D1C497, s0;
	[smem:$0x740] =	sst s20  }
0x34d: {  	s20 =	sld [smem:$0x719]  }
0x34e: {  	[smem:$0x73B] =	sst s0  }
0x34f: {  	s0 =	sshra.s32 s18, $0x1F;
	s18 =	sld [smem:$0x70F]  }
0x350: {  	s1 =	sadd.s32 s26, s25;
	s25 =	sld [smem:$0x714]  }
0x351: {  	s23 =	spop (v2sf);
	[smem:$0x7CB] =	sst s1  }
0x352: {  	s26 =	smulhi.u32 $0x67D1C497, s23;
	s1 =	sadd.s32 s30, s29;
	s30 =	sld [smem:$0x716]  }
0x353: {  	(v2sf) =	vpush v32, $0x4;
	s0 =	smul.u32 $0x67D1C497, s0;
	[smem:$0x7CE] =	sst s1  }
0x354: {  	[smem:$0x741] =	sst s26  }
0x355: {  	[smem:$0x73D] =	sst s0  }
0x356: {  	s0 =	sshra.s32 s24, $0x1F;
	s24 =	sld [smem:$0x713]  }
0x357: {  	s1 =	sadd.s32 s19, s18;
	s18 =	sld [smem:$0x718]  }
0x358: {  	[smem:$0x7CF] =	sst s1  }
0x359: {  	s0 =	smul.u32 $0x67D1C497, s0;
	s1 =	sadd.s32 s22, s21;
	s21 =	sld [smem:$0x71A]  }
0x35a: {  	(v2sf) =	vpush v32, $0x5;
	[smem:$0x7D0] =	sst s1  }
0x35b: {  	(v2sf) =	vpush v32, $0x6;
	[smem:$0x73F] =	sst s0  }
0x35c: {  	s1 =	sadd.s32 s25, s24;
	s24 =	sld [smem:$0x71C]  }
0x35d: {  	s25 =	sld [smem:$0x71D]  }
0x35e: {  	s0 =	sshra.s32 s31, $0x1F;
	[smem:$0x7D1] =	sst s1  }
0x35f: {  	s29 =	smul.u32 $0x67D1C497, s0;
	s0 =	sshra.s32 s23, $0x1F;
	s23 =	sld [smem:$0x71B]  }
0x360: {  	s1 =	sadd.s32 s30, s28;
	s30 =	sld [smem:$0x71E]  }
0x361: {  	[smem:$0x7D2] =	sst s1  }
0x362: {  	s31 =	spop (v2sf);
	s1 =	sadd.s32 s18, s2;
	s2 =	sld [smem:$0x71F]  }
0x363: {  	v0 =	vmul.u32 $0x7, v31;
	(v2sf) =	vpush v32, $0x7;
	s19 =	smulhi.u32 $0x67D1C497, s31;
	s18 =	sld [smem:$0x720]  }
0x364: {  	[smem:$0x7D3] =	sst s1  }
0x365: {  	v33 =	vadd.s32 $0x7545, v0;
	[smem:$0x743] =	sst s19  }
0x366: {  	(v2sf) =	vpush v33, $0xD;
	s0 =	smul.u32 $0x67D1C497, s0;
	s19 =	sld [smem:$0x721]  }
0x367: {  	s1 =	sadd.s32 s21, s20;
	s20 =	sld [smem:$0x722]  }
0x368: {  	[smem:$0x742] =	sst s0  }
0x369: {  	s22 =	spop (v2sf);
	[smem:$0x7C9] =	sst s1;
	s1 =	sadd.s32 s24, s23  }
0x36a: {  	s0 =	sshra.s32 s31, $0x1F;
	s31 =	spop (v2sf);
	[smem:$0x7D4] =	sst s1  }
0x36b: {  	(v2sf) =	vpush v33, $0xC;
	s26 =	smul.u32 $0x67D1C497, s0;
	s1 =	sadd.s32 s30, s25;
	s30 =	sld [smem:$0x723]  }
0x36c: {  	s0 =	sshra.s32 s22, $0x1F;
	s25 =	smulhi.u32 $0x67D1C497, s31;
	[smem:$0x7D5] =	sst s1  }
0x36d: {  	s24 =	smul.u32 $0x67D1C497, s0;
	s0 =	sshra.s32 s31, $0x1F;
	s31 =	sld [smem:$0x724]  }
0x36e: {  	s1 =	sadd.s32 s18, s2;
	s2 =	sld [smem:$0x725]  }
0x36f: {  	s18 =	sld [smem:$0x726]  }
0x370: {  	(v2sf) =	vpush v33, $0xE;
	[smem:$0x7D6] =	sst s1;
	s1 =	sadd.s32 s20, s19  }
0x371: {  	s28 =	smulhi.u32 $0x67D1C497, s22;
	[smem:$0x7D7] =	sst s1  }
0x372: {  	s21 =	spop (v2sf);
	s1 =	sadd.s32 s31, s30;
	s30 =	sld [smem:$0x727]  }
0x373: {  	(v2sf) =	vpush v33, $0xF;
	s23 =	smulhi.u32 $0x67D1C497, s21;
	s31 =	sld [smem:$0x728]  }
0x374: {  	(v2sf) =	vpush v33, $0x9;
	s22 =	smul.u32 $0x67D1C497, s0;
	s0 =	sshra.s32 s21, $0x1F  }
0x375: {  	(v2sf) =	vpush v33, $0x8;
	s19 =	spop (v2sf);
	[smem:$0x7D8] =	sst s1;
	s1 =	sadd.s32 s18, s2  }
0x376: {  	(v2sf) =	vpush v33, $0xA;
	s20 =	smul.u32 $0x67D1C497, s0;
	[smem:$0x7D9] =	sst s1;
	s1 =	sadd.s32 s31, s30  }
0x377: {  	(v2sf) =	vpush v33, $0xB;
	s21 =	smulhi.u32 $0x67D1C497, s19;
	s31 =	sadd.s32 s9, s12;
	[smem:$0x7DB] =	sst s1  }
0x378: {  	s0 =	sshra.s32 s19, $0x1F;
	s24 =	sadd.s32 s24, s28;
	[smem:$0x7DF] =	sst s31  }
0x379: {  	s18 =	smul.u32 $0x67D1C497, s0;
	[smem:$0x7F0] =	sst s24  }
0x37a: {  	s1 =	sld [smem:$0x729];
	s2 =	spop (v2sf)  }
0x37b: {  	s9 =	sld [smem:$0x72B];
	s19 =	smulhi.u32 $0x67D1C497, s2  }
0x37c: {  	s0 =	sshra.s32 s2, $0x1F;
	s2 =	sadd.s32 s6, s7;
	s7 =	sld [smem:$0x72A]  }
0x37d: {  	[smem:$0x7E0] =	sst s2  }
0x37e: {  	s2 =	sld [smem:$0x732];
	s1 =	sadd.s32 s16, s1  }
0x37f: {  	s30 =	spop (v2sf);
	s16 =	sadd.s32 s17, s15;
	[smem:$0x7DD] =	sst s1  }
0x380: {  	s17 =	sadd.s32 s10, s14;
	[smem:$0x7DC] =	sst s16;
	s16 =	smul.u32 $0x67D1C497, s0  }
0x381: {  	[smem:$0x7DE] =	sst s17;
	s17 =	smulhi.u32 $0x67D1C497, s30  }
0x382: {  	s1 =	sadd.s32 s7, s13;
	s13 =	sadd.s32 s8, s3;
	s3 =	sld [smem:$0x72C]  }
0x383: {  	s0 =	sshra.s32 s30, $0x1F;
	s30 =	sadd.s32 s11, s5;
	s5 =	sld [smem:$0x72E]  }
0x384: {  	s6 =	spop (v2sf);
	[smem:$0x7E1] =	sst s1  }
0x385: {  	s15 =	smulhi.u32 $0x67D1C497, s6;
	[smem:$0x7E3] =	sst s13  }
0x386: {  	s10 =	spop (v2sf);
	[smem:$0x7DA] =	sst s30  }
0x387: {  	s31 =	spop (v2sf);
	s1 =	sadd.s32 s4, s9;
	s4 =	sld [smem:$0x72D]  }
0x388: {  	s14 =	smul.u32 $0x67D1C497, s0;
	s0 =	sshra.s32 s6, $0x1F;
	s6 =	sld [smem:$0x72F]  }
0x389: {  	s13 =	smulhi.u32 $0x67D1C497, s10;
	s30 =	sld [smem:$0x730]  }
0x38a: {  	s11 =	smulhi.u32 $0x67D1C497, s31;
	[smem:$0x7E2] =	sst s1  }
0x38b: {  	s12 =	smul.u32 $0x67D1C497, s0;
	s0 =	sshra.s32 s10, $0x1F;
	s16 =	sadd.s32 s16, s19  }
0x38c: {  	s10 =	smul.u32 $0x67D1C497, s0;
	s0 =	sshra.s32 s31, $0x1F;
	s31 =	sld [smem:$0x731]  }
0x38d: {  	[smem:$0x7F1] =	sst s16  }
0x38e: {  	s14 =	sadd.s32 s14, s17;
	s1 =	sadd.s32 s4, s3;
	s3 =	sld [smem:$0x733]  }
0x38f: {  	[smem:$0x7F2] =	sst s14  }
0x390: {  	(v2sf) =	vpush v33, $0x0;
	[smem:$0x7E4] =	sst s1  }
0x391: {  	s1 =	sadd.s32 s6, s5;
	s5 =	sld [smem:$0x734]  }
0x392: {  	s12 =	sadd.s32 s12, s15;
	s6 =	sld [smem:$0x735]  }
0x393: {  	[smem:$0x7F3] =	sst s12  }
0x394: {  	[smem:$0x7E5] =	sst s1  }
0x395: {  	s1 =	sadd.s32 s31, s30;
	s30 =	sld [smem:$0x736]  }
0x396: {  	s10 =	sadd.s32 s10, s13;
	s31 =	sld [smem:$0x737]  }
0x397: {  	s8 =	smul.u32 $0x67D1C497, s0;
	[smem:$0x7F4] =	sst s10  }
0x398: {  	s7 =	spop (v2sf);
	[smem:$0x7E6] =	sst s1  }
0x399: {  	s8 =	sadd.s32 s8, s11;
	s1 =	sadd.s32 s3, s2;
	s2 =	sld [smem:$0x73A]  }
0x39a: {  	s9 =	smulhi.u32 $0x67D1C497, s7;
	s0 =	sshra.s32 s7, $0x1F;
	[smem:$0x7F5] =	sst s8  }
0x39b: {  	s4 =	spop (v2sf);
	[smem:$0x7E7] =	sst s1;
	s1 =	sadd.s32 s6, s5  }
0x39c: {  	s7 =	smul.u32 $0x67D1C497, s0;
	s0 =	sshra.s32 s4, $0x1F;
	[smem:$0x7E8] =	sst s1  }
0x39d: {  	s6 =	smulhi.u32 $0x67D1C497, s4;
	s1 =	sadd.s32 s31, s30;
	s30 =	sld [smem:$0x738]  }
0x39e: {  	(v2sf) =	vpush v33, $0x1;
	s5 =	smul.u32 $0x67D1C497, s0;
	s31 =	sld [smem:$0x739]  }
0x39f: {  	[smem:$0x7E9] =	sst s1;
	s3 =	spop (v2sf)  }
0x3a0: {  	(v2sf) =	vpush v33, $0x2;
	s4 =	smulhi.u32 $0x67D1C497, s3;
	s0 =	sshra.s32 s3, $0x1F;
	s3 =	sld [smem:$0x73B]  }
0x3a1: {  	s1 =	sadd.s32 s31, s30;
	s30 =	sld [smem:$0x73C]  }
0x3a2: {  	s31 =	sld [smem:$0x73D]  }
0x3a3: {  	(v2sf) =	vpush v33, $0x3;
	[smem:$0x7EA] =	sst s1;
	s1 =	sadd.s32 s3, s2  }
0x3a4: {  	(v2sf) =	vpush v33, $0x4;
	[smem:$0x7EB] =	sst s1  }
0x3a5: {  	s1 =	sadd.s32 s31, s30;
	s30 =	sld [smem:$0x73F]  }
0x3a6: {  	[smem:$0x7EC] =	sst s1  }
0x3a7: {  	s7 =	sadd.s32 s7, s9;
	s1 =	sld [smem:$0x73E]  }
0x3a8: {  	(v2sf) =	vpush v33, $0x5;
	[smem:$0x7F6] =	sst s7;
	s5 =	sadd.s32 s5, s6;
	s3 =	smul.u32 $0x67D1C497, s0  }
0x3a9: {  	[smem:$0x7F7] =	sst s5  }
0x3aa: {  	v0 =	vmul.u32 $0x9, v31;
	(v2sf) =	vpush v33, $0x6;
	s3 =	sadd.s32 s3, s4;
	s1 =	sadd.s32 s30, s1;
	s30 =	sld [smem:$0x740]  }
0x3ab: {  	(v2sf) =	vpush v33, $0x7;
	[smem:$0x7F8] =	sst s3  }
0x3ac: {  	v34 =	vadd.s32 $0x9C5C, v0;
	[smem:$0x7ED] =	sst s1  }
0x3ad: {  	(v2sf) =	vpush v34, $0xD;
	s0 =	spop (v2sf);
	s31 =	sadd.s32 s29, s30;
	s29 =	sld [smem:$0x741]  }
0x3ae: {  	s2 =	smulhi.u32 $0x67D1C497, s0;
	s0 =	sshra.s32 s0, $0x1F;
	s30 =	sld [smem:$0x742]  }
0x3af: {  	s1 =	smul.u32 $0x67D1C497, s0;
	s0 =	spop (v2sf)  }
0x3b0: {  	(v2sf) =	vpush v34, $0xC;
	[smem:$0x7EE] =	sst s31;
	s31 =	smulhi.u32 $0x67D1C497, s0;
	s0 =	sshra.s32 s0, $0x1F  }
0x3b1: {  	s0 =	smul.u32 $0x67D1C497, s0;
	s29 =	sadd.s32 s30, s29;
	s30 =	sld [smem:$0x743]  }
0x3b2: {  	s1 =	sadd.s32 s1, s2;
	[smem:$0x7EF] =	sst s29;
	s29 =	spop (v2sf)  }
0x3b3: {  	[smem:$0x7F9] =	sst s1;
	s0 =	sadd.s32 s0, s31;
	s28 =	spop (v2sf)  }
0x3b4: {  	s30 =	sadd.s32 s26, s30;
	s26 =	smulhi.u32 $0x67D1C497, s29;
	s29 =	sshra.s32 s29, $0x1F  }
0x3b5: {  	(v2sf) =	vpush v34, $0xE;
	[smem:$0x7FA] =	sst s0;
	s24 =	smul.u32 $0x67D1C497, s29  }
0x3b6: {  	s29 =	sadd.s32 s22, s25;
	s22 =	smulhi.u32 $0x67D1C497, s28;
	s25 =	sshra.s32 s28, $0x1F  }
0x3b7: {  	s28 =	sadd.s32 s20, s23;
	s23 =	spop (v2sf);
	s20 =	smul.u32 $0x67D1C497, s25  }
0x3b8: {  	s25 =	sadd.s32 s18, s21;
	s18 =	smulhi.u32 $0x67D1C497, s23;
	s23 =	sshra.s32 s23, $0x1F  }
0x3b9: {  	s21 =	spop (v2sf);
	s16 =	smul.u32 $0x67D1C497, s23  }
0x3ba: {  	s14 =	smulhi.u32 $0x67D1C497, s21;
	s23 =	sshra.s32 s21, $0x1F;
	s19 =	spop (v2sf)  }
0x3bb: {  	(v2sf) =	vpush v34, $0xF;
	s6 =	sadd.s32 s24, s26;
	s24 =	sld [smem:$0x748];
	s12 =	smul.u32 $0x67D1C497, s23  }
0x3bc: {  	s10 =	smulhi.u32 $0x67D1C497, s19;
	s21 =	sshra.s32 s19, $0x1F;
	s23 =	spop (v2sf)  }
0x3bd: {  	[smem:$0x7FB] =	sst s6;
	s8 =	smul.u32 $0x67D1C497, s21  }
0x3be: {  	s11 =	sadd.s32 s20, s22;
	s22 =	sld [smem:$0x747];
	s7 =	smulhi.u32 $0x67D1C497, s23  }
0x3bf: {  	s13 =	sshra.s32 s23, $0x1F;
	s15 =	spop (v2sf);
	[smem:$0x7FC] =	sst s11  }
0x3c0: {  	s11 =	sld [smem:$0x74A];
	s3 =	smulhi.u32 $0x67D1C497, s15;
	s17 =	sshra.s32 s15, $0x1F  }
0x3c1: {  	s15 =	sadd.s32 s16, s18;
	s31 =	sadd.s32 s12, s14;
	s14 =	sld [smem:$0x746]  }
0x3c2: {  	s5 =	smul.u32 $0x67D1C497, s13;
	s26 =	sshra.s32 s24, $0xF;
	[smem:$0x7FD] =	sst s15  }
0x3c3: {  	s19 =	smul.u32 $0x67D1C497, s17;
	s8 =	sadd.s32 s8, s10;
	s17 =	sld [smem:$0x744]  }
0x3c4: {  	s21 =	spop (v2sf);
	[dreg:$0x1f] =	wrdreg s8;
	s5 =	sadd.s32 s5, s7  }
0x3c5: {  	s8 =	sshrl.u32 s24, $0x1F;
	s7 =	sshra.s32 s24, $0x1F;
	s24 =	sld [smem:$0x74E]  }
0x3c6: {  	s23 =	smulhi.u32 $0x67D1C497, s21;
	s2 =	sshra.s32 s21, $0x1F;
	[dreg:$0x1d] =	wrdreg s5  }
0x3c7: {  	s2 =	smul.u32 $0x67D1C497, s2;
	s1 =	sadd.s32 s19, s3;
	s19 =	sld [smem:$0x745]  }
0x3c8: {  	[dreg:$0x1b] =	wrdreg s1;
	s1 =	sshra.s32 s22, $0xF  }
0x3c9: {  	s0 =	sadd.s32 s2, s23;
	s23 =	sshrl.u32 s22, $0x1F;
	s22 =	sld [smem:$0x74D]  }
0x3ca: {  	s21 =	sshra.s32 s14, $0x1F;
	[dreg:$0x1c] =	wrdreg s0;
	s9 =	spop (v2sf)  }
0x3cb: {  	s20 =	sshrl.u32 s19, $0x1F;
	s13 =	smulhi.u32 $0x67D1C497, s9;
	s4 =	sshra.s32 s9, $0x1F  }
0x3cc: {  	s18 =	sshrl.u32 s17, $0x1F;
	v1 =	vmov s20;
	s9 =	sld [smem:$0x749];
	s4 =	smul.u32 $0x67D1C497, s4  }
0x3cd: {  	s12 =	sshra.s32 s11, $0xF;
	s15 =	sshra.s32 s11, $0x1F;
	v0 =	vmov s21;
	v1 =	vsel vm1, s18, v1;
	s18 =	sld [smem:$0x74C]  }
0x3ce: {  	v0 =	vsel vm0, s26, v0;
	s16 =	sadd.s32 s4, s13;
	s13 =	sshrl.u32 s11, $0x1F;
	s11 =	sld [smem:$0x74F]  }
0x3cf: {  	v2 =	vmov s8;
	s26 =	sshrl.u32 s24, $0x1F;
	v0 =	vsel vm9, s7, v0;
	[dreg:$0x1e] =	wrdreg s16  }
0x3d0: {  	v2 =	vnsel vm0, $0x0, v2;
	v0 =	vsel vm1, s12, v0;
	s4 =	sshra.s32 s19, $0xF;
	s10 =	sshrl.u32 s9, $0x1F;
	s16 =	sld [smem:$0x74B]  }
0x3d1: {  	v0 =	vsel vm10, s15, v0;
	v1 =	vsel vm2, s23, v1;
	s19 =	sshrl.u32 s18, $0x1F;
	s20 =	sshra.s32 s18, $0xF;
	v2 =	vsel vm1, s13, v2;
	s13 =	sld [smem:$0x757]  }
0x3d2: {  	s0 =	sshra.s32 s17, $0xF;
	s21 =	sshra.s32 s18, $0x1F;
	v3 =	vsel vm3, s10, v1;
	v0 =	vsel vm2, s20, v0;
	v1 =	vsel vm2, s19, v2;
	s19 =	sld [smem:$0x751]  }
0x3d3: {  	s3 =	sshra.s32 s22, $0xF;
	s23 =	sshrl.u32 s22, $0x1F;
	v0 =	vsel vm11, s21, v0;
	s21 =	sld [smem:$0x752]  }
0x3d4: {  	s15 =	sshra.s32 s24, $0xF;
	s6 =	sshra.s32 s9, $0xF;
	v2 =	vmov s23;
	s23 =	sld [smem:$0x753]  }
0x3d5: {  	v1 =	vsel vm3, s26, v1;
	s12 =	sshrl.u32 s11, $0x1F;
	s26 =	sshra.s32 s11, $0xF;
	s17 =	sshrl.u32 s16, $0x1F  }
0x3d6: {  	s2 =	sshra.s32 s16, $0xF;
	s16 =	sshra.s32 s24, $0x1F;
	v2 =	vsel vm1, s17, v2;
	s17 =	sld [smem:$0x750]  }
0x3d7: {  	v0 =	vsel vm3, s15, v0;
	v1 =	vsel vm4, s12, v1;
	s20 =	sshrl.u32 s19, $0x1F;
	s24 =	sshrl.u32 s23, $0x1F;
	s15 =	sshra.s32 s19, $0xF  }
0x3d8: {  	v0 =	vsel vm12, s16, v0;
	s16 =	sshra.s32 s19, $0x1F;
	s19 =	sshra.s32 s14, $0xF;
	v1 =	vsel vm5, s20, v1;
	s20 =	sld [smem:$0x754]  }
0x3d9: {  	v0 =	vsel vm4, s26, v0;
	s26 =	sshrl.u32 s14, $0x1F;
	s14 =	sld [smem:$0x759];
	v1 =	vsel vm6, s24, v1;
	s24 =	sshra.s32 s11, $0x1F  }
0x3da: {  	s22 =	sshrl.u32 s21, $0x1F;
	s11 =	sld [smem:$0x758];
	s18 =	sshrl.u32 s17, $0x1F;
	v0 =	vsel vm13, s24, v0  }
0x3db: {  	s9 =	sshra.s32 s21, $0xF;
	s10 =	sshra.s32 s17, $0xF;
	v5 =	vsel vm7, s26, v1;
	s24 =	sld [smem:$0x756];
	v2 =	vsel vm2, s18, v2;
	v0 =	vsel vm5, s15, v0  }
0x3dc: {  	v1 =	vmov s4;
	s17 =	sshra.s32 s23, $0xF;
	s18 =	sshra.s32 s23, $0x1F;
	v4 =	vsel vm3, s22, v2;
	v0 =	vsel vm14, s16, v0;
	s22 =	sld [smem:$0x755]  }
0x3dd: {  	v1 =	vsel vm1, s0, v1;
	s21 =	sshrl.u32 s20, $0x1F;
	s0 =	sshra.s32 s20, $0xF;
	s15 =	sshra.s32 s14, $0xF;
	v2 =	vmov s3;
	v0 =	vsel vm6, s17, v0  }
0x3de: {  	v1 =	vsel vm2, s1, v1;
	s12 =	sshrl.u32 s11, $0x1F;
	s16 =	sshrl.u32 s14, $0x1F;
	v2 =	vsel vm1, s2, v2;
	v0 =	vsel vm15, s18, v0;
	s18 =	sld [smem:$0x75A]  }
0x3df: {  	v7 =	vsel vm3, s6, v1;
	v1 =	vsel vm2, s10, v2;
	s10 =	sshra.s32 s13, $0x1F;
	s23 =	sshrl.u32 s22, $0x1F;
	v60 =	vsel vm7, s19, v0;
	s19 =	sld [smem:$0x75B]  }
0x3e0: {  	s26 =	sshrl.u32 s24, $0x1F;
	s1 =	sshra.s32 s24, $0xF;
	v62 =	vsel vm3, s9, v1;
	v1 =	vmov s10;
	v0 =	vmov s23;
	s23 =	sld [smem:$0x75C]  }
0x3e1: {  	s2 =	sshra.s32 s11, $0xF;
	s17 =	sshra.s32 s14, $0x1F;
	v1 =	vsel vm0, s15, v1;
	s15 =	sld [smem:$0x75E]  }
0x3e2: {  	s3 =	sshra.s32 s22, $0xF;
	v0 =	vsel vm1, s21, v0;
	v1 =	vsel vm9, s17, v1;
	s6 =	sshrl.u32 s18, $0x1F;
	s17 =	sld [smem:$0x75F]  }
0x3e3: {  	s7 =	sshra.s32 s18, $0xF;
	s20 =	sshra.s32 s19, $0xF;
	v0 =	vsel vm2, s26, v0;
	s26 =	sld [smem:$0x75D]  }
0x3e4: {  	s21 =	sshrl.u32 s19, $0x1F;
	s22 =	sshra.s32 s19, $0x1F;
	s19 =	sld [smem:$0x760]  }
0x3e5: {  	v2 =	vmov s16;
	s24 =	sshrl.u32 s23, $0x1F;
	s4 =	sshra.s32 s23, $0xF;
	s16 =	sshrl.u32 s15, $0x1F  }
0x3e6: {  	v2 =	vnsel vm0, $0x0, v2;
	v0 =	vsel vm3, s12, v0;
	s5 =	sshra.s32 s15, $0xF;
	s23 =	sld [smem:$0x761];
	s11 =	sshrl.u32 s26, $0x1F  }
0x3e7: {  	v1 =	vsel vm1, s20, v1;
	[tilespmem:$0x1FD30] =	vst v0;
	v0 =	vsel vm1, s21, v2;
	s12 =	sshra.s32 s26, $0xF;
	s14 =	sshra.s32 s26, $0x1F;
	s26 =	sld [smem:$0x762]  }
0x3e8: {  	s15 =	sld [smem:$0x763];
	v1 =	vsel vm10, s22, v1;
	v2 =	vmov s24;
	s18 =	sshrl.u32 s17, $0x1F;
	s21 =	sshra.s32 s17, $0xF;
	v0 =	vsel vm2, s11, v0  }
0x3e9: {  	s22 =	sshra.s32 s17, $0x1F;
	v2 =	vsel vm1, s6, v2;
	s20 =	sshrl.u32 s19, $0x1F;
	s17 =	sshra.s32 s19, $0xF;
	v1 =	vsel vm2, s12, v1;
	v0 =	vsel vm3, s18, v0  }
0x3ea: {  	v2 =	vsel vm2, s16, v2;
	s24 =	sshrl.u32 s23, $0x1F;
	s6 =	sshra.s32 s23, $0xF;
	v1 =	vsel vm11, s14, v1;
	v0 =	vsel vm4, s20, v0;
	s14 =	sshrl.u32 s26, $0x1F  }
0x3eb: {  	s16 =	sshrl.u32 s15, $0x1F;
	s23 =	sshra.s32 s13, $0xF;
	v2 =	vsel vm3, s24, v2;
	s24 =	sld [smem:$0x764];
	v1 =	vsel vm3, s21, v1;
	v0 =	vsel vm5, s14, v0  }
0x3ec: {  	s18 =	sshra.s32 s19, $0x1F;
	s19 =	sshrl.u32 s13, $0x1F;
	s13 =	sld [smem:$0x767];
	v1 =	vsel vm12, s22, v1;
	v0 =	vsel vm6, s16, v0  }
0x3ed: {  	s10 =	sshra.s32 s15, $0x1F;
	[tilespmem:$0x1FD40] =	vst v2;
	v2 =	vmov s3;
	s20 =	sshra.s32 s26, $0xF;
	s14 =	sld [smem:$0x766];
	v1 =	vsel vm4, s17, v1;
	v0 =	vsel vm7, s19, v0  }
0x3ee: {  	s21 =	sshra.s32 s26, $0x1F;
	s22 =	sshra.s32 s15, $0xF;
	s16 =	sld [smem:$0x768];
	v1 =	vsel vm13, s18, v1;
	[tilespmem:$0x1FD60] =	vst v0;
	v0 =	vsel vm1, s0, v2  }
0x3ef: {  	s26 =	sshrl.u32 s24, $0x1F;
	s15 =	sshrl.u32 s13, $0x1F;
	v1 =	vsel vm5, s20, v1;
	s20 =	sld [smem:$0x769];
	v0 =	vsel vm2, s1, v0  }
0x3f0: {  	v2 =	vmov s4;
	s0 =	sshra.s32 s24, $0xF;
	v1 =	vsel vm14, s21, v1;
	s1 =	sshra.s32 s13, $0xF;
	s13 =	sld [smem:$0x76D];
	v0 =	vsel vm3, s2, v0  }
0x3f1: {  	s12 =	sshra.s32 s14, $0x1F;
	s17 =	sshra.s32 s16, $0xF;
	v1 =	vsel vm6, s22, v1;
	s22 =	sld [smem:$0x76A];
	[tilespmem:$0x1FD50] =	vst v0;
	v0 =	vsel vm1, s7, v2  }
0x3f2: {  	s18 =	sshrl.u32 s16, $0x1F;
	s19 =	sshra.s32 s16, $0x1F;
	s7 =	sld [smem:$0x765];
	v0 =	vsel vm2, s5, v0  }
0x3f3: {  	s21 =	sshrl.u32 s20, $0x1F;
	s4 =	sshra.s32 s20, $0xF;
	s20 =	sld [smem:$0x76F];
	v35 =	vsel vm3, s6, v0;
	v0 =	vsel vm15, s10, v1  }
0x3f4: {  	v2 =	vmov s12;
	s16 =	sshrl.u32 s13, $0x1F;
	s3 =	sshrl.u32 s22, $0x1F;
	v0 =	vsel vm7, s23, v0;
	s23 =	sld [smem:$0x76B]  }
0x3f5: {  	v1 =	vsel vm0, s17, v2;
	v2 =	vmov s18;
	s6 =	sshra.s32 s22, $0xF;
	s18 =	sld [smem:$0x76E];
	s11 =	sshrl.u32 s7, $0x1F  }
0x3f6: {  	s17 =	sshra.s32 s13, $0x1F;
	s2 =	sshra.s32 s7, $0xF;
	[tilespmem:$0x1FD70] =	vst v0;
	v0 =	vmov s11;
	s11 =	sld [smem:$0x76C]  }
0x3f7: {  	v1 =	vsel vm9, s19, v1;
	s22 =	sshra.s32 s20, $0xF;
	v0 =	vsel vm1, s26, v0;
	s24 =	sshra.s32 s23, $0xF;
	s26 =	sshrl.u32 s23, $0x1F  }
0x3f8: {  	s10 =	sshra.s32 s23, $0x1F;
	v0 =	vsel vm2, s15, v0;
	s23 =	sshra.s32 s20, $0x1F;
	v1 =	vsel vm1, s24, v1;
	s24 =	sld [smem:$0x770]  }
0x3f9: {  	v2 =	vnsel vm0, $0x0, v2;
	s12 =	sshrl.u32 s11, $0x1F;
	v0 =	vsel vm3, s21, v0;
	s21 =	sshrl.u32 s20, $0x1F;
	s20 =	sld [smem:$0x773]  }
0x3fa: {  	s19 =	sshrl.u32 s18, $0x1F;
	s5 =	sshra.s32 s18, $0xF;
	[tilespmem:$0x1FD80] =	vst v0;
	v0 =	vsel vm1, s26, v2;
	v2 =	vmov s12;
	s12 =	sld [smem:$0x771]  }
0x3fb: {  	s15 =	sshra.s32 s13, $0xF;
	v1 =	vsel vm10, s10, v1;
	v0 =	vsel vm2, s16, v0;
	s16 =	sld [smem:$0x772];
	s26 =	sshrl.u32 s24, $0x1F  }
0x3fc: {  	v1 =	vsel vm2, s15, v1;
	v2 =	vsel vm1, s3, v2;
	v0 =	vsel vm3, s21, v0;
	s8 =	sshra.s32 s24, $0xF;
	s21 =	sshrl.u32 s20, $0x1F;
	s24 =	sshrl.u32 s14, $0x1F  }
0x3fd: {  	v1 =	vsel vm11, s17, v1;
	v2 =	vsel vm2, s19, v2;
	s13 =	sshra.s32 s20, $0x1F;
	s15 =	sshrl.u32 s12, $0x1F;
	s18 =	sshra.s32 s12, $0xF  }
0x3fe: {  	v1 =	vsel vm3, s22, v1;
	v2 =	vsel vm3, s26, v2;
	s26 =	sshra.s32 s20, $0xF;
	s20 =	sld [smem:$0x776];
	v0 =	vsel vm4, s15, v0;
	s17 =	sshrl.u32 s16, $0x1F  }
0x3ff: {  	s19 =	sshra.s32 s12, $0x1F;
	v1 =	vsel vm12, s23, v1;
	s22 =	sshra.s32 s16, $0xF;
	s15 =	sld [smem:$0x777];
	v0 =	vsel vm5, s17, v0  }
0x400: {  	s23 =	sshra.s32 s16, $0x1F;
	s16 =	sshra.s32 s14, $0xF;
	s14 =	sld [smem:$0x77B];
	v1 =	vsel vm4, s18, v1;
	v0 =	vsel vm6, s21, v0  }
0x401: {  	[tilespmem:$0x1FD90] =	vst v2;
	v2 =	vmov s2;
	s17 =	sld [smem:$0x774];
	v1 =	vsel vm13, s19, v1;
	v0 =	vsel vm7, s24, v0  }
0x402: {  	s9 =	sshra.s32 s11, $0xF;
	s18 =	sld [smem:$0x775];
	v1 =	vsel vm5, s22, v1;
	[tilespmem:$0x1FDC0] =	vst v0;
	v0 =	vsel vm1, s0, v2  }
0x403: {  	s21 =	sshrl.u32 s20, $0x1F;
	s22 =	sshra.s32 s15, $0x1F;
	v1 =	vsel vm14, s23, v1;
	s23 =	sld [smem:$0x778];
	v0 =	vsel vm2, s1, v0  }
0x404: {  	s12 =	sshrl.u32 s17, $0x1F;
	v2 =	vmov s9;
	s0 =	sshra.s32 s17, $0xF;
	s17 =	sld [smem:$0x77C];
	v0 =	vsel vm3, s4, v0  }
0x405: {  	s19 =	sshrl.u32 s18, $0x1F;
	s3 =	sshra.s32 s18, $0xF;
	v1 =	vsel vm6, s26, v1;
	s26 =	sld [smem:$0x779];
	[tilespmem:$0x1FDA0] =	vst v0;
	v0 =	vsel vm1, s6, v2  }
0x406: {  	s9 =	sshra.s32 s14, $0xF;
	s1 =	sshra.s32 s20, $0xF;
	s20 =	sld [smem:$0x77D];
	v0 =	vsel vm2, s5, v0  }
0x407: {  	v1 =	vsel vm15, s13, v1;
	s13 =	sld [smem:$0x77A];
	s24 =	sshrl.u32 s23, $0x1F;
	s2 =	sshra.s32 s23, $0xF;
	v0 =	vsel vm3, s8, v0  }
0x408: {  	s18 =	sshra.s32 s17, $0xF;
	s10 =	sshra.s32 s26, $0xF;
	s11 =	sshrl.u32 s26, $0x1F;
	[tilespmem:$0x1FDB0] =	vst v0;
	v0 =	vsel vm7, s16, v1;
	v1 =	vmov s19  }
0x409: {  	s7 =	sshra.s32 s26, $0x1F;
	s4 =	sshrl.u32 s20, $0x1F;
	s26 =	sld [smem:$0x77F];
	v1 =	vsel vm1, s12, v1  }
0x40a: {  	v2 =	vmov s22;
	s5 =	sshra.s32 s20, $0xF;
	s16 =	sshrl.u32 s14, $0x1F;
	v1 =	vsel vm2, s21, v1;
	s21 =	sld [smem:$0x77E]  }
0x40b: {  	s19 =	sshrl.u32 s17, $0x1F;
	s14 =	sld [smem:$0x780];
	[tilespmem:$0x1FDD0] =	vst v0;
	v0 =	vsel vm0, s10, v2;
	v2 =	vmov s11;
	s11 =	sshra.s32 s17, $0x1F  }
0x40c: {  	s12 =	sshrl.u32 s26, $0x1F;
	s17 =	sld [smem:$0x781];
	s20 =	sshra.s32 s26, $0x1F;
	v2 =	vnsel vm0, $0x0, v2  }
0x40d: {  	v0 =	vsel vm9, s7, v0;
	v2 =	vsel vm1, s19, v2;
	s19 =	sshra.s32 s26, $0xF;
	s26 =	sld [smem:$0x783];
	s22 =	sshrl.u32 s21, $0x1F  }
0x40e: {  	v0 =	vsel vm1, s18, v0;
	v1 =	vsel vm3, s24, v1;
	s23 =	sshra.s32 s21, $0xF;
	s24 =	sshra.s32 s21, $0x1F;
	s21 =	sld [smem:$0x782]  }
0x40f: {  	s8 =	sshrl.u32 s13, $0x1F;
	v0 =	vsel vm10, s11, v0;
	[tilespmem:$0x1FDE0] =	vst v1;
	s18 =	sshrl.u32 s17, $0x1F;
	v1 =	vsel vm2, s22, v2;
	v2 =	vmov s16  }
0x410: {  	v0 =	vsel vm2, s23, v0;
	s16 =	sshrl.u32 s14, $0x1F;
	s23 =	sshra.s32 s17, $0xF;
	v1 =	vsel vm3, s12, v1;
	v2 =	vsel vm1, s8, v2;
	s8 =	sshra.s32 s14, $0xF  }
0x411: {  	v0 =	vsel vm11, s24, v0;
	s24 =	sshra.s32 s17, $0x1F;
	s14 =	sshrl.u32 s26, $0x1F;
	v1 =	vsel vm4, s18, v1;
	s22 =	sshrl.u32 s21, $0x1F  }
0x412: {  	v0 =	vsel vm3, s19, v0;
	v2 =	vsel vm2, s4, v2;
	s17 =	sshra.s32 s21, $0x1F;
	s18 =	sshrl.u32 s15, $0x1F;
	v1 =	vsel vm5, s22, v1;
	s22 =	sld [smem:$0x784]  }
0x413: {  	v0 =	vsel vm12, s20, v0;
	v2 =	vsel vm3, s16, v2;
	s16 =	sshra.s32 s21, $0xF;
	s21 =	sshra.s32 s15, $0xF;
	s15 =	sld [smem:$0x787];
	v1 =	vsel vm6, s14, v1  }
0x414: {  	s6 =	sshra.s32 s13, $0xF;
	v0 =	vsel vm4, s23, v0;
	s14 =	sld [smem:$0x786];
	v1 =	vsel vm7, s18, v1  }
0x415: {  	s19 =	sshra.s32 s26, $0xF;
	s20 =	sshra.s32 s26, $0x1F;
	v0 =	vsel vm13, s24, v0;
	s24 =	sld [smem:$0x785];
	[tilespmem:$0x1FE00] =	vst v1;
	v1 =	vmov s3  }
0x416: {  	[tilespmem:$0x1FDF0] =	vst v2;
	v2 =	vmov s9;
	s18 =	sld [smem:$0x78A];
	s23 =	sshrl.u32 s22, $0x1F;
	v1 =	vsel vm1, s0, v1;
	s0 =	sshra.s32 s22, $0xF  }
0x417: {  	v2 =	vsel vm1, s6, v2;
	v0 =	vsel vm5, s16, v0;
	s6 =	sshrl.u32 s14, $0x1F;
	s3 =	sshra.s32 s14, $0xF;
	s14 =	sld [smem:$0x788]  }
0x418: {  	v0 =	vsel vm14, s17, v0;
	s17 =	sld [smem:$0x789];
	s26 =	sshrl.u32 s24, $0x1F;
	v1 =	vsel vm2, s1, v1;
	s4 =	sshra.s32 s24, $0xF  }
0x419: {  	v0 =	vsel vm6, s19, v0;
	s1 =	sshra.s32 s15, $0xF;
	s19 =	sshra.s32 s18, $0xF;
	s10 =	sshra.s32 s18, $0x1F;
	v1 =	vsel vm3, s2, v1  }
0x41a: {  	s24 =	sld [smem:$0x78D];
	v0 =	vsel vm15, s20, v0;
	s20 =	sshrl.u32 s18, $0x1F;
	[tilespmem:$0x1FE10] =	vst v1;
	v1 =	vsel vm2, s5, v2;
	s5 =	sshrl.u32 s15, $0x1F  }
0x41b: {  	s16 =	sshra.s32 s14, $0x1F;
	s7 =	sshrl.u32 s17, $0x1F;
	v0 =	vsel vm7, s21, v0;
	s21 =	sld [smem:$0x78B]  }
0x41c: {  	s2 =	sshra.s32 s17, $0xF;
	s17 =	sld [smem:$0x78F];
	s13 =	sshrl.u32 s14, $0x1F;
	[tilespmem:$0x1FE50] =	vst v0;
	v0 =	vmov s26  }
0x41d: {  	v1 =	vsel vm3, s8, v1;
	s26 =	sshra.s32 s24, $0xF;
	s12 =	sshrl.u32 s24, $0x1F;
	v0 =	vsel vm1, s23, v0;
	s23 =	sld [smem:$0x78C]  }
0x41e: {  	s15 =	sshra.s32 s24, $0x1F;
	[tilespmem:$0x1FE20] =	vst v1;
	v1 =	vmov s16;
	s16 =	sld [smem:$0x78E];
	s22 =	sshrl.u32 s21, $0x1F  }
0x41f: {  	v2 =	vmov s20;
	v1 =	vsel vm0, s19, v1;
	s8 =	sshra.s32 s21, $0xF;
	v0 =	vsel vm2, s6, v0;
	s18 =	sshrl.u32 s17, $0x1F;
	s21 =	sld [smem:$0x790]  }
0x420: {  	v2 =	vnsel vm0, $0x0, v2;
	s19 =	sshra.s32 s17, $0xF;
	s20 =	sshra.s32 s17, $0x1F;
	v1 =	vsel vm9, s10, v1;
	v0 =	vsel vm3, s5, v0;
	s9 =	sshrl.u32 s23, $0x1F  }
0x421: {  	v1 =	vsel vm1, s26, v1;
	s6 =	sshra.s32 s23, $0xF;
	[tilespmem:$0x1FE30] =	vst v0;
	v0 =	vsel vm1, s12, v2;
	s5 =	sshrl.u32 s16, $0x1F;
	s26 =	sld [smem:$0x791]  }
0x422: {  	v2 =	vmov s22;
	s10 =	sshra.s32 s16, $0xF;
	v0 =	vsel vm2, s18, v0;
	s22 =	sshrl.u32 s21, $0x1F;
	s18 =	sld [smem:$0x792]  }
0x423: {  	v2 =	vsel vm1, s7, v2;
	s23 =	sshra.s32 s21, $0xF;
	s24 =	sshra.s32 s21, $0x1F;
	v0 =	vsel vm3, s22, v0;
	s22 =	sld [smem:$0x793]  }
0x424: {  	v1 =	vsel vm10, s15, v1;
	v2 =	vsel vm2, s9, v2;
	s9 =	sshra.s32 s14, $0xF;
	s14 =	sld [smem:$0x798];
	s15 =	sshrl.u32 s26, $0x1F  }
0x425: {  	v1 =	vsel vm2, s19, v1;
	s16 =	sshra.s32 s26, $0xF;
	v0 =	vsel vm4, s15, v0;
	s19 =	sshrl.u32 s18, $0x1F;
	s15 =	sld [smem:$0x794]  }
0x426: {  	v1 =	vsel vm11, s20, v1;
	s20 =	sshra.s32 s18, $0xF;
	s21 =	sshra.s32 s18, $0x1F;
	s18 =	sld [smem:$0x796]  }
0x427: {  	s17 =	sshra.s32 s26, $0x1F;
	v1 =	vsel vm3, s23, v1;
	v0 =	vsel vm5, s19, v0;
	s23 =	sshrl.u32 s22, $0x1F;
	s19 =	sld [smem:$0x797]  }
0x428: {  	v2 =	vsel vm3, s5, v2;
	v1 =	vsel vm12, s24, v1;
	s24 =	sshra.s32 s22, $0xF;
	s26 =	sshra.s32 s22, $0x1F;
	s22 =	sld [smem:$0x79A];
	v0 =	vsel vm6, s23, v0  }
0x429: {  	[tilespmem:$0x1FE40] =	vst v2;
	v2 =	vmov s4;
	v1 =	vsel vm4, s16, v1;
	s16 =	sld [smem:$0x795];
	v0 =	vsel vm7, s13, v0  }
0x42a: {  	v1 =	vsel vm13, s17, v1;
	s12 =	sshrl.u32 s15, $0x1F;
	s13 =	sshrl.u32 s18, $0x1F;
	[tilespmem:$0x1FE60] =	vst v0;
	v0 =	vsel vm1, s0, v2;
	s0 =	sshra.s32 s15, $0xF  }
0x42b: {  	v2 =	vmov s8;
	v1 =	vsel vm5, s20, v1;
	s11 =	sshrl.u32 s19, $0x1F;
	s20 =	sshra.s32 s14, $0x1F;
	s15 =	sld [smem:$0x79C];
	v0 =	vsel vm2, s3, v0  }
0x42c: {  	s23 =	sshra.s32 s22, $0xF;
	s17 =	sshrl.u32 s16, $0x1F;
	v1 =	vsel vm14, s21, v1;
	s21 =	sld [smem:$0x799];
	v55 =	vsel vm3, s1, v0;
	v0 =	vsel vm1, s2, v2  }
0x42d: {  	s3 =	sshra.s32 s16, $0xF;
	s1 =	sshra.s32 s18, $0xF;
	v1 =	vsel vm6, s24, v1;
	s2 =	sshra.s32 s19, $0xF;
	v0 =	vsel vm2, s6, v0  }
0x42e: {  	s24 =	sshrl.u32 s22, $0x1F;
	s19 =	sld [smem:$0x79D];
	s16 =	sshra.s32 s15, $0xF;
	v49 =	vsel vm3, s10, v0;
	v0 =	vsel vm15, s26, v1  }
0x42f: {  	v2 =	vmov s20;
	s18 =	sshra.s32 s15, $0x1F;
	s4 =	sshrl.u32 s21, $0x1F;
	s10 =	sld [smem:$0x79B];
	v58 =	vsel vm7, s9, v0;
	v0 =	vmov s17  }
0x430: {  	v1 =	vsel vm0, s23, v2;
	s5 =	sshra.s32 s21, $0xF;
	s26 =	sshra.s32 s22, $0x1F;
	s22 =	sld [smem:$0x79F];
	v0 =	vsel vm1, s12, v0  }
0x431: {  	v2 =	vmov s24;
	s21 =	sld [smem:$0x79E];
	v1 =	vsel vm9, s26, v1;
	s17 =	sshrl.u32 s15, $0x1F;
	s20 =	sshrl.u32 s19, $0x1F;
	v0 =	vsel vm2, s13, v0  }
0x432: {  	v2 =	vnsel vm0, $0x0, v2;
	s9 =	sshra.s32 s19, $0xF;
	v1 =	vsel vm1, s16, v1;
	s7 =	sshrl.u32 s10, $0x1F;
	v59 =	vsel vm3, s11, v0;
	s11 =	sld [smem:$0x7A0]  }
0x433: {  	s8 =	sshra.s32 s10, $0xF;
	v1 =	vsel vm10, s18, v1;
	s23 =	sshra.s32 s22, $0xF;
	v0 =	vsel vm1, s17, v2;
	v2 =	vmov s7;
	s17 =	sld [smem:$0x7A1]  }
0x434: {  	s12 =	sshrl.u32 s21, $0x1F;
	s6 =	sshra.s32 s21, $0xF;
	v1 =	vsel vm2, s23, v1;
	s23 =	sld [smem:$0x7A3];
	v2 =	vsel vm1, s4, v2  }
0x435: {  	s24 =	sshrl.u32 s22, $0x1F;
	s26 =	sshra.s32 s22, $0x1F;
	v2 =	vsel vm2, s20, v2;
	s20 =	sld [smem:$0x7A2]  }
0x436: {  	v0 =	vsel vm2, s24, v0;
	v1 =	vsel vm11, s26, v1;
	s15 =	sshrl.u32 s11, $0x1F;
	s16 =	sshra.s32 s11, $0xF;
	s13 =	sshra.s32 s11, $0x1F  }
0x437: {  	s18 =	sshrl.u32 s17, $0x1F;
	s19 =	sshra.s32 s17, $0xF;
	v0 =	vsel vm3, s15, v0;
	v1 =	vsel vm3, s16, v1;
	s16 =	sld [smem:$0x7A9]  }
0x438: {  	s11 =	sshra.s32 s17, $0x1F;
	v0 =	vsel vm4, s18, v0;
	s21 =	sshrl.u32 s20, $0x1F;
	s18 =	sld [smem:$0x7A4]  }
0x439: {  	v1 =	vsel vm12, s13, v1;
	s22 =	sshra.s32 s20, $0xF;
	s13 =	sshra.s32 s20, $0x1F;
	s20 =	sld [smem:$0x7A6]  }
0x43a: {  	s24 =	sshrl.u32 s23, $0x1F;
	s26 =	sshra.s32 s23, $0xF;
	v1 =	vsel vm4, s19, v1;
	s19 =	sld [smem:$0x7A5]  }
0x43b: {  	v47 =	vsel vm3, s12, v2;
	s12 =	sshra.s32 s23, $0x1F;
	s15 =	sshra.s32 s14, $0xF;
	v0 =	vsel vm5, s21, v0;
	s21 =	sld [smem:$0x7A7];
	v1 =	vsel vm13, s11, v1  }
0x43c: {  	v2 =	vmov s3;
	v0 =	vsel vm6, s24, v0;
	s11 =	sshrl.u32 s14, $0x1F;
	s23 =	sshra.s32 s16, $0x1F;
	s24 =	sld [smem:$0x7AA];
	v1 =	vsel vm5, s22, v1  }
0x43d: {  	s14 =	sshrl.u32 s18, $0x1F;
	v57 =	vsel vm7, s11, v0;
	v0 =	vsel vm1, s0, v2;
	s0 =	sshra.s32 s18, $0xF;
	s22 =	sld [smem:$0x7A8];
	v1 =	vsel vm14, s13, v1  }
0x43e: {  	v2 =	vmov s8;
	s8 =	sshrl.u32 s20, $0x1F;
	s3 =	sshra.s32 s20, $0xF;
	v1 =	vsel vm6, s26, v1;
	s26 =	sld [smem:$0x7AB]  }
0x43f: {  	s20 =	sld [smem:$0x7AC];
	s10 =	sshrl.u32 s19, $0x1F;
	s4 =	sshra.s32 s19, $0xF;
	v0 =	vsel vm2, s1, v0  }
0x440: {  	s13 =	sshrl.u32 s21, $0x1F;
	s1 =	sshra.s32 s21, $0xF;
	s21 =	sld [smem:$0x7AD];
	v51 =	vsel vm3, s2, v0;
	v0 =	vsel vm1, s5, v2  }
0x441: {  	v2 =	vmov s23;
	s2 =	sshrl.u32 s22, $0x1F;
	v0 =	vsel vm2, s9, v0;
	s5 =	sshra.s32 s22, $0xF;
	s17 =	sshra.s32 s26, $0xF  }
0x442: {  	v46 =	vsel vm3, s6, v0;
	s18 =	sshrl.u32 s26, $0x1F;
	s19 =	sshra.s32 s26, $0x1F;
	s26 =	sld [smem:$0x7AF];
	v0 =	vsel vm0, s17, v2  }
0x443: {  	v1 =	vsel vm15, s12, v1;
	s9 =	sshrl.u32 s24, $0x1F;
	s7 =	sshra.s32 s20, $0xF;
	s22 =	sshra.s32 s21, $0xF;
	v0 =	vsel vm9, s19, v0  }
0x444: {  	v54 =	vsel vm7, s15, v1;
	s6 =	sshra.s32 s24, $0xF;
	s12 =	sshra.s32 s21, $0x1F;
	s24 =	sld [smem:$0x7AE];
	v2 =	vmov s18;
	v0 =	vsel vm1, s22, v0  }
0x445: {  	v1 =	vmov s10;
	s23 =	sshrl.u32 s21, $0x1F;
	v2 =	vnsel vm0, $0x0, v2;
	s19 =	sld [smem:$0x7B0];
	s17 =	sshra.s32 s26, $0xF;
	v0 =	vsel vm10, s12, v0  }
0x446: {  	s10 =	sshrl.u32 s20, $0x1F;
	v1 =	vsel vm1, s14, v1;
	v2 =	vsel vm1, s23, v2;
	s18 =	sshra.s32 s26, $0x1F;
	s23 =	sld [smem:$0x7B1];
	v0 =	vsel vm2, s17, v0  }
0x447: {  	v1 =	vsel vm2, s8, v1;
	s14 =	sshrl.u32 s24, $0x1F;
	s8 =	sshra.s32 s24, $0xF;
	v0 =	vsel vm11, s18, v0;
	s18 =	sld [smem:$0x7B2]  }
0x448: {  	s12 =	sshrl.u32 s26, $0x1F;
	s20 =	sshrl.u32 s19, $0x1F;
	s21 =	sshra.s32 s19, $0xF  }
0x449: {  	v1 =	vsel vm3, s13, v1;
	s22 =	sshra.s32 s19, $0x1F;
	s24 =	sshrl.u32 s23, $0x1F;
	s26 =	sshra.s32 s23, $0xF;
	v0 =	vsel vm3, s21, v0  }
0x44a: {  	[tilespmem:$0x1FE70] =	vst v1;
	v1 =	vsel vm2, s12, v2;
	s17 =	sshra.s32 s23, $0x1F;
	v0 =	vsel vm12, s22, v0;
	s22 =	sld [smem:$0x7B3];
	s19 =	sshrl.u32 s18, $0x1F  }
0x44b: {  	v1 =	vsel vm3, s20, v1;
	s20 =	sshra.s32 s18, $0xF;
	s21 =	sshra.s32 s18, $0x1F;
	v0 =	vsel vm4, s26, v0;
	s18 =	sld [smem:$0x7B5]  }
0x44c: {  	v1 =	vsel vm4, s24, v1;
	v0 =	vsel vm13, s17, v0;
	s17 =	sld [smem:$0x7B4]  }
0x44d: {  	v2 =	vmov s9;
	v1 =	vsel vm5, s19, v1;
	s19 =	sld [smem:$0x7B6]  }
0x44e: {  	v2 =	vsel vm1, s2, v2;
	s23 =	sshrl.u32 s22, $0x1F;
	v0 =	vsel vm5, s20, v0;
	s20 =	sld [smem:$0x7B7]  }
0x44f: {  	v2 =	vsel vm2, s10, v2;
	s24 =	sshra.s32 s22, $0xF;
	s26 =	sshra.s32 s22, $0x1F;
	s22 =	sld [smem:$0x7B9]  }
0x450: {  	s15 =	sshrl.u32 s16, $0x1F;
	v56 =	vsel vm3, s14, v2;
	s14 =	sshra.s32 s16, $0xF;
	v1 =	vsel vm6, s23, v1;
	v0 =	vsel vm14, s21, v0;
	s21 =	sld [smem:$0x7B8]  }
0x451: {  	v2 =	vmov s6;
	s6 =	sshra.s32 s18, $0xF;
	v1 =	vsel vm7, s15, v1;
	s15 =	sshrl.u32 s18, $0x1F;
	s18 =	sld [smem:$0x7BA]  }
0x452: {  	s12 =	sshrl.u32 s17, $0x1F;
	s2 =	sshra.s32 s17, $0xF;
	v0 =	vsel vm6, s24, v0;
	s24 =	sld [smem:$0x7BB]  }
0x453: {  	s13 =	sshrl.u32 s19, $0x1F;
	[tilespmem:$0x1FE80] =	vst v1;
	v1 =	vmov s4;
	s4 =	sshra.s32 s19, $0xF;
	v0 =	vsel vm15, s26, v0;
	s26 =	sld [smem:$0x7BC]  }
0x454: {  	v2 =	vsel vm1, s5, v2;
	s16 =	sshrl.u32 s20, $0x1F;
	s19 =	sld [smem:$0x7BE];
	v1 =	vsel vm1, s0, v1;
	s0 =	sshra.s32 s20, $0xF  }
0x455: {  	s17 =	sshrl.u32 s21, $0x1F;
	s5 =	sshra.s32 s21, $0xF;
	v52 =	vsel vm7, s14, v0;
	v0 =	vmov s15;
	s15 =	sld [smem:$0x7BD];
	v1 =	vsel vm2, s3, v1  }
0x456: {  	s23 =	sshra.s32 s18, $0x1F;
	s3 =	sshra.s32 s22, $0xF;
	v44 =	vsel vm3, s1, v1;
	s1 =	sshrl.u32 s22, $0x1F  }
0x457: {  	v0 =	vsel vm1, s12, v0;
	v1 =	vsel vm2, s7, v2;
	s7 =	sshrl.u32 s24, $0x1F;
	s11 =	sshra.s32 s26, $0xF;
	s22 =	sld [smem:$0x7BF]  }
0x458: {  	s14 =	sshrl.u32 s26, $0x1F;
	s10 =	sshra.s32 s26, $0x1F;
	s20 =	sshra.s32 s19, $0xF;
	v0 =	vsel vm2, s13, v0;
	v42 =	vsel vm3, s8, v1  }
0x459: {  	s21 =	sshrl.u32 s19, $0x1F;
	s12 =	sshra.s32 s19, $0x1F;
	v1 =	vmov s23;
	v2 =	vmov s14;
	v0 =	vsel vm3, s16, v0;
	s16 =	sld [smem:$0x7C0]  }
0x45a: {  	s8 =	sshra.s32 s24, $0xF;
	s9 =	sshra.s32 s15, $0xF;
	v1 =	vsel vm0, s11, v1;
	v2 =	vnsel vm0, $0x0, v2;
	s23 =	sshrl.u32 s22, $0x1F  }
0x45b: {  	[tilespmem:$0x1FE90] =	vst v0;
	v1 =	vsel vm9, s10, v1;
	v0 =	vsel vm1, s21, v2;
	s24 =	sshra.s32 s22, $0xF;
	s26 =	sshra.s32 s22, $0x1F;
	v2 =	vmov s1;
	s22 =	sld [smem:$0x7C1]  }
0x45c: {  	s10 =	sshrl.u32 s15, $0x1F;
	s15 =	sld [smem:$0x7C2];
	v1 =	vsel vm1, s20, v1;
	s19 =	sshrl.u32 s16, $0x1F;
	v0 =	vsel vm2, s23, v0;
	v2 =	vsel vm1, s17, v2  }
0x45d: {  	v1 =	vsel vm10, s12, v1;
	v0 =	vsel vm3, s19, v0;
	v2 =	vsel vm2, s7, v2;
	s19 =	sld [smem:$0x7C3]  }
0x45e: {  	s20 =	sshra.s32 s16, $0xF;
	s21 =	sshra.s32 s16, $0x1F;
	v1 =	vsel vm2, s24, v1;
	s23 =	sshrl.u32 s22, $0x1F;
	v50 =	vsel vm3, s10, v2  }
0x45f: {  	s12 =	sshra.s32 s18, $0xF;
	s17 =	sshrl.u32 s15, $0x1F;
	v2 =	vmov s6;
	s6 =	sld [smem:$0x7C7];
	v1 =	vsel vm11, s26, v1;
	v0 =	vsel vm4, s23, v0  }
0x460: {  	s24 =	sshra.s32 s22, $0xF;
	s23 =	sld [smem:$0x7C4];
	v1 =	vsel vm3, s20, v1;
	s20 =	sshrl.u32 s19, $0x1F;
	v0 =	vsel vm5, s17, v0  }
0x461: {  	s26 =	sshra.s32 s22, $0x1F;
	s22 =	sshrl.u32 s18, $0x1F;
	s18 =	sld [smem:$0x7C8];
	v1 =	vsel vm12, s21, v1;
	v0 =	vsel vm6, s20, v0  }
0x462: {  	s13 =	sshra.s32 s15, $0xF;
	s16 =	sshra.s32 s15, $0x1F;
	s20 =	sld [smem:$0x7CA];
	v1 =	vsel vm4, s24, v1;
	v0 =	vsel vm7, s22, v0  }
0x463: {  	s11 =	sshra.s32 s19, $0x1F;
	s21 =	sshra.s32 s19, $0xF;
	s24 =	sld [smem:$0x7C5];
	[tilespmem:$0x1FEA0] =	vst v0;
	v0 =	vsel vm1, s2, v2;
	v1 =	vsel vm13, s26, v1  }
0x464: {  	s26 =	sld [smem:$0x7C6];
	s2 =	sshra.s32 s6, $0xF;
	v0 =	vsel vm2, s4, v0;
	v1 =	vsel vm5, s13, v1;
	s13 =	sshrl.u32 s6, $0x1F  }
0x465: {  	v2 =	vmov s3;
	s6 =	sshra.s32 s18, $0xF;
	v45 =	vsel vm3, s0, v0;
	s0 =	sshrl.u32 s18, $0x1F;
	s18 =	sld [smem:$0x7C9]  }
0x466: {  	s15 =	sshrl.u32 s23, $0x1F;
	s1 =	sshra.s32 s23, $0xF;
	v0 =	vsel vm1, s5, v2;
	v1 =	vsel vm14, s16, v1;
	s16 =	sld [smem:$0x7CD]  }
0x467: {  	s4 =	sshra.s32 s20, $0xF;
	s14 =	sshrl.u32 s24, $0x1F;
	v0 =	vsel vm2, s8, v0;
	v1 =	vsel vm6, s21, v1;
	s21 =	sld [smem:$0x7CB]  }
0x468: {  	s17 =	sshrl.u32 s26, $0x1F;
	s3 =	sshra.s32 s26, $0xF;
	s26 =	sld [smem:$0x7CC];
	v41 =	vsel vm3, s9, v0;
	v0 =	vsel vm15, s11, v1  }
0x469: {  	s7 =	sshra.s32 s24, $0xF;
	s8 =	sld [smem:$0x7D8];
	s19 =	sshra.s32 s18, $0x1F;
	v0 =	vsel vm7, s12, v0  }
0x46a: {  	v2 =	vmov s19;
	s22 =	sshra.s32 s21, $0xF;
	s23 =	sshrl.u32 s21, $0x1F;
	[tilespmem:$0x1FEB0] =	vst v0;
	v0 =	vmov s14;
	s19 =	sld [smem:$0x7CE]  }
0x46b: {  	s5 =	sshrl.u32 s20, $0x1F;
	s12 =	sshrl.u32 s16, $0x1F;
	v1 =	vsel vm0, s22, v2;
	v0 =	vsel vm1, s15, v0;
	v2 =	vmov s23;
	s23 =	sld [smem:$0x7CF]  }
0x46c: {  	s11 =	sshra.s32 s16, $0xF;
	s24 =	sshra.s32 s21, $0x1F;
	s10 =	sshrl.u32 s26, $0x1F;
	v0 =	vsel vm2, s17, v0  }
0x46d: {  	s9 =	sshra.s32 s26, $0xF;
	v1 =	vsel vm9, s24, v1;
	s20 =	sshra.s32 s19, $0xF;
	v20 =	vsel vm3, s13, v0;
	s13 =	sld [smem:$0x7D0]  }
0x46e: {  	v2 =	vnsel vm0, $0x0, v2;
	s21 =	sshrl.u32 s19, $0x1F;
	v1 =	vsel vm1, s20, v1;
	s24 =	sshrl.u32 s23, $0x1F;
	s20 =	sld [smem:$0x7D1]  }
0x46f: {  	s26 =	sshra.s32 s23, $0xF;
	s16 =	sshra.s32 s23, $0x1F;
	v0 =	vsel vm1, s21, v2;
	v2 =	vmov s5;
	s23 =	sld [smem:$0x7D2]  }
0x470: {  	s14 =	sshra.s32 s18, $0xF;
	s22 =	sshra.s32 s19, $0x1F;
	v2 =	vsel vm1, s0, v2;
	s17 =	sshrl.u32 s13, $0x1F  }
0x471: {  	v1 =	vsel vm10, s22, v1;
	v0 =	vsel vm2, s24, v0;
	s19 =	sshra.s32 s13, $0xF;
	s15 =	sshra.s32 s13, $0x1F;
	v2 =	vsel vm2, s10, v2;
	s10 =	sld [smem:$0x7D9]  }
0x472: {  	v1 =	vsel vm2, s26, v1;
	s21 =	sshrl.u32 s20, $0x1F;
	v0 =	vsel vm3, s17, v0;
	s24 =	sshrl.u32 s23, $0x1F;
	s17 =	sld [smem:$0x7D3]  }
0x473: {  	v1 =	vsel vm11, s16, v1;
	s26 =	sshra.s32 s23, $0xF;
	s13 =	sshra.s32 s23, $0x1F;
	s23 =	sld [smem:$0x7D5];
	v0 =	vsel vm4, s21, v0  }
0x474: {  	s22 =	sshra.s32 s20, $0xF;
	s16 =	sshra.s32 s20, $0x1F;
	v1 =	vsel vm3, s19, v1;
	v0 =	vsel vm5, s24, v0;
	s24 =	sld [smem:$0x7D6]  }
0x475: {  	s21 =	sshrl.u32 s18, $0x1F;
	v1 =	vsel vm12, s15, v1;
	s19 =	sshrl.u32 s17, $0x1F;
	s20 =	sshra.s32 s17, $0xF  }
0x476: {  	v17 =	vsel vm3, s12, v2;
	v2 =	vmov s7;
	s15 =	sshra.s32 s17, $0x1F;
	v1 =	vsel vm4, s22, v1;
	s22 =	sld [smem:$0x7D4];
	s7 =	sshra.s32 s23, $0xF  }
0x477: {  	v0 =	vsel vm6, s19, v0;
	v1 =	vsel vm13, s16, v1;
	s16 =	sshrl.u32 s23, $0x1F;
	s19 =	sld [smem:$0x7DA];
	s12 =	sshrl.u32 s24, $0x1F  }
0x478: {  	v36 =	vsel vm7, s21, v0;
	v0 =	vsel vm1, s1, v2;
	v1 =	vsel vm5, s26, v1;
	s5 =	sshra.s32 s24, $0xF;
	s26 =	sld [smem:$0x7D7];
	s1 =	sshra.s32 s10, $0xF  }
0x479: {  	v2 =	vmov s4;
	s21 =	sld [smem:$0x7DC];
	s17 =	sshrl.u32 s22, $0x1F;
	s0 =	sshra.s32 s22, $0xF;
	v0 =	vsel vm2, s3, v0;
	v1 =	vsel vm14, s13, v1  }
0x47a: {  	s3 =	sshrl.u32 s8, $0x1F;
	v16 =	vsel vm3, s2, v0;
	v0 =	vsel vm1, s6, v2;
	v1 =	vsel vm6, s20, v1;
	s2 =	sshrl.u32 s10, $0x1F;
	s20 =	sld [smem:$0x7DB]  }
0x47b: {  	s13 =	sshra.s32 s19, $0x1F;
	s18 =	sshrl.u32 s26, $0x1F;
	v0 =	vsel vm2, s9, v0;
	s9 =	sld [smem:$0x7DE]  }
0x47c: {  	s4 =	sshra.s32 s26, $0xF;
	v1 =	vsel vm15, s15, v1;
	v2 =	vmov s13;
	s22 =	sshra.s32 s21, $0xF;
	s26 =	sld [smem:$0x7DD];
	v14 =	vsel vm3, s11, v0  }
0x47d: {  	s23 =	sshrl.u32 s21, $0x1F;
	s24 =	sshra.s32 s21, $0x1F;
	v18 =	vsel vm7, s14, v1;
	v0 =	vsel vm0, s22, v2;
	v1 =	vmov s16;
	s22 =	sld [smem:$0x7DF]  }
0x47e: {  	s6 =	sshrl.u32 s20, $0x1F;
	s10 =	sshra.s32 s20, $0xF;
	v0 =	vsel vm9, s24, v0;
	v1 =	vsel vm1, s17, v1;
	s20 =	sshra.s32 s9, $0xF  }
0x47f: {  	v2 =	vmov s23;
	s13 =	sshrl.u32 s26, $0x1F;
	s21 =	sshra.s32 s9, $0x1F;
	v1 =	vsel vm2, s12, v1;
	s12 =	sld [smem:$0x7E0];
	v0 =	vsel vm1, s20, v0  }
0x480: {  	v2 =	vnsel vm0, $0x0, v2;
	s16 =	sshrl.u32 s9, $0x1F;
	s24 =	sshra.s32 s22, $0xF;
	v0 =	vsel vm10, s21, v0;
	s21 =	sld [smem:$0x7E1]  }
0x481: {  	s11 =	sshra.s32 s26, $0xF;
	s23 =	sshrl.u32 s22, $0x1F;
	v2 =	vsel vm1, s16, v2;
	s26 =	sshra.s32 s22, $0x1F;
	v53 =	vsel vm3, s18, v1;
	v0 =	vsel vm2, s24, v0  }
0x482: {  	v1 =	vsel vm2, s23, v2;
	v2 =	vmov s2;
	s14 =	sshrl.u32 s12, $0x1F;
	s20 =	sshra.s32 s12, $0xF;
	s24 =	sld [smem:$0x7E2];
	v0 =	vsel vm11, s26, v0  }
0x483: {  	s17 =	sshra.s32 s12, $0x1F;
	v2 =	vsel vm1, s3, v2;
	s3 =	sld [smem:$0x7E3];
	v1 =	vsel vm3, s14, v1;
	s22 =	sshrl.u32 s21, $0x1F;
	v0 =	vsel vm3, s20, v0  }
0x484: {  	s8 =	sshra.s32 s8, $0xF;
	s23 =	sshra.s32 s21, $0xF;
	v1 =	vsel vm4, s22, v1;
	v0 =	vsel vm12, s17, v0;
	s22 =	sld [smem:$0x7E4]  }
0x485: {  	s18 =	sshra.s32 s19, $0xF;
	s26 =	sshrl.u32 s24, $0x1F;
	v0 =	vsel vm4, s23, v0;
	s23 =	sld [smem:$0x7E5]  }
0x486: {  	s9 =	sshra.s32 s21, $0x1F;
	s20 =	sshrl.u32 s3, $0x1F;
	v1 =	vsel vm5, s26, v1;
	s26 =	sld [smem:$0x7E6]  }
0x487: {  	s21 =	sshrl.u32 s19, $0x1F;
	s12 =	sshra.s32 s24, $0xF;
	v1 =	vsel vm6, s20, v1;
	v0 =	vsel vm13, s9, v0;
	s9 =	sld [smem:$0x7E8]  }
0x488: {  	s14 =	sshra.s32 s24, $0x1F;
	s16 =	sshra.s32 s3, $0xF;
	v43 =	vsel vm7, s21, v1;
	v1 =	vmov s7;
	s7 =	sld [smem:$0x7E7]  }
0x489: {  	v2 =	vsel vm2, s6, v2;
	s15 =	sshra.s32 s3, $0x1F;
	s17 =	sshra.s32 s30, $0xF;
	v0 =	vsel vm5, s12, v0;
	s12 =	sld [smem:$0x7E9]  }
0x48a: {  	v38 =	vsel vm3, s13, v2;
	s13 =	sshrl.u32 s22, $0x1F;
	s2 =	sshra.s32 s22, $0xF;
	s21 =	sld [smem:$0x7EC]  }
0x48b: {  	s24 =	sshrl.u32 s23, $0x1F;
	s6 =	sshra.s32 s23, $0xF;
	s19 =	sshrl.u32 s26, $0x1F  }
0x48c: {  	v2 =	vmov s1;
	s3 =	sshra.s32 s26, $0xF;
	v1 =	vsel vm1, s0, v1;
	v0 =	vsel vm14, s14, v0;
	s14 =	sld [smem:$0x7EA];
	s20 =	sshrl.u32 s9, $0x1F  }
0x48d: {  	v2 =	vsel vm1, s8, v2;
	v1 =	vsel vm2, s5, v1;
	s9 =	sshra.s32 s9, $0xF;
	v0 =	vsel vm6, s16, v0;
	s16 =	sld [smem:$0x7EB];
	s0 =	sshrl.u32 s7, $0x1F  }
0x48e: {  	s1 =	sshra.s32 s7, $0xF;
	s5 =	sshrl.u32 s12, $0x1F;
	s12 =	sshra.s32 s12, $0xF;
	v40 =	vsel vm3, s4, v1;
	v1 =	vsel vm2, s10, v2  }
0x48f: {  	v0 =	vsel vm15, s15, v0;
	s22 =	sshrl.u32 s21, $0x1F;
	s23 =	sshra.s32 s21, $0xF;
	v37 =	vsel vm3, s11, v1;
	v1 =	vmov s24;
	s24 =	sld [smem:$0x7ED]  }
0x490: {  	s4 =	sshrl.u32 s14, $0x1F;
	s10 =	sshra.s32 s14, $0xF;
	v39 =	vsel vm7, s18, v0;
	s18 =	sshra.s32 s28, $0x1F;
	v0 =	vsel vm1, s13, v1  }
0x491: {  	s8 =	sshrl.u32 s16, $0x1F;
	s7 =	sshra.s32 s16, $0xF;
	v2 =	vmov s18;
	v0 =	vsel vm2, s19, v0;
	s19 =	sld [smem:$0x7EE]  }
0x492: {  	s13 =	sshra.s32 s21, $0x1F;
	v1 =	vmov s22;
	s26 =	sshrl.u32 s24, $0x1F;
	v21 =	vsel vm3, s0, v0;
	v0 =	vsel vm0, s23, v2;
	s23 =	sld [smem:$0x7EF]  }
0x493: {  	(v2sf) =	vpush v34, $0x9;
	v1 =	vnsel vm0, $0x0, v1;
	s11 =	sshra.s32 s24, $0xF;
	s16 =	sshra.s32 s24, $0x1F;
	v2 =	vmov s5;
	s5 =	sld [smem:$0x7F0]  }
0x494: {  	v1 =	vsel vm1, s26, v1;
	s26 =	sshrl.u32 s30, $0x1F;
	v2 =	vsel vm1, s20, v2;
	s21 =	sshrl.u32 s19, $0x1F;
	s22 =	sshra.s32 s19, $0xF  }
0x495: {  	(v2sf) =	vpush v34, $0x8;
	v0 =	vsel vm9, s13, v0;
	s14 =	sshra.s32 s19, $0x1F;
	s19 =	sshra.s32 s29, $0xF;
	v2 =	vsel vm2, s4, v2;
	s4 =	sld [smem:$0x7F3]  }
0x496: {  	v0 =	vsel vm1, s11, v0;
	s24 =	sshrl.u32 s23, $0x1F;
	s13 =	sshra.s32 s23, $0xF;
	s15 =	sshra.s32 s23, $0x1F  }
0x497: {  	v1 =	vsel vm2, s21, v1;
	s21 =	sshra.s32 s30, $0x1F;
	s11 =	sshrl.u32 s5, $0x1F;
	v0 =	vsel vm10, s16, v0;
	s20 =	sshra.s32 s5, $0xF  }
0x498: {  	s18 =	sshra.s32 s5, $0x1F;
	s23 =	sshrl.u32 s25, $0x1F;
	s30 =	sld [smem:$0x7F2];
	v1 =	vsel vm3, s24, v1;
	v0 =	vsel vm2, s22, v0  }
0x499: {  	v1 =	vsel vm4, s26, v1;
	s26 =	sshrl.u32 s28, $0x1F;
	v0 =	vsel vm11, s14, v0;
	s14 =	sshra.s32 s28, $0xF;
	s28 =	sld [smem:$0x7F1]  }
0x49a: {  	s5 =	sshra.s32 s25, $0xF;
	s24 =	sshrl.u32 s29, $0x1F;
	v1 =	vsel vm5, s11, v1;
	v0 =	vsel vm3, s13, v0;
	s13 =	sld [smem:$0x7F5]  }
0x49b: {  	s22 =	sshra.s32 s29, $0x1F;
	s0 =	sshra.s32 s4, $0xF;
	v1 =	vsel vm6, s24, v1;
	v0 =	vsel vm12, s15, v0;
	s15 =	sld [smem:$0x7F6]  }
0x49c: {  	v13 =	vsel vm3, s8, v2;
	s25 =	sshrl.u32 s30, $0x1F;
	s8 =	sshra.s32 s30, $0xF;
	v19 =	vsel vm7, s26, v1;
	v1 =	vmov s6;
	s6 =	sld [smem:$0x7F4]  }
0x49d: {  	s24 =	sshrl.u32 s28, $0x1F;
	s11 =	sshra.s32 s28, $0xF;
	s26 =	sshrl.u32 s4, $0x1F;
	v0 =	vsel vm4, s17, v0  }
0x49e: {  	v2 =	vmov s12;
	s17 =	sld [smem:$0x7F7];
	s29 =	sshrl.u32 s13, $0x1F;
	v0 =	vsel vm13, s21, v0;
	s12 =	sshra.s32 s13, $0xF  }
0x49f: {  	s21 =	sshrl.u32 s15, $0x1F;
	v0 =	vsel vm5, s20, v0;
	s20 =	sld [smem:$0x7F8];
	s28 =	sshrl.u32 s6, $0x1F  }
0x4a0: {  	v2 =	vsel vm1, s9, v2;
	v1 =	vsel vm1, s2, v1;
	s4 =	sshra.s32 s6, $0xF;
	s6 =	sshra.s32 s15, $0xF;
	v0 =	vsel vm14, s18, v0;
	s15 =	sld [smem:$0x7F9]  }
0x4a1: {  	v2 =	vsel vm2, s10, v2;
	v1 =	vsel vm2, s3, v1;
	s9 =	sshrl.u32 s17, $0x1F;
	s2 =	sshra.s32 s17, $0xF;
	s18 =	sld [smem:$0x7FA];
	v0 =	vsel vm6, s19, v0  }
0x4a2: {  	v10 =	vsel vm3, s7, v2;
	v15 =	vsel vm3, s1, v1;
	s19 =	spop (v2sf);
	s13 =	sshrl.u32 s20, $0x1F;
	s30 =	sshra.s32 s20, $0xF;
	v0 =	vsel vm15, s22, v0  }
0x4a3: {  	s16 =	sshra.s32 s20, $0x1F;
	s10 =	sshra.s32 s19, $0x1F;
	s22 =	sld [smem:$0x7FB];
	v1 =	vmov s13;
	v11 =	vsel vm7, s14, v0;
	v0 =	vmov s24  }
0x4a4: {  	v2 =	vmov s29;
	s29 =	spop (v2sf);
	s17 =	sshrl.u32 s15, $0x1F;
	s24 =	sld [smem:$0x7FC];
	v1 =	vnsel vm0, $0x0, v1;
	v0 =	vsel vm1, s23, v0  }
0x4a5: {  	s7 =	sshrl.u32 s18, $0x1F;
	s1 =	sshra.s32 s18, $0xF;
	s13 =	sshra.s32 s18, $0x1F;
	v1 =	vsel vm1, s17, v1;
	v0 =	vsel vm2, s25, v0  }
0x4a6: {  	s18 =	smulhi.u32 $0x67D1C497, s19;
	s19 =	sshrl.u32 s22, $0x1F;
	v1 =	vsel vm2, s7, v1;
	v12 =	vsel vm3, s26, v0;
	s26 =	sld [smem:$0x7FD]  }
0x4a7: {  	v2 =	vsel vm1, s28, v2;
	s23 =	sshra.s32 s29, $0x1F;
	s17 =	sshra.s32 s22, $0xF;
	s25 =	sshrl.u32 s24, $0x1F;
	v1 =	vsel vm3, s19, v1  }
0x4a8: {  	s14 =	sshra.s32 s22, $0x1F;
	s22 =	smul.u32 $0x67D1C497, s10;
	v0 =	vsel vm2, s21, v2;
	v1 =	vsel vm4, s25, v1;
	s25 =	rddreg [dreg:$0x1f]  }
0x4a9: {  	s21 =	smul.u32 $0x67D1C497, s23;
	v8 =	vsel vm3, s9, v0;
	s23 =	sshrl.u32 s26, $0x1F;
	s28 =	sshra.s32 s25, $0x1F  }
0x4aa: {  	s7 =	sshra.s32 s24, $0xF;
	s3 =	sshra.s32 s24, $0x1F;
	s24 =	sshrl.u32 s31, $0x1F;
	v0 =	vsel vm5, s23, v1;
	v1 =	vmov s11;
	v2 =	vmov s28  }
0x4ab: {  	s9 =	sshra.s32 s26, $0xF;
	s10 =	sshra.s32 s26, $0x1F;
	s26 =	sshrl.u32 s25, $0x1F;
	v0 =	vsel vm6, s24, v0;
	v1 =	vsel vm1, s5, v1;
	v2 =	vsel vm0, s30, v2  }
0x4ac: {  	s20 =	sshra.s32 s15, $0xF;
	v9 =	vsel vm7, s26, v0;
	v0 =	vsel vm2, s8, v1;
	v1 =	vsel vm9, s16, v2  }
0x4ad: {  	s15 =	sshra.s32 s15, $0x1F;
	v1 =	vsel vm1, s20, v1  }
0x4ae: {  	v3 =	vcombine.low v4, v3;
	v1 =	vsel vm10, s15, v1  }
0x4af: {  	v1 =	vsel vm2, s1, v1  }
0x4b0: {  	v5 =	vperm.xlane v5, v6;
	v3 =	vperm.xlane v3, v61;
	v1 =	vsel vm11, s13, v1  }
0x4b1: {  	(v2sf) =	vpush v34, $0xA;
	v4 =	vcombine.low v62, v7;
	v1 =	vsel vm3, s17, v1  }
0x4b2: {  	v7 =	vsel vm3, s0, v0;
	v0 =	vsel vm12, s14, v1;
	v1 =	vsel vm8, v5, v3;
	v3 =	vld [tilespmem:$0x1FD30]  }
0x4b3: {  	(v2sf) =	vpush v34, $0xB;
	v5 =	vld [tilespmem:$0x1FD40];
	_ =	sdelay $0x1  }
0x4b4: {  	(v2sf) =	vpush v34, $0x0  }
0x4b5: {  	v2 =	vmov s12  }
0x4b6: {  	v63 =	vperm.xlane v60, v6;
	v62 =	vperm.xlane v4, v61;
	v2 =	vsel vm1, s4, v2  }
0x4b7: {  	v2 =	vsel vm2, s6, v2;
	v3 =	vcombine.low v5, v3;
	v5 =	vld [tilespmem:$0x1FD50]  }
0x4b8: {  	(v2sf) =	vpush v34, $0x1;
	v60 =	vld [tilespmem:$0x1FD70];
	v4 =	vsel vm3, s2, v2;
	v2 =	vsel vm8, v63, v62  }
0x4b9: {  	v1 =	vadd.s32 v1, v2;
	v2 =	vperm.xlane v3, v61;
	v3 =	vld [tilespmem:$0x1FD60];
	_ =	sdelay $0x1  }
0x4ba: {  	(v2sf) =	vpush v34, $0x2  }
0x4bb: {  	(v2sf) =	vpush v34, $0x3;
	v5 =	vcombine.low v35, v5  }
0x4bc: {  	(v2sf) =	vpush v34, $0x4;
	v62 =	vperm.xlane v60, v6  }
0x4bd: {  	v1 =	vmul.u32 $0x13BA0, v1;
	v3 =	vperm.xlane v3, v6;
	v5 =	vperm.xlane v5, v61  }
0x4be: {  	(v2sf) =	vpush v34, $0x5;
	s19 =	smulhi.u32 $0x67D1C497, s29;
	s29 =	spop (v2sf)  }
0x4bf: {  	s11 =	smulhi.u32 $0x67D1C497, s29;
	s24 =	sshra.s32 s29, $0x1F;
	v1 =	vsub.s32 v22, v1;
	v2 =	vsel vm8, v3, v2;
	v3 =	vsel vm8, v62, v5  }
0x4c0: {  	s29 =	spop (v2sf);
	s23 =	smul.u32 $0x67D1C497, s24;
	v5 =	vshra.s32 v1, $0x1F;
	v2 =	vadd.s32 v2, v3  }
0x4c1: {  	s28 =	smov.u32 s25;
	s25 =	smulhi.u32 $0x67D1C497, s29;
	s30 =	sshra.s32 s29, $0x1F;
	v5 =	vand.u32 $0x13BA0, v5;
	v2 =	vmul.u32 $0x13BA0, v2  }
0x4c2: {  	(v2sf) =	vpush v34, $0x6;
	s16 =	sshra.s32 s31, $0xF;
	s8 =	sshra.s32 s31, $0x1F;
	s31 =	spop (v2sf);
	v1 =	vadd.s32 v1, v5;
	v5 =	vld [tilespmem:$0x1FD90]  }
0x4c3: {  	s29 =	rddreg [dreg:$0x1d];
	s12 =	smul.u32 $0x67D1C497, s30;
	[tilespmem:$0x1FEC0] =	vst v1;
	v1 =	vsub.s32 v25, v2;
	v2 =	vld [tilespmem:$0x1FD80]  }
0x4c4: {  	s20 =	smulhi.u32 $0x67D1C497, s31;
	s30 =	rddreg [dreg:$0x1b];
	v0 =	vsel vm4, s7, v0  }
0x4c5: {  	s5 =	sshra.s32 s31, $0x1F;
	s31 =	rddreg [dreg:$0x1e];
	s0 =	sadd.s32 s21, s19;
	v0 =	vsel vm13, s3, v0  }
0x4c6: {  	(v2sf) =	vpush v34, $0x7;
	s6 =	spop (v2sf);
	s1 =	sadd.s32 s22, s18;
	s18 =	smul.u32 $0x67D1C497, s5;
	v0 =	vsel vm5, s9, v0  }
0x4c7: {  	s15 =	sshra.s32 s28, $0xF;
	s26 =	sshrl.u32 s31, $0x1F;
	s22 =	smulhi.u32 $0x67D1C497, s6;
	v0 =	vsel vm14, s10, v0;
	v25 =	vld [tilespmem:$0x1FDB0]  }
0x4c8: {  	s4 =	sshra.s32 s6, $0x1F;
	s6 =	sshrl.u32 s29, $0x1F;
	s5 =	rddreg [dreg:$0x1c];
	v0 =	vsel vm6, s16, v0;
	v5 =	vcombine.low v5, v2;
	v2 =	vld [tilespmem:$0x1FDA0]  }
0x4c9: {  	s21 =	spop (v2sf);
	v63 =	vmul.u32 $0xB, v31;
	s2 =	smul.u32 $0x67D1C497, s4;
	s17 =	sshrl.u32 s30, $0x1F;
	v0 =	vsel vm15, s8, v0  }
0x4ca: {  	s13 =	sshrl.u32 s5, $0x1F;
	s4 =	sadd.s32 s23, s11;
	s19 =	smulhi.u32 $0x67D1C497, s21;
	v3 =	vsel vm7, s15, v0;
	v0 =	vmov s17  }
0x4cb: {  	s24 =	sshra.s32 s21, $0x1F;
	s28 =	spop (v2sf);
	s11 =	sadd.s32 s12, s25;
	v35 =	vadd.s32 $0xC373, v63;
	v0 =	vsel vm1, s6, v0  }
0x4cc: {  	s21 =	smul.u32 $0x67D1C497, s24;
	s23 =	spop (v2sf);
	s14 =	sshra.s32 s28, $0x1F;
	(v2sf) =	vpush v35, $0xD;
	v0 =	vsel vm2, s13, v0;
	v60 =	vshra.s32 v1, $0x1F  }
0x4cd: {  	s12 =	sadd.s32 s18, s20;
	s24 =	sshra.s32 s23, $0x1F;
	s18 =	smul.u32 $0x67D1C497, s14;
	v25 =	vcombine.low v25, v2;
	v2 =	vsel vm3, s26, v0;
	v0 =	vperm.xlane v5, v61;
	v5 =	vld [tilespmem:$0x1FDC0]  }
0x4ce: {  	s25 =	spop (v2sf);
	s14 =	sadd.s32 s2, s22;
	s2 =	smul.u32 $0x67D1C497, s24;
	(v2sf) =	vpush v35, $0xC;
	v22 =	vand.u32 $0x13BA0, v60;
	v60 =	vld [tilespmem:$0x1FDD0]  }
0x4cf: {  	s22 =	smulhi.u32 $0x67D1C497, s25;
	(v2sf) =	vpush v35, $0xE  }
0x4d0: {  	s5 =	sshra.s32 s5, $0xF;
	s9 =	smulhi.u32 $0x67D1C497, s23;
	s23 =	sshrl.u32 s0, $0x1F;
	(v2sf) =	vpush v35, $0xF  }
0x4d1: {  	s3 =	smulhi.u32 $0x67D1C497, s28;
	s28 =	spop (v2sf);
	v62 =	vmov s23;
	(v2sf) =	vpush v35, $0x9;
	s6 =	sshrl.u32 s12, $0x1F  }
0x4d2: {  	s20 =	sshrl.u32 s4, $0x1F;
	s7 =	sshrl.u32 s1, $0x1F;
	s24 =	smulhi.u32 $0x67D1C497, s28;
	(v2sf) =	vpush v35, $0x8;
	v63 =	vmov s6;
	v5 =	vperm.xlane v5, v6  }
0x4d3: {  	s10 =	sshra.s32 s25, $0x1F;
	s25 =	sshrl.u32 s14, $0x1F;
	s16 =	sadd.s32 s21, s19;
	v22 =	vadd.s32 v22, v1;
	v60 =	vperm.xlane v60, v6;
	v25 =	vperm.xlane v25, v61  }
0x4d4: {  	s21 =	sshrl.u32 s11, $0x1F;
	s8 =	smul.u32 $0x67D1C497, s10;
	s10 =	sshra.s32 s28, $0x1F;
	v0 =	vsel vm8, v5, v0;
	v5 =	vsel vm1, s7, v62;
	v62 =	vnsel vm0, $0x0, v63  }
0x4d5: {  	s10 =	smul.u32 $0x67D1C497, s10;
	s17 =	spop (v2sf);
	s26 =	sshrl.u32 s16, $0x1F;
	v1 =	vsel vm8, v60, v25;
	v60 =	vld [tilespmem:$0x1FDF0];
	v5 =	vsel vm2, s20, v5;
	v25 =	vsel vm1, s25, v62  }
0x4d6: {  	s19 =	sadd.s32 s18, s3;
	s18 =	smulhi.u32 $0x67D1C497, s17;
	s28 =	sshra.s32 s17, $0x1F;
	v0 =	vadd.s32 v0, v1;
	v1 =	vsel vm3, s21, v5;
	v5 =	vsel vm2, s26, v25;
	v25 =	vld [tilespmem:$0x1FDE0]  }
0x4d7: {  	s3 =	sshra.s32 s31, $0xF;
	s17 =	sadd.s32 s2, s9;
	s9 =	smul.u32 $0x67D1C497, s28;
	(v2sf) =	vpush v35, $0xA  }
0x4d8: {  	s15 =	sadd.s32 s8, s22;
	s8 =	sshra.s32 s0, $0xF;
	s0 =	sshra.s32 s12, $0xF;
	v62 =	vld [tilespmem:$0x1FE00]  }
0x4d9: {  	s23 =	sshrl.u32 s15, $0x1F;
	s13 =	sadd.s32 s10, s24;
	s10 =	sadd.s32 s9, s18  }
0x4da: {  	s7 =	sshra.s32 s4, $0xF;
	s4 =	sshra.s32 s11, $0xF;
	s11 =	sshra.s32 s10, $0x1F  }
0x4db: {  	s2 =	sshra.s32 s29, $0xF;
	s12 =	sshra.s32 s12, $0x1F;
	s29 =	sshra.s32 s14, $0xF;
	(v2sf) =	vpush v35, $0xB;
	v25 =	vcombine.low v60, v25;
	v60 =	vmov s11  }
0x4dc: {  	s14 =	sshra.s32 s14, $0x1F;
	s9 =	sshra.s32 s30, $0xF;
	s30 =	spop (v2sf);
	v60 =	vsel vm0, s0, v60  }
0x4dd: {  	s28 =	sshrl.u32 s19, $0x1F;
	s24 =	sshrl.u32 s17, $0x1F;
	s31 =	spop (v2sf);
	v62 =	vperm.xlane v62, v6;
	v25 =	vperm.xlane v25, v61;
	v60 =	vsel vm9, s12, v60  }
0x4de: {  	s6 =	sshra.s32 s1, $0xF;
	s22 =	sshrl.u32 s13, $0x1F;
	(v2sf) =	vpush v35, $0x0;
	s1 =	sshra.s32 s31, $0x1F;
	v63 =	vsel vm1, s29, v60;
	v60 =	vld [tilespmem:$0x1FE10]  }
0x4df: {  	v49 =	vcombine.low v49, v55;
	v58 =	vperm.xlane v58, v6;
	s18 =	sshrl.u32 s10, $0x1F;
	s1 =	smul.u32 $0x67D1C497, s1;
	s20 =	sshra.s32 s16, $0xF;
	v25 =	vsel vm8, v62, v25;
	v62 =	vld [tilespmem:$0x1FE20]  }
0x4e0: {  	v47 =	vcombine.low v47, v59;
	(v2sf) =	vpush v35, $0x1;
	s25 =	smulhi.u32 $0x67D1C497, s30;
	s21 =	sshra.s32 s30, $0x1F;
	s26 =	sshra.s32 s19, $0x1F;
	v5 =	vsel vm3, s28, v5  }
0x4e1: {  	(v2sf) =	vpush v35, $0x2;
	v0 =	vmul.u32 $0x13BA0, v0;
	s21 =	smul.u32 $0x67D1C497, s21;
	s28 =	spop (v2sf);
	v5 =	vsel vm4, s24, v5;
	s24 =	sshra.s32 s19, $0xF  }
0x4e2: {  	v49 =	vperm.xlane v49, v61;
	v47 =	vperm.xlane v47, v61;
	s19 =	smulhi.u32 $0x67D1C497, s31;
	v5 =	vsel vm5, s23, v5;
	s23 =	sshra.s32 s28, $0x1F;
	s29 =	spop (v2sf)  }
0x4e3: {  	v0 =	vsub.s32 v24, v0;
	v5 =	vsel vm6, s22, v5;
	s22 =	smul.u32 $0x67D1C497, s23;
	s11 =	sshra.s32 s17, $0xF;
	v24 =	vsel vm10, s14, v63;
	v63 =	vld [tilespmem:$0x1FE40];
	s30 =	spop (v2sf)  }
0x4e4: {  	v46 =	vcombine.low v46, v51;
	s12 =	sshra.s32 s17, $0x1F;
	s17 =	smulhi.u32 $0x67D1C497, s28;
	s31 =	spop (v2sf);
	v60 =	vcombine.low v62, v60;
	v62 =	vsel vm2, s20, v24;
	v24 =	vld [tilespmem:$0x1FE30]  }
0x4e5: {  	v57 =	vperm.xlane v57, v6;
	v54 =	vperm.xlane v54, v6;
	(v2sf) =	vpush v35, $0x3;
	s0 =	sadd.s32 s21, s25;
	s23 =	sshra.s32 s29, $0x1F;
	s21 =	smulhi.u32 $0x67D1C497, s31  }
0x4e6: {  	v46 =	vperm.xlane v46, v61;
	s28 =	sshra.s32 s31, $0x1F;
	s20 =	smulhi.u32 $0x67D1C497, s29;
	s29 =	spop (v2sf);
	v55 =	vperm.xlane v60, v61;
	v60 =	vld [tilespmem:$0x1FE50]  }
0x4e7: {  	v58 =	vsel vm8, v58, v49;
	(v2sf) =	vpush v35, $0x4;
	s1 =	sadd.s32 s1, s19;
	s19 =	smul.u32 $0x67D1C497, s28;
	s25 =	sshra.s32 s29, $0x1F  }
0x4e8: {  	v47 =	vsel vm8, v57, v47;
	v46 =	vsel vm8, v54, v46;
	v44 =	vcombine.low v42, v44;
	s10 =	sshra.s32 s10, $0xF;
	s16 =	sshra.s32 s16, $0x1F;
	s25 =	smul.u32 $0x67D1C497, s25  }
0x4e9: {  	s14 =	sshra.s32 s15, $0xF;
	s15 =	sshra.s32 s15, $0x1F;
	v63 =	vcombine.low v63, v24;
	v24 =	vsel vm7, s18, v5;
	v5 =	vsel vm11, s16, v62;
	s18 =	smul.u32 $0x67D1C497, s23  }
0x4ea: {  	v41 =	vcombine.low v41, v45;
	(v2sf) =	vpush v35, $0x5;
	s23 =	sshra.s32 s30, $0x1F;
	v5 =	vsel vm3, s24, v5;
	s24 =	smulhi.u32 $0x67D1C497, s30;
	s30 =	spop (v2sf)  }
0x4eb: {  	v46 =	vadd.s32 v47, v46;
	s16 =	sshra.s32 s13, $0xF;
	s23 =	smul.u32 $0x67D1C497, s23;
	v60 =	vperm.xlane v60, v6;
	v62 =	vperm.xlane v63, v61;
	v63 =	vld [tilespmem:$0x1FE60];
	s31 =	sshra.s32 s30, $0x1F  }
0x4ec: {  	v59 =	vmov s8;
	(v2sf) =	vpush v35, $0x6;
	s13 =	sshra.s32 s13, $0x1F;
	v5 =	vsel vm12, s26, v5;
	s26 =	sshrl.u32 s1, $0x1F;
	s8 =	smul.u32 $0x67D1C497, s31  }
0x4ed: {  	s28 =	spop (v2sf);
	v5 =	vsel vm4, s11, v5;
	s11 =	sshrl.u32 s0, $0x1F;
	v55 =	vsel vm8, v60, v55;
	v60 =	vmov s9;
	s9 =	smulhi.u32 $0x67D1C497, s29  }
0x4ee: {  	s0 =	sshra.s32 s0, $0xF;
	v5 =	vsel vm13, s12, v5;
	s29 =	smulhi.u32 $0x67D1C497, s28;
	v25 =	vadd.s32 v25, v55;
	v55 =	vsel vm1, s2, v60;
	s2 =	sadd.s32 s22, s17  }
0x4ef: {  	(v2sf) =	vpush v35, $0x7;
	s17 =	smulhi.u32 $0x67D1C497, s30;
	v5 =	vsel vm5, s14, v5;
	s30 =	sshra.s32 s28, $0x1F;
	s14 =	spop (v2sf);
	v55 =	vsel vm2, s5, v55  }
0x4f0: {  	v5 =	vsel vm14, s15, v5;
	s31 =	smul.u32 $0x67D1C497, s30;
	v63 =	vperm.xlane v63, v6;
	v49 =	vsel vm3, s3, v55;
	s3 =	sadd.s32 s23, s24;
	s23 =	spop (v2sf)  }
0x4f1: {  	v20 =	vcombine.low v17, v20;
	v14 =	vcombine.low v14, v16;
	s12 =	sshrl.u32 s2, $0x1F;
	v5 =	vsel vm6, s16, v5;
	s16 =	smulhi.u32 $0x67D1C497, s14;
	s24 =	sshra.s32 s23, $0x1F  }
0x4f2: {  	v36 =	vperm.xlane v36, v6;
	s8 =	sadd.s32 s8, s17;
	v60 =	vsel vm8, v63, v62;
	v62 =	vsel vm1, s6, v59;
	s6 =	sshra.s32 s14, $0x1F;
	s17 =	smul.u32 $0x67D1C497, s24  }
0x4f3: {  	v18 =	vperm.xlane v18, v6;
	v14 =	vperm.xlane v14, v61;
	s5 =	sadd.s32 s18, s20;
	v63 =	vsel vm2, s7, v62;
	s22 =	smul.u32 $0x67D1C497, s6;
	s6 =	sadd.s32 s25, s9  }
0x4f4: {  	v43 =	vperm.xlane v43, v6;
	v25 =	vmul.u32 $0x13BA0, v25;
	s25 =	spop (v2sf);
	v55 =	vsel vm3, s4, v63;
	s4 =	sadd.s32 s19, s21;
	s19 =	smulhi.u32 $0x67D1C497, s23  }
0x4f5: {  	v13 =	vcombine.low v13, v21;
	v5 =	vsel vm15, s13, v5;
	s13 =	sshrl.u32 s3, $0x1F;
	s7 =	sadd.s32 s31, s29;
	v62 =	vmul.u32 $0xD, v31;
	s18 =	smulhi.u32 $0x67D1C497, s25  }
0x4f6: {  	v25 =	vsub.s32 v23, v25;
	v51 =	vsel vm7, s10, v5;
	v5 =	vmov s26;
	s9 =	sshra.s32 s25, $0x1F;
	s26 =	sshrl.u32 s7, $0x1F;
	s28 =	spop (v2sf)  }
0x4f7: {  	v58 =	vadd.s32 v60, v58;
	v60 =	vshra.s32 v0, $0x1F;
	s21 =	sshrl.u32 s5, $0x1F;
	s5 =	sshra.s32 s5, $0xF;
	s20 =	smul.u32 $0x67D1C497, s9;
	v23 =	vadd.s32 $0xEA8A, v62  }
0x4f8: {  	v5 =	vsel vm1, s11, v5;
	v58 =	vmul.u32 $0x13BA0, v58;
	s29 =	sshrl.u32 s4, $0x1F;
	s10 =	smulhi.u32 $0x67D1C497, s28;
	s30 =	sshra.s32 s28, $0x1F;
	(v2sf) =	vpush v23, $0xD  }
0x4f9: {  	v59 =	vand.u32 $0x13BA0, v60;
	v60 =	vshra.s32 v25, $0x1F;
	v5 =	vsel vm2, s12, v5;
	s9 =	sadd.s32 s22, s16;
	s22 =	spop (v2sf);
	s31 =	smul.u32 $0x67D1C497, s30  }
0x4fa: {  	v63 =	vmov s26;
	v47 =	vadd.s32 v59, v0;
	s16 =	sshra.s32 s7, $0xF;
	s24 =	smulhi.u32 $0x67D1C497, s22;
	s14 =	sshra.s32 s22, $0x1F;
	(v2sf) =	vpush v23, $0xC  }
0x4fb: {  	v42 =	vsel vm3, s21, v5;
	s7 =	sshra.s32 s7, $0x1F;
	v26 =	vsub.s32 v26, v58;
	v62 =	vmov s29;
	s26 =	spop (v2sf);
	s25 =	smul.u32 $0x67D1C497, s14  }
0x4fc: {  	v57 =	vnsel vm0, $0x0, v63;
	s23 =	sshrl.u32 s9, $0x1F;
	v58 =	vand.u32 $0x13BA0, v60;
	s15 =	sadd.s32 s17, s19;
	s28 =	smulhi.u32 $0x67D1C497, s26;
	(v2sf) =	vpush v23, $0xE  }
0x4fd: {  	v54 =	vsel vm1, s13, v62;
	s13 =	sshra.s32 s26, $0x1F;
	v62 =	vmul.u32 $0x13BA0, v46;
	s14 =	sadd.s32 s20, s18;
	v46 =	vadd.s32 v58, v25;
	v58 =	vld [tilespmem:$0x1FE70];
	s22 =	sshrl.u32 s15, $0x1F  }
0x4fe: {  	v57 =	vsel vm1, s23, v57;
	v63 =	vshra.s32 v26, $0x1F;
	s23 =	sshrl.u32 s6, $0x1F;
	s29 =	smul.u32 $0x67D1C497, s13;
	s13 =	sadd.s32 s31, s10;
	(v2sf) =	vpush v23, $0xF  }
0x4ff: {  	v60 =	vand.u32 $0x13BA0, v63;
	v59 =	vsel vm2, s22, v57;
	v5 =	vsel vm2, s23, v54;
	v63 =	vld [tilespmem:$0x1FE80];
	s23 =	sshra.s32 s9, $0xF;
	s9 =	sshra.s32 s9, $0x1F;
	s30 =	spop (v2sf)  }
0x500: {  	v26 =	vadd.s32 v60, v26;
	v0 =	vsub.s32 v28, v62;
	s12 =	sadd.s32 s25, s24;
	s24 =	sshrl.u32 s14, $0x1F;
	s25 =	sshrl.u32 s8, $0x1F;
	(v2sf) =	vpush v23, $0x9  }
0x501: {  	s26 =	sshrl.u32 s13, $0x1F;
	s31 =	smulhi.u32 $0x67D1C497, s30;
	s20 =	sshra.s32 s30, $0x1F;
	v28 =	vshra.s32 v0, $0x1F;
	v60 =	vsel vm3, s24, v59;
	v59 =	vperm.xlane v52, v6  }
0x502: {  	s10 =	sadd.s32 s29, s28;
	s28 =	sshrl.u32 s12, $0x1F;
	s29 =	sshra.s32 s1, $0xF;
	v28 =	vand.u32 $0x13BA0, v28;
	v62 =	vsel vm4, s26, v60;
	v25 =	vcombine.low v56, v58  }
0x503: {  	s30 =	sshra.s32 s2, $0xF;
	s1 =	sshra.s32 s3, $0xF;
	s19 =	smul.u32 $0x67D1C497, s20;
	(v2sf) =	vpush v23, $0x8;
	v28 =	vadd.s32 v28, v0;
	v0 =	vperm.xlane v44, v61  }
0x504: {  	s2 =	sshra.s32 s4, $0xF;
	s4 =	sshra.s32 s6, $0xF;
	s18 =	sshrl.u32 s10, $0x1F;
	v54 =	vsel vm5, s28, v62;
	v56 =	vperm.xlane v63, v6;
	v25 =	vperm.xlane v25, v61  }
0x505: {  	s3 =	sshra.s32 s8, $0xF;
	v52 =	vsel vm3, s25, v5;
	s24 =	sshra.s32 s15, $0xF;
	(v2sf) =	vpush v23, $0xA;
	s11 =	sadd.s32 s19, s31;
	v5 =	vsel vm6, s18, v54  }
0x506: {  	s15 =	sshra.s32 s15, $0x1F;
	(v2sf) =	vpush v23, $0xB;
	s19 =	sshrl.u32 s11, $0x1F;
	v0 =	vsel vm8, v59, v0;
	s22 =	sshra.s32 s11, $0x1F;
	v25 =	vsel vm8, v56, v25  }
0x507: {  	s25 =	sshra.s32 s14, $0xF;
	s14 =	sshra.s32 s14, $0x1F;
	v44 =	vsel vm7, s19, v5;
	v60 =	vmov s22;
	v0 =	vadd.s32 v25, v0;
	s31 =	spop (v2sf)  }
0x508: {  	s8 =	sshra.s32 s12, $0xF;
	v5 =	vmov s29;
	v25 =	vsel vm0, s16, v60;
	v0 =	vmul.u32 $0x13BA0, v0;
	s20 =	smulhi.u32 $0x67D1C497, s31;
	s26 =	sshra.s32 s31, $0x1F  }
0x509: {  	(v2sf) =	vpush v23, $0x0;
	s19 =	sshra.s32 s13, $0xF;
	v5 =	vsel vm1, s0, v5;
	v25 =	vsel vm9, s7, v25;
	s7 =	spop (v2sf);
	s28 =	smul.u32 $0x67D1C497, s26  }
0x50a: {  	s13 =	sshra.s32 s13, $0x1F;
	v5 =	vsel vm2, s30, v5;
	v25 =	vsel vm1, s23, v25;
	v0 =	vsub.s32 v29, v0;
	s21 =	smulhi.u32 $0x67D1C497, s7;
	s6 =	sshra.s32 s7, $0x1F  }
0x50b: {  	v25 =	vsel vm10, s9, v25;
	v29 =	vsel vm3, s5, v5;
	s5 =	sshra.s32 s10, $0xF;
	(v2sf) =	vpush v23, $0x1;
	s30 =	spop (v2sf);
	s29 =	smul.u32 $0x67D1C497, s6  }
0x50c: {  	v19 =	vperm.xlane v19, v6;
	v8 =	vcombine.low v8, v12;
	s9 =	sshra.s32 s11, $0xF;
	v5 =	vsel vm2, s24, v25;
	s31 =	smulhi.u32 $0x67D1C497, s30;
	s22 =	sshra.s32 s30, $0x1F  }
0x50d: {  	v4 =	vcombine.low v4, v7;
	(v2sf) =	vpush v23, $0x2;
	v5 =	vsel vm11, s15, v5;
	s7 =	sshra.s32 s12, $0x1F;
	s24 =	spop (v2sf);
	s23 =	smul.u32 $0x67D1C497, s22  }
0x50e: {  	v10 =	vcombine.low v10, v15;
	v8 =	vperm.xlane v8, v61;
	v62 =	vld [tilespmem:$0x1FE90];
	v5 =	vsel vm3, s25, v5;
	s6 =	sshra.s32 s10, $0x1F;
	s25 =	smulhi.u32 $0x67D1C497, s24;
	s15 =	sshra.s32 s24, $0x1F  }
0x50f: {  	v9 =	vperm.xlane v9, v6;
	v4 =	vperm.xlane v4, v61;
	v58 =	vld [tilespmem:$0x1FEB0];
	(v2sf) =	vpush v23, $0x3;
	s0 =	sadd.s32 s28, s20;
	s26 =	spop (v2sf);
	s15 =	smul.u32 $0x67D1C497, s15  }
0x510: {  	v3 =	vperm.xlane v3, v6;
	v63 =	vshra.s32 v0, $0x1F;
	v5 =	vsel vm12, s14, v5;
	s14 =	sshrl.u32 s0, $0x1F;
	s28 =	smulhi.u32 $0x67D1C497, s26;
	s18 =	sshra.s32 s26, $0x1F  }
0x511: {  	v56 =	vmov s2;
	v45 =	vand.u32 $0x13BA0, v63;
	(v2sf) =	vpush v23, $0x4;
	s2 =	sadd.s32 s29, s21;
	s0 =	sshra.s32 s0, $0xF;
	s29 =	smul.u32 $0x67D1C497, s18  }
0x512: {  	v16 =	vsel vm1, s1, v56;
	v17 =	vadd.s32 v45, v0;
	v0 =	vld [tilespmem:$0x1FEA0];
	v5 =	vsel vm4, s19, v5;
	s18 =	spop (v2sf);
	s19 =	sshrl.u32 s2, $0x1F;
	s1 =	sadd.s32 s23, s31  }
0x513: {  	v57 =	vperm.xlane v41, v61;
	v59 =	vperm.xlane v20, v61;
	(v2sf) =	vpush v23, $0x5;
	s2 =	sshra.s32 s2, $0xF;
	s21 =	smulhi.u32 $0x67D1C497, s18;
	s16 =	sshra.s32 s18, $0x1F  }
0x514: {  	v18 =	vsel vm8, v18, v14;
	v50 =	vcombine.low v50, v62;
	v41 =	vperm.xlane v58, v6;
	s30 =	spop (v2sf);
	s31 =	sshrl.u32 s1, $0x1F;
	s22 =	smul.u32 $0x67D1C497, s16  }
0x515: {  	v60 =	vmul.u32 $0xF, v31;
	v16 =	vsel vm2, s4, v16;
	(v2sf) =	vpush v23, $0x6;
	s4 =	sadd.s32 s15, s25;
	s23 =	smulhi.u32 $0x67D1C497, s30;
	s16 =	sshra.s32 s30, $0x1F  }
0x516: {  	v62 =	vsel vm8, v36, v59;
	v54 =	vperm.xlane v50, v61;
	v20 =	vsel vm3, s3, v16;
	s1 =	sshra.s32 s1, $0xF;
	s25 =	spop (v2sf);
	s24 =	smul.u32 $0x67D1C497, s16  }
0x517: {  	v5 =	vsel vm13, s13, v5;
	v0 =	vperm.xlane v0, v6;
	(v2sf) =	vpush v23, $0x7;
	s3 =	sadd.s32 s29, s28;
	s26 =	smulhi.u32 $0x67D1C497, s25;
	s15 =	sshra.s32 s25, $0x1F  }
0x518: {  	v14 =	vadd.s32 $0x111A1, v60;
	v25 =	vsel vm8, v41, v57;
	v5 =	vsel vm5, s8, v5;
	s16 =	sshrl.u32 s4, $0x1F;
	s29 =	spop (v2sf);
	s28 =	smul.u32 $0x67D1C497, s15  }
0x519: {  	v5 =	vsel vm14, s7, v5;
	v63 =	vmov s19;
	v0 =	vsel vm8, v0, v54;
	s18 =	sshrl.u32 s3, $0x1F;
	s30 =	smulhi.u32 $0x67D1C497, s29;
	s15 =	sshra.s32 s29, $0x1F  }
0x51a: {  	(v2sf) =	vpush v14, $0xD;
	v0 =	vadd.s32 v0, v25;
	v25 =	vadd.s32 v62, v18;
	s7 =	sadd.s32 s22, s21;
	s15 =	smul.u32 $0x67D1C497, s15;
	s19 =	spop (v2sf)  }
0x51b: {  	v8 =	vsel vm8, v9, v8;
	v5 =	vsel vm6, s5, v5;
	s21 =	sshrl.u32 s7, $0x1F;
	v16 =	vmul.u32 $0x13BA0, v25;
	s22 =	smulhi.u32 $0x67D1C497, s19;
	s10 =	sshra.s32 s19, $0x1F  }
0x51c: {  	v3 =	vsel vm8, v3, v4;
	v36 =	vsel vm1, s14, v63;
	v5 =	vsel vm15, s6, v5;
	s5 =	sadd.s32 s24, s23;
	s24 =	spop (v2sf);
	s23 =	smul.u32 $0x67D1C497, s10  }
0x51d: {  	s6 =	sadd.s32 s28, s26;
	v16 =	vsub.s32 v31, v16;
	v31 =	vsel vm7, s9, v5;
	v5 =	vcombine.low v38, v53;
	s25 =	smulhi.u32 $0x67D1C497, s24;
	s17 =	sshra.s32 s24, $0x1F  }
0x51e: {  	v18 =	vsel vm2, s31, v36;
	v0 =	vmul.u32 $0x13BA0, v0;
	s8 =	sadd.s32 s15, s30;
	(v2sf) =	vpush v14, $0xC;
	s31 =	spop (v2sf);
	s26 =	smul.u32 $0x67D1C497, s17  }
0x51f: {  	v53 =	vmov s21;
	s28 =	sshrl.u32 s8, $0x1F;
	v5 =	vperm.xlane v5, v61;
	(v2sf) =	vpush v14, $0xE;
	s20 =	smulhi.u32 $0x67D1C497, s31;
	s17 =	sshra.s32 s31, $0x1F  }
0x520: {  	v45 =	vshra.s32 v16, $0x1F;
	v38 =	vsel vm1, s18, v53;
	s10 =	sshrl.u32 s5, $0x1F;
	(v2sf) =	vpush v14, $0xF;
	s30 =	spop (v2sf);
	s29 =	smul.u32 $0x67D1C497, s17  }
0x521: {  	v5 =	vsel vm8, v43, v5;
	v43 =	vmov s2;
	v62 =	vsel vm2, s10, v38;
	s10 =	sshra.s32 s7, $0xF;
	s31 =	smulhi.u32 $0x67D1C497, s30;
	s17 =	sshra.s32 s30, $0x1F  }
0x522: {  	v56 =	vand.u32 $0x13BA0, v45;
	(v2sf) =	vpush v14, $0x9;
	v53 =	vsel vm1, s0, v43;
	s9 =	sadd.s32 s23, s22;
	s22 =	spop (v2sf);
	s17 =	smul.u32 $0x67D1C497, s17  }
0x523: {  	v45 =	vperm.xlane v10, v61;
	(v2sf) =	vpush v14, $0x8;
	v10 =	vsel vm2, s1, v53;
	s1 =	sshra.s32 s8, $0xF;
	s21 =	sshrl.u32 s9, $0x1F;
	s23 =	smulhi.u32 $0x67D1C497, s22  }
0x524: {  	v3 =	vadd.s32 v8, v3;
	v0 =	vsub.s32 v27, v0;
	(v2sf) =	vpush v14, $0xA;
	s19 =	sshra.s32 s22, $0x1F;
	s18 =	sadd.s32 s26, s25;
	s24 =	spop (v2sf)  }
0x525: {  	v27 =	vsel vm3, s16, v18;
	v50 =	vmov s28;
	(v2sf) =	vpush v14, $0xB;
	s25 =	smul.u32 $0x67D1C497, s19;
	s16 =	sadd.s32 s29, s20;
	s30 =	sshrl.u32 s18, $0x1F  }
0x526: {  	v3 =	vmul.u32 $0x13BA0, v3;
	v18 =	vnsel vm0, $0x0, v50;
	s20 =	sshrl.u32 s6, $0x1F;
	s6 =	sshra.s32 s6, $0xF;
	(v2sf) =	vpush v14, $0x0;
	s26 =	spop (v2sf)  }
0x527: {  	v1 =	vcombine.low v1, v2;
	v54 =	vsel vm1, s21, v18;
	s28 =	smulhi.u32 $0x67D1C497, s24;
	s29 =	sshra.s32 s24, $0x1F;
	s15 =	sadd.s32 s17, s31;
	(v2sf) =	vpush v14, $0x1  }
0x528: {  	v3 =	vsub.s32 v33, v3;
	v58 =	vsel vm2, s30, v54;
	s22 =	sshrl.u32 s16, $0x1F;
	s30 =	sshra.s32 s4, $0xF;
	s31 =	smul.u32 $0x67D1C497, s29;
	(v2sf) =	vpush v14, $0x2  }
0x529: {  	v1 =	vperm.xlane v1, v61;
	s13 =	sadd.s32 s25, s23;
	v60 =	vsel vm3, s22, v58;
	s23 =	sshrl.u32 s15, $0x1F;
	s22 =	spop (v2sf);
	(v2sf) =	vpush v14, $0x3  }
0x52a: {  	v8 =	vperm.xlane v51, v6;
	v41 =	vshra.s32 v0, $0x1F;
	s25 =	smulhi.u32 $0x67D1C497, s26;
	s26 =	sshra.s32 s26, $0x1F;
	v10 =	vsel vm3, s30, v10;
	s30 =	sshra.s32 s18, $0x1F  }
0x52b: {  	v26 =	vadd.s32 $0x4EE80, v26;
	v25 =	vand.u32 $0x13BA0, v41;
	s24 =	sshrl.u32 s13, $0x1F;
	v63 =	vsel vm4, s23, v60;
	s14 =	smul.u32 $0x67D1C497, s26;
	s23 =	sshra.s32 s8, $0x1F  }
0x52c: {  	v18 =	vadd.s32 v25, v0;
	v0 =	vcombine.low v37, v40;
	s26 =	sshra.s32 s9, $0x1F;
	s12 =	sadd.s32 s31, s28;
	v40 =	vsel vm5, s24, v63;
	s24 =	sshra.s32 s3, $0xF  }
0x52d: {  	v28 =	vadd.s32 $0x62A20, v28;
	v59 =	vperm.xlane v13, v61;
	v57 =	vperm.xlane v39, v6;
	s28 =	sshrl.u32 s12, $0x1F;
	s11 =	sadd.s32 s14, s25;
	s25 =	sshra.s32 s9, $0xF  }
0x52e: {  	v17 =	vadd.s32 $0x765C0, v17;
	v16 =	vadd.s32 v56, v16;
	v50 =	vperm.xlane v11, v6;
	s9 =	sshra.s32 s16, $0xF;
	s29 =	sshrl.u32 s11, $0x1F;
	s21 =	spop (v2sf)  }
0x52f: {  	v13 =	vsel vm3, s20, v62;
	v0 =	vperm.xlane v0, v61;
	v41 =	vsel vm6, s28, v40;
	s31 =	sshra.s32 s11, $0x1F;
	s28 =	sshra.s32 s5, $0xF;
	s20 =	spop (v2sf)  }
0x530: {  	v53 =	vadd.s32 $0x27740, v47;
	v37 =	vshra.s32 v3, $0x1F;
	s5 =	smulhi.u32 $0x67D1C497, s22;
	v56 =	vmov s31;
	s31 =	sshra.s32 s22, $0x1F;
	s19 =	spop (v2sf)  }
0x531: {  	v0 =	vsel vm8, v57, v0;
	v11 =	vsel vm7, s29, v41;
	s29 =	sshra.s32 s18, $0xF;
	v57 =	vsel vm0, s1, v56;
	s18 =	smul.u32 $0x67D1C497, s31;
	s2 =	spop (v2sf)  }
0x532: {  	v58 =	vmov s10;
	v0 =	vadd.s32 v5, v0;
	s22 =	sshra.s32 s16, $0x1F;
	v15 =	vsel vm9, s23, v57;
	s23 =	smulhi.u32 $0x67D1C497, s21;
	s17 =	spop (v2sf)  }
0x533: {  	v5 =	vsel vm8, v19, v59;
	v7 =	vsel vm1, s24, v58;
	v59 =	vsel vm1, s25, v15;
	s24 =	sshra.s32 s21, $0x1F;
	s21 =	rddreg [dreg:$0x19];
	s4 =	spop (v2sf)  }
0x534: {  	v54 =	vsel vm8, v50, v45;
	v50 =	vperm.xlane v31, v6;
	s25 =	sshra.s32 s15, $0xF;
	v12 =	vsel vm10, s26, v59;
	s26 =	smul.u32 $0x67D1C497, s24;
	s14 =	spop (v2sf)  }
0x535: {  	v18 =	vadd.s32 $0x8A160, v18;
	v7 =	vsel vm2, s28, v7;
	(v2sf) =	vpush v14, $0x4;
	s3 =	smulhi.u32 $0x67D1C497, s20;
	s28 =	sshra.s32 s20, $0x1F;
	s10 =	spop (v2sf)  }
0x536: {  	v13 =	vcombine.low v13, v27;
	s15 =	sshra.s32 s15, $0x1F;
	v12 =	vsel vm2, s29, v12;
	s20 =	smul.u32 $0x67D1C497, s28;
	(v2sf) =	vpush v14, $0x5;
	s8 =	spop (v2sf)  }
0x537: {  	v5 =	vadd.s32 v5, v54;
	s29 =	sshra.s32 s13, $0xF;
	s31 =	smulhi.u32 $0x67D1C497, s19;
	v12 =	vsel vm11, s30, v12;
	(v2sf) =	vpush v14, $0x6;
	s1 =	spop (v2sf)  }
0x538: {  	v51 =	vld [tilespmem:$0x1FF30];
	v0 =	vmul.u32 $0x13BA0, v0;
	s0 =	sadd.s32 s26, s23;
	s23 =	smulhi.u32 $0x67D1C497, s2;
	v12 =	vsel vm3, s9, v12;
	s9 =	spop (v2sf);
	(v2sf) =	vpush v14, $0x7  }
0x539: {  	v63 =	vld [tilespmem:$0x1FF40];
	v13 =	vperm.xlane v13, v61;
	v5 =	vmul.u32 $0x13BA0, v5;
	v41 =	vcombine.low v52, v42;
	s19 =	sshra.s32 s19, $0x1F;
	s26 =	smulhi.u32 $0x67D1C497, s17;
	s17 =	sshra.s32 s17, $0x1F  }
0x53a: {  	v42 =	vcombine.low v20, v29;
	v0 =	vsub.s32 v30, v0;
	v9 =	vsel vm3, s6, v7;
	s28 =	sshra.s32 s11, $0xF;
	s30 =	sshra.s32 s13, $0x1F;
	s17 =	smul.u32 $0x67D1C497, s17  }
0x53b: {  	v40 =	vld [tilespmem:$0x1FF50];
	v7 =	vperm.xlane v24, v6;
	v11 =	vperm.xlane v11, v6;
	s2 =	sshra.s32 s2, $0x1F;
	s3 =	sadd.s32 s20, s3;
	v4 =	vsel vm12, s22, v12;
	s20 =	smulhi.u32 $0x67D1C497, s4  }
0x53c: {  	v5 =	vsub.s32 v32, v5;
	v9 =	vcombine.low v9, v10;
	s24 =	sshrl.u32 s0, $0x1F;
	s0 =	sshra.s32 s0, $0xF;
	v4 =	vsel vm4, s25, v4;
	s25 =	smul.u32 $0x67D1C497, s2  }
0x53d: {  	v36 =	vld [tilespmem:$0x1FF70];
	v1 =	vsel vm8, v7, v1;
	v15 =	vperm.xlane v42, v61;
	s22 =	sshra.s32 s12, $0xF;
	s12 =	sshra.s32 s12, $0x1F;
	v2 =	vsel vm13, s15, v4;
	s15 =	smul.u32 $0x67D1C497, s19  }
0x53e: {  	v11 =	vsel vm8, v11, v13;
	v54 =	vor.u32 s21, v51;
	v56 =	vor.u32 s21, v63;
	s2 =	sadd.s32 s18, s5;
	s19 =	smulhi.u32 $0x67D1C497, s14;
	s14 =	sshra.s32 s14, $0x1F  }
0x53f: {  	v15 =	vsel vm8, v50, v15;
	v50 =	vld [tilespmem:$0x1FF90];
	v4 =	vcombine.low v55, v49;
	v2 =	vsel vm5, s29, v2;
	s29 =	sshra.s32 s4, $0x1F;
	s11 =	sadd.s32 s25, s23;
	s14 =	smul.u32 $0x67D1C497, s14  }
0x540: {  	v63 =	vor.u32 s21, v40;
	v12 =	vperm.xlane v41, v61;
	v2 =	vsel vm14, s30, v2;
	s4 =	sadd.s32 s15, s31;
	s30 =	sshrl.u32 s2, $0x1F;
	s31 =	smul.u32 $0x67D1C497, s29  }
0x541: {  	v49 =	vperm.xlane v44, v6;
	v4 =	vperm.xlane v4, v61;
	s15 =	smulhi.u32 $0x67D1C497, s8;
	s8 =	sshra.s32 s8, $0x1F;
	s2 =	sshra.s32 s2, $0xF;
	v2 =	vsel vm6, s22, v2  }
0x542: {  	v62 =	vld [tilespmem:$0x1FF20];
	v33 =	vor.u32 s21, v36;
	v9 =	vperm.xlane v9, v61;
	s22 =	sshrl.u32 s3, $0x1F;
	s25 =	sshrl.u32 s4, $0x1F;
	v7 =	vsel vm15, s12, v2;
	s12 =	sadd.s32 s17, s26  }
0x543: {  	v12 =	vsel vm8, v49, v12;
	v4 =	vsel vm8, v8, v4;
	v8 =	vmov s24;
	s24 =	smulhi.u32 $0x67D1C497, s10;
	s10 =	sshra.s32 s10, $0x1F;
	s26 =	sshrl.u32 s11, $0x1F  }
0x544: {  	v55 =	vadd.s32 $0x3B2E0, v46;
	v51 =	vor.u32 s21, v50;
	v12 =	vadd.s32 v12, v15;
	s17 =	smul.u32 $0x67D1C497, s8;
	s8 =	sadd.s32 s14, s19;
	s6 =	spop (v2sf)  }
0x545: {  	v2 =	vshra.s32 v0, $0x1F;
	v12 =	vmul.u32 $0x13BA0, v12;
	v43 =	vsel vm7, s28, v7;
	s23 =	sshrl.u32 s12, $0x1F;
	s28 =	smul.u32 $0x67D1C497, s10;
	s7 =	spop (v2sf)  }
0x546: {  	v2 =	vand.u32 $0x13BA0, v2;
	v1 =	vadd.s32 v1, v4;
	s10 =	sadd.s32 s31, s20;
	v45 =	vmov s23;
	s23 =	smulhi.u32 $0x67D1C497, s1;
	s5 =	spop (v2sf)  }
0x547: {  	v60 =	vld [tilespmem:$0x1FF10];
	v4 =	vshra.s32 v5, $0x1F;
	v7 =	vsel vm1, s30, v8;
	v8 =	vor.u32 s21, v62;
	s18 =	sadd.s32 s28, s24;
	s28 =	smulhi.u32 $0x67D1C497, s9;
	s30 =	spop (v2sf)  }
0x548: {  	v38 =	vld [tilespmem:$0x1FF80];
	s12 =	sshra.s32 s12, $0xF;
	v39 =	vmul.u32 $0x13BA0, v1;
	v2 =	vadd.s32 v2, v0;
	v0 =	vand.u32 $0x13BA0, v4;
	s31 =	smulhi.u32 $0x67D1C497, s30;
	s20 =	sshra.s32 s30, $0x1F  }
0x549: {  	v4 =	vand.u32 $0x13BA0, v37;
	v7 =	vsel vm2, s22, v7;
	s29 =	sshrl.u32 s10, $0x1F;
	v19 =	vperm.xlane v43, v6;
	s9 =	sshra.s32 s9, $0x1F;
	s16 =	smul.u32 $0x67D1C497, s20  }
0x54a: {  	s22 =	sshrl.u32 s8, $0x1F;
	s15 =	sadd.s32 s17, s15;
	v43 =	vmov s0;
	v44 =	vmov s12;
	v1 =	vadd.s32 v0, v5;
	s9 =	smul.u32 $0x67D1C497, s9  }
0x54b: {  	v0 =	vadd.s32 v4, v3;
	v52 =	vsel vm3, s25, v7;
	v7 =	vsel vm1, s26, v45;
	s24 =	sshra.s32 s1, $0x1F;
	s25 =	sshrl.u32 s18, $0x1F;
	s1 =	sadd.s32 s16, s31  }
0x54c: {  	v4 =	vor.u32 s21, v60;
	v3 =	vadd.s32 $0x13BA0, v22;
	v7 =	vsel vm2, s29, v7;
	s26 =	smul.u32 $0x67D1C497, s24;
	s9 =	sadd.s32 s9, s28;
	s29 =	sshra.s32 s1, $0x1F  }
0x54d: {  	v24 =	vsel vm1, s2, v43;
	v45 =	vor.u32 s21, v38;
	s28 =	smulhi.u32 $0x67D1C497, s5;
	s5 =	sshra.s32 s5, $0x1F;
	s30 =	sshra.s32 s18, $0xF;
	v62 =	vmov s29  }
0x54e: {  	s19 =	sshra.s32 s18, $0x1F;
	v58 =	vsel vm3, s22, v7;
	v7 =	vsub.s32 v35, v12;
	s22 =	sshra.s32 s15, $0xF;
	s5 =	smul.u32 $0x67D1C497, s5;
	v12 =	vsel vm0, s30, v62  }
0x54f: {  	v2 =	vadd.s32 $0xB18A0, v2;
	v5 =	vsub.s32 v34, v39;
	s20 =	sshrl.u32 s15, $0x1F;
	s15 =	sshra.s32 s15, $0x1F;
	s31 =	smulhi.u32 $0x67D1C497, s6;
	v12 =	vsel vm9, s19, v12  }
0x550: {  	v60 =	vld [tilespmem:$0x1FF60];
	v9 =	vsel vm8, v19, v9;
	v1 =	vadd.s32 $0xC5440, v1;
	s6 =	sshra.s32 s6, $0x1F;
	s16 =	sadd.s32 s26, s23;
	s23 =	smulhi.u32 $0x67D1C497, s7;
	v12 =	vsel vm1, s22, v12  }
0x551: {  	v57 =	vshra.s32 v5, $0x1F;
	v59 =	vmov s25;
	s7 =	sshra.s32 s7, $0x1F;
	s26 =	sshrl.u32 s9, $0x1F;
	s25 =	sshra.s32 s16, $0xF;
	v12 =	vsel vm10, s15, v12  }
0x552: {  	v46 =	vld [tilespmem:$0x1FEC0];
	v35 =	vor.u32 s21, v48;
	v9 =	vadd.s32 v11, v9;
	s6 =	smul.u32 $0x67D1C497, s6;
	s24 =	sshrl.u32 s16, $0x1F;
	s16 =	sshra.s32 s16, $0x1F;
	v12 =	vsel vm2, s25, v12  }
0x553: {  	v15 =	vand.u32 $0x13BA0, v57;
	v29 =	vnsel vm0, $0x0, v59;
	s7 =	smul.u32 $0x67D1C497, s7;
	s29 =	sshra.s32 s11, $0xF;
	s30 =	sshra.s32 s9, $0xF;
	v12 =	vsel vm11, s16, v12  }
0x554: {  	v42 =	vcombine.low v58, v52;
	v5 =	vadd.s32 v15, v5;
	s6 =	sadd.s32 s6, s31;
	s31 =	sshra.s32 s3, $0xF;
	s9 =	sshra.s32 s9, $0x1F;
	v12 =	vsel vm3, s30, v12  }
0x555: {  	v32 =	vor.u32 s21, v60;
	v29 =	vsel vm1, s20, v29;
	s3 =	sshra.s32 s10, $0xF;
	s10 =	sshra.s32 s4, $0xF;
	s12 =	sshra.s32 s6, $0xF;
	v12 =	vsel vm12, s9, v12  }
0x556: {  	v34 =	vsel vm2, s24, v29;
	v27 =	vsel vm1, s29, v44;
	s4 =	simm.s32 $0x210;
	s17 =	sshra.s32 s6, $0x1F;
	s16 =	sadd.s32 s7, s23;
	v12 =	vsel vm4, s12, v12  }
0x557: {  	s11 =	sshra.s32 s8, $0xF;
	v19 =	vsel vm3, s26, v34;
	v24 =	vsel vm2, s31, v24;
	[tilespmem:v4+s4+$0x0] =	vst.idx.msk $0xffff, v46;
	s19 =	sshra.s32 s16, $0xF;
	v12 =	vsel vm13, s17, v12  }
0x558: {  	v27 =	vsel vm2, s3, v27;
	s18 =	sshrl.u32 s6, $0x1F;
	v24 =	vsel vm3, s10, v24;
	s22 =	sadd.s32 s5, s28;
	[tilespmem:v8+s4+$0x0] =	vst.idx.msk $0xffff, v3;
	s23 =	sshra.s32 s16, $0x1F;
	v12 =	vsel vm5, s19, v12  }
0x559: {  	v49 =	vld [tilespmem:$0x1FFA0];
	v27 =	vsel vm3, s11, v27;
	v19 =	vsel vm4, s18, v19;
	[tilespmem:v54+s4+$0x0] =	vst.idx.msk $0xffff, v53;
	s25 =	sshra.s32 s22, $0xF;
	s20 =	sshrl.u32 s16, $0x1F;
	v12 =	vsel vm14, s23, v12  }
0x55a: {  	v24 =	vcombine.low v27, v24;
	s24 =	sshrl.u32 s22, $0x1F;
	s28 =	sshra.s32 s22, $0x1F;
	[tilespmem:v56+s4+$0x0] =	vst.idx.msk $0xffff, v55;
	v55 =	vld [tilespmem:$0x1FFB0];
	v47 =	vsel vm5, s20, v19;
	v8 =	vsel vm6, s25, v12  }
0x55b: {  	v11 =	vperm.xlane v42, v61;
	s26 =	sshrl.u32 s1, $0x1F;
	v54 =	vld [tilespmem:$0x1FFC0];
	s30 =	sshra.s32 s1, $0xF;
	v3 =	vsel vm6, s24, v47;
	v8 =	vsel vm15, s28, v8  }
0x55c: {  	v57 =	vld [tilespmem:$0x1FFD0];
	v52 =	vperm.xlane v24, v61;
	v3 =	vsel vm7, s26, v3;
	v8 =	vsel vm7, s30, v8  }
0x55d: {  	v0 =	vadd.s32 $0xD8FE0, v0;
	v59 =	vld [tilespmem:$0x1FFE0];
	[tilespmem:v63+s4+$0x0] =	vst.idx.msk $0xffff, v26;
	v3 =	vperm.xlane v3, v6;
	v8 =	vperm.xlane v8, v6  }
0x55e: {  	v9 =	vmul.u32 $0x13BA0, v9;
	v5 =	vadd.s32 $0xECB80, v5;
	v62 =	vld [tilespmem:$0x1FFF0];
	v53 =	vor.u32 s21, v49;
	[tilespmem:v32+s4+$0x0] =	vst.idx.msk $0xffff, v28  }
0x55f: {  	[tilespmem:v33+s4+$0x0] =	vst.idx.msk $0xffff, v17;
	v56 =	vor.u32 s21, v55;
	v3 =	vsel vm8, v3, v11;
	v8 =	vsel vm8, v8, v52  }
0x560: {  	v4 =	vadd.s32 $0x9DD00, v16;
	[tilespmem:v35+s4+$0x0] =	vst.idx.msk $0xffff, v18;
	v3 =	vadd.s32 v3, v8;
	v8 =	vor.u32 s21, v54  }
0x561: {  	v58 =	vor.u32 s21, v57;
	[tilespmem:v45+s4+$0x0] =	vst.idx.msk $0xffff, v4;
	v4 =	vshra.s32 v7, $0x1F;
	v3 =	vmul.u32 $0x13BA0, v3  }
0x562: {  	v60 =	vor.u32 s21, v59;
	s29 =	rddreg [dreg:$0x1a];
	[tilespmem:v51+s4+$0x0] =	vst.idx.msk $0xffff, v2;
	v2 =	vand.u32 $0x13BA0, v4;
	v4 =	vsub.s32 v23, v9  }
0x563: {  	p1 =	sne.s32 s29, $0x1F;
	v63 =	vor.u32 s21, v62;
	[tilespmem:v53+s4+$0x0] =	vst.idx.msk $0xffff, v1;
	v1 =	vshra.s32 v4, $0x1F;
	v3 =	vsub.s32 v14, v3  }
.Ltmp0:
0x564: {  	v1 =	vand.u32 $0x13BA0, v1;
	[tilespmem:v56+s4+$0x0] =	vst.idx.msk $0xffff, v0;
	v0 =	vadd.s32 v2, v7;
	v2 =	vshra.s32 v3, $0x1F;
	(pc) =	sbr.rel @p1 .LBB2_2-.Ltmp0, $4  }
0x565: {  	v1 =	vadd.s32 v1, v4;
	v4 =	vld [tilespmem:$0x1FEF0];
	v0 =	vadd.s32 $0x100720, v0;
	[tilespmem:v8+s4+$0x0] =	vst.idx.msk $0xffff, v5;
	v2 =	vand.u32 $0x13BA0, v2  }
0x566: {  	v5 =	vld [tilespmem:$0x1FF00];
	[tilespmem:v58+s4+$0x0] =	vst.idx.msk $0xffff, v0;
	v0 =	vadd.s32 $0x1142C0, v1;
	v1 =	vadd.s32 v2, v3  }
0x567: {  	s31 =	rddreg [dreg:$0x18];
	v3 =	vld [tilespmem:$0x1FEE0];
	[tilespmem:v60+s4+$0x0] =	vst.idx.msk $0xffff, v0;
	v0 =	vadd.s32 $0x127E60, v1  }
0x568: {  	s2 =	sadd.s32 $0x1, s29;
	s1 =	sadd.s32 $0x10, s31;
	s21 =	sadd.s32 $0x100, s21;
	v2 =	vld [tilespmem:$0x1FED0];
	[tilespmem:v63+s4+$0x0] =	vst.idx.msk $0xffff, v0  }
0x569: {  	s0 =	rddreg [dreg:$0x1];
	s5 =	simm.s32 $0x200;
	s7 =	simm.s32 $0x2210  }
0x56a: {  	[tilespmem:s7], [sflag:$0x1] =	stream.indirect.gather [hbm4b:s0+s5], $0x40, s4, s5, $0xb8;
	[tilespmem:$0x12210] =	vst v63  }
0x56b: {  	s1 =	simm.s32 $0x410;
	s3 =	simm.s32 $0x1;
	s4 =	simm.s32 $0xA210  }
0x56c: {  	[tilespmem:s4], [sflag:$0x1] =	stream.indirect.gather [hbm4b:s0+s5], $0x40, s1, s5, $0xb8;
	[tilespmem:$0x12210] =	vst v63  }
0x56d: {  	_ =	swait.ge [sflag:s3], $0x8000  }
0x56e: {  	s6 =	simm.s32 $0x0;
	[sflag:s3] =	ssyncset.done $0x0  }
0x56f: {  	s2 =	simm.s32 $0x2;
	s22 =	rddreg [dreg:$0x6];
	[sflag:s3] =	ssyncadd.s32 $0xFFFF8000  }
0x570: {  	[hbm4b:s22+s6] =	stream.linear.scatter [tilespmem:s7], [sflag:$0x2], $0x8000, $0x38;
	[tilespmem:$0x12210] =	vst v63  }
0x571: {  	_ =	swait.ge [sflag:s2], $0x8000  }
0x572: {  	[sflag:s2] =	ssyncset.done $0x0  }
0x573: {  	s23 =	simm.s32 $0x610;
	[sflag:s2] =	ssyncadd.s32 $0xFFFF8000  }
0x574: {  	[tilespmem:s7], [sflag:$0x1] =	stream.indirect.gather [hbm4b:s0+s5], $0x40, s23, s5, $0xb8;
	[tilespmem:$0x12210] =	vst v63  }
0x575: {  	_ =	swait.ge [sflag:s3], $0x8000  }
0x576: {  	[sflag:s3] =	ssyncset.done $0x0  }
0x577: {  	s24 =	rddreg [dreg:$0x7];
	[sflag:s3] =	ssyncadd.s32 $0xFFFF8000  }
0x578: {  	[hbm4b:s24+s6] =	stream.linear.scatter [tilespmem:s4], [sflag:$0x2], $0x8000, $0x38;
	[tilespmem:$0x12210] =	vst v63  }
0x579: {  	_ =	swait.ge [sflag:s2], $0x8000  }
0x57a: {  	[sflag:s2] =	ssyncset.done $0x0  }
0x57b: {  	s25 =	simm.s32 $0x810;
	[sflag:s2] =	ssyncadd.s32 $0xFFFF8000  }
0x57c: {  	[tilespmem:s4], [sflag:$0x1] =	stream.indirect.gather [hbm4b:s0+s5], $0x40, s25, s5, $0xb8;
	[tilespmem:$0x12210] =	vst v63  }
0x57d: {  	_ =	swait.ge [sflag:s3], $0x8000  }
0x57e: {  	[sflag:s3] =	ssyncset.done $0x0  }
0x57f: {  	s26 =	rddreg [dreg:$0x8];
	[sflag:s3] =	ssyncadd.s32 $0xFFFF8000  }
0x580: {  	[hbm4b:s26+s6] =	stream.linear.scatter [tilespmem:s7], [sflag:$0x2], $0x8000, $0x38;
	[tilespmem:$0x12210] =	vst v63  }
0x581: {  	_ =	swait.ge [sflag:s2], $0x8000  }
0x582: {  	[sflag:s2] =	ssyncset.done $0x0  }
0x583: {  	s28 =	simm.s32 $0xA10;
	[sflag:s2] =	ssyncadd.s32 $0xFFFF8000  }
0x584: {  	[tilespmem:s7], [sflag:$0x1] =	stream.indirect.gather [hbm4b:s0+s5], $0x40, s28, s5, $0xb8;
	[tilespmem:$0x12210] =	vst v63  }
0x585: {  	_ =	swait.ge [sflag:s3], $0x8000  }
0x586: {  	[sflag:s3] =	ssyncset.done $0x0  }
0x587: {  	s29 =	rddreg [dreg:$0x9];
	[sflag:s3] =	ssyncadd.s32 $0xFFFF8000  }
0x588: {  	[hbm4b:s29+s6] =	stream.linear.scatter [tilespmem:s4], [sflag:$0x2], $0x8000, $0x38;
	[tilespmem:$0x12210] =	vst v63  }
0x589: {  	_ =	swait.ge [sflag:s2], $0x8000  }
0x58a: {  	[sflag:s2] =	ssyncset.done $0x0  }
0x58b: {  	s30 =	simm.s32 $0xC10;
	[sflag:s2] =	ssyncadd.s32 $0xFFFF8000  }
0x58c: {  	[tilespmem:s4], [sflag:$0x1] =	stream.indirect.gather [hbm4b:s0+s5], $0x40, s30, s5, $0xb8;
	[tilespmem:$0x12210] =	vst v63  }
0x58d: {  	_ =	swait.ge [sflag:s3], $0x8000  }
0x58e: {  	[sflag:s3] =	ssyncset.done $0x0  }
0x58f: {  	s31 =	rddreg [dreg:$0xa];
	[sflag:s3] =	ssyncadd.s32 $0xFFFF8000  }
0x590: {  	[hbm4b:s31+s6] =	stream.linear.scatter [tilespmem:s7], [sflag:$0x2], $0x8000, $0x38;
	[tilespmem:$0x12210] =	vst v63  }
0x591: {  	_ =	swait.ge [sflag:s2], $0x8000  }
0x592: {  	[sflag:s2] =	ssyncset.done $0x0  }
0x593: {  	s8 =	simm.s32 $0xE10;
	[sflag:s2] =	ssyncadd.s32 $0xFFFF8000  }
0x594: {  	[tilespmem:s7], [sflag:$0x1] =	stream.indirect.gather [hbm4b:s0+s5], $0x40, s8, s5, $0xb8;
	[tilespmem:$0x12210] =	vst v63  }
0x595: {  	_ =	swait.ge [sflag:s3], $0x8000  }
0x596: {  	[sflag:s3] =	ssyncset.done $0x0  }
0x597: {  	s9 =	rddreg [dreg:$0xb];
	[sflag:s3] =	ssyncadd.s32 $0xFFFF8000  }
0x598: {  	[hbm4b:s9+s6] =	stream.linear.scatter [tilespmem:s4], [sflag:$0x2], $0x8000, $0x38;
	[tilespmem:$0x12210] =	vst v63  }
0x599: {  	_ =	swait.ge [sflag:s2], $0x8000  }
0x59a: {  	[sflag:s2] =	ssyncset.done $0x0  }
0x59b: {  	s10 =	simm.s32 $0x1010;
	[sflag:s2] =	ssyncadd.s32 $0xFFFF8000  }
0x59c: {  	[tilespmem:s4], [sflag:$0x1] =	stream.indirect.gather [hbm4b:s0+s5], $0x40, s10, s5, $0xb8;
	[tilespmem:$0x12210] =	vst v63  }
0x59d: {  	_ =	swait.ge [sflag:s3], $0x8000  }
0x59e: {  	[sflag:s3] =	ssyncset.done $0x0  }
0x59f: {  	s11 =	rddreg [dreg:$0xc];
	[sflag:s3] =	ssyncadd.s32 $0xFFFF8000  }
0x5a0: {  	[hbm4b:s11+s6] =	stream.linear.scatter [tilespmem:s7], [sflag:$0x2], $0x8000, $0x38;
	[tilespmem:$0x12210] =	vst v63  }
0x5a1: {  	_ =	swait.ge [sflag:s2], $0x8000  }
0x5a2: {  	[sflag:s2] =	ssyncset.done $0x0  }
0x5a3: {  	s12 =	simm.s32 $0x1210;
	[sflag:s2] =	ssyncadd.s32 $0xFFFF8000  }
0x5a4: {  	[tilespmem:s7], [sflag:$0x1] =	stream.indirect.gather [hbm4b:s0+s5], $0x40, s12, s5, $0xb8;
	[tilespmem:$0x12210] =	vst v63  }
0x5a5: {  	_ =	swait.ge [sflag:s3], $0x8000  }
0x5a6: {  	[sflag:s3] =	ssyncset.done $0x0  }
0x5a7: {  	s13 =	rddreg [dreg:$0xd];
	[sflag:s3] =	ssyncadd.s32 $0xFFFF8000  }
0x5a8: {  	[hbm4b:s13+s6] =	stream.linear.scatter [tilespmem:s4], [sflag:$0x2], $0x8000, $0x38;
	[tilespmem:$0x12210] =	vst v63  }
0x5a9: {  	_ =	swait.ge [sflag:s2], $0x8000  }
0x5aa: {  	[sflag:s2] =	ssyncset.done $0x0  }
0x5ab: {  	s14 =	simm.s32 $0x1410;
	[sflag:s2] =	ssyncadd.s32 $0xFFFF8000  }
0x5ac: {  	[tilespmem:s4], [sflag:$0x1] =	stream.indirect.gather [hbm4b:s0+s5], $0x40, s14, s5, $0xb8;
	[tilespmem:$0x12210] =	vst v63  }
0x5ad: {  	_ =	swait.ge [sflag:s3], $0x8000  }
0x5ae: {  	[sflag:s3] =	ssyncset.done $0x0  }
0x5af: {  	s15 =	rddreg [dreg:$0xe];
	[sflag:s3] =	ssyncadd.s32 $0xFFFF8000  }
0x5b0: {  	[hbm4b:s15+s6] =	stream.linear.scatter [tilespmem:s7], [sflag:$0x2], $0x8000, $0x38;
	[tilespmem:$0x12210] =	vst v63  }
0x5b1: {  	_ =	swait.ge [sflag:s2], $0x8000  }
0x5b2: {  	[sflag:s2] =	ssyncset.done $0x0  }
0x5b3: {  	s16 =	simm.s32 $0x1610;
	[sflag:s2] =	ssyncadd.s32 $0xFFFF8000  }
0x5b4: {  	[tilespmem:s7], [sflag:$0x1] =	stream.indirect.gather [hbm4b:s0+s5], $0x40, s16, s5, $0xb8;
	[tilespmem:$0x12210] =	vst v63  }
0x5b5: {  	_ =	swait.ge [sflag:s3], $0x8000  }
0x5b6: {  	[sflag:s3] =	ssyncset.done $0x0  }
0x5b7: {  	s17 =	rddreg [dreg:$0xf];
	[sflag:s3] =	ssyncadd.s32 $0xFFFF8000  }
0x5b8: {  	[hbm4b:s17+s6] =	stream.linear.scatter [tilespmem:s4], [sflag:$0x2], $0x8000, $0x38;
	[tilespmem:$0x12210] =	vst v63  }
0x5b9: {  	_ =	swait.ge [sflag:s2], $0x8000  }
0x5ba: {  	[sflag:s2] =	ssyncset.done $0x0  }
0x5bb: {  	s18 =	simm.s32 $0x1810;
	[sflag:s2] =	ssyncadd.s32 $0xFFFF8000  }
0x5bc: {  	[tilespmem:s4], [sflag:$0x1] =	stream.indirect.gather [hbm4b:s0+s5], $0x40, s18, s5, $0xb8;
	[tilespmem:$0x12210] =	vst v63  }
0x5bd: {  	_ =	swait.ge [sflag:s3], $0x8000  }
0x5be: {  	[sflag:s3] =	ssyncset.done $0x0  }
0x5bf: {  	s19 =	rddreg [dreg:$0x10];
	[sflag:s3] =	ssyncadd.s32 $0xFFFF8000  }
0x5c0: {  	[hbm4b:s19+s6] =	stream.linear.scatter [tilespmem:s7], [sflag:$0x2], $0x8000, $0x38;
	[tilespmem:$0x12210] =	vst v63  }
0x5c1: {  	_ =	swait.ge [sflag:s2], $0x8000  }
0x5c2: {  	[sflag:s2] =	ssyncset.done $0x0  }
0x5c3: {  	s20 =	simm.s32 $0x1A10;
	[sflag:s2] =	ssyncadd.s32 $0xFFFF8000  }
0x5c4: {  	[tilespmem:s7], [sflag:$0x1] =	stream.indirect.gather [hbm4b:s0+s5], $0x40, s20, s5, $0xb8;
	[tilespmem:$0x12210] =	vst v63  }
0x5c5: {  	_ =	swait.ge [sflag:s3], $0x8000  }
0x5c6: {  	[sflag:s3] =	ssyncset.done $0x0  }
0x5c7: {  	s21 =	rddreg [dreg:$0x11];
	[sflag:s3] =	ssyncadd.s32 $0xFFFF8000  }
0x5c8: {  	[hbm4b:s21+s6] =	stream.linear.scatter [tilespmem:s4], [sflag:$0x2], $0x8000, $0x38;
	[tilespmem:$0x12210] =	vst v63  }
0x5c9: {  	_ =	swait.ge [sflag:s2], $0x8000  }
0x5ca: {  	[sflag:s2] =	ssyncset.done $0x0  }
0x5cb: {  	s22 =	simm.s32 $0x1C10;
	[sflag:s2] =	ssyncadd.s32 $0xFFFF8000  }
0x5cc: {  	[tilespmem:s4], [sflag:$0x1] =	stream.indirect.gather [hbm4b:s0+s5], $0x40, s22, s5, $0xb8;
	[tilespmem:$0x12210] =	vst v63  }
0x5cd: {  	_ =	swait.ge [sflag:s3], $0x8000  }
0x5ce: {  	[sflag:s3] =	ssyncset.done $0x0  }
0x5cf: {  	s23 =	rddreg [dreg:$0x12];
	[sflag:s3] =	ssyncadd.s32 $0xFFFF8000  }
0x5d0: {  	[hbm4b:s23+s6] =	stream.linear.scatter [tilespmem:s7], [sflag:$0x2], $0x8000, $0x38;
	[tilespmem:$0x12210] =	vst v63  }
0x5d1: {  	_ =	swait.ge [sflag:s2], $0x8000  }
0x5d2: {  	[sflag:s2] =	ssyncset.done $0x0  }
0x5d3: {  	s24 =	simm.s32 $0x1E10;
	[sflag:s2] =	ssyncadd.s32 $0xFFFF8000  }
0x5d4: {  	[tilespmem:s7], [sflag:$0x1] =	stream.indirect.gather [hbm4b:s0+s5], $0x40, s24, s5, $0xb8;
	[tilespmem:$0x12210] =	vst v63  }
0x5d5: {  	_ =	swait.ge [sflag:s3], $0x8000  }
0x5d6: {  	[sflag:s3] =	ssyncset.done $0x0  }
0x5d7: {  	s25 =	rddreg [dreg:$0x13];
	[sflag:s3] =	ssyncadd.s32 $0xFFFF8000  }
0x5d8: {  	[hbm4b:s25+s6] =	stream.linear.scatter [tilespmem:s4], [sflag:$0x2], $0x8000, $0x38;
	[tilespmem:$0x12210] =	vst v63  }
0x5d9: {  	_ =	swait.ge [sflag:s2], $0x8000  }
0x5da: {  	[sflag:s2] =	ssyncset.done $0x0  }
0x5db: {  	s26 =	simm.s32 $0x2010;
	[sflag:s2] =	ssyncadd.s32 $0xFFFF8000  }
0x5dc: {  	[tilespmem:s4], [sflag:$0x1] =	stream.indirect.gather [hbm4b:s0+s5], $0x40, s26, s5, $0xb8;
	[tilespmem:$0x12210] =	vst v63  }
0x5dd: {  	_ =	swait.ge [sflag:s3], $0x8000  }
0x5de: {  	[sflag:s3] =	ssyncset.done $0x0  }
0x5df: {  	s28 =	rddreg [dreg:$0x14];
	[sflag:s3] =	ssyncadd.s32 $0xFFFF8000  }
0x5e0: {  	[hbm4b:s28+s6] =	stream.linear.scatter [tilespmem:s7], [sflag:$0x2], $0x8000, $0x38;
	[tilespmem:$0x12210] =	vst v63  }
0x5e1: {  	_ =	swait.ge [sflag:s2], $0x8000  }
0x5e2: {  	[sflag:s2] =	ssyncset.done $0x0  }
0x5e3: {  	[sflag:s2] =	ssyncadd.s32 $0xFFFF8000  }
0x5e4: {  	_ =	swait.ge [sflag:s3], $0x8000  }
0x5e5: {  	[sflag:s3] =	ssyncset.done $0x0  }
0x5e6: {  	s29 =	rddreg [dreg:$0x15];
	[sflag:s3] =	ssyncadd.s32 $0xFFFF8000  }
0x5e7: {  	[hbm4b:s29+s6] =	stream.linear.scatter [tilespmem:s4], [sflag:$0x2], $0x8000, $0x38;
	[tilespmem:$0x12210] =	vst v63  }
0x5e8: {  	_ =	swait.ge [sflag:s2], $0x8000  }
0x5e9: {  	s30 =	rddreg [dreg:$0x17]  }
0x5ea: {  	s31 =	rddreg [dreg:$0x16];
	s1 =	sadd.s32 $0x1, s30  }
0x5eb: {  	p1 =	sne.s32 s1, s31  }
.Ltmp1:
0x5ec: {  	_ = 	snop;
	(pc) =	sbr.rel @p1 .LBB2_1-.Ltmp1, $3  }
0x5ed: {  	_ =	sdelay $0x1  }
0x5ee: {  	[sflag:s2] =	ssyncset.done $0x0  }
0x5ef: {  	[sflag:s2] =	ssyncadd.s32 $0xFFFF8000  }
0x5f0: {  	_ =	sfence.sel $0x180000  }
0x5f1: {  	[bflag:$0x0] =	sbarrier.arrive $0xFFFF  }
0x5f2: {  	_ =	strace $0x90000047  }
0x5f3: {  	s0 =	stileid.u32;
	[bflag:$0x2] =	sbarrier.arrive $0xFFFF  }
0x5f4: {  	p0 =	sne.s32 s0, $0x0;
	s0 =	rddreg [dreg:$0x2]  }
0x5f5: {  	s0 =	sadd.s32 @!p0 $0x100000, s0  }
0x5f6: {  	[sflag:s0] =	ssyncadd.tile.s32 @!p0 $0x1;
	_ =	shalt  }
.Lfunc_end2:
_tile_overlayer_lowered:
.L_overlay_start_2:
0x5f7: {  	(tag) =	ssettag $0x2  }
0x5f8: {  	s0 =	rddreg [dreg:$0x0];
	s2 =	stileid.u32  }
0x5f9: {  	s1 =	rddreg [dreg:$0x1];
	p0 =	sne.s32 s2, $0x0  }
0x5fa: {  	s3 =	rddreg [dreg:$0x2];
	[bflag:$0x3] =	sbarrier.arrive $0xFFFF;
	s2 =	simm.s32 @!p0 $0x1C02  }
0x5fb: {  	[timem:s3], [sflag:s2] =	dma.local @!p0 [hbm:s0], s1  }
0x5fc: {  	s0 =	simm.s32 @!p0 $0x2  }
0x5fd: {  	_ =	swait.ge @!p0 [sflag:s0], s1  }
0x5fe: {  	s1 =	ssub.s32 @!p0 $0x0, s1;
	[sflag:s0] =	ssyncset.done @!p0 $0x0  }
0x5ff: {  	[sflag:s0] =	ssyncadd.s32 @!p0 s1  }
0x600: {  	[bflag:$0x3] =	sbarrier.arrive $0xFFFF  }
0x601: {  	_ =	shalt  }

</sc_bundles>
